<compile_context>
chip_gen: v7x
topology: tpu7x:2x2x1
jax: 0.10.2.dev20260603
libtpu: 0.0.44.dev20260713+nightly
codegen_flags: <defaults>
</compile_context>

<pallas_src>
import functools

import jax
import jax.numpy as jnp
from jax import lax
from jax.experimental import pallas as pl
from jax.experimental.pallas import tpu as pltpu
from jax.experimental.pallas import tpu_sc as plsc

N = 10000
E = 320000
G = 16
DIM_IN = 128
DN = 16

NW = 32
EPW = E // NW
CH = 2000
NCH = EPW // CH

BE = 6400
NBE = E // BE



def _h0_body(x_ref, w_ref, b_ref, o_ref):
    o_ref[...] = _slot_dot(x_ref[...], w_ref[...], DIM_IN) + b_ref[...]


def _h0(xp, W1B, b1B):
    full = lambda a: pl.BlockSpec(a.shape, lambda: tuple(0 for _ in a.shape))
    return pl.pallas_call(
        _h0_body,
        in_specs=[full(xp), full(W1B), full(b1B)],
        out_specs=pl.BlockSpec((N // 8, 128), lambda: (0, 0)),
        out_shape=jax.ShapeDtypeStruct((N // 8, 128), jnp.float32),
    )(xp, W1B, b1B)


def _dot1(a, b):
    return jnp.dot(a.astype(jnp.bfloat16), b,
                   preferred_element_type=jnp.float32)


def _slot_dot(a, b, k):
    return jnp.concatenate(
        [_dot1(a[:, e * k:(e + 1) * k], b) for e in range(8)], axis=1)


def _xdot(a, b):
    hi = a.astype(jnp.bfloat16)
    lo = (a - hi.astype(jnp.float32)).astype(jnp.bfloat16)
    return (jnp.dot(hi, b, preferred_element_type=jnp.float32)
            + jnp.dot(lo, b, preferred_element_type=jnp.float32))


def _l3_w(a2, wk3, bk3):
    parts = [
        jnp.dot(a2[:, e * 96:(e + 1) * 96], wk3[...],
                preferred_element_type=jnp.float32)
        for e in range(8)
    ]
    return jnp.concatenate(parts, axis=1) + bk3[...]


def _mlp_msg_body(ea_ref, hs_ref, wk1, bk1, wk2, bk2, wk3, bk3, S, R,
                  a2_out, msg_out):
    a1 = jnp.maximum(_slot_dot(ea_ref[...], wk1[...], DN) + bk1[...], 0.0)
    a2 = jnp.maximum(_slot_dot(a1, wk2[...], 64) + bk2[...],
                     0.0).astype(jnp.bfloat16)
    a2_out[...] = a2
    w = _l3_w(a2, wk3, bk3)
    hsbig = _xdot(hs_ref[...], S[...])
    msg_out[...] = _xdot(hsbig * w, R[...])


def _mlp_msg(ea, hs, Wk1b, bk1r, Wk2b, bk2r, Wk3b, bk3r, S, R):
    full = lambda a: pl.BlockSpec(a.shape, lambda i: tuple(0 for _ in a.shape))
    return pl.pallas_call(
        _mlp_msg_body,
        grid=(NBE,),
        in_specs=[
            pl.BlockSpec((BE // 8, 128), lambda i: (i, 0)),
            pl.BlockSpec((BE // 8, 128), lambda i: (i, 0)),
            full(Wk1b), full(bk1r), full(Wk2b), full(bk2r), full(Wk3b),
            full(bk3r), full(S), full(R),
        ],
        out_specs=[
            pl.BlockSpec((BE // 8, 8 * 96), lambda i: (i, 0)),
            pl.BlockSpec((BE // 8, 128), lambda i: (i, 0)),
        ],
        out_shape=[
            jax.ShapeDtypeStruct((E // 8, 8 * 96), jnp.bfloat16),
            jax.ShapeDtypeStruct((E // 8, 128), jnp.float32),
        ],
    )(ea, hs, Wk1b, bk1r, Wk2b, bk2r, Wk3b, bk3r, S, R)


def _msg_body(a2_ref, hs_ref, wk3, bk3, S, R, msg_out):
    w = _l3_w(a2_ref[...], wk3, bk3)
    hsbig = _xdot(hs_ref[...], S[...])
    msg_out[...] = _xdot(hsbig * w, R[...])


def _msg(a2, hs, Wk3b, bk3r, S, R):
    full = lambda a: pl.BlockSpec(a.shape, lambda i: tuple(0 for _ in a.shape))
    return pl.pallas_call(
        _msg_body,
        grid=(NBE,),
        in_specs=[
            pl.BlockSpec((BE // 8, 8 * 96), lambda i: (i, 0)),
            pl.BlockSpec((BE // 8, 128), lambda i: (i, 0)),
            full(Wk3b), full(bk3r), full(S), full(R),
        ],
        out_specs=pl.BlockSpec((BE // 8, 128), lambda i: (i, 0)),
        out_shape=jax.ShapeDtypeStruct((E // 8, 128), jnp.float32),
    )(a2, hs, Wk3b, bk3r, S, R)


def _update_body(s_ref, c_ref, h_ref, root, cb, o_ref):
    cnt = jnp.maximum(c_ref[0] + c_ref[1], 1.0)
    aggr = (s_ref[0] + s_ref[1]) / cnt
    hr = _slot_dot(h_ref[...], root[...], DN)
    o_ref[...] = jnp.maximum(aggr + hr + cb[...], 0.0)


def _update(sp, cp, hp, rootB, cbB):
    full = lambda a: pl.BlockSpec(a.shape, lambda: tuple(0 for _ in a.shape))
    return pl.pallas_call(
        _update_body,
        in_specs=[full(sp), full(cp), full(hp), full(rootB), full(cbB)],
        out_specs=pl.BlockSpec((N // 8, 128), lambda: (0, 0)),
        out_shape=jax.ShapeDtypeStruct((N // 8, 128), jnp.float32),
    )(sp, cp, hp, rootB, cbB)


def _pool_body(s_ref, c_ref, h_ref, root, cb, b_ref, w2, b2, o_ref):
    cnt0 = jnp.maximum(c_ref[0] + c_ref[1], 1.0)
    aggr = (s_ref[0] + s_ref[1]) / cnt0
    h = jnp.maximum(aggr + _slot_dot(h_ref[...], root[...], DN) + cb[...],
                    0.0)
    hhi = h.astype(jnp.bfloat16)
    hlo = (h - hhi.astype(jnp.float32)).astype(jnp.bfloat16)
    ids = lax.broadcasted_iota(jnp.int32, (G, N // 8), 0)
    pooled = jnp.zeros((G, DN), jnp.float32)
    cnt = jnp.zeros((G, 1), jnp.float32)
    for e in range(8):
        oh = (ids == b_ref[e:e + 1, :]).astype(jnp.bfloat16)
        hh = hhi[:, e * DN:(e + 1) * DN]
        hl = hlo[:, e * DN:(e + 1) * DN]
        pooled = (pooled
                  + jnp.dot(oh, hh, preferred_element_type=jnp.float32)
                  + jnp.dot(oh, hl, preferred_element_type=jnp.float32))
        cnt = cnt + jnp.sum(oh.astype(jnp.float32), axis=1, keepdims=True)
    o_ref[...] = _dot1(pooled / jnp.maximum(cnt, 1.0), w2[...]) + b2[...]


def _pool(sp, cp, hp, rootB, cbB, bt, W2b, b2r):
    full = lambda a: pl.BlockSpec(a.shape, lambda: tuple(0 for _ in a.shape))
    return pl.pallas_call(
        _pool_body,
        in_specs=[full(sp), full(cp), full(hp), full(rootB), full(cbB),
                  full(bt), full(W2b), full(b2r)],
        out_specs=pl.BlockSpec((G, 1), lambda: (0, 0)),
        out_shape=jax.ShapeDtypeStruct((G, 1), jnp.float32),
    )(sp, cp, hp, rootB, cbB, bt, W2b, b2r)



_MESH = plsc.VectorSubcoreMesh(core_axis_name="c", subcore_axis_name="s")
_SC_PARAMS = pltpu.CompilerParams(use_tc_tiling_on_sc=False)


@functools.partial(
    pl.kernel,
    out_type=jax.ShapeDtypeStruct((E, DN), jnp.float32),
    mesh=_MESH,
    compiler_params=_SC_PARAMS,
    scratch_types=[
        pltpu.VMEM((CH,), jnp.int32),
        pltpu.VMEM((CH,), jnp.int32),
        pltpu.VMEM((CH, DN), jnp.float32),
        pltpu.VMEM((CH, DN), jnp.float32),
        pltpu.SemaphoreType.DMA,
        pltpu.SemaphoreType.DMA,
    ],
)
def _gather_k(h_hbm, src_hbm, out_hbm, i0, i1, r0, r1, s0, s1):
    cid = lax.axis_index("c")
    sid = lax.axis_index("s")
    wid = sid * 2 + cid
    base = wid * EPW
    idx = [i0, i1]
    rows = [r0, r1]
    sems = [s0, s1]
    descs = [None, None]
    pltpu.sync_copy(src_hbm.at[pl.ds(base, CH)], i0)
    descs[0] = pltpu.async_copy(h_hbm.at[i0], r0, s0)
    for j in range(1, NCH):
        b = j & 1
        pltpu.sync_copy(src_hbm.at[pl.ds(base + j * CH, CH)], idx[b])
        descs[b] = pltpu.async_copy(h_hbm.at[idx[b]], rows[b], sems[b])
        descs[1 - b].wait()
        pltpu.sync_copy(rows[1 - b], out_hbm.at[pl.ds(base + (j - 1) * CH, CH)])
    last = (NCH - 1) & 1
    descs[last].wait()
    pltpu.sync_copy(rows[last], out_hbm.at[pl.ds(base + (NCH - 1) * CH, CH)])


def _make_scatter(with_cnt):
    outs = (jax.ShapeDtypeStruct((2, N, DN), jnp.float32),)
    scratch = [
        pltpu.VMEM((CH,), jnp.int32),
        pltpu.VMEM((CH,), jnp.int32),
        pltpu.VMEM((CH, DN), jnp.float32),
        pltpu.VMEM((CH, DN), jnp.float32),
        pltpu.VMEM_SHARED((N, DN), jnp.float32),
        pltpu.SemaphoreType.DMA,
        pltpu.SemaphoreType.DMA,
    ]
    if with_cnt:
        outs = outs + (jax.ShapeDtypeStruct((2, N, DN), jnp.float32),)
        scratch += [
            pltpu.VMEM((CH, DN), jnp.float32),
            pltpu.VMEM_SHARED((N, DN), jnp.float32),
            pltpu.SemaphoreType.DMA,
            pltpu.SemaphoreType.DMA,
        ]

    @functools.partial(pl.kernel, out_type=outs, mesh=_MESH,
                       compiler_params=_SC_PARAMS, scratch_types=scratch)
    def _scatter_k(msg_hbm, dst_hbm, zeros_hbm, ones_hbm, *rest):
        if with_cnt:
            (s_out, c_out, i0, i1, m0, m1, s_sh, sm0, sm1,
             ones_v, c_sh, sc0, sc1) = rest
            csems = [sc0, sc1]
        else:
            s_out, i0, i1, m0, m1, s_sh, sm0, sm1 = rest
        cid = lax.axis_index("c")
        sid = lax.axis_index("s")
        wid = sid * 2 + cid
        base = wid * EPW

        @pl.when(sid == 0)
        def _():
            pltpu.sync_copy(zeros_hbm, s_sh)
            if with_cnt:
                pltpu.sync_copy(zeros_hbm, c_sh)

        if with_cnt:
            pltpu.sync_copy(ones_hbm, ones_v)
        plsc.subcore_barrier()
        idx = [i0, i1]
        msgv = [m0, m1]
        sems = [sm0, sm1]
        descs = [None, None]
        cdescs = [None, None]
        pltpu.sync_copy(dst_hbm.at[pl.ds(base, CH)], i0)
        pltpu.sync_copy(msg_hbm.at[pl.ds(base, CH)], m0)
        for j in range(NCH):
            b = j & 1
            descs[b] = pltpu.async_copy(msgv[b], s_sh.at[idx[b]], sems[b],
                                        add=True)
            if with_cnt:
                cdescs[b] = pltpu.async_copy(ones_v, c_sh.at[idx[b]],
                                             csems[b], add=True)
            if j + 1 < NCH:
                if descs[1 - b] is not None:
                    descs[1 - b].wait()
                    if with_cnt:
                        cdescs[1 - b].wait()
                pltpu.sync_copy(dst_hbm.at[pl.ds(base + (j + 1) * CH, CH)],
                                idx[1 - b])
                pltpu.sync_copy(msg_hbm.at[pl.ds(base + (j + 1) * CH, CH)],
                                msgv[1 - b])
        for b in range(2):
            if descs[b] is not None:
                descs[b].wait()
                if with_cnt:
                    cdescs[b].wait()
        plsc.subcore_barrier()

        @pl.when(sid == 0)
        def _():
            pltpu.sync_copy(s_sh, s_out.at[cid])
            if with_cnt:
                pltpu.sync_copy(c_sh, c_out.at[cid])

    return _scatter_k


_scatter_cnt_k = _make_scatter(True)
_scatter_k = _make_scatter(False)



def kernel(x, edge_index, edge_attr, batch, W1, b1, Wk1, bk1, Wk2, bk2,
           Wk3, bk3, root, cbias, W2, b2):
    src = edge_index[0]
    dst = edge_index[1]

    b2r = b2.reshape(1, 1)

    j = jnp.arange(DN * DN)
    S0 = (j[None, :] // DN == jnp.arange(DN)[:, None]).astype(jnp.float32)
    R0 = (j[:, None] % DN == jnp.arange(DN)[None, :]).astype(jnp.float32)
    I8 = jnp.eye(8, dtype=jnp.float32)
    kr = lambda W: jnp.kron(I8, W).astype(jnp.bfloat16)
    S = kr(S0)
    R = kr(R0)
    Wk1b = Wk1.astype(jnp.bfloat16)
    Wk2b = Wk2.astype(jnp.bfloat16)
    Wk3b = Wk3.astype(jnp.bfloat16)
    bk1r = jnp.tile(bk1, 8).reshape(1, 8 * 64)
    bk2r = jnp.tile(bk2, 8).reshape(1, 8 * 96)
    bk3r = jnp.tile(bk3, 8).reshape(1, 8 * DN * DN)
    W1B = W1.astype(jnp.bfloat16)
    b1B = jnp.tile(b1, 8).reshape(1, 128)
    rootB = root.astype(jnp.bfloat16)
    cbB = jnp.tile(cbias, 8).reshape(1, 128)
    W2b = W2.astype(jnp.bfloat16)

    zeros = jnp.zeros((N // 8, 128), jnp.float32).reshape(N, DN)
    ones = jnp.ones((CH // 8, 128), jnp.float32).reshape(CH, DN)

    eaP = edge_attr.reshape(E // 8, 128)
    xp = x.reshape(N // 8, 8 * DIM_IN)
    h0 = _h0(xp, W1B, b1B)
    hs0 = _gather_k(h0.reshape(N, DN), src).reshape(E // 8, 128)
    a2, msg1 = _mlp_msg(eaP, hs0, Wk1b, bk1r, Wk2b, bk2r, Wk3b, bk3r, S, R)
    s1, c1 = _scatter_cnt_k(msg1.reshape(E, DN), dst, zeros, ones)
    s1p = s1.reshape(2, N // 8, 128)
    c1p = c1.reshape(2, N // 8, 128)
    h1 = _update(s1p, c1p, h0, rootB, cbB)
    hs1 = _gather_k(h1.reshape(N, DN), src).reshape(E // 8, 128)
    msg2 = _msg(a2, hs1, Wk3b, bk3r, S, R)
    (s2,) = _scatter_k(msg2.reshape(E, DN), dst, zeros, ones)
    bt = batch.reshape(N // 8, 8).T
    return _pool(s2.reshape(2, N // 8, 128), c1p, h1, rootB, cbB, bt,
                 W2b, b2r)

# --- scband reference (transcript-rebuilt; emitter-appended) ---
"""Pipeline reference for scband-gkernel-nn-31233002177127 (READ-ONLY COPY).

The authoritative reference and input builder live on the scoring server;
editing this copy changes nothing except your own understanding.
"""

import jax, jax.numpy as jnp
import numpy as np

N = 10000
E = 320000
G = 16
DIM_IN = 128
DIM_NODE = 16
DIM_EDGE = 16
DEPTH = 2


def setup_inputs(seed: int = 0):
    key = jax.random.key(seed)
    ks = jax.random.split(key, 20)
    inp = {}
    inp["x"] = jax.random.normal(ks[0], (N, DIM_IN), dtype=jnp.float32)
    inp["edge_index"] = jax.random.randint(ks[1], (2, E), 0, N, dtype=jnp.int32)
    inp["edge_attr"] = jax.random.normal(ks[2], (E, DIM_EDGE), dtype=jnp.float32)
    inp["batch"] = jnp.sort(jax.random.randint(ks[3], (N,), 0, G, dtype=jnp.int32))

    def p(k, shape, fan_in):
        return jax.random.normal(k, shape, dtype=jnp.float32) / np.sqrt(fan_in)

    inp["W1"] = p(ks[4], (DIM_IN, DIM_NODE), DIM_IN)
    inp["b1"] = jnp.zeros((DIM_NODE,), jnp.float32)
    inp["Wk1"] = p(ks[5], (DIM_EDGE, 64), DIM_EDGE)
    inp["bk1"] = jnp.zeros((64,), jnp.float32)
    inp["Wk2"] = p(ks[6], (64, 96), 64)
    inp["bk2"] = jnp.zeros((96,), jnp.float32)
    inp["Wk3"] = p(ks[7], (96, DIM_NODE * DIM_NODE), 96)
    inp["bk3"] = jnp.zeros((DIM_NODE * DIM_NODE,), jnp.float32)
    inp["root"] = p(ks[8], (DIM_NODE, DIM_NODE), DIM_NODE)
    inp["cbias"] = jnp.zeros((DIM_NODE,), jnp.float32)
    inp["W2"] = p(ks[9], (DIM_NODE, 1), DIM_NODE)
    inp["b2"] = jnp.zeros((1,), jnp.float32)
    return inp


def _kernel(edge_attr, Wk1, bk1, Wk2, bk2, Wk3, bk3):
    # DenseNet([dim_edge, 64, 96, dim_node**2], ReLU): ReLU between layers, none on output
    h = jax.nn.relu(edge_attr @ Wk1 + bk1)
    h = jax.nn.relu(h @ Wk2 + bk2)
    return h @ Wk3 + bk3


def _nnconv(h, edge_index, edge_attr, Wk1, bk1, Wk2, bk2, Wk3, bk3, root, cbias):
    # NNConv_old with aggr='mean' and root weight + bias
    src = edge_index[0]
    dst = edge_index[1]
    w = _kernel(edge_attr, Wk1, bk1, Wk2, bk2, Wk3, bk3).reshape(-1, DIM_NODE, DIM_NODE)
    msg = jnp.einsum('ei,eio->eo', h[src], w)
    s = jax.ops.segment_sum(msg, dst, num_segments=N)
    cnt = jax.ops.segment_sum(jnp.ones((msg.shape[0],), jnp.float32), dst, num_segments=N)
    aggr = s / jnp.maximum(cnt, 1.0)[:, None]
    return aggr + h @ root + cbias


def reference(x, edge_index, edge_attr, batch, W1, b1, Wk1, bk1, Wk2, bk2, Wk3, bk3, root, cbias, W2, b2):
    h = x @ W1 + b1
    for _ in range(DEPTH):
        h = jax.nn.relu(_nnconv(h, edge_index, edge_attr, Wk1, bk1, Wk2, bk2, Wk3, bk3, root, cbias))
    # global_mean_pool over batch ids
    s = jax.ops.segment_sum(h, batch, num_segments=G)
    cnt = jax.ops.segment_sum(jnp.ones((N,), jnp.float32), batch, num_segments=G)
    pooled = s / jnp.maximum(cnt, 1.0)[:, None]
    return pooled @ W2 + b2

if __name__ == "__main__":
    import jax
    _d = setup_inputs()
    print(jax.jit(kernel)(*tuple(_d.values())))

</pallas_src>

<mosaic_0001>
#map = affine_map<(d0, d1) -> (0, 0)>
#map1 = affine_map<(d0, d1) -> (0)>
#map2 = affine_map<(d0, d1) -> (0, 0, 0)>
module attributes {stable_mosaic.version = 14 : i64} {
  func.func @_scatter_k(%arg0: i32, %arg1: i32, %arg2: memref<320000x16xf32, #tpu.memory_space<hbm>>, %arg3: memref<320000xi32, #tpu.memory_space<hbm>>, %arg4: memref<10000x16xf32, #tpu.memory_space<hbm>>, %arg5: memref<2000x16xf32, #tpu.memory_space<hbm>>, %arg6: memref<2x10000x16xf32, #tpu.memory_space<hbm>>, %arg7: memref<2000xi32, #tpu.memory_space<vmem>>, %arg8: memref<2000xi32, #tpu.memory_space<vmem>>, %arg9: memref<2000x16xf32, #tpu.memory_space<vmem>>, %arg10: memref<2000x16xf32, #tpu.memory_space<vmem>>, %arg11: memref<10000x16xf32, #tpu.memory_space<vmem_shared>>, %arg12: memref<!tpu.dma_semaphore, #tpu.memory_space<semaphore_mem>>, %arg13: memref<!tpu.dma_semaphore, #tpu.memory_space<semaphore_mem>>) attributes {dimension_semantics = [#tpu.dimension_semantics<core_parallel>, #tpu.dimension_semantics<subcore_parallel>], iteration_bounds = array<i64: 2, 16>, scalar_prefetch = 0 : i64, scratch_operands = 7 : i64, tpu.core_type = #tpu.core_type<sc_vector_subcore>, window_params = [{transform_indices = #map}, {transform_indices = #map1}, {transform_indices = #map}, {transform_indices = #map}, {transform_indices = #map2}]} {
    %mul3A = arith.constant 2 : i32
    %mul3A_0 = arith.muli %arg1, %mul3A : i32
    %add3A = arith.addi %mul3A_0, %arg0 : i32
    %mul3A_1 = arith.constant 10000 : i32
    %mul3A_2 = arith.muli %add3A, %mul3A_1 : i32
    %eq3A = arith.constant 0 : i32
    %eq3A_3 = arith.cmpi eq, %arg1, %eq3A : i32
    %convert_element_type3A = arith.extui %eq3A_3 : i1 to i32
    %cond3A = arith.constant 0 : i32
    %cond3A_4 = arith.cmpi ne, %convert_element_type3A, %cond3A : i32
    scf.if %cond3A_4 {
      "tpu.region"() ({
        %run_scoped3A = tpu.sem_alloc : memref<!tpu.dma_semaphore, #tpu.memory_space<semaphore_mem>>
        tpu.enqueue_dma source(%arg4 : memref<10000x16xf32, #tpu.memory_space<hbm>>) target(%arg11 : memref<10000x16xf32, #tpu.memory_space<vmem_shared>>) target_semaphore(%run_scoped3A : memref<!tpu.dma_semaphore, #tpu.memory_space<semaphore_mem>>)
        tpu.wait_dma2 semaphore(%run_scoped3A : memref<!tpu.dma_semaphore, #tpu.memory_space<semaphore_mem>>) src(%arg4 : memref<10000x16xf32, #tpu.memory_space<hbm>>) dst(%arg11 : memref<10000x16xf32, #tpu.memory_space<vmem_shared>>)
        tpu.yield
      }) : () -> ()
    } else {
    }
    %barrier3A = arith.constant 0 : index
    tpu.barrier barrier_id(%barrier3A)
    "tpu.region"() ({
      %run_scoped3A = tpu.sem_alloc : memref<!tpu.dma_semaphore, #tpu.memory_space<semaphore_mem>>
      %dma_start3A_55 = tpu.memref_slice %arg3[%mul3A_2] : memref<320000xi32, #tpu.memory_space<hbm>> -> memref<2000xi32, #tpu.memory_space<hbm>>
      %dma_start3A_56 = tpu.memref_slice %arg3[%mul3A_2] : memref<320000xi32, #tpu.memory_space<hbm>> -> memref<2000xi32, #tpu.memory_space<hbm>>
      tpu.enqueue_dma source(%dma_start3A_56 : memref<2000xi32, #tpu.memory_space<hbm>>) target(%arg7 : memref<2000xi32, #tpu.memory_space<vmem>>) target_semaphore(%run_scoped3A : memref<!tpu.dma_semaphore, #tpu.memory_space<semaphore_mem>>)
      %dma_wait3A_57 = tpu.memref_slice %arg3[%mul3A_2] : memref<320000xi32, #tpu.memory_space<hbm>> -> memref<2000xi32, #tpu.memory_space<hbm>>
      %dma_wait3A_58 = tpu.memref_slice %arg3[%mul3A_2] : memref<320000xi32, #tpu.memory_space<hbm>> -> memref<2000xi32, #tpu.memory_space<hbm>>
      tpu.wait_dma2 semaphore(%run_scoped3A : memref<!tpu.dma_semaphore, #tpu.memory_space<semaphore_mem>>) src(%dma_wait3A_58 : memref<2000xi32, #tpu.memory_space<hbm>>) dst(%arg7 : memref<2000xi32, #tpu.memory_space<vmem>>)
      tpu.yield
    }) : () -> ()
    "tpu.region"() ({
      %run_scoped3A = tpu.sem_alloc : memref<!tpu.dma_semaphore, #tpu.memory_space<semaphore_mem>>
      %dma_start3A_55 = arith.constant 0 : i32
      %dma_start3A_56 = tpu.memref_slice %arg2[%mul3A_2, %dma_start3A_55] : memref<320000x16xf32, #tpu.memory_space<hbm>> -> memref<2000x16xf32, #tpu.memory_space<hbm>>
      %dma_start3A_57 = arith.constant 0 : i32
      %dma_start3A_58 = tpu.memref_slice %arg2[%mul3A_2, %dma_start3A_57] : memref<320000x16xf32, #tpu.memory_space<hbm>> -> memref<2000x16xf32, #tpu.memory_space<hbm>>
      tpu.enqueue_dma source(%dma_start3A_58 : memref<2000x16xf32, #tpu.memory_space<hbm>>) target(%arg9 : memref<2000x16xf32, #tpu.memory_space<vmem>>) target_semaphore(%run_scoped3A : memref<!tpu.dma_semaphore, #tpu.memory_space<semaphore_mem>>)
      %dma_wait3A_59 = arith.constant 0 : i32
      %dma_wait3A_60 = tpu.memref_slice %arg2[%mul3A_2, %dma_wait3A_59] : memref<320000x16xf32, #tpu.memory_space<hbm>> -> memref<2000x16xf32, #tpu.memory_space<hbm>>
      %dma_wait3A_61 = arith.constant 0 : i32
      %dma_wait3A_62 = tpu.memref_slice %arg2[%mul3A_2, %dma_wait3A_61] : memref<320000x16xf32, #tpu.memory_space<hbm>> -> memref<2000x16xf32, #tpu.memory_space<hbm>>
      tpu.wait_dma2 semaphore(%run_scoped3A : memref<!tpu.dma_semaphore, #tpu.memory_space<semaphore_mem>>) src(%dma_wait3A_62 : memref<2000x16xf32, #tpu.memory_space<hbm>>) dst(%arg9 : memref<2000x16xf32, #tpu.memory_space<vmem>>)
      tpu.yield
    }) : () -> ()
    %dma_start3A = arith.constant 0 : i32
    %dma_start3A_5 = arith.constant 0 : i32
    %dma_start3A_6 = tpu.memref_slice %arg11[%dma_start3A, %dma_start3A_5] : memref<10000x16xf32, #tpu.memory_space<vmem_shared>> -> memref<10000x16xf32, #tpu.memory_space<vmem_shared>>
    tpu.enqueue_indirect_dma source(%arg9 : memref<2000x16xf32, #tpu.memory_space<vmem>>) target(%dma_start3A_6 : memref<10000x16xf32, #tpu.memory_space<vmem_shared>>) offsets(%arg7 : memref<2000xi32, #tpu.memory_space<vmem>>) semaphore(%arg12 : memref<!tpu.dma_semaphore, #tpu.memory_space<semaphore_mem>>) {add = true}
    %add3A_7 = arith.constant 2000 : i32
    %add3A_8 = arith.addi %mul3A_2, %add3A_7 : i32
    "tpu.region"() ({
      %run_scoped3A = tpu.sem_alloc : memref<!tpu.dma_semaphore, #tpu.memory_space<semaphore_mem>>
      %dma_start3A_55 = tpu.memref_slice %arg3[%add3A_8] : memref<320000xi32, #tpu.memory_space<hbm>> -> memref<2000xi32, #tpu.memory_space<hbm>>
      %dma_start3A_56 = tpu.memref_slice %arg3[%add3A_8] : memref<320000xi32, #tpu.memory_space<hbm>> -> memref<2000xi32, #tpu.memory_space<hbm>>
      tpu.enqueue_dma source(%dma_start3A_56 : memref<2000xi32, #tpu.memory_space<hbm>>) target(%arg8 : memref<2000xi32, #tpu.memory_space<vmem>>) target_semaphore(%run_scoped3A : memref<!tpu.dma_semaphore, #tpu.memory_space<semaphore_mem>>)
      %dma_wait3A_57 = tpu.memref_slice %arg3[%add3A_8] : memref<320000xi32, #tpu.memory_space<hbm>> -> memref<2000xi32, #tpu.memory_space<hbm>>
      %dma_wait3A_58 = tpu.memref_slice %arg3[%add3A_8] : memref<320000xi32, #tpu.memory_space<hbm>> -> memref<2000xi32, #tpu.memory_space<hbm>>
      tpu.wait_dma2 semaphore(%run_scoped3A : memref<!tpu.dma_semaphore, #tpu.memory_space<semaphore_mem>>) src(%dma_wait3A_58 : memref<2000xi32, #tpu.memory_space<hbm>>) dst(%arg8 : memref<2000xi32, #tpu.memory_space<vmem>>)
      tpu.yield
    }) : () -> ()
    %add3A_9 = arith.constant 2000 : i32
    %add3A_10 = arith.addi %mul3A_2, %add3A_9 : i32
    "tpu.region"() ({
      %run_scoped3A = tpu.sem_alloc : memref<!tpu.dma_semaphore, #tpu.memory_space<semaphore_mem>>
      %dma_start3A_55 = arith.constant 0 : i32
      %dma_start3A_56 = tpu.memref_slice %arg2[%add3A_10, %dma_start3A_55] : memref<320000x16xf32, #tpu.memory_space<hbm>> -> memref<2000x16xf32, #tpu.memory_space<hbm>>
      %dma_start3A_57 = arith.constant 0 : i32
      %dma_start3A_58 = tpu.memref_slice %arg2[%add3A_10, %dma_start3A_57] : memref<320000x16xf32, #tpu.memory_space<hbm>> -> memref<2000x16xf32, #tpu.memory_space<hbm>>
      tpu.enqueue_dma source(%dma_start3A_58 : memref<2000x16xf32, #tpu.memory_space<hbm>>) target(%arg10 : memref<2000x16xf32, #tpu.memory_space<vmem>>) target_semaphore(%run_scoped3A : memref<!tpu.dma_semaphore, #tpu.memory_space<semaphore_mem>>)
      %dma_wait3A_59 = arith.constant 0 : i32
      %dma_wait3A_60 = tpu.memref_slice %arg2[%add3A_10, %dma_wait3A_59] : memref<320000x16xf32, #tpu.memory_space<hbm>> -> memref<2000x16xf32, #tpu.memory_space<hbm>>
      %dma_wait3A_61 = arith.constant 0 : i32
      %dma_wait3A_62 = tpu.memref_slice %arg2[%add3A_10, %dma_wait3A_61] : memref<320000x16xf32, #tpu.memory_space<hbm>> -> memref<2000x16xf32, #tpu.memory_space<hbm>>
      tpu.wait_dma2 semaphore(%run_scoped3A : memref<!tpu.dma_semaphore, #tpu.memory_space<semaphore_mem>>) src(%dma_wait3A_62 : memref<2000x16xf32, #tpu.memory_space<hbm>>) dst(%arg10 : memref<2000x16xf32, #tpu.memory_space<vmem>>)
      tpu.yield
    }) : () -> ()
    %dma_start3A_11 = arith.constant 0 : i32
    %dma_start3A_12 = arith.constant 0 : i32
    %dma_start3A_13 = tpu.memref_slice %arg11[%dma_start3A_11, %dma_start3A_12] : memref<10000x16xf32, #tpu.memory_space<vmem_shared>> -> memref<10000x16xf32, #tpu.memory_space<vmem_shared>>
    tpu.enqueue_indirect_dma source(%arg10 : memref<2000x16xf32, #tpu.memory_space<vmem>>) target(%dma_start3A_13 : memref<10000x16xf32, #tpu.memory_space<vmem_shared>>) offsets(%arg8 : memref<2000xi32, #tpu.memory_space<vmem>>) semaphore(%arg13 : memref<!tpu.dma_semaphore, #tpu.memory_space<semaphore_mem>>) {add = true}
    %dma_wait3A = arith.constant 0 : i32
    %dma_wait3A_14 = arith.constant 0 : i32
    %dma_wait3A_15 = tpu.memref_slice %arg11[%dma_wait3A, %dma_wait3A_14] : memref<10000x16xf32, #tpu.memory_space<vmem_shared>> -> memref<10000x16xf32, #tpu.memory_space<vmem_shared>>
    tpu.wait_indirect_dma semaphore(%arg12 : memref<!tpu.dma_semaphore, #tpu.memory_space<semaphore_mem>>) src(%arg9 : memref<2000x16xf32, #tpu.memory_space<vmem>>) dst(%dma_wait3A_15 : memref<10000x16xf32, #tpu.memory_space<vmem_shared>>)
    %add3A_16 = arith.constant 4000 : i32
    %add3A_17 = arith.addi %mul3A_2, %add3A_16 : i32
    "tpu.region"() ({
      %run_scoped3A = tpu.sem_alloc : memref<!tpu.dma_semaphore, #tpu.memory_space<semaphore_mem>>
      %dma_start3A_55 = tpu.memref_slice %arg3[%add3A_17] : memref<320000xi32, #tpu.memory_space<hbm>> -> memref<2000xi32, #tpu.memory_space<hbm>>
      %dma_start3A_56 = tpu.memref_slice %arg3[%add3A_17] : memref<320000xi32, #tpu.memory_space<hbm>> -> memref<2000xi32, #tpu.memory_space<hbm>>
      tpu.enqueue_dma source(%dma_start3A_56 : memref<2000xi32, #tpu.memory_space<hbm>>) target(%arg7 : memref<2000xi32, #tpu.memory_space<vmem>>) target_semaphore(%run_scoped3A : memref<!tpu.dma_semaphore, #tpu.memory_space<semaphore_mem>>)
      %dma_wait3A_57 = tpu.memref_slice %arg3[%add3A_17] : memref<320000xi32, #tpu.memory_space<hbm>> -> memref<2000xi32, #tpu.memory_space<hbm>>
      %dma_wait3A_58 = tpu.memref_slice %arg3[%add3A_17] : memref<320000xi32, #tpu.memory_space<hbm>> -> memref<2000xi32, #tpu.memory_space<hbm>>
      tpu.wait_dma2 semaphore(%run_scoped3A : memref<!tpu.dma_semaphore, #tpu.memory_space<semaphore_mem>>) src(%dma_wait3A_58 : memref<2000xi32, #tpu.memory_space<hbm>>) dst(%arg7 : memref<2000xi32, #tpu.memory_space<vmem>>)
      tpu.yield
    }) : () -> ()
    %add3A_18 = arith.constant 4000 : i32
    %add3A_19 = arith.addi %mul3A_2, %add3A_18 : i32
    "tpu.region"() ({
      %run_scoped3A = tpu.sem_alloc : memref<!tpu.dma_semaphore, #tpu.memory_space<semaphore_mem>>
      %dma_start3A_55 = arith.constant 0 : i32
      %dma_start3A_56 = tpu.memref_slice %arg2[%add3A_19, %dma_start3A_55] : memref<320000x16xf32, #tpu.memory_space<hbm>> -> memref<2000x16xf32, #tpu.memory_space<hbm>>
      %dma_start3A_57 = arith.constant 0 : i32
      %dma_start3A_58 = tpu.memref_slice %arg2[%add3A_19, %dma_start3A_57] : memref<320000x16xf32, #tpu.memory_space<hbm>> -> memref<2000x16xf32, #tpu.memory_space<hbm>>
      tpu.enqueue_dma source(%dma_start3A_58 : memref<2000x16xf32, #tpu.memory_space<hbm>>) target(%arg9 : memref<2000x16xf32, #tpu.memory_space<vmem>>) target_semaphore(%run_scoped3A : memref<!tpu.dma_semaphore, #tpu.memory_space<semaphore_mem>>)
      %dma_wait3A_59 = arith.constant 0 : i32
      %dma_wait3A_60 = tpu.memref_slice %arg2[%add3A_19, %dma_wait3A_59] : memref<320000x16xf32, #tpu.memory_space<hbm>> -> memref<2000x16xf32, #tpu.memory_space<hbm>>
      %dma_wait3A_61 = arith.constant 0 : i32
      %dma_wait3A_62 = tpu.memref_slice %arg2[%add3A_19, %dma_wait3A_61] : memref<320000x16xf32, #tpu.memory_space<hbm>> -> memref<2000x16xf32, #tpu.memory_space<hbm>>
      tpu.wait_dma2 semaphore(%run_scoped3A : memref<!tpu.dma_semaphore, #tpu.memory_space<semaphore_mem>>) src(%dma_wait3A_62 : memref<2000x16xf32, #tpu.memory_space<hbm>>) dst(%arg9 : memref<2000x16xf32, #tpu.memory_space<vmem>>)
      tpu.yield
    }) : () -> ()
    %dma_start3A_20 = arith.constant 0 : i32
    %dma_start3A_21 = arith.constant 0 : i32
    %dma_start3A_22 = tpu.memref_slice %arg11[%dma_start3A_20, %dma_start3A_21] : memref<10000x16xf32, #tpu.memory_space<vmem_shared>> -> memref<10000x16xf32, #tpu.memory_space<vmem_shared>>
    tpu.enqueue_indirect_dma source(%arg9 : memref<2000x16xf32, #tpu.memory_space<vmem>>) target(%dma_start3A_22 : memref<10000x16xf32, #tpu.memory_space<vmem_shared>>) offsets(%arg7 : memref<2000xi32, #tpu.memory_space<vmem>>) semaphore(%arg12 : memref<!tpu.dma_semaphore, #tpu.memory_space<semaphore_mem>>) {add = true}
    %dma_wait3A_23 = arith.constant 0 : i32
    %dma_wait3A_24 = arith.constant 0 : i32
    %dma_wait3A_25 = tpu.memref_slice %arg11[%dma_wait3A_23, %dma_wait3A_24] : memref<10000x16xf32, #tpu.memory_space<vmem_shared>> -> memref<10000x16xf32, #tpu.memory_space<vmem_shared>>
    tpu.wait_indirect_dma semaphore(%arg13 : memref<!tpu.dma_semaphore, #tpu.memory_space<semaphore_mem>>) src(%arg10 : memref<2000x16xf32, #tpu.memory_space<vmem>>) dst(%dma_wait3A_25 : memref<10000x16xf32, #tpu.memory_space<vmem_shared>>)
    %add3A_26 = arith.constant 6000 : i32
    %add3A_27 = arith.addi %mul3A_2, %add3A_26 : i32
    "tpu.region"() ({
      %run_scoped3A = tpu.sem_alloc : memref<!tpu.dma_semaphore, #tpu.memory_space<semaphore_mem>>
      %dma_start3A_55 = tpu.memref_slice %arg3[%add3A_27] : memref<320000xi32, #tpu.memory_space<hbm>> -> memref<2000xi32, #tpu.memory_space<hbm>>
      %dma_start3A_56 = tpu.memref_slice %arg3[%add3A_27] : memref<320000xi32, #tpu.memory_space<hbm>> -> memref<2000xi32, #tpu.memory_space<hbm>>
      tpu.enqueue_dma source(%dma_start3A_56 : memref<2000xi32, #tpu.memory_space<hbm>>) target(%arg8 : memref<2000xi32, #tpu.memory_space<vmem>>) target_semaphore(%run_scoped3A : memref<!tpu.dma_semaphore, #tpu.memory_space<semaphore_mem>>)
      %dma_wait3A_57 = tpu.memref_slice %arg3[%add3A_27] : memref<320000xi32, #tpu.memory_space<hbm>> -> memref<2000xi32, #tpu.memory_space<hbm>>
      %dma_wait3A_58 = tpu.memref_slice %arg3[%add3A_27] : memref<320000xi32, #tpu.memory_space<hbm>> -> memref<2000xi32, #tpu.memory_space<hbm>>
      tpu.wait_dma2 semaphore(%run_scoped3A : memref<!tpu.dma_semaphore, #tpu.memory_space<semaphore_mem>>) src(%dma_wait3A_58 : memref<2000xi32, #tpu.memory_space<hbm>>) dst(%arg8 : memref<2000xi32, #tpu.memory_space<vmem>>)
      tpu.yield
    }) : () -> ()
    %add3A_28 = arith.constant 6000 : i32
    %add3A_29 = arith.addi %mul3A_2, %add3A_28 : i32
    "tpu.region"() ({
      %run_scoped3A = tpu.sem_alloc : memref<!tpu.dma_semaphore, #tpu.memory_space<semaphore_mem>>
      %dma_start3A_55 = arith.constant 0 : i32
      %dma_start3A_56 = tpu.memref_slice %arg2[%add3A_29, %dma_start3A_55] : memref<320000x16xf32, #tpu.memory_space<hbm>> -> memref<2000x16xf32, #tpu.memory_space<hbm>>
      %dma_start3A_57 = arith.constant 0 : i32
      %dma_start3A_58 = tpu.memref_slice %arg2[%add3A_29, %dma_start3A_57] : memref<320000x16xf32, #tpu.memory_space<hbm>> -> memref<2000x16xf32, #tpu.memory_space<hbm>>
      tpu.enqueue_dma source(%dma_start3A_58 : memref<2000x16xf32, #tpu.memory_space<hbm>>) target(%arg10 : memref<2000x16xf32, #tpu.memory_space<vmem>>) target_semaphore(%run_scoped3A : memref<!tpu.dma_semaphore, #tpu.memory_space<semaphore_mem>>)
      %dma_wait3A_59 = arith.constant 0 : i32
      %dma_wait3A_60 = tpu.memref_slice %arg2[%add3A_29, %dma_wait3A_59] : memref<320000x16xf32, #tpu.memory_space<hbm>> -> memref<2000x16xf32, #tpu.memory_space<hbm>>
      %dma_wait3A_61 = arith.constant 0 : i32
      %dma_wait3A_62 = tpu.memref_slice %arg2[%add3A_29, %dma_wait3A_61] : memref<320000x16xf32, #tpu.memory_space<hbm>> -> memref<2000x16xf32, #tpu.memory_space<hbm>>
      tpu.wait_dma2 semaphore(%run_scoped3A : memref<!tpu.dma_semaphore, #tpu.memory_space<semaphore_mem>>) src(%dma_wait3A_62 : memref<2000x16xf32, #tpu.memory_space<hbm>>) dst(%arg10 : memref<2000x16xf32, #tpu.memory_space<vmem>>)
      tpu.yield
    }) : () -> ()
    %dma_start3A_30 = arith.constant 0 : i32
    %dma_start3A_31 = arith.constant 0 : i32
    %dma_start3A_32 = tpu.memref_slice %arg11[%dma_start3A_30, %dma_start3A_31] : memref<10000x16xf32, #tpu.memory_space<vmem_shared>> -> memref<10000x16xf32, #tpu.memory_space<vmem_shared>>
    tpu.enqueue_indirect_dma source(%arg10 : memref<2000x16xf32, #tpu.memory_space<vmem>>) target(%dma_start3A_32 : memref<10000x16xf32, #tpu.memory_space<vmem_shared>>) offsets(%arg8 : memref<2000xi32, #tpu.memory_space<vmem>>) semaphore(%arg13 : memref<!tpu.dma_semaphore, #tpu.memory_space<semaphore_mem>>) {add = true}
    %dma_wait3A_33 = arith.constant 0 : i32
    %dma_wait3A_34 = arith.constant 0 : i32
    %dma_wait3A_35 = tpu.memref_slice %arg11[%dma_wait3A_33, %dma_wait3A_34] : memref<10000x16xf32, #tpu.memory_space<vmem_shared>> -> memref<10000x16xf32, #tpu.memory_space<vmem_shared>>
    tpu.wait_indirect_dma semaphore(%arg12 : memref<!tpu.dma_semaphore, #tpu.memory_space<semaphore_mem>>) src(%arg9 : memref<2000x16xf32, #tpu.memory_space<vmem>>) dst(%dma_wait3A_35 : memref<10000x16xf32, #tpu.memory_space<vmem_shared>>)
    %add3A_36 = arith.constant 8000 : i32
    %add3A_37 = arith.addi %mul3A_2, %add3A_36 : i32
    "tpu.region"() ({
      %run_scoped3A = tpu.sem_alloc : memref<!tpu.dma_semaphore, #tpu.memory_space<semaphore_mem>>
      %dma_start3A_55 = tpu.memref_slice %arg3[%add3A_37] : memref<320000xi32, #tpu.memory_space<hbm>> -> memref<2000xi32, #tpu.memory_space<hbm>>
      %dma_start3A_56 = tpu.memref_slice %arg3[%add3A_37] : memref<320000xi32, #tpu.memory_space<hbm>> -> memref<2000xi32, #tpu.memory_space<hbm>>
      tpu.enqueue_dma source(%dma_start3A_56 : memref<2000xi32, #tpu.memory_space<hbm>>) target(%arg7 : memref<2000xi32, #tpu.memory_space<vmem>>) target_semaphore(%run_scoped3A : memref<!tpu.dma_semaphore, #tpu.memory_space<semaphore_mem>>)
      %dma_wait3A_57 = tpu.memref_slice %arg3[%add3A_37] : memref<320000xi32, #tpu.memory_space<hbm>> -> memref<2000xi32, #tpu.memory_space<hbm>>
      %dma_wait3A_58 = tpu.memref_slice %arg3[%add3A_37] : memref<320000xi32, #tpu.memory_space<hbm>> -> memref<2000xi32, #tpu.memory_space<hbm>>
      tpu.wait_dma2 semaphore(%run_scoped3A : memref<!tpu.dma_semaphore, #tpu.memory_space<semaphore_mem>>) src(%dma_wait3A_58 : memref<2000xi32, #tpu.memory_space<hbm>>) dst(%arg7 : memref<2000xi32, #tpu.memory_space<vmem>>)
      tpu.yield
    }) : () -> ()
    %add3A_38 = arith.constant 8000 : i32
    %add3A_39 = arith.addi %mul3A_2, %add3A_38 : i32
    "tpu.region"() ({
      %run_scoped3A = tpu.sem_alloc : memref<!tpu.dma_semaphore, #tpu.memory_space<semaphore_mem>>
      %dma_start3A_55 = arith.constant 0 : i32
      %dma_start3A_56 = tpu.memref_slice %arg2[%add3A_39, %dma_start3A_55] : memref<320000x16xf32, #tpu.memory_space<hbm>> -> memref<2000x16xf32, #tpu.memory_space<hbm>>
      %dma_start3A_57 = arith.constant 0 : i32
      %dma_start3A_58 = tpu.memref_slice %arg2[%add3A_39, %dma_start3A_57] : memref<320000x16xf32, #tpu.memory_space<hbm>> -> memref<2000x16xf32, #tpu.memory_space<hbm>>
      tpu.enqueue_dma source(%dma_start3A_58 : memref<2000x16xf32, #tpu.memory_space<hbm>>) target(%arg9 : memref<2000x16xf32, #tpu.memory_space<vmem>>) target_semaphore(%run_scoped3A : memref<!tpu.dma_semaphore, #tpu.memory_space<semaphore_mem>>)
      %dma_wait3A_59 = arith.constant 0 : i32
      %dma_wait3A_60 = tpu.memref_slice %arg2[%add3A_39, %dma_wait3A_59] : memref<320000x16xf32, #tpu.memory_space<hbm>> -> memref<2000x16xf32, #tpu.memory_space<hbm>>
      %dma_wait3A_61 = arith.constant 0 : i32
      %dma_wait3A_62 = tpu.memref_slice %arg2[%add3A_39, %dma_wait3A_61] : memref<320000x16xf32, #tpu.memory_space<hbm>> -> memref<2000x16xf32, #tpu.memory_space<hbm>>
      tpu.wait_dma2 semaphore(%run_scoped3A : memref<!tpu.dma_semaphore, #tpu.memory_space<semaphore_mem>>) src(%dma_wait3A_62 : memref<2000x16xf32, #tpu.memory_space<hbm>>) dst(%arg9 : memref<2000x16xf32, #tpu.memory_space<vmem>>)
      tpu.yield
    }) : () -> ()
    %dma_start3A_40 = arith.constant 0 : i32
    %dma_start3A_41 = arith.constant 0 : i32
    %dma_start3A_42 = tpu.memref_slice %arg11[%dma_start3A_40, %dma_start3A_41] : memref<10000x16xf32, #tpu.memory_space<vmem_shared>> -> memref<10000x16xf32, #tpu.memory_space<vmem_shared>>
    tpu.enqueue_indirect_dma source(%arg9 : memref<2000x16xf32, #tpu.memory_space<vmem>>) target(%dma_start3A_42 : memref<10000x16xf32, #tpu.memory_space<vmem_shared>>) offsets(%arg7 : memref<2000xi32, #tpu.memory_space<vmem>>) semaphore(%arg12 : memref<!tpu.dma_semaphore, #tpu.memory_space<semaphore_mem>>) {add = true}
    %dma_wait3A_43 = arith.constant 0 : i32
    %dma_wait3A_44 = arith.constant 0 : i32
    %dma_wait3A_45 = tpu.memref_slice %arg11[%dma_wait3A_43, %dma_wait3A_44] : memref<10000x16xf32, #tpu.memory_space<vmem_shared>> -> memref<10000x16xf32, #tpu.memory_space<vmem_shared>>
    tpu.wait_indirect_dma semaphore(%arg12 : memref<!tpu.dma_semaphore, #tpu.memory_space<semaphore_mem>>) src(%arg9 : memref<2000x16xf32, #tpu.memory_space<vmem>>) dst(%dma_wait3A_45 : memref<10000x16xf32, #tpu.memory_space<vmem_shared>>)
    %dma_wait3A_46 = arith.constant 0 : i32
    %dma_wait3A_47 = arith.constant 0 : i32
    %dma_wait3A_48 = tpu.memref_slice %arg11[%dma_wait3A_46, %dma_wait3A_47] : memref<10000x16xf32, #tpu.memory_space<vmem_shared>> -> memref<10000x16xf32, #tpu.memory_space<vmem_shared>>
    tpu.wait_indirect_dma semaphore(%arg13 : memref<!tpu.dma_semaphore, #tpu.memory_space<semaphore_mem>>) src(%arg10 : memref<2000x16xf32, #tpu.memory_space<vmem>>) dst(%dma_wait3A_48 : memref<10000x16xf32, #tpu.memory_space<vmem_shared>>)
    %barrier3A_49 = arith.constant 0 : index
    tpu.barrier barrier_id(%barrier3A_49)
    %eq3A_50 = arith.constant 0 : i32
    %eq3A_51 = arith.cmpi eq, %arg1, %eq3A_50 : i32
    %convert_element_type3A_52 = arith.extui %eq3A_51 : i1 to i32
    %cond3A_53 = arith.constant 0 : i32
    %cond3A_54 = arith.cmpi ne, %convert_element_type3A_52, %cond3A_53 : i32
    scf.if %cond3A_54 {
      "tpu.region"() ({
        %run_scoped3A = tpu.sem_alloc : memref<!tpu.dma_semaphore, #tpu.memory_space<semaphore_mem>>
        %dma_start3A_55 = arith.constant 0 : i32
        %dma_start3A_56 = arith.constant 0 : i32
        %dma_start3A_57 = tpu.memref_slice %arg6[%arg0, %dma_start3A_55, %dma_start3A_56] : memref<2x10000x16xf32, #tpu.memory_space<hbm>> -> memref<1x10000x16xf32, #tpu.memory_space<hbm>>
        %dma_start3A_58 = tpu.memref_squeeze %dma_start3A_57 : memref<1x10000x16xf32, #tpu.memory_space<hbm>> -> memref<10000x16xf32, #tpu.memory_space<hbm>>
        tpu.enqueue_dma source(%arg11 : memref<10000x16xf32, #tpu.memory_space<vmem_shared>>) target(%dma_start3A_58 : memref<10000x16xf32, #tpu.memory_space<hbm>>) target_semaphore(%run_scoped3A : memref<!tpu.dma_semaphore, #tpu.memory_space<semaphore_mem>>)
        %dma_wait3A_59 = arith.constant 0 : i32
        %dma_wait3A_60 = arith.constant 0 : i32
        %dma_wait3A_61 = tpu.memref_slice %arg6[%arg0, %dma_wait3A_59, %dma_wait3A_60] : memref<2x10000x16xf32, #tpu.memory_space<hbm>> -> memref<1x10000x16xf32, #tpu.memory_space<hbm>>
        %dma_wait3A_62 = tpu.memref_squeeze %dma_wait3A_61 : memref<1x10000x16xf32, #tpu.memory_space<hbm>> -> memref<10000x16xf32, #tpu.memory_space<hbm>>
        tpu.wait_dma2 semaphore(%run_scoped3A : memref<!tpu.dma_semaphore, #tpu.memory_space<semaphore_mem>>) src(%arg11 : memref<10000x16xf32, #tpu.memory_space<vmem_shared>>) dst(%dma_wait3A_62 : memref<10000x16xf32, #tpu.memory_space<hbm>>)
        tpu.yield
      }) : () -> ()
    } else {
    }
    return
  }
}

#map = affine_map<(d0, d1) -> (0, 0)>
#map1 = affine_map<(d0, d1) -> (0)>
#map2 = affine_map<(d0, d1) -> (0, 0, 0)>
module attributes {stable_mosaic.version = 14 : i64} {
  func.func @_scatter_k(%arg0: i32, %arg1: i32, %arg2: memref<320000x16xf32, #tpu.memory_space<hbm>>, %arg3: memref<320000xi32, #tpu.memory_space<hbm>>, %arg4: memref<10000x16xf32, #tpu.memory_space<hbm>>, %arg5: memref<2000x16xf32, #tpu.memory_space<hbm>>, %arg6: memref<2x10000x16xf32, #tpu.memory_space<hbm>>, %arg7: memref<2x10000x16xf32, #tpu.memory_space<hbm>>, %arg8: memref<2000xi32, #tpu.memory_space<vmem>>, %arg9: memref<2000xi32, #tpu.memory_space<vmem>>, %arg10: memref<2000x16xf32, #tpu.memory_space<vmem>>, %arg11: memref<2000x16xf32, #tpu.memory_space<vmem>>, %arg12: memref<10000x16xf32, #tpu.memory_space<vmem_shared>>, %arg13: memref<!tpu.dma_semaphore, #tpu.memory_space<semaphore_mem>>, %arg14: memref<!tpu.dma_semaphore, #tpu.memory_space<semaphore_mem>>, %arg15: memref<2000x16xf32, #tpu.memory_space<vmem>>, %arg16: memref<10000x16xf32, #tpu.memory_space<vmem_shared>>, %arg17: memref<!tpu.dma_semaphore, #tpu.memory_space<semaphore_mem>>, %arg18: memref<!tpu.dma_semaphore, #tpu.memory_space<semaphore_mem>>) attributes {dimension_semantics = [#tpu.dimension_semantics<core_parallel>, #tpu.dimension_semantics<subcore_parallel>], iteration_bounds = array<i64: 2, 16>, scalar_prefetch = 0 : i64, scratch_operands = 11 : i64, tpu.core_type = #tpu.core_type<sc_vector_subcore>, window_params = [{transform_indices = #map}, {transform_indices = #map1}, {transform_indices = #map}, {transform_indices = #map}, {transform_indices = #map2}, {transform_indices = #map2}]} {
    %mul3A = arith.constant 2 : i32
    %mul3A_0 = arith.muli %arg1, %mul3A : i32
    %add3A = arith.addi %mul3A_0, %arg0 : i32
    %mul3A_1 = arith.constant 10000 : i32
    %mul3A_2 = arith.muli %add3A, %mul3A_1 : i32
    %eq3A = arith.constant 0 : i32
    %eq3A_3 = arith.cmpi eq, %arg1, %eq3A : i32
    %convert_element_type3A = arith.extui %eq3A_3 : i1 to i32
    %cond3A = arith.constant 0 : i32
    %cond3A_4 = arith.cmpi ne, %convert_element_type3A, %cond3A : i32
    scf.if %cond3A_4 {
      "tpu.region"() ({
        %run_scoped3A = tpu.sem_alloc : memref<!tpu.dma_semaphore, #tpu.memory_space<semaphore_mem>>
        tpu.enqueue_dma source(%arg4 : memref<10000x16xf32, #tpu.memory_space<hbm>>) target(%arg12 : memref<10000x16xf32, #tpu.memory_space<vmem_shared>>) target_semaphore(%run_scoped3A : memref<!tpu.dma_semaphore, #tpu.memory_space<semaphore_mem>>)
        tpu.wait_dma2 semaphore(%run_scoped3A : memref<!tpu.dma_semaphore, #tpu.memory_space<semaphore_mem>>) src(%arg4 : memref<10000x16xf32, #tpu.memory_space<hbm>>) dst(%arg12 : memref<10000x16xf32, #tpu.memory_space<vmem_shared>>)
        tpu.yield
      }) : () -> ()
      "tpu.region"() ({
        %run_scoped3A = tpu.sem_alloc : memref<!tpu.dma_semaphore, #tpu.memory_space<semaphore_mem>>
        tpu.enqueue_dma source(%arg4 : memref<10000x16xf32, #tpu.memory_space<hbm>>) target(%arg16 : memref<10000x16xf32, #tpu.memory_space<vmem_shared>>) target_semaphore(%run_scoped3A : memref<!tpu.dma_semaphore, #tpu.memory_space<semaphore_mem>>)
        tpu.wait_dma2 semaphore(%run_scoped3A : memref<!tpu.dma_semaphore, #tpu.memory_space<semaphore_mem>>) src(%arg4 : memref<10000x16xf32, #tpu.memory_space<hbm>>) dst(%arg16 : memref<10000x16xf32, #tpu.memory_space<vmem_shared>>)
        tpu.yield
      }) : () -> ()
    } else {
    }
    "tpu.region"() ({
      %run_scoped3A = tpu.sem_alloc : memref<!tpu.dma_semaphore, #tpu.memory_space<semaphore_mem>>
      tpu.enqueue_dma source(%arg5 : memref<2000x16xf32, #tpu.memory_space<hbm>>) target(%arg15 : memref<2000x16xf32, #tpu.memory_space<vmem>>) target_semaphore(%run_scoped3A : memref<!tpu.dma_semaphore, #tpu.memory_space<semaphore_mem>>)
      tpu.wait_dma2 semaphore(%run_scoped3A : memref<!tpu.dma_semaphore, #tpu.memory_space<semaphore_mem>>) src(%arg5 : memref<2000x16xf32, #tpu.memory_space<hbm>>) dst(%arg15 : memref<2000x16xf32, #tpu.memory_space<vmem>>)
      tpu.yield
    }) : () -> ()
    %barrier3A = arith.constant 0 : index
    tpu.barrier barrier_id(%barrier3A)
    "tpu.region"() ({
      %run_scoped3A = tpu.sem_alloc : memref<!tpu.dma_semaphore, #tpu.memory_space<semaphore_mem>>
      %dma_start3A_85 = tpu.memref_slice %arg3[%mul3A_2] : memref<320000xi32, #tpu.memory_space<hbm>> -> memref<2000xi32, #tpu.memory_space<hbm>>
      %dma_start3A_86 = tpu.memref_slice %arg3[%mul3A_2] : memref<320000xi32, #tpu.memory_space<hbm>> -> memref<2000xi32, #tpu.memory_space<hbm>>
      tpu.enqueue_dma source(%dma_start3A_86 : memref<2000xi32, #tpu.memory_space<hbm>>) target(%arg8 : memref<2000xi32, #tpu.memory_space<vmem>>) target_semaphore(%run_scoped3A : memref<!tpu.dma_semaphore, #tpu.memory_space<semaphore_mem>>)
      %dma_wait3A_87 = tpu.memref_slice %arg3[%mul3A_2] : memref<320000xi32, #tpu.memory_space<hbm>> -> memref<2000xi32, #tpu.memory_space<hbm>>
      %dma_wait3A_88 = tpu.memref_slice %arg3[%mul3A_2] : memref<320000xi32, #tpu.memory_space<hbm>> -> memref<2000xi32, #tpu.memory_space<hbm>>
      tpu.wait_dma2 semaphore(%run_scoped3A : memref<!tpu.dma_semaphore, #tpu.memory_space<semaphore_mem>>) src(%dma_wait3A_88 : memref<2000xi32, #tpu.memory_space<hbm>>) dst(%arg8 : memref<2000xi32, #tpu.memory_space<vmem>>)
      tpu.yield
    }) : () -> ()
    "tpu.region"() ({
      %run_scoped3A = tpu.sem_alloc : memref<!tpu.dma_semaphore, #tpu.memory_space<semaphore_mem>>
      %dma_start3A_85 = arith.constant 0 : i32
      %dma_start3A_86 = tpu.memref_slice %arg2[%mul3A_2, %dma_start3A_85] : memref<320000x16xf32, #tpu.memory_space<hbm>> -> memref<2000x16xf32, #tpu.memory_space<hbm>>
      %dma_start3A_87 = arith.constant 0 : i32
      %dma_start3A_88 = tpu.memref_slice %arg2[%mul3A_2, %dma_start3A_87] : memref<320000x16xf32, #tpu.memory_space<hbm>> -> memref<2000x16xf32, #tpu.memory_space<hbm>>
      tpu.enqueue_dma source(%dma_start3A_88 : memref<2000x16xf32, #tpu.memory_space<hbm>>) target(%arg10 : memref<2000x16xf32, #tpu.memory_space<vmem>>) target_semaphore(%run_scoped3A : memref<!tpu.dma_semaphore, #tpu.memory_space<semaphore_mem>>)
      %dma_wait3A_89 = arith.constant 0 : i32
      %dma_wait3A_90 = tpu.memref_slice %arg2[%mul3A_2, %dma_wait3A_89] : memref<320000x16xf32, #tpu.memory_space<hbm>> -> memref<2000x16xf32, #tpu.memory_space<hbm>>
      %dma_wait3A_91 = arith.constant 0 : i32
      %dma_wait3A_92 = tpu.memref_slice %arg2[%mul3A_2, %dma_wait3A_91] : memref<320000x16xf32, #tpu.memory_space<hbm>> -> memref<2000x16xf32, #tpu.memory_space<hbm>>
      tpu.wait_dma2 semaphore(%run_scoped3A : memref<!tpu.dma_semaphore, #tpu.memory_space<semaphore_mem>>) src(%dma_wait3A_92 : memref<2000x16xf32, #tpu.memory_space<hbm>>) dst(%arg10 : memref<2000x16xf32, #tpu.memory_space<vmem>>)
      tpu.yield
    }) : () -> ()
    %dma_start3A = arith.constant 0 : i32
    %dma_start3A_5 = arith.constant 0 : i32
    %dma_start3A_6 = tpu.memref_slice %arg12[%dma_start3A, %dma_start3A_5] : memref<10000x16xf32, #tpu.memory_space<vmem_shared>> -> memref<10000x16xf32, #tpu.memory_space<vmem_shared>>
    tpu.enqueue_indirect_dma source(%arg10 : memref<2000x16xf32, #tpu.memory_space<vmem>>) target(%dma_start3A_6 : memref<10000x16xf32, #tpu.memory_space<vmem_shared>>) offsets(%arg8 : memref<2000xi32, #tpu.memory_space<vmem>>) semaphore(%arg13 : memref<!tpu.dma_semaphore, #tpu.memory_space<semaphore_mem>>) {add = true}
    %dma_start3A_7 = arith.constant 0 : i32
    %dma_start3A_8 = arith.constant 0 : i32
    %dma_start3A_9 = tpu.memref_slice %arg16[%dma_start3A_7, %dma_start3A_8] : memref<10000x16xf32, #tpu.memory_space<vmem_shared>> -> memref<10000x16xf32, #tpu.memory_space<vmem_shared>>
    tpu.enqueue_indirect_dma source(%arg15 : memref<2000x16xf32, #tpu.memory_space<vmem>>) target(%dma_start3A_9 : memref<10000x16xf32, #tpu.memory_space<vmem_shared>>) offsets(%arg8 : memref<2000xi32, #tpu.memory_space<vmem>>) semaphore(%arg17 : memref<!tpu.dma_semaphore, #tpu.memory_space<semaphore_mem>>) {add = true}
    %add3A_10 = arith.constant 2000 : i32
    %add3A_11 = arith.addi %mul3A_2, %add3A_10 : i32
    "tpu.region"() ({
      %run_scoped3A = tpu.sem_alloc : memref<!tpu.dma_semaphore, #tpu.memory_space<semaphore_mem>>
      %dma_start3A_85 = tpu.memref_slice %arg3[%add3A_11] : memref<320000xi32, #tpu.memory_space<hbm>> -> memref<2000xi32, #tpu.memory_space<hbm>>
      %dma_start3A_86 = tpu.memref_slice %arg3[%add3A_11] : memref<320000xi32, #tpu.memory_space<hbm>> -> memref<2000xi32, #tpu.memory_space<hbm>>
      tpu.enqueue_dma source(%dma_start3A_86 : memref<2000xi32, #tpu.memory_space<hbm>>) target(%arg9 : memref<2000xi32, #tpu.memory_space<vmem>>) target_semaphore(%run_scoped3A : memref<!tpu.dma_semaphore, #tpu.memory_space<semaphore_mem>>)
      %dma_wait3A_87 = tpu.memref_slice %arg3[%add3A_11] : memref<320000xi32, #tpu.memory_space<hbm>> -> memref<2000xi32, #tpu.memory_space<hbm>>
      %dma_wait3A_88 = tpu.memref_slice %arg3[%add3A_11] : memref<320000xi32, #tpu.memory_space<hbm>> -> memref<2000xi32, #tpu.memory_space<hbm>>
      tpu.wait_dma2 semaphore(%run_scoped3A : memref<!tpu.dma_semaphore, #tpu.memory_space<semaphore_mem>>) src(%dma_wait3A_88 : memref<2000xi32, #tpu.memory_space<hbm>>) dst(%arg9 : memref<2000xi32, #tpu.memory_space<vmem>>)
      tpu.yield
    }) : () -> ()
    %add3A_12 = arith.constant 2000 : i32
    %add3A_13 = arith.addi %mul3A_2, %add3A_12 : i32
    "tpu.region"() ({
      %run_scoped3A = tpu.sem_alloc : memref<!tpu.dma_semaphore, #tpu.memory_space<semaphore_mem>>
      %dma_start3A_85 = arith.constant 0 : i32
      %dma_start3A_86 = tpu.memref_slice %arg2[%add3A_13, %dma_start3A_85] : memref<320000x16xf32, #tpu.memory_space<hbm>> -> memref<2000x16xf32, #tpu.memory_space<hbm>>
      %dma_start3A_87 = arith.constant 0 : i32
      %dma_start3A_88 = tpu.memref_slice %arg2[%add3A_13, %dma_start3A_87] : memref<320000x16xf32, #tpu.memory_space<hbm>> -> memref<2000x16xf32, #tpu.memory_space<hbm>>
      tpu.enqueue_dma source(%dma_start3A_88 : memref<2000x16xf32, #tpu.memory_space<hbm>>) target(%arg11 : memref<2000x16xf32, #tpu.memory_space<vmem>>) target_semaphore(%run_scoped3A : memref<!tpu.dma_semaphore, #tpu.memory_space<semaphore_mem>>)
      %dma_wait3A_89 = arith.constant 0 : i32
      %dma_wait3A_90 = tpu.memref_slice %arg2[%add3A_13, %dma_wait3A_89] : memref<320000x16xf32, #tpu.memory_space<hbm>> -> memref<2000x16xf32, #tpu.memory_space<hbm>>
      %dma_wait3A_91 = arith.constant 0 : i32
      %dma_wait3A_92 = tpu.memref_slice %arg2[%add3A_13, %dma_wait3A_91] : memref<320000x16xf32, #tpu.memory_space<hbm>> -> memref<2000x16xf32, #tpu.memory_space<hbm>>
      tpu.wait_dma2 semaphore(%run_scoped3A : memref<!tpu.dma_semaphore, #tpu.memory_space<semaphore_mem>>) src(%dma_wait3A_92 : memref<2000x16xf32, #tpu.memory_space<hbm>>) dst(%arg11 : memref<2000x16xf32, #tpu.memory_space<vmem>>)
      tpu.yield
    }) : () -> ()
    %dma_start3A_14 = arith.constant 0 : i32
    %dma_start3A_15 = arith.constant 0 : i32
    %dma_start3A_16 = tpu.memref_slice %arg12[%dma_start3A_14, %dma_start3A_15] : memref<10000x16xf32, #tpu.memory_space<vmem_shared>> -> memref<10000x16xf32, #tpu.memory_space<vmem_shared>>
    tpu.enqueue_indirect_dma source(%arg11 : memref<2000x16xf32, #tpu.memory_space<vmem>>) target(%dma_start3A_16 : memref<10000x16xf32, #tpu.memory_space<vmem_shared>>) offsets(%arg9 : memref<2000xi32, #tpu.memory_space<vmem>>) semaphore(%arg14 : memref<!tpu.dma_semaphore, #tpu.memory_space<semaphore_mem>>) {add = true}
    %dma_start3A_17 = arith.constant 0 : i32
    %dma_start3A_18 = arith.constant 0 : i32
    %dma_start3A_19 = tpu.memref_slice %arg16[%dma_start3A_17, %dma_start3A_18] : memref<10000x16xf32, #tpu.memory_space<vmem_shared>> -> memref<10000x16xf32, #tpu.memory_space<vmem_shared>>
    tpu.enqueue_indirect_dma source(%arg15 : memref<2000x16xf32, #tpu.memory_space<vmem>>) target(%dma_start3A_19 : memref<10000x16xf32, #tpu.memory_space<vmem_shared>>) offsets(%arg9 : memref<2000xi32, #tpu.memory_space<vmem>>) semaphore(%arg18 : memref<!tpu.dma_semaphore, #tpu.memory_space<semaphore_mem>>) {add = true}
    %dma_wait3A = arith.constant 0 : i32
    %dma_wait3A_20 = arith.constant 0 : i32
    %dma_wait3A_21 = tpu.memref_slice %arg12[%dma_wait3A, %dma_wait3A_20] : memref<10000x16xf32, #tpu.memory_space<vmem_shared>> -> memref<10000x16xf32, #tpu.memory_space<vmem_shared>>
    tpu.wait_indirect_dma semaphore(%arg13 : memref<!tpu.dma_semaphore, #tpu.memory_space<semaphore_mem>>) src(%arg10 : memref<2000x16xf32, #tpu.memory_space<vmem>>) dst(%dma_wait3A_21 : memref<10000x16xf32, #tpu.memory_space<vmem_shared>>)
    %dma_wait3A_22 = arith.constant 0 : i32
    %dma_wait3A_23 = arith.constant 0 : i32
    %dma_wait3A_24 = tpu.memref_slice %arg16[%dma_wait3A_22, %dma_wait3A_23] : memref<10000x16xf32, #tpu.memory_space<vmem_shared>> -> memref<10000x16xf32, #tpu.memory_space<vmem_shared>>
    tpu.wait_indirect_dma semaphore(%arg17 : memref<!tpu.dma_semaphore, #tpu.memory_space<semaphore_mem>>) src(%arg15 : memref<2000x16xf32, #tpu.memory_space<vmem>>) dst(%dma_wait3A_24 : memref<10000x16xf32, #tpu.memory_space<vmem_shared>>)
    %add3A_25 = arith.constant 4000 : i32
    %add3A_26 = arith.addi %mul3A_2, %add3A_25 : i32
    "tpu.region"() ({
      %run_scoped3A = tpu.sem_alloc : memref<!tpu.dma_semaphore, #tpu.memory_space<semaphore_mem>>
      %dma_start3A_85 = tpu.memref_slice %arg3[%add3A_26] : memref<320000xi32, #tpu.memory_space<hbm>> -> memref<2000xi32, #tpu.memory_space<hbm>>
      %dma_start3A_86 = tpu.memref_slice %arg3[%add3A_26] : memref<320000xi32, #tpu.memory_space<hbm>> -> memref<2000xi32, #tpu.memory_space<hbm>>
      tpu.enqueue_dma source(%dma_start3A_86 : memref<2000xi32, #tpu.memory_space<hbm>>) target(%arg8 : memref<2000xi32, #tpu.memory_space<vmem>>) target_semaphore(%run_scoped3A : memref<!tpu.dma_semaphore, #tpu.memory_space<semaphore_mem>>)
      %dma_wait3A_87 = tpu.memref_slice %arg3[%add3A_26] : memref<320000xi32, #tpu.memory_space<hbm>> -> memref<2000xi32, #tpu.memory_space<hbm>>
      %dma_wait3A_88 = tpu.memref_slice %arg3[%add3A_26] : memref<320000xi32, #tpu.memory_space<hbm>> -> memref<2000xi32, #tpu.memory_space<hbm>>
      tpu.wait_dma2 semaphore(%run_scoped3A : memref<!tpu.dma_semaphore, #tpu.memory_space<semaphore_mem>>) src(%dma_wait3A_88 : memref<2000xi32, #tpu.memory_space<hbm>>) dst(%arg8 : memref<2000xi32, #tpu.memory_space<vmem>>)
      tpu.yield
    }) : () -> ()
    %add3A_27 = arith.constant 4000 : i32
    %add3A_28 = arith.addi %mul3A_2, %add3A_27 : i32
    "tpu.region"() ({
      %run_scoped3A = tpu.sem_alloc : memref<!tpu.dma_semaphore, #tpu.memory_space<semaphore_mem>>
      %dma_start3A_85 = arith.constant 0 : i32
      %dma_start3A_86 = tpu.memref_slice %arg2[%add3A_28, %dma_start3A_85] : memref<320000x16xf32, #tpu.memory_space<hbm>> -> memref<2000x16xf32, #tpu.memory_space<hbm>>
      %dma_start3A_87 = arith.constant 0 : i32
      %dma_start3A_88 = tpu.memref_slice %arg2[%add3A_28, %dma_start3A_87] : memref<320000x16xf32, #tpu.memory_space<hbm>> -> memref<2000x16xf32, #tpu.memory_space<hbm>>
      tpu.enqueue_dma source(%dma_start3A_88 : memref<2000x16xf32, #tpu.memory_space<hbm>>) target(%arg10 : memref<2000x16xf32, #tpu.memory_space<vmem>>) target_semaphore(%run_scoped3A : memref<!tpu.dma_semaphore, #tpu.memory_space<semaphore_mem>>)
      %dma_wait3A_89 = arith.constant 0 : i32
      %dma_wait3A_90 = tpu.memref_slice %arg2[%add3A_28, %dma_wait3A_89] : memref<320000x16xf32, #tpu.memory_space<hbm>> -> memref<2000x16xf32, #tpu.memory_space<hbm>>
      %dma_wait3A_91 = arith.constant 0 : i32
      %dma_wait3A_92 = tpu.memref_slice %arg2[%add3A_28, %dma_wait3A_91] : memref<320000x16xf32, #tpu.memory_space<hbm>> -> memref<2000x16xf32, #tpu.memory_space<hbm>>
      tpu.wait_dma2 semaphore(%run_scoped3A : memref<!tpu.dma_semaphore, #tpu.memory_space<semaphore_mem>>) src(%dma_wait3A_92 : memref<2000x16xf32, #tpu.memory_space<hbm>>) dst(%arg10 : memref<2000x16xf32, #tpu.memory_space<vmem>>)
      tpu.yield
    }) : () -> ()
    %dma_start3A_29 = arith.constant 0 : i32
    %dma_start3A_30 = arith.constant 0 : i32
    %dma_start3A_31 = tpu.memref_slice %arg12[%dma_start3A_29, %dma_start3A_30] : memref<10000x16xf32, #tpu.memory_space<vmem_shared>> -> memref<10000x16xf32, #tpu.memory_space<vmem_shared>>
    tpu.enqueue_indirect_dma source(%arg10 : memref<2000x16xf32, #tpu.memory_space<vmem>>) target(%dma_start3A_31 : memref<10000x16xf32, #tpu.memory_space<vmem_shared>>) offsets(%arg8 : memref<2000xi32, #tpu.memory_space<vmem>>) semaphore(%arg13 : memref<!tpu.dma_semaphore, #tpu.memory_space<semaphore_mem>>) {add = true}
    %dma_start3A_32 = arith.constant 0 : i32
    %dma_start3A_33 = arith.constant 0 : i32
    %dma_start3A_34 = tpu.memref_slice %arg16[%dma_start3A_32, %dma_start3A_33] : memref<10000x16xf32, #tpu.memory_space<vmem_shared>> -> memref<10000x16xf32, #tpu.memory_space<vmem_shared>>
    tpu.enqueue_indirect_dma source(%arg15 : memref<2000x16xf32, #tpu.memory_space<vmem>>) target(%dma_start3A_34 : memref<10000x16xf32, #tpu.memory_space<vmem_shared>>) offsets(%arg8 : memref<2000xi32, #tpu.memory_space<vmem>>) semaphore(%arg17 : memref<!tpu.dma_semaphore, #tpu.memory_space<semaphore_mem>>) {add = true}
    %dma_wait3A_35 = arith.constant 0 : i32
    %dma_wait3A_36 = arith.constant 0 : i32
    %dma_wait3A_37 = tpu.memref_slice %arg12[%dma_wait3A_35, %dma_wait3A_36] : memref<10000x16xf32, #tpu.memory_space<vmem_shared>> -> memref<10000x16xf32, #tpu.memory_space<vmem_shared>>
    tpu.wait_indirect_dma semaphore(%arg14 : memref<!tpu.dma_semaphore, #tpu.memory_space<semaphore_mem>>) src(%arg11 : memref<2000x16xf32, #tpu.memory_space<vmem>>) dst(%dma_wait3A_37 : memref<10000x16xf32, #tpu.memory_space<vmem_shared>>)
    %dma_wait3A_38 = arith.constant 0 : i32
    %dma_wait3A_39 = arith.constant 0 : i32
    %dma_wait3A_40 = tpu.memref_slice %arg16[%dma_wait3A_38, %dma_wait3A_39] : memref<10000x16xf32, #tpu.memory_space<vmem_shared>> -> memref<10000x16xf32, #tpu.memory_space<vmem_shared>>
    tpu.wait_indirect_dma semaphore(%arg18 : memref<!tpu.dma_semaphore, #tpu.memory_space<semaphore_mem>>) src(%arg15 : memref<2000x16xf32, #tpu.memory_space<vmem>>) dst(%dma_wait3A_40 : memref<10000x16xf32, #tpu.memory_space<vmem_shared>>)
    %add3A_41 = arith.constant 6000 : i32
    %add3A_42 = arith.addi %mul3A_2, %add3A_41 : i32
    "tpu.region"() ({
      %run_scoped3A = tpu.sem_alloc : memref<!tpu.dma_semaphore, #tpu.memory_space<semaphore_mem>>
      %dma_start3A_85 = tpu.memref_slice %arg3[%add3A_42] : memref<320000xi32, #tpu.memory_space<hbm>> -> memref<2000xi32, #tpu.memory_space<hbm>>
      %dma_start3A_86 = tpu.memref_slice %arg3[%add3A_42] : memref<320000xi32, #tpu.memory_space<hbm>> -> memref<2000xi32, #tpu.memory_space<hbm>>
      tpu.enqueue_dma source(%dma_start3A_86 : memref<2000xi32, #tpu.memory_space<hbm>>) target(%arg9 : memref<2000xi32, #tpu.memory_space<vmem>>) target_semaphore(%run_scoped3A : memref<!tpu.dma_semaphore, #tpu.memory_space<semaphore_mem>>)
      %dma_wait3A_87 = tpu.memref_slice %arg3[%add3A_42] : memref<320000xi32, #tpu.memory_space<hbm>> -> memref<2000xi32, #tpu.memory_space<hbm>>
      %dma_wait3A_88 = tpu.memref_slice %arg3[%add3A_42] : memref<320000xi32, #tpu.memory_space<hbm>> -> memref<2000xi32, #tpu.memory_space<hbm>>
      tpu.wait_dma2 semaphore(%run_scoped3A : memref<!tpu.dma_semaphore, #tpu.memory_space<semaphore_mem>>) src(%dma_wait3A_88 : memref<2000xi32, #tpu.memory_space<hbm>>) dst(%arg9 : memref<2000xi32, #tpu.memory_space<vmem>>)
      tpu.yield
    }) : () -> ()
    %add3A_43 = arith.constant 6000 : i32
    %add3A_44 = arith.addi %mul3A_2, %add3A_43 : i32
    "tpu.region"() ({
      %run_scoped3A = tpu.sem_alloc : memref<!tpu.dma_semaphore, #tpu.memory_space<semaphore_mem>>
      %dma_start3A_85 = arith.constant 0 : i32
      %dma_start3A_86 = tpu.memref_slice %arg2[%add3A_44, %dma_start3A_85] : memref<320000x16xf32, #tpu.memory_space<hbm>> -> memref<2000x16xf32, #tpu.memory_space<hbm>>
      %dma_start3A_87 = arith.constant 0 : i32
      %dma_start3A_88 = tpu.memref_slice %arg2[%add3A_44, %dma_start3A_87] : memref<320000x16xf32, #tpu.memory_space<hbm>> -> memref<2000x16xf32, #tpu.memory_space<hbm>>
      tpu.enqueue_dma source(%dma_start3A_88 : memref<2000x16xf32, #tpu.memory_space<hbm>>) target(%arg11 : memref<2000x16xf32, #tpu.memory_space<vmem>>) target_semaphore(%run_scoped3A : memref<!tpu.dma_semaphore, #tpu.memory_space<semaphore_mem>>)
      %dma_wait3A_89 = arith.constant 0 : i32
      %dma_wait3A_90 = tpu.memref_slice %arg2[%add3A_44, %dma_wait3A_89] : memref<320000x16xf32, #tpu.memory_space<hbm>> -> memref<2000x16xf32, #tpu.memory_space<hbm>>
      %dma_wait3A_91 = arith.constant 0 : i32
      %dma_wait3A_92 = tpu.memref_slice %arg2[%add3A_44, %dma_wait3A_91] : memref<320000x16xf32, #tpu.memory_space<hbm>> -> memref<2000x16xf32, #tpu.memory_space<hbm>>
      tpu.wait_dma2 semaphore(%run_scoped3A : memref<!tpu.dma_semaphore, #tpu.memory_space<semaphore_mem>>) src(%dma_wait3A_92 : memref<2000x16xf32, #tpu.memory_space<hbm>>) dst(%arg11 : memref<2000x16xf32, #tpu.memory_space<vmem>>)
      tpu.yield
    }) : () -> ()
    %dma_start3A_45 = arith.constant 0 : i32
    %dma_start3A_46 = arith.constant 0 : i32
    %dma_start3A_47 = tpu.memref_slice %arg12[%dma_start3A_45, %dma_start3A_46] : memref<10000x16xf32, #tpu.memory_space<vmem_shared>> -> memref<10000x16xf32, #tpu.memory_space<vmem_shared>>
    tpu.enqueue_indirect_dma source(%arg11 : memref<2000x16xf32, #tpu.memory_space<vmem>>) target(%dma_start3A_47 : memref<10000x16xf32, #tpu.memory_space<vmem_shared>>) offsets(%arg9 : memref<2000xi32, #tpu.memory_space<vmem>>) semaphore(%arg14 : memref<!tpu.dma_semaphore, #tpu.memory_space<semaphore_mem>>) {add = true}
    %dma_start3A_48 = arith.constant 0 : i32
    %dma_start3A_49 = arith.constant 0 : i32
    %dma_start3A_50 = tpu.memref_slice %arg16[%dma_start3A_48, %dma_start3A_49] : memref<10000x16xf32, #tpu.memory_space<vmem_shared>> -> memref<10000x16xf32, #tpu.memory_space<vmem_shared>>
    tpu.enqueue_indirect_dma source(%arg15 : memref<2000x16xf32, #tpu.memory_space<vmem>>) target(%dma_start3A_50 : memref<10000x16xf32, #tpu.memory_space<vmem_shared>>) offsets(%arg9 : memref<2000xi32, #tpu.memory_space<vmem>>) semaphore(%arg18 : memref<!tpu.dma_semaphore, #tpu.memory_space<semaphore_mem>>) {add = true}
    %dma_wait3A_51 = arith.constant 0 : i32
    %dma_wait3A_52 = arith.constant 0 : i32
    %dma_wait3A_53 = tpu.memref_slice %arg12[%dma_wait3A_51, %dma_wait3A_52] : memref<10000x16xf32, #tpu.memory_space<vmem_shared>> -> memref<10000x16xf32, #tpu.memory_space<vmem_shared>>
    tpu.wait_indirect_dma semaphore(%arg13 : memref<!tpu.dma_semaphore, #tpu.memory_space<semaphore_mem>>) src(%arg10 : memref<2000x16xf32, #tpu.memory_space<vmem>>) dst(%dma_wait3A_53 : memref<10000x16xf32, #tpu.memory_space<vmem_shared>>)
    %dma_wait3A_54 = arith.constant 0 : i32
    %dma_wait3A_55 = arith.constant 0 : i32
    %dma_wait3A_56 = tpu.memref_slice %arg16[%dma_wait3A_54, %dma_wait3A_55] : memref<10000x16xf32, #tpu.memory_space<vmem_shared>> -> memref<10000x16xf32, #tpu.memory_space<vmem_shared>>
    tpu.wait_indirect_dma semaphore(%arg17 : memref<!tpu.dma_semaphore, #tpu.memory_space<semaphore_mem>>) src(%arg15 : memref<2000x16xf32, #tpu.memory_space<vmem>>) dst(%dma_wait3A_56 : memref<10000x16xf32, #tpu.memory_space<vmem_shared>>)
    %add3A_57 = arith.constant 8000 : i32
    %add3A_58 = arith.addi %mul3A_2, %add3A_57 : i32
    "tpu.region"() ({
      %run_scoped3A = tpu.sem_alloc : memref<!tpu.dma_semaphore, #tpu.memory_space<semaphore_mem>>
      %dma_start3A_85 = tpu.memref_slice %arg3[%add3A_58] : memref<320000xi32, #tpu.memory_space<hbm>> -> memref<2000xi32, #tpu.memory_space<hbm>>
      %dma_start3A_86 = tpu.memref_slice %arg3[%add3A_58] : memref<320000xi32, #tpu.memory_space<hbm>> -> memref<2000xi32, #tpu.memory_space<hbm>>
      tpu.enqueue_dma source(%dma_start3A_86 : memref<2000xi32, #tpu.memory_space<hbm>>) target(%arg8 : memref<2000xi32, #tpu.memory_space<vmem>>) target_semaphore(%run_scoped3A : memref<!tpu.dma_semaphore, #tpu.memory_space<semaphore_mem>>)
      %dma_wait3A_87 = tpu.memref_slice %arg3[%add3A_58] : memref<320000xi32, #tpu.memory_space<hbm>> -> memref<2000xi32, #tpu.memory_space<hbm>>
      %dma_wait3A_88 = tpu.memref_slice %arg3[%add3A_58] : memref<320000xi32, #tpu.memory_space<hbm>> -> memref<2000xi32, #tpu.memory_space<hbm>>
      tpu.wait_dma2 semaphore(%run_scoped3A : memref<!tpu.dma_semaphore, #tpu.memory_space<semaphore_mem>>) src(%dma_wait3A_88 : memref<2000xi32, #tpu.memory_space<hbm>>) dst(%arg8 : memref<2000xi32, #tpu.memory_space<vmem>>)
      tpu.yield
    }) : () -> ()
    %add3A_59 = arith.constant 8000 : i32
    %add3A_60 = arith.addi %mul3A_2, %add3A_59 : i32
    "tpu.region"() ({
      %run_scoped3A = tpu.sem_alloc : memref<!tpu.dma_semaphore, #tpu.memory_space<semaphore_mem>>
      %dma_start3A_85 = arith.constant 0 : i32
      %dma_start3A_86 = tpu.memref_slice %arg2[%add3A_60, %dma_start3A_85] : memref<320000x16xf32, #tpu.memory_space<hbm>> -> memref<2000x16xf32, #tpu.memory_space<hbm>>
      %dma_start3A_87 = arith.constant 0 : i32
      %dma_start3A_88 = tpu.memref_slice %arg2[%add3A_60, %dma_start3A_87] : memref<320000x16xf32, #tpu.memory_space<hbm>> -> memref<2000x16xf32, #tpu.memory_space<hbm>>
      tpu.enqueue_dma source(%dma_start3A_88 : memref<2000x16xf32, #tpu.memory_space<hbm>>) target(%arg10 : memref<2000x16xf32, #tpu.memory_space<vmem>>) target_semaphore(%run_scoped3A : memref<!tpu.dma_semaphore, #tpu.memory_space<semaphore_mem>>)
      %dma_wait3A_89 = arith.constant 0 : i32
      %dma_wait3A_90 = tpu.memref_slice %arg2[%add3A_60, %dma_wait3A_89] : memref<320000x16xf32, #tpu.memory_space<hbm>> -> memref<2000x16xf32, #tpu.memory_space<hbm>>
      %dma_wait3A_91 = arith.constant 0 : i32
      %dma_wait3A_92 = tpu.memref_slice %arg2[%add3A_60, %dma_wait3A_91] : memref<320000x16xf32, #tpu.memory_space<hbm>> -> memref<2000x16xf32, #tpu.memory_space<hbm>>
      tpu.wait_dma2 semaphore(%run_scoped3A : memref<!tpu.dma_semaphore, #tpu.memory_space<semaphore_mem>>) src(%dma_wait3A_92 : memref<2000x16xf32, #tpu.memory_space<hbm>>) dst(%arg10 : memref<2000x16xf32, #tpu.memory_space<vmem>>)
      tpu.yield
    }) : () -> ()
    %dma_start3A_61 = arith.constant 0 : i32
    %dma_start3A_62 = arith.constant 0 : i32
    %dma_start3A_63 = tpu.memref_slice %arg12[%dma_start3A_61, %dma_start3A_62] : memref<10000x16xf32, #tpu.memory_space<vmem_shared>> -> memref<10000x16xf32, #tpu.memory_space<vmem_shared>>
    tpu.enqueue_indirect_dma source(%arg10 : memref<2000x16xf32, #tpu.memory_space<vmem>>) target(%dma_start3A_63 : memref<10000x16xf32, #tpu.memory_space<vmem_shared>>) offsets(%arg8 : memref<2000xi32, #tpu.memory_space<vmem>>) semaphore(%arg13 : memref<!tpu.dma_semaphore, #tpu.memory_space<semaphore_mem>>) {add = true}
    %dma_start3A_64 = arith.constant 0 : i32
    %dma_start3A_65 = arith.constant 0 : i32
    %dma_start3A_66 = tpu.memref_slice %arg16[%dma_start3A_64, %dma_start3A_65] : memref<10000x16xf32, #tpu.memory_space<vmem_shared>> -> memref<10000x16xf32, #tpu.memory_space<vmem_shared>>
    tpu.enqueue_indirect_dma source(%arg15 : memref<2000x16xf32, #tpu.memory_space<vmem>>) target(%dma_start3A_66 : memref<10000x16xf32, #tpu.memory_space<vmem_shared>>) offsets(%arg8 : memref<2000xi32, #tpu.memory_space<vmem>>) semaphore(%arg17 : memref<!tpu.dma_semaphore, #tpu.memory_space<semaphore_mem>>) {add = true}
    %dma_wait3A_67 = arith.constant 0 : i32
    %dma_wait3A_68 = arith.constant 0 : i32
    %dma_wait3A_69 = tpu.memref_slice %arg12[%dma_wait3A_67, %dma_wait3A_68] : memref<10000x16xf32, #tpu.memory_space<vmem_shared>> -> memref<10000x16xf32, #tpu.memory_space<vmem_shared>>
    tpu.wait_indirect_dma semaphore(%arg13 : memref<!tpu.dma_semaphore, #tpu.memory_space<semaphore_mem>>) src(%arg10 : memref<2000x16xf32, #tpu.memory_space<vmem>>) dst(%dma_wait3A_69 : memref<10000x16xf32, #tpu.memory_space<vmem_shared>>)
    %dma_wait3A_70 = arith.constant 0 : i32
    %dma_wait3A_71 = arith.constant 0 : i32
    %dma_wait3A_72 = tpu.memref_slice %arg16[%dma_wait3A_70, %dma_wait3A_71] : memref<10000x16xf32, #tpu.memory_space<vmem_shared>> -> memref<10000x16xf32, #tpu.memory_space<vmem_shared>>
    tpu.wait_indirect_dma semaphore(%arg17 : memref<!tpu.dma_semaphore, #tpu.memory_space<semaphore_mem>>) src(%arg15 : memref<2000x16xf32, #tpu.memory_space<vmem>>) dst(%dma_wait3A_72 : memref<10000x16xf32, #tpu.memory_space<vmem_shared>>)
    %dma_wait3A_73 = arith.constant 0 : i32
    %dma_wait3A_74 = arith.constant 0 : i32
    %dma_wait3A_75 = tpu.memref_slice %arg12[%dma_wait3A_73, %dma_wait3A_74] : memref<10000x16xf32, #tpu.memory_space<vmem_shared>> -> memref<10000x16xf32, #tpu.memory_space<vmem_shared>>
    tpu.wait_indirect_dma semaphore(%arg14 : memref<!tpu.dma_semaphore, #tpu.memory_space<semaphore_mem>>) src(%arg11 : memref<2000x16xf32, #tpu.memory_space<vmem>>) dst(%dma_wait3A_75 : memref<10000x16xf32, #tpu.memory_space<vmem_shared>>)
    %dma_wait3A_76 = arith.constant 0 : i32
    %dma_wait3A_77 = arith.constant 0 : i32
    %dma_wait3A_78 = tpu.memref_slice %arg16[%dma_wait3A_76, %dma_wait3A_77] : memref<10000x16xf32, #tpu.memory_space<vmem_shared>> -> memref<10000x16xf32, #tpu.memory_space<vmem_shared>>
    tpu.wait_indirect_dma semaphore(%arg18 : memref<!tpu.dma_semaphore, #tpu.memory_space<semaphore_mem>>) src(%arg15 : memref<2000x16xf32, #tpu.memory_space<vmem>>) dst(%dma_wait3A_78 : memref<10000x16xf32, #tpu.memory_space<vmem_shared>>)
    %barrier3A_79 = arith.constant 0 : index
    tpu.barrier barrier_id(%barrier3A_79)
    %eq3A_80 = arith.constant 0 : i32
    %eq3A_81 = arith.cmpi eq, %arg1, %eq3A_80 : i32
    %convert_element_type3A_82 = arith.extui %eq3A_81 : i1 to i32
    %cond3A_83 = arith.constant 0 : i32
    %cond3A_84 = arith.cmpi ne, %convert_element_type3A_82, %cond3A_83 : i32
    scf.if %cond3A_84 {
      "tpu.region"() ({
        %run_scoped3A = tpu.sem_alloc : memref<!tpu.dma_semaphore, #tpu.memory_space<semaphore_mem>>
        %dma_start3A_85 = arith.constant 0 : i32
        %dma_start3A_86 = arith.constant 0 : i32
        %dma_start3A_87 = tpu.memref_slice %arg6[%arg0, %dma_start3A_85, %dma_start3A_86] : memref<2x10000x16xf32, #tpu.memory_space<hbm>> -> memref<1x10000x16xf32, #tpu.memory_space<hbm>>
        %dma_start3A_88 = tpu.memref_squeeze %dma_start3A_87 : memref<1x10000x16xf32, #tpu.memory_space<hbm>> -> memref<10000x16xf32, #tpu.memory_space<hbm>>
        tpu.enqueue_dma source(%arg12 : memref<10000x16xf32, #tpu.memory_space<vmem_shared>>) target(%dma_start3A_88 : memref<10000x16xf32, #tpu.memory_space<hbm>>) target_semaphore(%run_scoped3A : memref<!tpu.dma_semaphore, #tpu.memory_space<semaphore_mem>>)
        %dma_wait3A_89 = arith.constant 0 : i32
        %dma_wait3A_90 = arith.constant 0 : i32
        %dma_wait3A_91 = tpu.memref_slice %arg6[%arg0, %dma_wait3A_89, %dma_wait3A_90] : memref<2x10000x16xf32, #tpu.memory_space<hbm>> -> memref<1x10000x16xf32, #tpu.memory_space<hbm>>
        %dma_wait3A_92 = tpu.memref_squeeze %dma_wait3A_91 : memref<1x10000x16xf32, #tpu.memory_space<hbm>> -> memref<10000x16xf32, #tpu.memory_space<hbm>>
        tpu.wait_dma2 semaphore(%run_scoped3A : memref<!tpu.dma_semaphore, #tpu.memory_space<semaphore_mem>>) src(%arg12 : memref<10000x16xf32, #tpu.memory_space<vmem_shared>>) dst(%dma_wait3A_92 : memref<10000x16xf32, #tpu.memory_space<hbm>>)
        tpu.yield
      }) : () -> ()
      "tpu.region"() ({
        %run_scoped3A = tpu.sem_alloc : memref<!tpu.dma_semaphore, #tpu.memory_space<semaphore_mem>>
        %dma_start3A_85 = arith.constant 0 : i32
        %dma_start3A_86 = arith.constant 0 : i32
        %dma_start3A_87 = tpu.memref_slice %arg7[%arg0, %dma_start3A_85, %dma_start3A_86] : memref<2x10000x16xf32, #tpu.memory_space<hbm>> -> memref<1x10000x16xf32, #tpu.memory_space<hbm>>
        %dma_start3A_88 = tpu.memref_squeeze %dma_start3A_87 : memref<1x10000x16xf32, #tpu.memory_space<hbm>> -> memref<10000x16xf32, #tpu.memory_space<hbm>>
        tpu.enqueue_dma source(%arg16 : memref<10000x16xf32, #tpu.memory_space<vmem_shared>>) target(%dma_start3A_88 : memref<10000x16xf32, #tpu.memory_space<hbm>>) target_semaphore(%run_scoped3A : memref<!tpu.dma_semaphore, #tpu.memory_space<semaphore_mem>>)
        %dma_wait3A_89 = arith.constant 0 : i32
        %dma_wait3A_90 = arith.constant 0 : i32
        %dma_wait3A_91 = tpu.memref_slice %arg7[%arg0, %dma_wait3A_89, %dma_wait3A_90] : memref<2x10000x16xf32, #tpu.memory_space<hbm>> -> memref<1x10000x16xf32, #tpu.memory_space<hbm>>
        %dma_wait3A_92 = tpu.memref_squeeze %dma_wait3A_91 : memref<1x10000x16xf32, #tpu.memory_space<hbm>> -> memref<10000x16xf32, #tpu.memory_space<hbm>>
        tpu.wait_dma2 semaphore(%run_scoped3A : memref<!tpu.dma_semaphore, #tpu.memory_space<semaphore_mem>>) src(%arg16 : memref<10000x16xf32, #tpu.memory_space<vmem_shared>>) dst(%dma_wait3A_92 : memref<10000x16xf32, #tpu.memory_space<hbm>>)
        tpu.yield
      }) : () -> ()
    } else {
    }
    return
  }
}

#map = affine_map<(d0, d1) -> (0, 0)>
#map1 = affine_map<(d0, d1) -> (0)>
module attributes {stable_mosaic.version = 14 : i64} {
  func.func @_gather_k(%arg0: i32, %arg1: i32, %arg2: memref<10000x16xf32, #tpu.memory_space<hbm>>, %arg3: memref<320000xi32, #tpu.memory_space<hbm>>, %arg4: memref<320000x16xf32, #tpu.memory_space<hbm>>, %arg5: memref<2000xi32, #tpu.memory_space<vmem>>, %arg6: memref<2000xi32, #tpu.memory_space<vmem>>, %arg7: memref<2000x16xf32, #tpu.memory_space<vmem>>, %arg8: memref<2000x16xf32, #tpu.memory_space<vmem>>, %arg9: memref<!tpu.dma_semaphore, #tpu.memory_space<semaphore_mem>>, %arg10: memref<!tpu.dma_semaphore, #tpu.memory_space<semaphore_mem>>) attributes {dimension_semantics = [#tpu.dimension_semantics<core_parallel>, #tpu.dimension_semantics<subcore_parallel>], iteration_bounds = array<i64: 2, 16>, scalar_prefetch = 0 : i64, scratch_operands = 6 : i64, tpu.core_type = #tpu.core_type<sc_vector_subcore>, window_params = [{transform_indices = #map}, {transform_indices = #map1}, {transform_indices = #map}]} {
    %mul3A = arith.constant 2 : i32
    %mul3A_0 = arith.muli %arg1, %mul3A : i32
    %add3A = arith.addi %mul3A_0, %arg0 : i32
    %mul3A_1 = arith.constant 10000 : i32
    %mul3A_2 = arith.muli %add3A, %mul3A_1 : i32
    "tpu.region"() ({
      %run_scoped3A = tpu.sem_alloc : memref<!tpu.dma_semaphore, #tpu.memory_space<semaphore_mem>>
      %dma_start3A_49 = tpu.memref_slice %arg3[%mul3A_2] : memref<320000xi32, #tpu.memory_space<hbm>> -> memref<2000xi32, #tpu.memory_space<hbm>>
      %dma_start3A_50 = tpu.memref_slice %arg3[%mul3A_2] : memref<320000xi32, #tpu.memory_space<hbm>> -> memref<2000xi32, #tpu.memory_space<hbm>>
      tpu.enqueue_dma source(%dma_start3A_50 : memref<2000xi32, #tpu.memory_space<hbm>>) target(%arg5 : memref<2000xi32, #tpu.memory_space<vmem>>) target_semaphore(%run_scoped3A : memref<!tpu.dma_semaphore, #tpu.memory_space<semaphore_mem>>)
      %dma_wait3A_51 = tpu.memref_slice %arg3[%mul3A_2] : memref<320000xi32, #tpu.memory_space<hbm>> -> memref<2000xi32, #tpu.memory_space<hbm>>
      %dma_wait3A_52 = tpu.memref_slice %arg3[%mul3A_2] : memref<320000xi32, #tpu.memory_space<hbm>> -> memref<2000xi32, #tpu.memory_space<hbm>>
      tpu.wait_dma2 semaphore(%run_scoped3A : memref<!tpu.dma_semaphore, #tpu.memory_space<semaphore_mem>>) src(%dma_wait3A_52 : memref<2000xi32, #tpu.memory_space<hbm>>) dst(%arg5 : memref<2000xi32, #tpu.memory_space<vmem>>)
      tpu.yield
    }) : () -> ()
    %dma_start3A = arith.constant 0 : i32
    %dma_start3A_3 = arith.constant 0 : i32
    %dma_start3A_4 = tpu.memref_slice %arg2[%dma_start3A, %dma_start3A_3] : memref<10000x16xf32, #tpu.memory_space<hbm>> -> memref<10000x16xf32, #tpu.memory_space<hbm>>
    tpu.enqueue_indirect_dma source(%dma_start3A_4 : memref<10000x16xf32, #tpu.memory_space<hbm>>) target(%arg7 : memref<2000x16xf32, #tpu.memory_space<vmem>>) offsets(%arg5 : memref<2000xi32, #tpu.memory_space<vmem>>) semaphore(%arg9 : memref<!tpu.dma_semaphore, #tpu.memory_space<semaphore_mem>>)
    %add3A_5 = arith.constant 2000 : i32
    %add3A_6 = arith.addi %mul3A_2, %add3A_5 : i32
    "tpu.region"() ({
      %run_scoped3A = tpu.sem_alloc : memref<!tpu.dma_semaphore, #tpu.memory_space<semaphore_mem>>
      %dma_start3A_49 = tpu.memref_slice %arg3[%add3A_6] : memref<320000xi32, #tpu.memory_space<hbm>> -> memref<2000xi32, #tpu.memory_space<hbm>>
      %dma_start3A_50 = tpu.memref_slice %arg3[%add3A_6] : memref<320000xi32, #tpu.memory_space<hbm>> -> memref<2000xi32, #tpu.memory_space<hbm>>
      tpu.enqueue_dma source(%dma_start3A_50 : memref<2000xi32, #tpu.memory_space<hbm>>) target(%arg6 : memref<2000xi32, #tpu.memory_space<vmem>>) target_semaphore(%run_scoped3A : memref<!tpu.dma_semaphore, #tpu.memory_space<semaphore_mem>>)
      %dma_wait3A_51 = tpu.memref_slice %arg3[%add3A_6] : memref<320000xi32, #tpu.memory_space<hbm>> -> memref<2000xi32, #tpu.memory_space<hbm>>
      %dma_wait3A_52 = tpu.memref_slice %arg3[%add3A_6] : memref<320000xi32, #tpu.memory_space<hbm>> -> memref<2000xi32, #tpu.memory_space<hbm>>
      tpu.wait_dma2 semaphore(%run_scoped3A : memref<!tpu.dma_semaphore, #tpu.memory_space<semaphore_mem>>) src(%dma_wait3A_52 : memref<2000xi32, #tpu.memory_space<hbm>>) dst(%arg6 : memref<2000xi32, #tpu.memory_space<vmem>>)
      tpu.yield
    }) : () -> ()
    %dma_start3A_7 = arith.constant 0 : i32
    %dma_start3A_8 = arith.constant 0 : i32
    %dma_start3A_9 = tpu.memref_slice %arg2[%dma_start3A_7, %dma_start3A_8] : memref<10000x16xf32, #tpu.memory_space<hbm>> -> memref<10000x16xf32, #tpu.memory_space<hbm>>
    tpu.enqueue_indirect_dma source(%dma_start3A_9 : memref<10000x16xf32, #tpu.memory_space<hbm>>) target(%arg8 : memref<2000x16xf32, #tpu.memory_space<vmem>>) offsets(%arg6 : memref<2000xi32, #tpu.memory_space<vmem>>) semaphore(%arg10 : memref<!tpu.dma_semaphore, #tpu.memory_space<semaphore_mem>>)
    %dma_wait3A = arith.constant 0 : i32
    %dma_wait3A_10 = arith.constant 0 : i32
    %dma_wait3A_11 = tpu.memref_slice %arg2[%dma_wait3A, %dma_wait3A_10] : memref<10000x16xf32, #tpu.memory_space<hbm>> -> memref<10000x16xf32, #tpu.memory_space<hbm>>
    tpu.wait_indirect_dma semaphore(%arg9 : memref<!tpu.dma_semaphore, #tpu.memory_space<semaphore_mem>>) src(%dma_wait3A_11 : memref<10000x16xf32, #tpu.memory_space<hbm>>) dst(%arg7 : memref<2000x16xf32, #tpu.memory_space<vmem>>)
    %add3A_12 = arith.constant 0 : i32
    %add3A_13 = arith.addi %mul3A_2, %add3A_12 : i32
    "tpu.region"() ({
      %run_scoped3A = tpu.sem_alloc : memref<!tpu.dma_semaphore, #tpu.memory_space<semaphore_mem>>
      %dma_start3A_49 = arith.constant 0 : i32
      %dma_start3A_50 = tpu.memref_slice %arg4[%add3A_13, %dma_start3A_49] : memref<320000x16xf32, #tpu.memory_space<hbm>> -> memref<2000x16xf32, #tpu.memory_space<hbm>>
      %dma_start3A_51 = arith.constant 0 : i32
      %dma_start3A_52 = tpu.memref_slice %arg4[%add3A_13, %dma_start3A_51] : memref<320000x16xf32, #tpu.memory_space<hbm>> -> memref<2000x16xf32, #tpu.memory_space<hbm>>
      tpu.enqueue_dma source(%arg7 : memref<2000x16xf32, #tpu.memory_space<vmem>>) target(%dma_start3A_52 : memref<2000x16xf32, #tpu.memory_space<hbm>>) target_semaphore(%run_scoped3A : memref<!tpu.dma_semaphore, #tpu.memory_space<semaphore_mem>>)
      %dma_wait3A_53 = arith.constant 0 : i32
      %dma_wait3A_54 = tpu.memref_slice %arg4[%add3A_13, %dma_wait3A_53] : memref<320000x16xf32, #tpu.memory_space<hbm>> -> memref<2000x16xf32, #tpu.memory_space<hbm>>
      %dma_wait3A_55 = arith.constant 0 : i32
      %dma_wait3A_56 = tpu.memref_slice %arg4[%add3A_13, %dma_wait3A_55] : memref<320000x16xf32, #tpu.memory_space<hbm>> -> memref<2000x16xf32, #tpu.memory_space<hbm>>
      tpu.wait_dma2 semaphore(%run_scoped3A : memref<!tpu.dma_semaphore, #tpu.memory_space<semaphore_mem>>) src(%arg7 : memref<2000x16xf32, #tpu.memory_space<vmem>>) dst(%dma_wait3A_56 : memref<2000x16xf32, #tpu.memory_space<hbm>>)
      tpu.yield
    }) : () -> ()
    %add3A_14 = arith.constant 4000 : i32
    %add3A_15 = arith.addi %mul3A_2, %add3A_14 : i32
    "tpu.region"() ({
      %run_scoped3A = tpu.sem_alloc : memref<!tpu.dma_semaphore, #tpu.memory_space<semaphore_mem>>
      %dma_start3A_49 = tpu.memref_slice %arg3[%add3A_15] : memref<320000xi32, #tpu.memory_space<hbm>> -> memref<2000xi32, #tpu.memory_space<hbm>>
      %dma_start3A_50 = tpu.memref_slice %arg3[%add3A_15] : memref<320000xi32, #tpu.memory_space<hbm>> -> memref<2000xi32, #tpu.memory_space<hbm>>
      tpu.enqueue_dma source(%dma_start3A_50 : memref<2000xi32, #tpu.memory_space<hbm>>) target(%arg5 : memref<2000xi32, #tpu.memory_space<vmem>>) target_semaphore(%run_scoped3A : memref<!tpu.dma_semaphore, #tpu.memory_space<semaphore_mem>>)
      %dma_wait3A_51 = tpu.memref_slice %arg3[%add3A_15] : memref<320000xi32, #tpu.memory_space<hbm>> -> memref<2000xi32, #tpu.memory_space<hbm>>
      %dma_wait3A_52 = tpu.memref_slice %arg3[%add3A_15] : memref<320000xi32, #tpu.memory_space<hbm>> -> memref<2000xi32, #tpu.memory_space<hbm>>
      tpu.wait_dma2 semaphore(%run_scoped3A : memref<!tpu.dma_semaphore, #tpu.memory_space<semaphore_mem>>) src(%dma_wait3A_52 : memref<2000xi32, #tpu.memory_space<hbm>>) dst(%arg5 : memref<2000xi32, #tpu.memory_space<vmem>>)
      tpu.yield
    }) : () -> ()
    %dma_start3A_16 = arith.constant 0 : i32
    %dma_start3A_17 = arith.constant 0 : i32
    %dma_start3A_18 = tpu.memref_slice %arg2[%dma_start3A_16, %dma_start3A_17] : memref<10000x16xf32, #tpu.memory_space<hbm>> -> memref<10000x16xf32, #tpu.memory_space<hbm>>
    tpu.enqueue_indirect_dma source(%dma_start3A_18 : memref<10000x16xf32, #tpu.memory_space<hbm>>) target(%arg7 : memref<2000x16xf32, #tpu.memory_space<vmem>>) offsets(%arg5 : memref<2000xi32, #tpu.memory_space<vmem>>) semaphore(%arg9 : memref<!tpu.dma_semaphore, #tpu.memory_space<semaphore_mem>>)
    %dma_wait3A_19 = arith.constant 0 : i32
    %dma_wait3A_20 = arith.constant 0 : i32
    %dma_wait3A_21 = tpu.memref_slice %arg2[%dma_wait3A_19, %dma_wait3A_20] : memref<10000x16xf32, #tpu.memory_space<hbm>> -> memref<10000x16xf32, #tpu.memory_space<hbm>>
    tpu.wait_indirect_dma semaphore(%arg10 : memref<!tpu.dma_semaphore, #tpu.memory_space<semaphore_mem>>) src(%dma_wait3A_21 : memref<10000x16xf32, #tpu.memory_space<hbm>>) dst(%arg8 : memref<2000x16xf32, #tpu.memory_space<vmem>>)
    %add3A_22 = arith.constant 2000 : i32
    %add3A_23 = arith.addi %mul3A_2, %add3A_22 : i32
    "tpu.region"() ({
      %run_scoped3A = tpu.sem_alloc : memref<!tpu.dma_semaphore, #tpu.memory_space<semaphore_mem>>
      %dma_start3A_49 = arith.constant 0 : i32
      %dma_start3A_50 = tpu.memref_slice %arg4[%add3A_23, %dma_start3A_49] : memref<320000x16xf32, #tpu.memory_space<hbm>> -> memref<2000x16xf32, #tpu.memory_space<hbm>>
      %dma_start3A_51 = arith.constant 0 : i32
      %dma_start3A_52 = tpu.memref_slice %arg4[%add3A_23, %dma_start3A_51] : memref<320000x16xf32, #tpu.memory_space<hbm>> -> memref<2000x16xf32, #tpu.memory_space<hbm>>
      tpu.enqueue_dma source(%arg8 : memref<2000x16xf32, #tpu.memory_space<vmem>>) target(%dma_start3A_52 : memref<2000x16xf32, #tpu.memory_space<hbm>>) target_semaphore(%run_scoped3A : memref<!tpu.dma_semaphore, #tpu.memory_space<semaphore_mem>>)
      %dma_wait3A_53 = arith.constant 0 : i32
      %dma_wait3A_54 = tpu.memref_slice %arg4[%add3A_23, %dma_wait3A_53] : memref<320000x16xf32, #tpu.memory_space<hbm>> -> memref<2000x16xf32, #tpu.memory_space<hbm>>
      %dma_wait3A_55 = arith.constant 0 : i32
      %dma_wait3A_56 = tpu.memref_slice %arg4[%add3A_23, %dma_wait3A_55] : memref<320000x16xf32, #tpu.memory_space<hbm>> -> memref<2000x16xf32, #tpu.memory_space<hbm>>
      tpu.wait_dma2 semaphore(%run_scoped3A : memref<!tpu.dma_semaphore, #tpu.memory_space<semaphore_mem>>) src(%arg8 : memref<2000x16xf32, #tpu.memory_space<vmem>>) dst(%dma_wait3A_56 : memref<2000x16xf32, #tpu.memory_space<hbm>>)
      tpu.yield
    }) : () -> ()
    %add3A_24 = arith.constant 6000 : i32
    %add3A_25 = arith.addi %mul3A_2, %add3A_24 : i32
    "tpu.region"() ({
      %run_scoped3A = tpu.sem_alloc : memref<!tpu.dma_semaphore, #tpu.memory_space<semaphore_mem>>
      %dma_start3A_49 = tpu.memref_slice %arg3[%add3A_25] : memref<320000xi32, #tpu.memory_space<hbm>> -> memref<2000xi32, #tpu.memory_space<hbm>>
      %dma_start3A_50 = tpu.memref_slice %arg3[%add3A_25] : memref<320000xi32, #tpu.memory_space<hbm>> -> memref<2000xi32, #tpu.memory_space<hbm>>
      tpu.enqueue_dma source(%dma_start3A_50 : memref<2000xi32, #tpu.memory_space<hbm>>) target(%arg6 : memref<2000xi32, #tpu.memory_space<vmem>>) target_semaphore(%run_scoped3A : memref<!tpu.dma_semaphore, #tpu.memory_space<semaphore_mem>>)
      %dma_wait3A_51 = tpu.memref_slice %arg3[%add3A_25] : memref<320000xi32, #tpu.memory_space<hbm>> -> memref<2000xi32, #tpu.memory_space<hbm>>
      %dma_wait3A_52 = tpu.memref_slice %arg3[%add3A_25] : memref<320000xi32, #tpu.memory_space<hbm>> -> memref<2000xi32, #tpu.memory_space<hbm>>
      tpu.wait_dma2 semaphore(%run_scoped3A : memref<!tpu.dma_semaphore, #tpu.memory_space<semaphore_mem>>) src(%dma_wait3A_52 : memref<2000xi32, #tpu.memory_space<hbm>>) dst(%arg6 : memref<2000xi32, #tpu.memory_space<vmem>>)
      tpu.yield
    }) : () -> ()
    %dma_start3A_26 = arith.constant 0 : i32
    %dma_start3A_27 = arith.constant 0 : i32
    %dma_start3A_28 = tpu.memref_slice %arg2[%dma_start3A_26, %dma_start3A_27] : memref<10000x16xf32, #tpu.memory_space<hbm>> -> memref<10000x16xf32, #tpu.memory_space<hbm>>
    tpu.enqueue_indirect_dma source(%dma_start3A_28 : memref<10000x16xf32, #tpu.memory_space<hbm>>) target(%arg8 : memref<2000x16xf32, #tpu.memory_space<vmem>>) offsets(%arg6 : memref<2000xi32, #tpu.memory_space<vmem>>) semaphore(%arg10 : memref<!tpu.dma_semaphore, #tpu.memory_space<semaphore_mem>>)
    %dma_wait3A_29 = arith.constant 0 : i32
    %dma_wait3A_30 = arith.constant 0 : i32
    %dma_wait3A_31 = tpu.memref_slice %arg2[%dma_wait3A_29, %dma_wait3A_30] : memref<10000x16xf32, #tpu.memory_space<hbm>> -> memref<10000x16xf32, #tpu.memory_space<hbm>>
    tpu.wait_indirect_dma semaphore(%arg9 : memref<!tpu.dma_semaphore, #tpu.memory_space<semaphore_mem>>) src(%dma_wait3A_31 : memref<10000x16xf32, #tpu.memory_space<hbm>>) dst(%arg7 : memref<2000x16xf32, #tpu.memory_space<vmem>>)
    %add3A_32 = arith.constant 4000 : i32
    %add3A_33 = arith.addi %mul3A_2, %add3A_32 : i32
    "tpu.region"() ({
      %run_scoped3A = tpu.sem_alloc : memref<!tpu.dma_semaphore, #tpu.memory_space<semaphore_mem>>
      %dma_start3A_49 = arith.constant 0 : i32
      %dma_start3A_50 = tpu.memref_slice %arg4[%add3A_33, %dma_start3A_49] : memref<320000x16xf32, #tpu.memory_space<hbm>> -> memref<2000x16xf32, #tpu.memory_space<hbm>>
      %dma_start3A_51 = arith.constant 0 : i32
      %dma_start3A_52 = tpu.memref_slice %arg4[%add3A_33, %dma_start3A_51] : memref<320000x16xf32, #tpu.memory_space<hbm>> -> memref<2000x16xf32, #tpu.memory_space<hbm>>
      tpu.enqueue_dma source(%arg7 : memref<2000x16xf32, #tpu.memory_space<vmem>>) target(%dma_start3A_52 : memref<2000x16xf32, #tpu.memory_space<hbm>>) target_semaphore(%run_scoped3A : memref<!tpu.dma_semaphore, #tpu.memory_space<semaphore_mem>>)
      %dma_wait3A_53 = arith.constant 0 : i32
      %dma_wait3A_54 = tpu.memref_slice %arg4[%add3A_33, %dma_wait3A_53] : memref<320000x16xf32, #tpu.memory_space<hbm>> -> memref<2000x16xf32, #tpu.memory_space<hbm>>
      %dma_wait3A_55 = arith.constant 0 : i32
      %dma_wait3A_56 = tpu.memref_slice %arg4[%add3A_33, %dma_wait3A_55] : memref<320000x16xf32, #tpu.memory_space<hbm>> -> memref<2000x16xf32, #tpu.memory_space<hbm>>
      tpu.wait_dma2 semaphore(%run_scoped3A : memref<!tpu.dma_semaphore, #tpu.memory_space<semaphore_mem>>) src(%arg7 : memref<2000x16xf32, #tpu.memory_space<vmem>>) dst(%dma_wait3A_56 : memref<2000x16xf32, #tpu.memory_space<hbm>>)
      tpu.yield
    }) : () -> ()
    %add3A_34 = arith.constant 8000 : i32
    %add3A_35 = arith.addi %mul3A_2, %add3A_34 : i32
    "tpu.region"() ({
      %run_scoped3A = tpu.sem_alloc : memref<!tpu.dma_semaphore, #tpu.memory_space<semaphore_mem>>
      %dma_start3A_49 = tpu.memref_slice %arg3[%add3A_35] : memref<320000xi32, #tpu.memory_space<hbm>> -> memref<2000xi32, #tpu.memory_space<hbm>>
      %dma_start3A_50 = tpu.memref_slice %arg3[%add3A_35] : memref<320000xi32, #tpu.memory_space<hbm>> -> memref<2000xi32, #tpu.memory_space<hbm>>
      tpu.enqueue_dma source(%dma_start3A_50 : memref<2000xi32, #tpu.memory_space<hbm>>) target(%arg5 : memref<2000xi32, #tpu.memory_space<vmem>>) target_semaphore(%run_scoped3A : memref<!tpu.dma_semaphore, #tpu.memory_space<semaphore_mem>>)
      %dma_wait3A_51 = tpu.memref_slice %arg3[%add3A_35] : memref<320000xi32, #tpu.memory_space<hbm>> -> memref<2000xi32, #tpu.memory_space<hbm>>
      %dma_wait3A_52 = tpu.memref_slice %arg3[%add3A_35] : memref<320000xi32, #tpu.memory_space<hbm>> -> memref<2000xi32, #tpu.memory_space<hbm>>
      tpu.wait_dma2 semaphore(%run_scoped3A : memref<!tpu.dma_semaphore, #tpu.memory_space<semaphore_mem>>) src(%dma_wait3A_52 : memref<2000xi32, #tpu.memory_space<hbm>>) dst(%arg5 : memref<2000xi32, #tpu.memory_space<vmem>>)
      tpu.yield
    }) : () -> ()
    %dma_start3A_36 = arith.constant 0 : i32
    %dma_start3A_37 = arith.constant 0 : i32
    %dma_start3A_38 = tpu.memref_slice %arg2[%dma_start3A_36, %dma_start3A_37] : memref<10000x16xf32, #tpu.memory_space<hbm>> -> memref<10000x16xf32, #tpu.memory_space<hbm>>
    tpu.enqueue_indirect_dma source(%dma_start3A_38 : memref<10000x16xf32, #tpu.memory_space<hbm>>) target(%arg7 : memref<2000x16xf32, #tpu.memory_space<vmem>>) offsets(%arg5 : memref<2000xi32, #tpu.memory_space<vmem>>) semaphore(%arg9 : memref<!tpu.dma_semaphore, #tpu.memory_space<semaphore_mem>>)
    %dma_wait3A_39 = arith.constant 0 : i32
    %dma_wait3A_40 = arith.constant 0 : i32
    %dma_wait3A_41 = tpu.memref_slice %arg2[%dma_wait3A_39, %dma_wait3A_40] : memref<10000x16xf32, #tpu.memory_space<hbm>> -> memref<10000x16xf32, #tpu.memory_space<hbm>>
    tpu.wait_indirect_dma semaphore(%arg10 : memref<!tpu.dma_semaphore, #tpu.memory_space<semaphore_mem>>) src(%dma_wait3A_41 : memref<10000x16xf32, #tpu.memory_space<hbm>>) dst(%arg8 : memref<2000x16xf32, #tpu.memory_space<vmem>>)
    %add3A_42 = arith.constant 6000 : i32
    %add3A_43 = arith.addi %mul3A_2, %add3A_42 : i32
    "tpu.region"() ({
      %run_scoped3A = tpu.sem_alloc : memref<!tpu.dma_semaphore, #tpu.memory_space<semaphore_mem>>
      %dma_start3A_49 = arith.constant 0 : i32
      %dma_start3A_50 = tpu.memref_slice %arg4[%add3A_43, %dma_start3A_49] : memref<320000x16xf32, #tpu.memory_space<hbm>> -> memref<2000x16xf32, #tpu.memory_space<hbm>>
      %dma_start3A_51 = arith.constant 0 : i32
      %dma_start3A_52 = tpu.memref_slice %arg4[%add3A_43, %dma_start3A_51] : memref<320000x16xf32, #tpu.memory_space<hbm>> -> memref<2000x16xf32, #tpu.memory_space<hbm>>
      tpu.enqueue_dma source(%arg8 : memref<2000x16xf32, #tpu.memory_space<vmem>>) target(%dma_start3A_52 : memref<2000x16xf32, #tpu.memory_space<hbm>>) target_semaphore(%run_scoped3A : memref<!tpu.dma_semaphore, #tpu.memory_space<semaphore_mem>>)
      %dma_wait3A_53 = arith.constant 0 : i32
      %dma_wait3A_54 = tpu.memref_slice %arg4[%add3A_43, %dma_wait3A_53] : memref<320000x16xf32, #tpu.memory_space<hbm>> -> memref<2000x16xf32, #tpu.memory_space<hbm>>
      %dma_wait3A_55 = arith.constant 0 : i32
      %dma_wait3A_56 = tpu.memref_slice %arg4[%add3A_43, %dma_wait3A_55] : memref<320000x16xf32, #tpu.memory_space<hbm>> -> memref<2000x16xf32, #tpu.memory_space<hbm>>
      tpu.wait_dma2 semaphore(%run_scoped3A : memref<!tpu.dma_semaphore, #tpu.memory_space<semaphore_mem>>) src(%arg8 : memref<2000x16xf32, #tpu.memory_space<vmem>>) dst(%dma_wait3A_56 : memref<2000x16xf32, #tpu.memory_space<hbm>>)
      tpu.yield
    }) : () -> ()
    %dma_wait3A_44 = arith.constant 0 : i32
    %dma_wait3A_45 = arith.constant 0 : i32
    %dma_wait3A_46 = tpu.memref_slice %arg2[%dma_wait3A_44, %dma_wait3A_45] : memref<10000x16xf32, #tpu.memory_space<hbm>> -> memref<10000x16xf32, #tpu.memory_space<hbm>>
    tpu.wait_indirect_dma semaphore(%arg9 : memref<!tpu.dma_semaphore, #tpu.memory_space<semaphore_mem>>) src(%dma_wait3A_46 : memref<10000x16xf32, #tpu.memory_space<hbm>>) dst(%arg7 : memref<2000x16xf32, #tpu.memory_space<vmem>>)
    %add3A_47 = arith.constant 8000 : i32
    %add3A_48 = arith.addi %mul3A_2, %add3A_47 : i32
    "tpu.region"() ({
      %run_scoped3A = tpu.sem_alloc : memref<!tpu.dma_semaphore, #tpu.memory_space<semaphore_mem>>
      %dma_start3A_49 = arith.constant 0 : i32
      %dma_start3A_50 = tpu.memref_slice %arg4[%add3A_48, %dma_start3A_49] : memref<320000x16xf32, #tpu.memory_space<hbm>> -> memref<2000x16xf32, #tpu.memory_space<hbm>>
      %dma_start3A_51 = arith.constant 0 : i32
      %dma_start3A_52 = tpu.memref_slice %arg4[%add3A_48, %dma_start3A_51] : memref<320000x16xf32, #tpu.memory_space<hbm>> -> memref<2000x16xf32, #tpu.memory_space<hbm>>
      tpu.enqueue_dma source(%arg7 : memref<2000x16xf32, #tpu.memory_space<vmem>>) target(%dma_start3A_52 : memref<2000x16xf32, #tpu.memory_space<hbm>>) target_semaphore(%run_scoped3A : memref<!tpu.dma_semaphore, #tpu.memory_space<semaphore_mem>>)
      %dma_wait3A_53 = arith.constant 0 : i32
      %dma_wait3A_54 = tpu.memref_slice %arg4[%add3A_48, %dma_wait3A_53] : memref<320000x16xf32, #tpu.memory_space<hbm>> -> memref<2000x16xf32, #tpu.memory_space<hbm>>
      %dma_wait3A_55 = arith.constant 0 : i32
      %dma_wait3A_56 = tpu.memref_slice %arg4[%add3A_48, %dma_wait3A_55] : memref<320000x16xf32, #tpu.memory_space<hbm>> -> memref<2000x16xf32, #tpu.memory_space<hbm>>
      tpu.wait_dma2 semaphore(%run_scoped3A : memref<!tpu.dma_semaphore, #tpu.memory_space<semaphore_mem>>) src(%arg7 : memref<2000x16xf32, #tpu.memory_space<vmem>>) dst(%dma_wait3A_56 : memref<2000x16xf32, #tpu.memory_space<hbm>>)
      tpu.yield
    }) : () -> ()
    return
  }
}

#map = affine_map<(d0, d1) -> (0, 0)>
#map1 = affine_map<(d0, d1) -> (0)>
module attributes {stable_mosaic.version = 14 : i64} {
  func.func @_gather_k(%arg0: i32, %arg1: i32, %arg2: memref<10000x16xf32, #tpu.memory_space<hbm>>, %arg3: memref<320000xi32, #tpu.memory_space<hbm>>, %arg4: memref<320000x16xf32, #tpu.memory_space<hbm>>, %arg5: memref<2000xi32, #tpu.memory_space<vmem>>, %arg6: memref<2000xi32, #tpu.memory_space<vmem>>, %arg7: memref<2000x16xf32, #tpu.memory_space<vmem>>, %arg8: memref<2000x16xf32, #tpu.memory_space<vmem>>, %arg9: memref<!tpu.dma_semaphore, #tpu.memory_space<semaphore_mem>>, %arg10: memref<!tpu.dma_semaphore, #tpu.memory_space<semaphore_mem>>) attributes {dimension_semantics = [#tpu.dimension_semantics<core_parallel>, #tpu.dimension_semantics<subcore_parallel>], iteration_bounds = array<i64: 2, 16>, scalar_prefetch = 0 : i64, scratch_operands = 6 : i64, tpu.core_type = #tpu.core_type<sc_vector_subcore>, window_params = [{transform_indices = #map}, {transform_indices = #map1}, {transform_indices = #map}]} {
    %mul3A = arith.constant 2 : i32
    %mul3A_0 = arith.muli %arg1, %mul3A : i32
    %add3A = arith.addi %mul3A_0, %arg0 : i32
    %mul3A_1 = arith.constant 10000 : i32
    %mul3A_2 = arith.muli %add3A, %mul3A_1 : i32
    "tpu.region"() ({
      %run_scoped3A = tpu.sem_alloc : memref<!tpu.dma_semaphore, #tpu.memory_space<semaphore_mem>>
      %dma_start3A_49 = tpu.memref_slice %arg3[%mul3A_2] : memref<320000xi32, #tpu.memory_space<hbm>> -> memref<2000xi32, #tpu.memory_space<hbm>>
      %dma_start3A_50 = tpu.memref_slice %arg3[%mul3A_2] : memref<320000xi32, #tpu.memory_space<hbm>> -> memref<2000xi32, #tpu.memory_space<hbm>>
      tpu.enqueue_dma source(%dma_start3A_50 : memref<2000xi32, #tpu.memory_space<hbm>>) target(%arg5 : memref<2000xi32, #tpu.memory_space<vmem>>) target_semaphore(%run_scoped3A : memref<!tpu.dma_semaphore, #tpu.memory_space<semaphore_mem>>)
      %dma_wait3A_51 = tpu.memref_slice %arg3[%mul3A_2] : memref<320000xi32, #tpu.memory_space<hbm>> -> memref<2000xi32, #tpu.memory_space<hbm>>
      %dma_wait3A_52 = tpu.memref_slice %arg3[%mul3A_2] : memref<320000xi32, #tpu.memory_space<hbm>> -> memref<2000xi32, #tpu.memory_space<hbm>>
      tpu.wait_dma2 semaphore(%run_scoped3A : memref<!tpu.dma_semaphore, #tpu.memory_space<semaphore_mem>>) src(%dma_wait3A_52 : memref<2000xi32, #tpu.memory_space<hbm>>) dst(%arg5 : memref<2000xi32, #tpu.memory_space<vmem>>)
      tpu.yield
    }) : () -> ()
    %dma_start3A = arith.constant 0 : i32
    %dma_start3A_3 = arith.constant 0 : i32
    %dma_start3A_4 = tpu.memref_slice %arg2[%dma_start3A, %dma_start3A_3] : memref<10000x16xf32, #tpu.memory_space<hbm>> -> memref<10000x16xf32, #tpu.memory_space<hbm>>
    tpu.enqueue_indirect_dma source(%dma_start3A_4 : memref<10000x16xf32, #tpu.memory_space<hbm>>) target(%arg7 : memref<2000x16xf32, #tpu.memory_space<vmem>>) offsets(%arg5 : memref<2000xi32, #tpu.memory_space<vmem>>) semaphore(%arg9 : memref<!tpu.dma_semaphore, #tpu.memory_space<semaphore_mem>>)
    %add3A_5 = arith.constant 2000 : i32
    %add3A_6 = arith.addi %mul3A_2, %add3A_5 : i32
    "tpu.region"() ({
      %run_scoped3A = tpu.sem_alloc : memref<!tpu.dma_semaphore, #tpu.memory_space<semaphore_mem>>
      %dma_start3A_49 = tpu.memref_slice %arg3[%add3A_6] : memref<320000xi32, #tpu.memory_space<hbm>> -> memref<2000xi32, #tpu.memory_space<hbm>>
      %dma_start3A_50 = tpu.memref_slice %arg3[%add3A_6] : memref<320000xi32, #tpu.memory_space<hbm>> -> memref<2000xi32, #tpu.memory_space<hbm>>
      tpu.enqueue_dma source(%dma_start3A_50 : memref<2000xi32, #tpu.memory_space<hbm>>) target(%arg6 : memref<2000xi32, #tpu.memory_space<vmem>>) target_semaphore(%run_scoped3A : memref<!tpu.dma_semaphore, #tpu.memory_space<semaphore_mem>>)
      %dma_wait3A_51 = tpu.memref_slice %arg3[%add3A_6] : memref<320000xi32, #tpu.memory_space<hbm>> -> memref<2000xi32, #tpu.memory_space<hbm>>
      %dma_wait3A_52 = tpu.memref_slice %arg3[%add3A_6] : memref<320000xi32, #tpu.memory_space<hbm>> -> memref<2000xi32, #tpu.memory_space<hbm>>
      tpu.wait_dma2 semaphore(%run_scoped3A : memref<!tpu.dma_semaphore, #tpu.memory_space<semaphore_mem>>) src(%dma_wait3A_52 : memref<2000xi32, #tpu.memory_space<hbm>>) dst(%arg6 : memref<2000xi32, #tpu.memory_space<vmem>>)
      tpu.yield
    }) : () -> ()
    %dma_start3A_7 = arith.constant 0 : i32
    %dma_start3A_8 = arith.constant 0 : i32
    %dma_start3A_9 = tpu.memref_slice %arg2[%dma_start3A_7, %dma_start3A_8] : memref<10000x16xf32, #tpu.memory_space<hbm>> -> memref<10000x16xf32, #tpu.memory_space<hbm>>
    tpu.enqueue_indirect_dma source(%dma_start3A_9 : memref<10000x16xf32, #tpu.memory_space<hbm>>) target(%arg8 : memref<2000x16xf32, #tpu.memory_space<vmem>>) offsets(%arg6 : memref<2000xi32, #tpu.memory_space<vmem>>) semaphore(%arg10 : memref<!tpu.dma_semaphore, #tpu.memory_space<semaphore_mem>>)
    %dma_wait3A = arith.constant 0 : i32
    %dma_wait3A_10 = arith.constant 0 : i32
    %dma_wait3A_11 = tpu.memref_slice %arg2[%dma_wait3A, %dma_wait3A_10] : memref<10000x16xf32, #tpu.memory_space<hbm>> -> memref<10000x16xf32, #tpu.memory_space<hbm>>
    tpu.wait_indirect_dma semaphore(%arg9 : memref<!tpu.dma_semaphore, #tpu.memory_space<semaphore_mem>>) src(%dma_wait3A_11 : memref<10000x16xf32, #tpu.memory_space<hbm>>) dst(%arg7 : memref<2000x16xf32, #tpu.memory_space<vmem>>)
    %add3A_12 = arith.constant 0 : i32
    %add3A_13 = arith.addi %mul3A_2, %add3A_12 : i32
    "tpu.region"() ({
      %run_scoped3A = tpu.sem_alloc : memref<!tpu.dma_semaphore, #tpu.memory_space<semaphore_mem>>
      %dma_start3A_49 = arith.constant 0 : i32
      %dma_start3A_50 = tpu.memref_slice %arg4[%add3A_13, %dma_start3A_49] : memref<320000x16xf32, #tpu.memory_space<hbm>> -> memref<2000x16xf32, #tpu.memory_space<hbm>>
      %dma_start3A_51 = arith.constant 0 : i32
      %dma_start3A_52 = tpu.memref_slice %arg4[%add3A_13, %dma_start3A_51] : memref<320000x16xf32, #tpu.memory_space<hbm>> -> memref<2000x16xf32, #tpu.memory_space<hbm>>
      tpu.enqueue_dma source(%arg7 : memref<2000x16xf32, #tpu.memory_space<vmem>>) target(%dma_start3A_52 : memref<2000x16xf32, #tpu.memory_space<hbm>>) target_semaphore(%run_scoped3A : memref<!tpu.dma_semaphore, #tpu.memory_space<semaphore_mem>>)
      %dma_wait3A_53 = arith.constant 0 : i32
      %dma_wait3A_54 = tpu.memref_slice %arg4[%add3A_13, %dma_wait3A_53] : memref<320000x16xf32, #tpu.memory_space<hbm>> -> memref<2000x16xf32, #tpu.memory_space<hbm>>
      %dma_wait3A_55 = arith.constant 0 : i32
      %dma_wait3A_56 = tpu.memref_slice %arg4[%add3A_13, %dma_wait3A_55] : memref<320000x16xf32, #tpu.memory_space<hbm>> -> memref<2000x16xf32, #tpu.memory_space<hbm>>
      tpu.wait_dma2 semaphore(%run_scoped3A : memref<!tpu.dma_semaphore, #tpu.memory_space<semaphore_mem>>) src(%arg7 : memref<2000x16xf32, #tpu.memory_space<vmem>>) dst(%dma_wait3A_56 : memref<2000x16xf32, #tpu.memory_space<hbm>>)
      tpu.yield
    }) : () -> ()
    %add3A_14 = arith.constant 4000 : i32
    %add3A_15 = arith.addi %mul3A_2, %add3A_14 : i32
    "tpu.region"() ({
      %run_scoped3A = tpu.sem_alloc : memref<!tpu.dma_semaphore, #tpu.memory_space<semaphore_mem>>
      %dma_start3A_49 = tpu.memref_slice %arg3[%add3A_15] : memref<320000xi32, #tpu.memory_space<hbm>> -> memref<2000xi32, #tpu.memory_space<hbm>>
      %dma_start3A_50 = tpu.memref_slice %arg3[%add3A_15] : memref<320000xi32, #tpu.memory_space<hbm>> -> memref<2000xi32, #tpu.memory_space<hbm>>
      tpu.enqueue_dma source(%dma_start3A_50 : memref<2000xi32, #tpu.memory_space<hbm>>) target(%arg5 : memref<2000xi32, #tpu.memory_space<vmem>>) target_semaphore(%run_scoped3A : memref<!tpu.dma_semaphore, #tpu.memory_space<semaphore_mem>>)
      %dma_wait3A_51 = tpu.memref_slice %arg3[%add3A_15] : memref<320000xi32, #tpu.memory_space<hbm>> -> memref<2000xi32, #tpu.memory_space<hbm>>
      %dma_wait3A_52 = tpu.memref_slice %arg3[%add3A_15] : memref<320000xi32, #tpu.memory_space<hbm>> -> memref<2000xi32, #tpu.memory_space<hbm>>
      tpu.wait_dma2 semaphore(%run_scoped3A : memref<!tpu.dma_semaphore, #tpu.memory_space<semaphore_mem>>) src(%dma_wait3A_52 : memref<2000xi32, #tpu.memory_space<hbm>>) dst(%arg5 : memref<2000xi32, #tpu.memory_space<vmem>>)
      tpu.yield
    }) : () -> ()
    %dma_start3A_16 = arith.constant 0 : i32
    %dma_start3A_17 = arith.constant 0 : i32
    %dma_start3A_18 = tpu.memref_slice %arg2[%dma_start3A_16, %dma_start3A_17] : memref<10000x16xf32, #tpu.memory_space<hbm>> -> memref<10000x16xf32, #tpu.memory_space<hbm>>
    tpu.enqueue_indirect_dma source(%dma_start3A_18 : memref<10000x16xf32, #tpu.memory_space<hbm>>) target(%arg7 : memref<2000x16xf32, #tpu.memory_space<vmem>>) offsets(%arg5 : memref<2000xi32, #tpu.memory_space<vmem>>) semaphore(%arg9 : memref<!tpu.dma_semaphore, #tpu.memory_space<semaphore_mem>>)
    %dma_wait3A_19 = arith.constant 0 : i32
    %dma_wait3A_20 = arith.constant 0 : i32
    %dma_wait3A_21 = tpu.memref_slice %arg2[%dma_wait3A_19, %dma_wait3A_20] : memref<10000x16xf32, #tpu.memory_space<hbm>> -> memref<10000x16xf32, #tpu.memory_space<hbm>>
    tpu.wait_indirect_dma semaphore(%arg10 : memref<!tpu.dma_semaphore, #tpu.memory_space<semaphore_mem>>) src(%dma_wait3A_21 : memref<10000x16xf32, #tpu.memory_space<hbm>>) dst(%arg8 : memref<2000x16xf32, #tpu.memory_space<vmem>>)
    %add3A_22 = arith.constant 2000 : i32
    %add3A_23 = arith.addi %mul3A_2, %add3A_22 : i32
    "tpu.region"() ({
      %run_scoped3A = tpu.sem_alloc : memref<!tpu.dma_semaphore, #tpu.memory_space<semaphore_mem>>
      %dma_start3A_49 = arith.constant 0 : i32
      %dma_start3A_50 = tpu.memref_slice %arg4[%add3A_23, %dma_start3A_49] : memref<320000x16xf32, #tpu.memory_space<hbm>> -> memref<2000x16xf32, #tpu.memory_space<hbm>>
      %dma_start3A_51 = arith.constant 0 : i32
      %dma_start3A_52 = tpu.memref_slice %arg4[%add3A_23, %dma_start3A_51] : memref<320000x16xf32, #tpu.memory_space<hbm>> -> memref<2000x16xf32, #tpu.memory_space<hbm>>
      tpu.enqueue_dma source(%arg8 : memref<2000x16xf32, #tpu.memory_space<vmem>>) target(%dma_start3A_52 : memref<2000x16xf32, #tpu.memory_space<hbm>>) target_semaphore(%run_scoped3A : memref<!tpu.dma_semaphore, #tpu.memory_space<semaphore_mem>>)
      %dma_wait3A_53 = arith.constant 0 : i32
      %dma_wait3A_54 = tpu.memref_slice %arg4[%add3A_23, %dma_wait3A_53] : memref<320000x16xf32, #tpu.memory_space<hbm>> -> memref<2000x16xf32, #tpu.memory_space<hbm>>
      %dma_wait3A_55 = arith.constant 0 : i32
      %dma_wait3A_56 = tpu.memref_slice %arg4[%add3A_23, %dma_wait3A_55] : memref<320000x16xf32, #tpu.memory_space<hbm>> -> memref<2000x16xf32, #tpu.memory_space<hbm>>
      tpu.wait_dma2 semaphore(%run_scoped3A : memref<!tpu.dma_semaphore, #tpu.memory_space<semaphore_mem>>) src(%arg8 : memref<2000x16xf32, #tpu.memory_space<vmem>>) dst(%dma_wait3A_56 : memref<2000x16xf32, #tpu.memory_space<hbm>>)
      tpu.yield
    }) : () -> ()
    %add3A_24 = arith.constant 6000 : i32
    %add3A_25 = arith.addi %mul3A_2, %add3A_24 : i32
    "tpu.region"() ({
      %run_scoped3A = tpu.sem_alloc : memref<!tpu.dma_semaphore, #tpu.memory_space<semaphore_mem>>
      %dma_start3A_49 = tpu.memref_slice %arg3[%add3A_25] : memref<320000xi32, #tpu.memory_space<hbm>> -> memref<2000xi32, #tpu.memory_space<hbm>>
      %dma_start3A_50 = tpu.memref_slice %arg3[%add3A_25] : memref<320000xi32, #tpu.memory_space<hbm>> -> memref<2000xi32, #tpu.memory_space<hbm>>
      tpu.enqueue_dma source(%dma_start3A_50 : memref<2000xi32, #tpu.memory_space<hbm>>) target(%arg6 : memref<2000xi32, #tpu.memory_space<vmem>>) target_semaphore(%run_scoped3A : memref<!tpu.dma_semaphore, #tpu.memory_space<semaphore_mem>>)
      %dma_wait3A_51 = tpu.memref_slice %arg3[%add3A_25] : memref<320000xi32, #tpu.memory_space<hbm>> -> memref<2000xi32, #tpu.memory_space<hbm>>
      %dma_wait3A_52 = tpu.memref_slice %arg3[%add3A_25] : memref<320000xi32, #tpu.memory_space<hbm>> -> memref<2000xi32, #tpu.memory_space<hbm>>
      tpu.wait_dma2 semaphore(%run_scoped3A : memref<!tpu.dma_semaphore, #tpu.memory_space<semaphore_mem>>) src(%dma_wait3A_52 : memref<2000xi32, #tpu.memory_space<hbm>>) dst(%arg6 : memref<2000xi32, #tpu.memory_space<vmem>>)
      tpu.yield
    }) : () -> ()
    %dma_start3A_26 = arith.constant 0 : i32
    %dma_start3A_27 = arith.constant 0 : i32
    %dma_start3A_28 = tpu.memref_slice %arg2[%dma_start3A_26, %dma_start3A_27] : memref<10000x16xf32, #tpu.memory_space<hbm>> -> memref<10000x16xf32, #tpu.memory_space<hbm>>
    tpu.enqueue_indirect_dma source(%dma_start3A_28 : memref<10000x16xf32, #tpu.memory_space<hbm>>) target(%arg8 : memref<2000x16xf32, #tpu.memory_space<vmem>>) offsets(%arg6 : memref<2000xi32, #tpu.memory_space<vmem>>) semaphore(%arg10 : memref<!tpu.dma_semaphore, #tpu.memory_space<semaphore_mem>>)
    %dma_wait3A_29 = arith.constant 0 : i32
    %dma_wait3A_30 = arith.constant 0 : i32
    %dma_wait3A_31 = tpu.memref_slice %arg2[%dma_wait3A_29, %dma_wait3A_30] : memref<10000x16xf32, #tpu.memory_space<hbm>> -> memref<10000x16xf32, #tpu.memory_space<hbm>>
    tpu.wait_indirect_dma semaphore(%arg9 : memref<!tpu.dma_semaphore, #tpu.memory_space<semaphore_mem>>) src(%dma_wait3A_31 : memref<10000x16xf32, #tpu.memory_space<hbm>>) dst(%arg7 : memref<2000x16xf32, #tpu.memory_space<vmem>>)
    %add3A_32 = arith.constant 4000 : i32
    %add3A_33 = arith.addi %mul3A_2, %add3A_32 : i32
    "tpu.region"() ({
      %run_scoped3A = tpu.sem_alloc : memref<!tpu.dma_semaphore, #tpu.memory_space<semaphore_mem>>
      %dma_start3A_49 = arith.constant 0 : i32
      %dma_start3A_50 = tpu.memref_slice %arg4[%add3A_33, %dma_start3A_49] : memref<320000x16xf32, #tpu.memory_space<hbm>> -> memref<2000x16xf32, #tpu.memory_space<hbm>>
      %dma_start3A_51 = arith.constant 0 : i32
      %dma_start3A_52 = tpu.memref_slice %arg4[%add3A_33, %dma_start3A_51] : memref<320000x16xf32, #tpu.memory_space<hbm>> -> memref<2000x16xf32, #tpu.memory_space<hbm>>
      tpu.enqueue_dma source(%arg7 : memref<2000x16xf32, #tpu.memory_space<vmem>>) target(%dma_start3A_52 : memref<2000x16xf32, #tpu.memory_space<hbm>>) target_semaphore(%run_scoped3A : memref<!tpu.dma_semaphore, #tpu.memory_space<semaphore_mem>>)
      %dma_wait3A_53 = arith.constant 0 : i32
      %dma_wait3A_54 = tpu.memref_slice %arg4[%add3A_33, %dma_wait3A_53] : memref<320000x16xf32, #tpu.memory_space<hbm>> -> memref<2000x16xf32, #tpu.memory_space<hbm>>
      %dma_wait3A_55 = arith.constant 0 : i32
      %dma_wait3A_56 = tpu.memref_slice %arg4[%add3A_33, %dma_wait3A_55] : memref<320000x16xf32, #tpu.memory_space<hbm>> -> memref<2000x16xf32, #tpu.memory_space<hbm>>
      tpu.wait_dma2 semaphore(%run_scoped3A : memref<!tpu.dma_semaphore, #tpu.memory_space<semaphore_mem>>) src(%arg7 : memref<2000x16xf32, #tpu.memory_space<vmem>>) dst(%dma_wait3A_56 : memref<2000x16xf32, #tpu.memory_space<hbm>>)
      tpu.yield
    }) : () -> ()
    %add3A_34 = arith.constant 8000 : i32
    %add3A_35 = arith.addi %mul3A_2, %add3A_34 : i32
    "tpu.region"() ({
      %run_scoped3A = tpu.sem_alloc : memref<!tpu.dma_semaphore, #tpu.memory_space<semaphore_mem>>
      %dma_start3A_49 = tpu.memref_slice %arg3[%add3A_35] : memref<320000xi32, #tpu.memory_space<hbm>> -> memref<2000xi32, #tpu.memory_space<hbm>>
      %dma_start3A_50 = tpu.memref_slice %arg3[%add3A_35] : memref<320000xi32, #tpu.memory_space<hbm>> -> memref<2000xi32, #tpu.memory_space<hbm>>
      tpu.enqueue_dma source(%dma_start3A_50 : memref<2000xi32, #tpu.memory_space<hbm>>) target(%arg5 : memref<2000xi32, #tpu.memory_space<vmem>>) target_semaphore(%run_scoped3A : memref<!tpu.dma_semaphore, #tpu.memory_space<semaphore_mem>>)
      %dma_wait3A_51 = tpu.memref_slice %arg3[%add3A_35] : memref<320000xi32, #tpu.memory_space<hbm>> -> memref<2000xi32, #tpu.memory_space<hbm>>
      %dma_wait3A_52 = tpu.memref_slice %arg3[%add3A_35] : memref<320000xi32, #tpu.memory_space<hbm>> -> memref<2000xi32, #tpu.memory_space<hbm>>
      tpu.wait_dma2 semaphore(%run_scoped3A : memref<!tpu.dma_semaphore, #tpu.memory_space<semaphore_mem>>) src(%dma_wait3A_52 : memref<2000xi32, #tpu.memory_space<hbm>>) dst(%arg5 : memref<2000xi32, #tpu.memory_space<vmem>>)
      tpu.yield
    }) : () -> ()
    %dma_start3A_36 = arith.constant 0 : i32
    %dma_start3A_37 = arith.constant 0 : i32
    %dma_start3A_38 = tpu.memref_slice %arg2[%dma_start3A_36, %dma_start3A_37] : memref<10000x16xf32, #tpu.memory_space<hbm>> -> memref<10000x16xf32, #tpu.memory_space<hbm>>
    tpu.enqueue_indirect_dma source(%dma_start3A_38 : memref<10000x16xf32, #tpu.memory_space<hbm>>) target(%arg7 : memref<2000x16xf32, #tpu.memory_space<vmem>>) offsets(%arg5 : memref<2000xi32, #tpu.memory_space<vmem>>) semaphore(%arg9 : memref<!tpu.dma_semaphore, #tpu.memory_space<semaphore_mem>>)
    %dma_wait3A_39 = arith.constant 0 : i32
    %dma_wait3A_40 = arith.constant 0 : i32
    %dma_wait3A_41 = tpu.memref_slice %arg2[%dma_wait3A_39, %dma_wait3A_40] : memref<10000x16xf32, #tpu.memory_space<hbm>> -> memref<10000x16xf32, #tpu.memory_space<hbm>>
    tpu.wait_indirect_dma semaphore(%arg10 : memref<!tpu.dma_semaphore, #tpu.memory_space<semaphore_mem>>) src(%dma_wait3A_41 : memref<10000x16xf32, #tpu.memory_space<hbm>>) dst(%arg8 : memref<2000x16xf32, #tpu.memory_space<vmem>>)
    %add3A_42 = arith.constant 6000 : i32
    %add3A_43 = arith.addi %mul3A_2, %add3A_42 : i32
    "tpu.region"() ({
      %run_scoped3A = tpu.sem_alloc : memref<!tpu.dma_semaphore, #tpu.memory_space<semaphore_mem>>
      %dma_start3A_49 = arith.constant 0 : i32
      %dma_start3A_50 = tpu.memref_slice %arg4[%add3A_43, %dma_start3A_49] : memref<320000x16xf32, #tpu.memory_space<hbm>> -> memref<2000x16xf32, #tpu.memory_space<hbm>>
      %dma_start3A_51 = arith.constant 0 : i32
      %dma_start3A_52 = tpu.memref_slice %arg4[%add3A_43, %dma_start3A_51] : memref<320000x16xf32, #tpu.memory_space<hbm>> -> memref<2000x16xf32, #tpu.memory_space<hbm>>
      tpu.enqueue_dma source(%arg8 : memref<2000x16xf32, #tpu.memory_space<vmem>>) target(%dma_start3A_52 : memref<2000x16xf32, #tpu.memory_space<hbm>>) target_semaphore(%run_scoped3A : memref<!tpu.dma_semaphore, #tpu.memory_space<semaphore_mem>>)
      %dma_wait3A_53 = arith.constant 0 : i32
      %dma_wait3A_54 = tpu.memref_slice %arg4[%add3A_43, %dma_wait3A_53] : memref<320000x16xf32, #tpu.memory_space<hbm>> -> memref<2000x16xf32, #tpu.memory_space<hbm>>
      %dma_wait3A_55 = arith.constant 0 : i32
      %dma_wait3A_56 = tpu.memref_slice %arg4[%add3A_43, %dma_wait3A_55] : memref<320000x16xf32, #tpu.memory_space<hbm>> -> memref<2000x16xf32, #tpu.memory_space<hbm>>
      tpu.wait_dma2 semaphore(%run_scoped3A : memref<!tpu.dma_semaphore, #tpu.memory_space<semaphore_mem>>) src(%arg8 : memref<2000x16xf32, #tpu.memory_space<vmem>>) dst(%dma_wait3A_56 : memref<2000x16xf32, #tpu.memory_space<hbm>>)
      tpu.yield
    }) : () -> ()
    %dma_wait3A_44 = arith.constant 0 : i32
    %dma_wait3A_45 = arith.constant 0 : i32
    %dma_wait3A_46 = tpu.memref_slice %arg2[%dma_wait3A_44, %dma_wait3A_45] : memref<10000x16xf32, #tpu.memory_space<hbm>> -> memref<10000x16xf32, #tpu.memory_space<hbm>>
    tpu.wait_indirect_dma semaphore(%arg9 : memref<!tpu.dma_semaphore, #tpu.memory_space<semaphore_mem>>) src(%dma_wait3A_46 : memref<10000x16xf32, #tpu.memory_space<hbm>>) dst(%arg7 : memref<2000x16xf32, #tpu.memory_space<vmem>>)
    %add3A_47 = arith.constant 8000 : i32
    %add3A_48 = arith.addi %mul3A_2, %add3A_47 : i32
    "tpu.region"() ({
      %run_scoped3A = tpu.sem_alloc : memref<!tpu.dma_semaphore, #tpu.memory_space<semaphore_mem>>
      %dma_start3A_49 = arith.constant 0 : i32
      %dma_start3A_50 = tpu.memref_slice %arg4[%add3A_48, %dma_start3A_49] : memref<320000x16xf32, #tpu.memory_space<hbm>> -> memref<2000x16xf32, #tpu.memory_space<hbm>>
      %dma_start3A_51 = arith.constant 0 : i32
      %dma_start3A_52 = tpu.memref_slice %arg4[%add3A_48, %dma_start3A_51] : memref<320000x16xf32, #tpu.memory_space<hbm>> -> memref<2000x16xf32, #tpu.memory_space<hbm>>
      tpu.enqueue_dma source(%arg7 : memref<2000x16xf32, #tpu.memory_space<vmem>>) target(%dma_start3A_52 : memref<2000x16xf32, #tpu.memory_space<hbm>>) target_semaphore(%run_scoped3A : memref<!tpu.dma_semaphore, #tpu.memory_space<semaphore_mem>>)
      %dma_wait3A_53 = arith.constant 0 : i32
      %dma_wait3A_54 = tpu.memref_slice %arg4[%add3A_48, %dma_wait3A_53] : memref<320000x16xf32, #tpu.memory_space<hbm>> -> memref<2000x16xf32, #tpu.memory_space<hbm>>
      %dma_wait3A_55 = arith.constant 0 : i32
      %dma_wait3A_56 = tpu.memref_slice %arg4[%add3A_48, %dma_wait3A_55] : memref<320000x16xf32, #tpu.memory_space<hbm>> -> memref<2000x16xf32, #tpu.memory_space<hbm>>
      tpu.wait_dma2 semaphore(%run_scoped3A : memref<!tpu.dma_semaphore, #tpu.memory_space<semaphore_mem>>) src(%arg7 : memref<2000x16xf32, #tpu.memory_space<vmem>>) dst(%dma_wait3A_56 : memref<2000x16xf32, #tpu.memory_space<hbm>>)
      tpu.yield
    }) : () -> ()
    return
  }
}

module attributes {stable_mosaic.version = 14 : i64} {
  func.func @_h0_body(%arg0: memref<1250x1024xf32, #tpu.memory_space<vmem>>, %arg1: memref<128x16xbf16, #tpu.memory_space<vmem>>, %arg2: memref<1x128xf32, #tpu.memory_space<vmem>>, %arg3: memref<1250x128xf32, #tpu.memory_space<vmem>>) attributes {dimension_semantics = [], scalar_prefetch = 0 : i64, scratch_operands = 0 : i64, tpu.core_type = #tpu.core_type<tc>} {
    %get3A = arith.constant 0 : index
    %get3A_0 = arith.constant 0 : index
    %get3A_1 = vector.load %arg0[%get3A, %get3A_0] : memref<1250x1024xf32, #tpu.memory_space<vmem>>, vector<1250x1024xf32>
    %get3A_2 = arith.constant 0 : index
    %get3A_3 = arith.constant 0 : index
    %get3A_4 = vector.load %arg1[%get3A_2, %get3A_3] : memref<128x16xbf16, #tpu.memory_space<vmem>>, vector<128x16xbf16>
    %slice3A = vector.extract_strided_slice %get3A_1 {offsets = [0, 0], sizes = [1250, 128], strides = [1, 1]} : vector<1250x1024xf32> to vector<1250x128xf32>
    %convert_element_type3A = arith.truncf %slice3A : vector<1250x128xf32> to vector<1250x128xbf16>
    %dot_general3A = arith.constant dense<0.000000e+00> : vector<1250x16xf32>
    %dot_general3A_5 = tpu.matmul %convert_element_type3A, %get3A_4, %dot_general3A {dimension_numbers = #tpu.dot_dimension_numbers<[1], [0], [0], [1], [0, 0, 1, 1], [], []>, transpose_lhs_hint = false} : vector<1250x128xbf16>, vector<128x16xbf16>, vector<1250x16xf32> -> vector<1250x16xf32>
    %slice3A_6 = vector.extract_strided_slice %get3A_1 {offsets = [0, 128], sizes = [1250, 128], strides = [1, 1]} : vector<1250x1024xf32> to vector<1250x128xf32>
    %convert_element_type3A_7 = arith.truncf %slice3A_6 : vector<1250x128xf32> to vector<1250x128xbf16>
    %dot_general3A_8 = arith.constant dense<0.000000e+00> : vector<1250x16xf32>
    %dot_general3A_9 = tpu.matmul %convert_element_type3A_7, %get3A_4, %dot_general3A_8 {dimension_numbers = #tpu.dot_dimension_numbers<[1], [0], [0], [1], [0, 0, 1, 1], [], []>, transpose_lhs_hint = false} : vector<1250x128xbf16>, vector<128x16xbf16>, vector<1250x16xf32> -> vector<1250x16xf32>
    %slice3A_10 = vector.extract_strided_slice %get3A_1 {offsets = [0, 256], sizes = [1250, 128], strides = [1, 1]} : vector<1250x1024xf32> to vector<1250x128xf32>
    %convert_element_type3A_11 = arith.truncf %slice3A_10 : vector<1250x128xf32> to vector<1250x128xbf16>
    %dot_general3A_12 = arith.constant dense<0.000000e+00> : vector<1250x16xf32>
    %dot_general3A_13 = tpu.matmul %convert_element_type3A_11, %get3A_4, %dot_general3A_12 {dimension_numbers = #tpu.dot_dimension_numbers<[1], [0], [0], [1], [0, 0, 1, 1], [], []>, transpose_lhs_hint = false} : vector<1250x128xbf16>, vector<128x16xbf16>, vector<1250x16xf32> -> vector<1250x16xf32>
    %slice3A_14 = vector.extract_strided_slice %get3A_1 {offsets = [0, 384], sizes = [1250, 128], strides = [1, 1]} : vector<1250x1024xf32> to vector<1250x128xf32>
    %convert_element_type3A_15 = arith.truncf %slice3A_14 : vector<1250x128xf32> to vector<1250x128xbf16>
    %dot_general3A_16 = arith.constant dense<0.000000e+00> : vector<1250x16xf32>
    %dot_general3A_17 = tpu.matmul %convert_element_type3A_15, %get3A_4, %dot_general3A_16 {dimension_numbers = #tpu.dot_dimension_numbers<[1], [0], [0], [1], [0, 0, 1, 1], [], []>, transpose_lhs_hint = false} : vector<1250x128xbf16>, vector<128x16xbf16>, vector<1250x16xf32> -> vector<1250x16xf32>
    %slice3A_18 = vector.extract_strided_slice %get3A_1 {offsets = [0, 512], sizes = [1250, 128], strides = [1, 1]} : vector<1250x1024xf32> to vector<1250x128xf32>
    %convert_element_type3A_19 = arith.truncf %slice3A_18 : vector<1250x128xf32> to vector<1250x128xbf16>
    %dot_general3A_20 = arith.constant dense<0.000000e+00> : vector<1250x16xf32>
    %dot_general3A_21 = tpu.matmul %convert_element_type3A_19, %get3A_4, %dot_general3A_20 {dimension_numbers = #tpu.dot_dimension_numbers<[1], [0], [0], [1], [0, 0, 1, 1], [], []>, transpose_lhs_hint = false} : vector<1250x128xbf16>, vector<128x16xbf16>, vector<1250x16xf32> -> vector<1250x16xf32>
    %slice3A_22 = vector.extract_strided_slice %get3A_1 {offsets = [0, 640], sizes = [1250, 128], strides = [1, 1]} : vector<1250x1024xf32> to vector<1250x128xf32>
    %convert_element_type3A_23 = arith.truncf %slice3A_22 : vector<1250x128xf32> to vector<1250x128xbf16>
    %dot_general3A_24 = arith.constant dense<0.000000e+00> : vector<1250x16xf32>
    %dot_general3A_25 = tpu.matmul %convert_element_type3A_23, %get3A_4, %dot_general3A_24 {dimension_numbers = #tpu.dot_dimension_numbers<[1], [0], [0], [1], [0, 0, 1, 1], [], []>, transpose_lhs_hint = false} : vector<1250x128xbf16>, vector<128x16xbf16>, vector<1250x16xf32> -> vector<1250x16xf32>
    %slice3A_26 = vector.extract_strided_slice %get3A_1 {offsets = [0, 768], sizes = [1250, 128], strides = [1, 1]} : vector<1250x1024xf32> to vector<1250x128xf32>
    %convert_element_type3A_27 = arith.truncf %slice3A_26 : vector<1250x128xf32> to vector<1250x128xbf16>
    %dot_general3A_28 = arith.constant dense<0.000000e+00> : vector<1250x16xf32>
    %dot_general3A_29 = tpu.matmul %convert_element_type3A_27, %get3A_4, %dot_general3A_28 {dimension_numbers = #tpu.dot_dimension_numbers<[1], [0], [0], [1], [0, 0, 1, 1], [], []>, transpose_lhs_hint = false} : vector<1250x128xbf16>, vector<128x16xbf16>, vector<1250x16xf32> -> vector<1250x16xf32>
    %slice3A_30 = vector.extract_strided_slice %get3A_1 {offsets = [0, 896], sizes = [1250, 128], strides = [1, 1]} : vector<1250x1024xf32> to vector<1250x128xf32>
    %convert_element_type3A_31 = arith.truncf %slice3A_30 : vector<1250x128xf32> to vector<1250x128xbf16>
    %dot_general3A_32 = arith.constant dense<0.000000e+00> : vector<1250x16xf32>
    %dot_general3A_33 = tpu.matmul %convert_element_type3A_31, %get3A_4, %dot_general3A_32 {dimension_numbers = #tpu.dot_dimension_numbers<[1], [0], [0], [1], [0, 0, 1, 1], [], []>, transpose_lhs_hint = false} : vector<1250x128xbf16>, vector<128x16xbf16>, vector<1250x16xf32> -> vector<1250x16xf32>
    %concatenate3A = tpu.concatenate %dot_general3A_5, %dot_general3A_9, %dot_general3A_13, %dot_general3A_17, %dot_general3A_21, %dot_general3A_25, %dot_general3A_29, %dot_general3A_33 in 1 : vector<1250x16xf32>, vector<1250x16xf32>, vector<1250x16xf32>, vector<1250x16xf32>, vector<1250x16xf32>, vector<1250x16xf32>, vector<1250x16xf32>, vector<1250x16xf32> -> vector<1250x128xf32>
    %get3A_34 = arith.constant 0 : index
    %get3A_35 = arith.constant 0 : index
    %get3A_36 = vector.load %arg2[%get3A_34, %get3A_35] : memref<1x128xf32, #tpu.memory_space<vmem>>, vector<1x128xf32>
    %add3A = vector.broadcast %get3A_36 : vector<1x128xf32> to vector<1250x128xf32>
    %add3A_37 = arith.addf %concatenate3A, %add3A : vector<1250x128xf32>
    %swap3A = arith.constant 0 : index
    %swap3A_38 = arith.constant 0 : index
    %swap3A_39 = vector.load %arg3[%swap3A, %swap3A_38] : memref<1250x128xf32, #tpu.memory_space<vmem>>, vector<1250x128xf32>
    tpu.vector_store %arg3[%swap3A, %swap3A_38], %add3A_37 {strides = array<i32>} : memref<1250x128xf32, #tpu.memory_space<vmem>>, vector<1250x128xf32>,
    return
  }
}

module attributes {stable_mosaic.version = 14 : i64} {
  func.func @_mlp_msg_body(%arg0: i32, %arg1: memref<800x128xf32, #tpu.memory_space<vmem>>, %arg2: memref<800x128xf32, #tpu.memory_space<vmem>>, %arg3: memref<16x64xbf16, #tpu.memory_space<vmem>>, %arg4: memref<1x512xf32, #tpu.memory_space<vmem>>, %arg5: memref<64x96xbf16, #tpu.memory_space<vmem>>, %arg6: memref<1x768xf32, #tpu.memory_space<vmem>>, %arg7: memref<96x256xbf16, #tpu.memory_space<vmem>>, %arg8: memref<1x2048xf32, #tpu.memory_space<vmem>>, %arg9: memref<128x2048xbf16, #tpu.memory_space<vmem>>, %arg10: memref<2048x128xbf16, #tpu.memory_space<vmem>>, %arg11: memref<800x768xbf16, #tpu.memory_space<vmem>>, %arg12: memref<800x128xf32, #tpu.memory_space<vmem>>) attributes {dimension_semantics = [#tpu.dimension_semantics<arbitrary>], iteration_bounds = array<i64: 50>, scalar_prefetch = 0 : i64, scratch_operands = 0 : i64, tpu.core_type = #tpu.core_type<tc>, window_params = [{transform_indices = @transform_0, window_bounds = array<i64: 800, 128>}, {transform_indices = @transform_1, window_bounds = array<i64: 800, 128>}, {pipeline_mode = #tpu.pipeline_mode<synchronous>, transform_indices = @transform_2, window_bounds = array<i64: 16, 64>}, {pipeline_mode = #tpu.pipeline_mode<synchronous>, transform_indices = @transform_3, window_bounds = array<i64: 1, 512>}, {pipeline_mode = #tpu.pipeline_mode<synchronous>, transform_indices = @transform_4, window_bounds = array<i64: 64, 96>}, {pipeline_mode = #tpu.pipeline_mode<synchronous>, transform_indices = @transform_5, window_bounds = array<i64: 1, 768>}, {pipeline_mode = #tpu.pipeline_mode<synchronous>, transform_indices = @transform_6, window_bounds = array<i64: 96, 256>}, {pipeline_mode = #tpu.pipeline_mode<synchronous>, transform_indices = @transform_7, window_bounds = array<i64: 1, 2048>}, {pipeline_mode = #tpu.pipeline_mode<synchronous>, transform_indices = @transform_8, window_bounds = array<i64: 128, 2048>}, {pipeline_mode = #tpu.pipeline_mode<synchronous>, transform_indices = @transform_9, window_bounds = array<i64: 2048, 128>}, {transform_indices = @transform_10, window_bounds = array<i64: 800, 768>}, {transform_indices = @transform_11, window_bounds = array<i64: 800, 128>}]} {
    %get3A = arith.constant 0 : index
    %get3A_0 = arith.constant 0 : index
    %get3A_1 = vector.load %arg1[%get3A, %get3A_0] : memref<800x128xf32, #tpu.memory_space<vmem>>, vector<800x128xf32>
    %get3A_2 = arith.constant 0 : index
    %get3A_3 = arith.constant 0 : index
    %get3A_4 = vector.load %arg3[%get3A_2, %get3A_3] : memref<16x64xbf16, #tpu.memory_space<vmem>>, vector<16x64xbf16>
    %slice3A = vector.extract_strided_slice %get3A_1 {offsets = [0, 0], sizes = [800, 16], strides = [1, 1]} : vector<800x128xf32> to vector<800x16xf32>
    %convert_element_type3A = arith.truncf %slice3A : vector<800x16xf32> to vector<800x16xbf16>
    %dot_general3A = arith.constant dense<0.000000e+00> : vector<800x64xf32>
    %dot_general3A_5 = tpu.matmul %convert_element_type3A, %get3A_4, %dot_general3A {dimension_numbers = #tpu.dot_dimension_numbers<[1], [0], [0], [1], [0, 0, 1, 1], [], []>, transpose_lhs_hint = false} : vector<800x16xbf16>, vector<16x64xbf16>, vector<800x64xf32> -> vector<800x64xf32>
    %slice3A_6 = vector.extract_strided_slice %get3A_1 {offsets = [0, 16], sizes = [800, 16], strides = [1, 1]} : vector<800x128xf32> to vector<800x16xf32>
    %convert_element_type3A_7 = arith.truncf %slice3A_6 : vector<800x16xf32> to vector<800x16xbf16>
    %dot_general3A_8 = arith.constant dense<0.000000e+00> : vector<800x64xf32>
    %dot_general3A_9 = tpu.matmul %convert_element_type3A_7, %get3A_4, %dot_general3A_8 {dimension_numbers = #tpu.dot_dimension_numbers<[1], [0], [0], [1], [0, 0, 1, 1], [], []>, transpose_lhs_hint = false} : vector<800x16xbf16>, vector<16x64xbf16>, vector<800x64xf32> -> vector<800x64xf32>
    %slice3A_10 = vector.extract_strided_slice %get3A_1 {offsets = [0, 32], sizes = [800, 16], strides = [1, 1]} : vector<800x128xf32> to vector<800x16xf32>
    %convert_element_type3A_11 = arith.truncf %slice3A_10 : vector<800x16xf32> to vector<800x16xbf16>
    %dot_general3A_12 = arith.constant dense<0.000000e+00> : vector<800x64xf32>
    %dot_general3A_13 = tpu.matmul %convert_element_type3A_11, %get3A_4, %dot_general3A_12 {dimension_numbers = #tpu.dot_dimension_numbers<[1], [0], [0], [1], [0, 0, 1, 1], [], []>, transpose_lhs_hint = false} : vector<800x16xbf16>, vector<16x64xbf16>, vector<800x64xf32> -> vector<800x64xf32>
    %slice3A_14 = vector.extract_strided_slice %get3A_1 {offsets = [0, 48], sizes = [800, 16], strides = [1, 1]} : vector<800x128xf32> to vector<800x16xf32>
    %convert_element_type3A_15 = arith.truncf %slice3A_14 : vector<800x16xf32> to vector<800x16xbf16>
    %dot_general3A_16 = arith.constant dense<0.000000e+00> : vector<800x64xf32>
    %dot_general3A_17 = tpu.matmul %convert_element_type3A_15, %get3A_4, %dot_general3A_16 {dimension_numbers = #tpu.dot_dimension_numbers<[1], [0], [0], [1], [0, 0, 1, 1], [], []>, transpose_lhs_hint = false} : vector<800x16xbf16>, vector<16x64xbf16>, vector<800x64xf32> -> vector<800x64xf32>
    %slice3A_18 = vector.extract_strided_slice %get3A_1 {offsets = [0, 64], sizes = [800, 16], strides = [1, 1]} : vector<800x128xf32> to vector<800x16xf32>
    %convert_element_type3A_19 = arith.truncf %slice3A_18 : vector<800x16xf32> to vector<800x16xbf16>
    %dot_general3A_20 = arith.constant dense<0.000000e+00> : vector<800x64xf32>
    %dot_general3A_21 = tpu.matmul %convert_element_type3A_19, %get3A_4, %dot_general3A_20 {dimension_numbers = #tpu.dot_dimension_numbers<[1], [0], [0], [1], [0, 0, 1, 1], [], []>, transpose_lhs_hint = false} : vector<800x16xbf16>, vector<16x64xbf16>, vector<800x64xf32> -> vector<800x64xf32>
    %slice3A_22 = vector.extract_strided_slice %get3A_1 {offsets = [0, 80], sizes = [800, 16], strides = [1, 1]} : vector<800x128xf32> to vector<800x16xf32>
    %convert_element_type3A_23 = arith.truncf %slice3A_22 : vector<800x16xf32> to vector<800x16xbf16>
    %dot_general3A_24 = arith.constant dense<0.000000e+00> : vector<800x64xf32>
    %dot_general3A_25 = tpu.matmul %convert_element_type3A_23, %get3A_4, %dot_general3A_24 {dimension_numbers = #tpu.dot_dimension_numbers<[1], [0], [0], [1], [0, 0, 1, 1], [], []>, transpose_lhs_hint = false} : vector<800x16xbf16>, vector<16x64xbf16>, vector<800x64xf32> -> vector<800x64xf32>
    %slice3A_26 = vector.extract_strided_slice %get3A_1 {offsets = [0, 96], sizes = [800, 16], strides = [1, 1]} : vector<800x128xf32> to vector<800x16xf32>
    %convert_element_type3A_27 = arith.truncf %slice3A_26 : vector<800x16xf32> to vector<800x16xbf16>
    %dot_general3A_28 = arith.constant dense<0.000000e+00> : vector<800x64xf32>
    %dot_general3A_29 = tpu.matmul %convert_element_type3A_27, %get3A_4, %dot_general3A_28 {dimension_numbers = #tpu.dot_dimension_numbers<[1], [0], [0], [1], [0, 0, 1, 1], [], []>, transpose_lhs_hint = false} : vector<800x16xbf16>, vector<16x64xbf16>, vector<800x64xf32> -> vector<800x64xf32>
    %slice3A_30 = vector.extract_strided_slice %get3A_1 {offsets = [0, 112], sizes = [800, 16], strides = [1, 1]} : vector<800x128xf32> to vector<800x16xf32>
    %convert_element_type3A_31 = arith.truncf %slice3A_30 : vector<800x16xf32> to vector<800x16xbf16>
    %dot_general3A_32 = arith.constant dense<0.000000e+00> : vector<800x64xf32>
    %dot_general3A_33 = tpu.matmul %convert_element_type3A_31, %get3A_4, %dot_general3A_32 {dimension_numbers = #tpu.dot_dimension_numbers<[1], [0], [0], [1], [0, 0, 1, 1], [], []>, transpose_lhs_hint = false} : vector<800x16xbf16>, vector<16x64xbf16>, vector<800x64xf32> -> vector<800x64xf32>
    %concatenate3A = tpu.concatenate %dot_general3A_5, %dot_general3A_9, %dot_general3A_13, %dot_general3A_17, %dot_general3A_21, %dot_general3A_25, %dot_general3A_29, %dot_general3A_33 in 1 : vector<800x64xf32>, vector<800x64xf32>, vector<800x64xf32>, vector<800x64xf32>, vector<800x64xf32>, vector<800x64xf32>, vector<800x64xf32>, vector<800x64xf32> -> vector<800x512xf32>
    %get3A_34 = arith.constant 0 : index
    %get3A_35 = arith.constant 0 : index
    %get3A_36 = vector.load %arg4[%get3A_34, %get3A_35] : memref<1x512xf32, #tpu.memory_space<vmem>>, vector<1x512xf32>
    %add3A = vector.broadcast %get3A_36 : vector<1x512xf32> to vector<800x512xf32>
    %add3A_37 = arith.addf %concatenate3A, %add3A : vector<800x512xf32>
    %max3A = arith.constant 0.000000e+00 : f32
    %max3A_38 = vector.broadcast %max3A : f32 to vector<800x512xf32>
    %max3A_39 = arith.maximumf %add3A_37, %max3A_38 : vector<800x512xf32>
    %get3A_40 = arith.constant 0 : index
    %get3A_41 = arith.constant 0 : index
    %get3A_42 = vector.load %arg5[%get3A_40, %get3A_41] : memref<64x96xbf16, #tpu.memory_space<vmem>>, vector<64x96xbf16>
    %slice3A_43 = vector.extract_strided_slice %max3A_39 {offsets = [0, 0], sizes = [800, 64], strides = [1, 1]} : vector<800x512xf32> to vector<800x64xf32>
    %convert_element_type3A_44 = arith.truncf %slice3A_43 : vector<800x64xf32> to vector<800x64xbf16>
    %dot_general3A_45 = arith.constant dense<0.000000e+00> : vector<800x96xf32>
    %dot_general3A_46 = tpu.matmul %convert_element_type3A_44, %get3A_42, %dot_general3A_45 {dimension_numbers = #tpu.dot_dimension_numbers<[1], [0], [0], [1], [0, 0, 1, 1], [], []>, transpose_lhs_hint = false} : vector<800x64xbf16>, vector<64x96xbf16>, vector<800x96xf32> -> vector<800x96xf32>
    %slice3A_47 = vector.extract_strided_slice %max3A_39 {offsets = [0, 64], sizes = [800, 64], strides = [1, 1]} : vector<800x512xf32> to vector<800x64xf32>
    %convert_element_type3A_48 = arith.truncf %slice3A_47 : vector<800x64xf32> to vector<800x64xbf16>
    %dot_general3A_49 = arith.constant dense<0.000000e+00> : vector<800x96xf32>
    %dot_general3A_50 = tpu.matmul %convert_element_type3A_48, %get3A_42, %dot_general3A_49 {dimension_numbers = #tpu.dot_dimension_numbers<[1], [0], [0], [1], [0, 0, 1, 1], [], []>, transpose_lhs_hint = false} : vector<800x64xbf16>, vector<64x96xbf16>, vector<800x96xf32> -> vector<800x96xf32>
    %slice3A_51 = vector.extract_strided_slice %max3A_39 {offsets = [0, 128], sizes = [800, 64], strides = [1, 1]} : vector<800x512xf32> to vector<800x64xf32>
    %convert_element_type3A_52 = arith.truncf %slice3A_51 : vector<800x64xf32> to vector<800x64xbf16>
    %dot_general3A_53 = arith.constant dense<0.000000e+00> : vector<800x96xf32>
    %dot_general3A_54 = tpu.matmul %convert_element_type3A_52, %get3A_42, %dot_general3A_53 {dimension_numbers = #tpu.dot_dimension_numbers<[1], [0], [0], [1], [0, 0, 1, 1], [], []>, transpose_lhs_hint = false} : vector<800x64xbf16>, vector<64x96xbf16>, vector<800x96xf32> -> vector<800x96xf32>
    %slice3A_55 = vector.extract_strided_slice %max3A_39 {offsets = [0, 192], sizes = [800, 64], strides = [1, 1]} : vector<800x512xf32> to vector<800x64xf32>
    %convert_element_type3A_56 = arith.truncf %slice3A_55 : vector<800x64xf32> to vector<800x64xbf16>
    %dot_general3A_57 = arith.constant dense<0.000000e+00> : vector<800x96xf32>
    %dot_general3A_58 = tpu.matmul %convert_element_type3A_56, %get3A_42, %dot_general3A_57 {dimension_numbers = #tpu.dot_dimension_numbers<[1], [0], [0], [1], [0, 0, 1, 1], [], []>, transpose_lhs_hint = false} : vector<800x64xbf16>, vector<64x96xbf16>, vector<800x96xf32> -> vector<800x96xf32>
    %slice3A_59 = vector.extract_strided_slice %max3A_39 {offsets = [0, 256], sizes = [800, 64], strides = [1, 1]} : vector<800x512xf32> to vector<800x64xf32>
    %convert_element_type3A_60 = arith.truncf %slice3A_59 : vector<800x64xf32> to vector<800x64xbf16>
    %dot_general3A_61 = arith.constant dense<0.000000e+00> : vector<800x96xf32>
    %dot_general3A_62 = tpu.matmul %convert_element_type3A_60, %get3A_42, %dot_general3A_61 {dimension_numbers = #tpu.dot_dimension_numbers<[1], [0], [0], [1], [0, 0, 1, 1], [], []>, transpose_lhs_hint = false} : vector<800x64xbf16>, vector<64x96xbf16>, vector<800x96xf32> -> vector<800x96xf32>
    %slice3A_63 = vector.extract_strided_slice %max3A_39 {offsets = [0, 320], sizes = [800, 64], strides = [1, 1]} : vector<800x512xf32> to vector<800x64xf32>
    %convert_element_type3A_64 = arith.truncf %slice3A_63 : vector<800x64xf32> to vector<800x64xbf16>
    %dot_general3A_65 = arith.constant dense<0.000000e+00> : vector<800x96xf32>
    %dot_general3A_66 = tpu.matmul %convert_element_type3A_64, %get3A_42, %dot_general3A_65 {dimension_numbers = #tpu.dot_dimension_numbers<[1], [0], [0], [1], [0, 0, 1, 1], [], []>, transpose_lhs_hint = false} : vector<800x64xbf16>, vector<64x96xbf16>, vector<800x96xf32> -> vector<800x96xf32>
    %slice3A_67 = vector.extract_strided_slice %max3A_39 {offsets = [0, 384], sizes = [800, 64], strides = [1, 1]} : vector<800x512xf32> to vector<800x64xf32>
    %convert_element_type3A_68 = arith.truncf %slice3A_67 : vector<800x64xf32> to vector<800x64xbf16>
    %dot_general3A_69 = arith.constant dense<0.000000e+00> : vector<800x96xf32>
    %dot_general3A_70 = tpu.matmul %convert_element_type3A_68, %get3A_42, %dot_general3A_69 {dimension_numbers = #tpu.dot_dimension_numbers<[1], [0], [0], [1], [0, 0, 1, 1], [], []>, transpose_lhs_hint = false} : vector<800x64xbf16>, vector<64x96xbf16>, vector<800x96xf32> -> vector<800x96xf32>
    %slice3A_71 = vector.extract_strided_slice %max3A_39 {offsets = [0, 448], sizes = [800, 64], strides = [1, 1]} : vector<800x512xf32> to vector<800x64xf32>
    %convert_element_type3A_72 = arith.truncf %slice3A_71 : vector<800x64xf32> to vector<800x64xbf16>
    %dot_general3A_73 = arith.constant dense<0.000000e+00> : vector<800x96xf32>
    %dot_general3A_74 = tpu.matmul %convert_element_type3A_72, %get3A_42, %dot_general3A_73 {dimension_numbers = #tpu.dot_dimension_numbers<[1], [0], [0], [1], [0, 0, 1, 1], [], []>, transpose_lhs_hint = false} : vector<800x64xbf16>, vector<64x96xbf16>, vector<800x96xf32> -> vector<800x96xf32>
    %concatenate3A_75 = tpu.concatenate %dot_general3A_46, %dot_general3A_50, %dot_general3A_54, %dot_general3A_58, %dot_general3A_62, %dot_general3A_66, %dot_general3A_70, %dot_general3A_74 in 1 : vector<800x96xf32>, vector<800x96xf32>, vector<800x96xf32>, vector<800x96xf32>, vector<800x96xf32>, vector<800x96xf32>, vector<800x96xf32>, vector<800x96xf32> -> vector<800x768xf32>
    %get3A_76 = arith.constant 0 : index
    %get3A_77 = arith.constant 0 : index
    %get3A_78 = vector.load %arg6[%get3A_76, %get3A_77] : memref<1x768xf32, #tpu.memory_space<vmem>>, vector<1x768xf32>
    %add3A_79 = vector.broadcast %get3A_78 : vector<1x768xf32> to vector<800x768xf32>
    %add3A_80 = arith.addf %concatenate3A_75, %add3A_79 : vector<800x768xf32>
    %max3A_81 = arith.constant 0.000000e+00 : f32
    %max3A_82 = vector.broadcast %max3A_81 : f32 to vector<800x768xf32>
    %max3A_83 = arith.maximumf %add3A_80, %max3A_82 : vector<800x768xf32>
    %convert_element_type3A_84 = arith.truncf %max3A_83 : vector<800x768xf32> to vector<800x768xbf16>
    %swap3A = arith.constant 0 : index
    %swap3A_85 = arith.constant 0 : index
    %swap3A_86 = vector.load %arg11[%swap3A, %swap3A_85] : memref<800x768xbf16, #tpu.memory_space<vmem>>, vector<800x768xbf16>
    tpu.vector_store %arg11[%swap3A, %swap3A_85], %convert_element_type3A_84 {strides = array<i32>} : memref<800x768xbf16, #tpu.memory_space<vmem>>, vector<800x768xbf16>,
    %slice3A_87 = vector.extract_strided_slice %convert_element_type3A_84 {offsets = [0, 0], sizes = [800, 96], strides = [1, 1]} : vector<800x768xbf16> to vector<800x96xbf16>
    %get3A_88 = arith.constant 0 : index
    %get3A_89 = arith.constant 0 : index
    %get3A_90 = vector.load %arg7[%get3A_88, %get3A_89] : memref<96x256xbf16, #tpu.memory_space<vmem>>, vector<96x256xbf16>
    %dot_general3A_91 = arith.constant dense<0.000000e+00> : vector<800x256xf32>
    %dot_general3A_92 = tpu.matmul %slice3A_87, %get3A_90, %dot_general3A_91 {dimension_numbers = #tpu.dot_dimension_numbers<[1], [0], [0], [1], [0, 0, 1, 1], [], []>, transpose_lhs_hint = false} : vector<800x96xbf16>, vector<96x256xbf16>, vector<800x256xf32> -> vector<800x256xf32>
    %slice3A_93 = vector.extract_strided_slice %convert_element_type3A_84 {offsets = [0, 96], sizes = [800, 96], strides = [1, 1]} : vector<800x768xbf16> to vector<800x96xbf16>
    %get3A_94 = arith.constant 0 : index
    %get3A_95 = arith.constant 0 : index
    %get3A_96 = vector.load %arg7[%get3A_94, %get3A_95] : memref<96x256xbf16, #tpu.memory_space<vmem>>, vector<96x256xbf16>
    %dot_general3A_97 = arith.constant dense<0.000000e+00> : vector<800x256xf32>
    %dot_general3A_98 = tpu.matmul %slice3A_93, %get3A_96, %dot_general3A_97 {dimension_numbers = #tpu.dot_dimension_numbers<[1], [0], [0], [1], [0, 0, 1, 1], [], []>, transpose_lhs_hint = false} : vector<800x96xbf16>, vector<96x256xbf16>, vector<800x256xf32> -> vector<800x256xf32>
    %slice3A_99 = vector.extract_strided_slice %convert_element_type3A_84 {offsets = [0, 192], sizes = [800, 96], strides = [1, 1]} : vector<800x768xbf16> to vector<800x96xbf16>
    %get3A_100 = arith.constant 0 : index
    %get3A_101 = arith.constant 0 : index
    %get3A_102 = vector.load %arg7[%get3A_100, %get3A_101] : memref<96x256xbf16, #tpu.memory_space<vmem>>, vector<96x256xbf16>
    %dot_general3A_103 = arith.constant dense<0.000000e+00> : vector<800x256xf32>
    %dot_general3A_104 = tpu.matmul %slice3A_99, %get3A_102, %dot_general3A_103 {dimension_numbers = #tpu.dot_dimension_numbers<[1], [0], [0], [1], [0, 0, 1, 1], [], []>, transpose_lhs_hint = false} : vector<800x96xbf16>, vector<96x256xbf16>, vector<800x256xf32> -> vector<800x256xf32>
    %slice3A_105 = vector.extract_strided_slice %convert_element_type3A_84 {offsets = [0, 288], sizes = [800, 96], strides = [1, 1]} : vector<800x768xbf16> to vector<800x96xbf16>
    %get3A_106 = arith.constant 0 : index
    %get3A_107 = arith.constant 0 : index
    %get3A_108 = vector.load %arg7[%get3A_106, %get3A_107] : memref<96x256xbf16, #tpu.memory_space<vmem>>, vector<96x256xbf16>
    %dot_general3A_109 = arith.constant dense<0.000000e+00> : vector<800x256xf32>
    %dot_general3A_110 = tpu.matmul %slice3A_105, %get3A_108, %dot_general3A_109 {dimension_numbers = #tpu.dot_dimension_numbers<[1], [0], [0], [1], [0, 0, 1, 1], [], []>, transpose_lhs_hint = false} : vector<800x96xbf16>, vector<96x256xbf16>, vector<800x256xf32> -> vector<800x256xf32>
    %slice3A_111 = vector.extract_strided_slice %convert_element_type3A_84 {offsets = [0, 384], sizes = [800, 96], strides = [1, 1]} : vector<800x768xbf16> to vector<800x96xbf16>
    %get3A_112 = arith.constant 0 : index
    %get3A_113 = arith.constant 0 : index
    %get3A_114 = vector.load %arg7[%get3A_112, %get3A_113] : memref<96x256xbf16, #tpu.memory_space<vmem>>, vector<96x256xbf16>
    %dot_general3A_115 = arith.constant dense<0.000000e+00> : vector<800x256xf32>
    %dot_general3A_116 = tpu.matmul %slice3A_111, %get3A_114, %dot_general3A_115 {dimension_numbers = #tpu.dot_dimension_numbers<[1], [0], [0], [1], [0, 0, 1, 1], [], []>, transpose_lhs_hint = false} : vector<800x96xbf16>, vector<96x256xbf16>, vector<800x256xf32> -> vector<800x256xf32>
    %slice3A_117 = vector.extract_strided_slice %convert_element_type3A_84 {offsets = [0, 480], sizes = [800, 96], strides = [1, 1]} : vector<800x768xbf16> to vector<800x96xbf16>
    %get3A_118 = arith.constant 0 : index
    %get3A_119 = arith.constant 0 : index
    %get3A_120 = vector.load %arg7[%get3A_118, %get3A_119] : memref<96x256xbf16, #tpu.memory_space<vmem>>, vector<96x256xbf16>
    %dot_general3A_121 = arith.constant dense<0.000000e+00> : vector<800x256xf32>
    %dot_general3A_122 = tpu.matmul %slice3A_117, %get3A_120, %dot_general3A_121 {dimension_numbers = #tpu.dot_dimension_numbers<[1], [0], [0], [1], [0, 0, 1, 1], [], []>, transpose_lhs_hint = false} : vector<800x96xbf16>, vector<96x256xbf16>, vector<800x256xf32> -> vector<800x256xf32>
    %slice3A_123 = vector.extract_strided_slice %convert_element_type3A_84 {offsets = [0, 576], sizes = [800, 96], strides = [1, 1]} : vector<800x768xbf16> to vector<800x96xbf16>
    %get3A_124 = arith.constant 0 : index
    %get3A_125 = arith.constant 0 : index
    %get3A_126 = vector.load %arg7[%get3A_124, %get3A_125] : memref<96x256xbf16, #tpu.memory_space<vmem>>, vector<96x256xbf16>
    %dot_general3A_127 = arith.constant dense<0.000000e+00> : vector<800x256xf32>
    %dot_general3A_128 = tpu.matmul %slice3A_123, %get3A_126, %dot_general3A_127 {dimension_numbers = #tpu.dot_dimension_numbers<[1], [0], [0], [1], [0, 0, 1, 1], [], []>, transpose_lhs_hint = false} : vector<800x96xbf16>, vector<96x256xbf16>, vector<800x256xf32> -> vector<800x256xf32>
    %slice3A_129 = vector.extract_strided_slice %convert_element_type3A_84 {offsets = [0, 672], sizes = [800, 96], strides = [1, 1]} : vector<800x768xbf16> to vector<800x96xbf16>
    %get3A_130 = arith.constant 0 : index
    %get3A_131 = arith.constant 0 : index
    %get3A_132 = vector.load %arg7[%get3A_130, %get3A_131] : memref<96x256xbf16, #tpu.memory_space<vmem>>, vector<96x256xbf16>
    %dot_general3A_133 = arith.constant dense<0.000000e+00> : vector<800x256xf32>
    %dot_general3A_134 = tpu.matmul %slice3A_129, %get3A_132, %dot_general3A_133 {dimension_numbers = #tpu.dot_dimension_numbers<[1], [0], [0], [1], [0, 0, 1, 1], [], []>, transpose_lhs_hint = false} : vector<800x96xbf16>, vector<96x256xbf16>, vector<800x256xf32> -> vector<800x256xf32>
    %concatenate3A_135 = tpu.concatenate %dot_general3A_92, %dot_general3A_98, %dot_general3A_104, %dot_general3A_110, %dot_general3A_116, %dot_general3A_122, %dot_general3A_128, %dot_general3A_134 in 1 : vector<800x256xf32>, vector<800x256xf32>, vector<800x256xf32>, vector<800x256xf32>, vector<800x256xf32>, vector<800x256xf32>, vector<800x256xf32>, vector<800x256xf32> -> vector<800x2048xf32>
    %get3A_136 = arith.constant 0 : index
    %get3A_137 = arith.constant 0 : index
    %get3A_138 = vector.load %arg8[%get3A_136, %get3A_137] : memref<1x2048xf32, #tpu.memory_space<vmem>>, vector<1x2048xf32>
    %add3A_139 = vector.broadcast %get3A_138 : vector<1x2048xf32> to vector<800x2048xf32>
    %add3A_140 = arith.addf %concatenate3A_135, %add3A_139 : vector<800x2048xf32>
    %get3A_141 = arith.constant 0 : index
    %get3A_142 = arith.constant 0 : index
    %get3A_143 = vector.load %arg2[%get3A_141, %get3A_142] : memref<800x128xf32, #tpu.memory_space<vmem>>, vector<800x128xf32>
    %get3A_144 = arith.constant 0 : index
    %get3A_145 = arith.constant 0 : index
    %get3A_146 = vector.load %arg9[%get3A_144, %get3A_145] : memref<128x2048xbf16, #tpu.memory_space<vmem>>, vector<128x2048xbf16>
    %convert_element_type3A_147 = arith.truncf %get3A_143 : vector<800x128xf32> to vector<800x128xbf16>
    %convert_element_type3A_148 = arith.extf %convert_element_type3A_147 : vector<800x128xbf16> to vector<800x128xf32>
    %sub3A = arith.subf %get3A_143, %convert_element_type3A_148 : vector<800x128xf32>
    %convert_element_type3A_149 = arith.truncf %sub3A : vector<800x128xf32> to vector<800x128xbf16>
    %dot_general3A_150 = arith.constant dense<0.000000e+00> : vector<800x2048xf32>
    %dot_general3A_151 = tpu.matmul %convert_element_type3A_147, %get3A_146, %dot_general3A_150 {dimension_numbers = #tpu.dot_dimension_numbers<[1], [0], [0], [1], [0, 0, 1, 1], [], []>, transpose_lhs_hint = false} : vector<800x128xbf16>, vector<128x2048xbf16>, vector<800x2048xf32> -> vector<800x2048xf32>
    %dot_general3A_152 = arith.constant dense<0.000000e+00> : vector<800x2048xf32>
    %dot_general3A_153 = tpu.matmul %convert_element_type3A_149, %get3A_146, %dot_general3A_152 {dimension_numbers = #tpu.dot_dimension_numbers<[1], [0], [0], [1], [0, 0, 1, 1], [], []>, transpose_lhs_hint = false} : vector<800x128xbf16>, vector<128x2048xbf16>, vector<800x2048xf32> -> vector<800x2048xf32>
    %add3A_154 = arith.addf %dot_general3A_151, %dot_general3A_153 : vector<800x2048xf32>
    %mul3A = arith.mulf %add3A_154, %add3A_140 : vector<800x2048xf32>
    %get3A_155 = arith.constant 0 : index
    %get3A_156 = arith.constant 0 : index
    %get3A_157 = vector.load %arg10[%get3A_155, %get3A_156] : memref<2048x128xbf16, #tpu.memory_space<vmem>>, vector<2048x128xbf16>
    %convert_element_type3A_158 = arith.truncf %mul3A : vector<800x2048xf32> to vector<800x2048xbf16>
    %convert_element_type3A_159 = arith.extf %convert_element_type3A_158 : vector<800x2048xbf16> to vector<800x2048xf32>
    %sub3A_160 = arith.subf %mul3A, %convert_element_type3A_159 : vector<800x2048xf32>
    %convert_element_type3A_161 = arith.truncf %sub3A_160 : vector<800x2048xf32> to vector<800x2048xbf16>
    %dot_general3A_162 = arith.constant dense<0.000000e+00> : vector<800x128xf32>
    %dot_general3A_163 = tpu.matmul %convert_element_type3A_158, %get3A_157, %dot_general3A_162 {dimension_numbers = #tpu.dot_dimension_numbers<[1], [0], [0], [1], [0, 0, 1, 1], [], []>, transpose_lhs_hint = false} : vector<800x2048xbf16>, vector<2048x128xbf16>, vector<800x128xf32> -> vector<800x128xf32>
    %dot_general3A_164 = arith.constant dense<0.000000e+00> : vector<800x128xf32>
    %dot_general3A_165 = tpu.matmul %convert_element_type3A_161, %get3A_157, %dot_general3A_164 {dimension_numbers = #tpu.dot_dimension_numbers<[1], [0], [0], [1], [0, 0, 1, 1], [], []>, transpose_lhs_hint = false} : vector<800x2048xbf16>, vector<2048x128xbf16>, vector<800x128xf32> -> vector<800x128xf32>
    %add3A_166 = arith.addf %dot_general3A_163, %dot_general3A_165 : vector<800x128xf32>
    %swap3A_167 = arith.constant 0 : index
    %swap3A_168 = arith.constant 0 : index
    %swap3A_169 = vector.load %arg12[%swap3A_167, %swap3A_168] : memref<800x128xf32, #tpu.memory_space<vmem>>, vector<800x128xf32>
    tpu.vector_store %arg12[%swap3A_167, %swap3A_168], %add3A_166 {strides = array<i32>} : memref<800x128xf32, #tpu.memory_space<vmem>>, vector<800x128xf32>,
    return
  }
  func.func @transform_0(%arg0: i32) -> (i32, i32) {
    %c0_i32 = arith.constant 0 : i32
    %c0_i32_0 = arith.constant 0 : i32
    return %arg0, %c0_i32 : i32, i32
  }
  func.func @transform_1(%arg0: i32) -> (i32, i32) {
    %c0_i32 = arith.constant 0 : i32
    %c0_i32_0 = arith.constant 0 : i32
    return %arg0, %c0_i32 : i32, i32
  }
  func.func @transform_2(%arg0: i32) -> (i32, i32) {
    %c0_i32 = arith.constant 0 : i32
    %c0_i32_0 = arith.constant 0 : i32
    %c0_i32_1 = arith.constant 0 : i32
    return %c0_i32, %c0_i32_0 : i32, i32
  }
  func.func @transform_3(%arg0: i32) -> (i32, i32) {
    %c0_i32 = arith.constant 0 : i32
    %c0_i32_0 = arith.constant 0 : i32
    %c0_i32_1 = arith.constant 0 : i32
    return %c0_i32, %c0_i32_0 : i32, i32
  }
  func.func @transform_4(%arg0: i32) -> (i32, i32) {
    %c0_i32 = arith.constant 0 : i32
    %c0_i32_0 = arith.constant 0 : i32
    %c0_i32_1 = arith.constant 0 : i32
    return %c0_i32, %c0_i32_0 : i32, i32
  }
  func.func @transform_5(%arg0: i32) -> (i32, i32) {
    %c0_i32 = arith.constant 0 : i32
    %c0_i32_0 = arith.constant 0 : i32
    %c0_i32_1 = arith.constant 0 : i32
    return %c0_i32, %c0_i32_0 : i32, i32
  }
  func.func @transform_6(%arg0: i32) -> (i32, i32) {
    %c0_i32 = arith.constant 0 : i32
    %c0_i32_0 = arith.constant 0 : i32
    %c0_i32_1 = arith.constant 0 : i32
    return %c0_i32, %c0_i32_0 : i32, i32
  }
  func.func @transform_7(%arg0: i32) -> (i32, i32) {
    %c0_i32 = arith.constant 0 : i32
    %c0_i32_0 = arith.constant 0 : i32
    %c0_i32_1 = arith.constant 0 : i32
    return %c0_i32, %c0_i32_0 : i32, i32
  }
  func.func @transform_8(%arg0: i32) -> (i32, i32) {
    %c0_i32 = arith.constant 0 : i32
    %c0_i32_0 = arith.constant 0 : i32
    %c0_i32_1 = arith.constant 0 : i32
    return %c0_i32, %c0_i32_0 : i32, i32
  }
  func.func @transform_9(%arg0: i32) -> (i32, i32) {
    %c0_i32 = arith.constant 0 : i32
    %c0_i32_0 = arith.constant 0 : i32
    %c0_i32_1 = arith.constant 0 : i32
    return %c0_i32, %c0_i32_0 : i32, i32
  }
  func.func @transform_10(%arg0: i32) -> (i32, i32) {
    %c0_i32 = arith.constant 0 : i32
    %c0_i32_0 = arith.constant 0 : i32
    return %arg0, %c0_i32 : i32, i32
  }
  func.func @transform_11(%arg0: i32) -> (i32, i32) {
    %c0_i32 = arith.constant 0 : i32
    %c0_i32_0 = arith.constant 0 : i32
    return %arg0, %c0_i32 : i32, i32
  }
}

module attributes {stable_mosaic.version = 14 : i64} {
  func.func @_update_body(%arg0: memref<2x1250x128xf32, #tpu.memory_space<vmem>>, %arg1: memref<2x1250x128xf32, #tpu.memory_space<vmem>>, %arg2: memref<1250x128xf32, #tpu.memory_space<vmem>>, %arg3: memref<16x16xbf16, #tpu.memory_space<vmem>>, %arg4: memref<1x128xf32, #tpu.memory_space<vmem>>, %arg5: memref<1250x128xf32, #tpu.memory_space<vmem>>) attributes {dimension_semantics = [], scalar_prefetch = 0 : i64, scratch_operands = 0 : i64, tpu.core_type = #tpu.core_type<tc>} {
    %get3A = arith.constant 0 : index
    %get3A_0 = arith.constant 0 : index
    %get3A_1 = arith.constant 0 : index
    %get3A_2 = vector.load %arg1[%get3A, %get3A_0, %get3A_1] : memref<2x1250x128xf32, #tpu.memory_space<vmem>>, vector<1x1250x128xf32>
    %get3A_3 = vector.shape_cast %get3A_2 : vector<1x1250x128xf32> to vector<1250x128xf32>
    %get3A_4 = arith.constant 1 : index
    %get3A_5 = arith.constant 0 : index
    %get3A_6 = arith.constant 0 : index
    %get3A_7 = vector.load %arg1[%get3A_4, %get3A_5, %get3A_6] : memref<2x1250x128xf32, #tpu.memory_space<vmem>>, vector<1x1250x128xf32>
    %get3A_8 = vector.shape_cast %get3A_7 : vector<1x1250x128xf32> to vector<1250x128xf32>
    %add3A = arith.addf %get3A_3, %get3A_8 : vector<1250x128xf32>
    %max3A = arith.constant 1.000000e+00 : f32
    %max3A_9 = vector.broadcast %max3A : f32 to vector<1250x128xf32>
    %max3A_10 = arith.maximumf %add3A, %max3A_9 : vector<1250x128xf32>
    %get3A_11 = arith.constant 0 : index
    %get3A_12 = arith.constant 0 : index
    %get3A_13 = arith.constant 0 : index
    %get3A_14 = vector.load %arg0[%get3A_11, %get3A_12, %get3A_13] : memref<2x1250x128xf32, #tpu.memory_space<vmem>>, vector<1x1250x128xf32>
    %get3A_15 = vector.shape_cast %get3A_14 : vector<1x1250x128xf32> to vector<1250x128xf32>
    %get3A_16 = arith.constant 1 : index
    %get3A_17 = arith.constant 0 : index
    %get3A_18 = arith.constant 0 : index
    %get3A_19 = vector.load %arg0[%get3A_16, %get3A_17, %get3A_18] : memref<2x1250x128xf32, #tpu.memory_space<vmem>>, vector<1x1250x128xf32>
    %get3A_20 = vector.shape_cast %get3A_19 : vector<1x1250x128xf32> to vector<1250x128xf32>
    %add3A_21 = arith.addf %get3A_15, %get3A_20 : vector<1250x128xf32>
    %div3A = arith.divf %add3A_21, %max3A_10 : vector<1250x128xf32>
    %get3A_22 = arith.constant 0 : index
    %get3A_23 = arith.constant 0 : index
    %get3A_24 = vector.load %arg2[%get3A_22, %get3A_23] : memref<1250x128xf32, #tpu.memory_space<vmem>>, vector<1250x128xf32>
    %get3A_25 = arith.constant 0 : index
    %get3A_26 = arith.constant 0 : index
    %get3A_27 = vector.load %arg3[%get3A_25, %get3A_26] : memref<16x16xbf16, #tpu.memory_space<vmem>>, vector<16x16xbf16>
    %slice3A = vector.extract_strided_slice %get3A_24 {offsets = [0, 0], sizes = [1250, 16], strides = [1, 1]} : vector<1250x128xf32> to vector<1250x16xf32>
    %convert_element_type3A = arith.truncf %slice3A : vector<1250x16xf32> to vector<1250x16xbf16>
    %dot_general3A = arith.constant dense<0.000000e+00> : vector<1250x16xf32>
    %dot_general3A_28 = tpu.matmul %convert_element_type3A, %get3A_27, %dot_general3A {dimension_numbers = #tpu.dot_dimension_numbers<[1], [0], [0], [1], [0, 0, 1, 1], [], []>, transpose_lhs_hint = false} : vector<1250x16xbf16>, vector<16x16xbf16>, vector<1250x16xf32> -> vector<1250x16xf32>
    %slice3A_29 = vector.extract_strided_slice %get3A_24 {offsets = [0, 16], sizes = [1250, 16], strides = [1, 1]} : vector<1250x128xf32> to vector<1250x16xf32>
    %convert_element_type3A_30 = arith.truncf %slice3A_29 : vector<1250x16xf32> to vector<1250x16xbf16>
    %dot_general3A_31 = arith.constant dense<0.000000e+00> : vector<1250x16xf32>
    %dot_general3A_32 = tpu.matmul %convert_element_type3A_30, %get3A_27, %dot_general3A_31 {dimension_numbers = #tpu.dot_dimension_numbers<[1], [0], [0], [1], [0, 0, 1, 1], [], []>, transpose_lhs_hint = false} : vector<1250x16xbf16>, vector<16x16xbf16>, vector<1250x16xf32> -> vector<1250x16xf32>
    %slice3A_33 = vector.extract_strided_slice %get3A_24 {offsets = [0, 32], sizes = [1250, 16], strides = [1, 1]} : vector<1250x128xf32> to vector<1250x16xf32>
    %convert_element_type3A_34 = arith.truncf %slice3A_33 : vector<1250x16xf32> to vector<1250x16xbf16>
    %dot_general3A_35 = arith.constant dense<0.000000e+00> : vector<1250x16xf32>
    %dot_general3A_36 = tpu.matmul %convert_element_type3A_34, %get3A_27, %dot_general3A_35 {dimension_numbers = #tpu.dot_dimension_numbers<[1], [0], [0], [1], [0, 0, 1, 1], [], []>, transpose_lhs_hint = false} : vector<1250x16xbf16>, vector<16x16xbf16>, vector<1250x16xf32> -> vector<1250x16xf32>
    %slice3A_37 = vector.extract_strided_slice %get3A_24 {offsets = [0, 48], sizes = [1250, 16], strides = [1, 1]} : vector<1250x128xf32> to vector<1250x16xf32>
    %convert_element_type3A_38 = arith.truncf %slice3A_37 : vector<1250x16xf32> to vector<1250x16xbf16>
    %dot_general3A_39 = arith.constant dense<0.000000e+00> : vector<1250x16xf32>
    %dot_general3A_40 = tpu.matmul %convert_element_type3A_38, %get3A_27, %dot_general3A_39 {dimension_numbers = #tpu.dot_dimension_numbers<[1], [0], [0], [1], [0, 0, 1, 1], [], []>, transpose_lhs_hint = false} : vector<1250x16xbf16>, vector<16x16xbf16>, vector<1250x16xf32> -> vector<1250x16xf32>
    %slice3A_41 = vector.extract_strided_slice %get3A_24 {offsets = [0, 64], sizes = [1250, 16], strides = [1, 1]} : vector<1250x128xf32> to vector<1250x16xf32>
    %convert_element_type3A_42 = arith.truncf %slice3A_41 : vector<1250x16xf32> to vector<1250x16xbf16>
    %dot_general3A_43 = arith.constant dense<0.000000e+00> : vector<1250x16xf32>
    %dot_general3A_44 = tpu.matmul %convert_element_type3A_42, %get3A_27, %dot_general3A_43 {dimension_numbers = #tpu.dot_dimension_numbers<[1], [0], [0], [1], [0, 0, 1, 1], [], []>, transpose_lhs_hint = false} : vector<1250x16xbf16>, vector<16x16xbf16>, vector<1250x16xf32> -> vector<1250x16xf32>
    %slice3A_45 = vector.extract_strided_slice %get3A_24 {offsets = [0, 80], sizes = [1250, 16], strides = [1, 1]} : vector<1250x128xf32> to vector<1250x16xf32>
    %convert_element_type3A_46 = arith.truncf %slice3A_45 : vector<1250x16xf32> to vector<1250x16xbf16>
    %dot_general3A_47 = arith.constant dense<0.000000e+00> : vector<1250x16xf32>
    %dot_general3A_48 = tpu.matmul %convert_element_type3A_46, %get3A_27, %dot_general3A_47 {dimension_numbers = #tpu.dot_dimension_numbers<[1], [0], [0], [1], [0, 0, 1, 1], [], []>, transpose_lhs_hint = false} : vector<1250x16xbf16>, vector<16x16xbf16>, vector<1250x16xf32> -> vector<1250x16xf32>
    %slice3A_49 = vector.extract_strided_slice %get3A_24 {offsets = [0, 96], sizes = [1250, 16], strides = [1, 1]} : vector<1250x128xf32> to vector<1250x16xf32>
    %convert_element_type3A_50 = arith.truncf %slice3A_49 : vector<1250x16xf32> to vector<1250x16xbf16>
    %dot_general3A_51 = arith.constant dense<0.000000e+00> : vector<1250x16xf32>
    %dot_general3A_52 = tpu.matmul %convert_element_type3A_50, %get3A_27, %dot_general3A_51 {dimension_numbers = #tpu.dot_dimension_numbers<[1], [0], [0], [1], [0, 0, 1, 1], [], []>, transpose_lhs_hint = false} : vector<1250x16xbf16>, vector<16x16xbf16>, vector<1250x16xf32> -> vector<1250x16xf32>
    %slice3A_53 = vector.extract_strided_slice %get3A_24 {offsets = [0, 112], sizes = [1250, 16], strides = [1, 1]} : vector<1250x128xf32> to vector<1250x16xf32>
    %convert_element_type3A_54 = arith.truncf %slice3A_53 : vector<1250x16xf32> to vector<1250x16xbf16>
    %dot_general3A_55 = arith.constant dense<0.000000e+00> : vector<1250x16xf32>
    %dot_general3A_56 = tpu.matmul %convert_element_type3A_54, %get3A_27, %dot_general3A_55 {dimension_numbers = #tpu.dot_dimension_numbers<[1], [0], [0], [1], [0, 0, 1, 1], [], []>, transpose_lhs_hint = false} : vector<1250x16xbf16>, vector<16x16xbf16>, vector<1250x16xf32> -> vector<1250x16xf32>
    %concatenate3A = tpu.concatenate %dot_general3A_28, %dot_general3A_32, %dot_general3A_36, %dot_general3A_40, %dot_general3A_44, %dot_general3A_48, %dot_general3A_52, %dot_general3A_56 in 1 : vector<1250x16xf32>, vector<1250x16xf32>, vector<1250x16xf32>, vector<1250x16xf32>, vector<1250x16xf32>, vector<1250x16xf32>, vector<1250x16xf32>, vector<1250x16xf32> -> vector<1250x128xf32>
    %add3A_57 = arith.addf %div3A, %concatenate3A : vector<1250x128xf32>
    %get3A_58 = arith.constant 0 : index
    %get3A_59 = arith.constant 0 : index
    %get3A_60 = vector.load %arg4[%get3A_58, %get3A_59] : memref<1x128xf32, #tpu.memory_space<vmem>>, vector<1x128xf32>
    %add3A_61 = vector.broadcast %get3A_60 : vector<1x128xf32> to vector<1250x128xf32>
    %add3A_62 = arith.addf %add3A_57, %add3A_61 : vector<1250x128xf32>
    %max3A_63 = arith.constant 0.000000e+00 : f32
    %max3A_64 = vector.broadcast %max3A_63 : f32 to vector<1250x128xf32>
    %max3A_65 = arith.maximumf %add3A_62, %max3A_64 : vector<1250x128xf32>
    %swap3A = arith.constant 0 : index
    %swap3A_66 = arith.constant 0 : index
    %swap3A_67 = vector.load %arg5[%swap3A, %swap3A_66] : memref<1250x128xf32, #tpu.memory_space<vmem>>, vector<1250x128xf32>
    tpu.vector_store %arg5[%swap3A, %swap3A_66], %max3A_65 {strides = array<i32>} : memref<1250x128xf32, #tpu.memory_space<vmem>>, vector<1250x128xf32>,
    return
  }
}

module attributes {stable_mosaic.version = 14 : i64} {
  func.func @_msg_body(%arg0: i32, %arg1: memref<800x768xbf16, #tpu.memory_space<vmem>>, %arg2: memref<800x128xf32, #tpu.memory_space<vmem>>, %arg3: memref<96x256xbf16, #tpu.memory_space<vmem>>, %arg4: memref<1x2048xf32, #tpu.memory_space<vmem>>, %arg5: memref<128x2048xbf16, #tpu.memory_space<vmem>>, %arg6: memref<2048x128xbf16, #tpu.memory_space<vmem>>, %arg7: memref<800x128xf32, #tpu.memory_space<vmem>>) attributes {dimension_semantics = [#tpu.dimension_semantics<arbitrary>], iteration_bounds = array<i64: 50>, scalar_prefetch = 0 : i64, scratch_operands = 0 : i64, tpu.core_type = #tpu.core_type<tc>, window_params = [{transform_indices = @transform_0, window_bounds = array<i64: 800, 768>}, {transform_indices = @transform_1, window_bounds = array<i64: 800, 128>}, {pipeline_mode = #tpu.pipeline_mode<synchronous>, transform_indices = @transform_2, window_bounds = array<i64: 96, 256>}, {pipeline_mode = #tpu.pipeline_mode<synchronous>, transform_indices = @transform_3, window_bounds = array<i64: 1, 2048>}, {pipeline_mode = #tpu.pipeline_mode<synchronous>, transform_indices = @transform_4, window_bounds = array<i64: 128, 2048>}, {pipeline_mode = #tpu.pipeline_mode<synchronous>, transform_indices = @transform_5, window_bounds = array<i64: 2048, 128>}, {transform_indices = @transform_6, window_bounds = array<i64: 800, 128>}]} {
    %get3A = arith.constant 0 : index
    %get3A_0 = arith.constant 0 : index
    %get3A_1 = vector.load %arg1[%get3A, %get3A_0] : memref<800x768xbf16, #tpu.memory_space<vmem>>, vector<800x768xbf16>
    %slice3A = vector.extract_strided_slice %get3A_1 {offsets = [0, 0], sizes = [800, 96], strides = [1, 1]} : vector<800x768xbf16> to vector<800x96xbf16>
    %get3A_2 = arith.constant 0 : index
    %get3A_3 = arith.constant 0 : index
    %get3A_4 = vector.load %arg3[%get3A_2, %get3A_3] : memref<96x256xbf16, #tpu.memory_space<vmem>>, vector<96x256xbf16>
    %dot_general3A = arith.constant dense<0.000000e+00> : vector<800x256xf32>
    %dot_general3A_5 = tpu.matmul %slice3A, %get3A_4, %dot_general3A {dimension_numbers = #tpu.dot_dimension_numbers<[1], [0], [0], [1], [0, 0, 1, 1], [], []>, transpose_lhs_hint = false} : vector<800x96xbf16>, vector<96x256xbf16>, vector<800x256xf32> -> vector<800x256xf32>
    %slice3A_6 = vector.extract_strided_slice %get3A_1 {offsets = [0, 96], sizes = [800, 96], strides = [1, 1]} : vector<800x768xbf16> to vector<800x96xbf16>
    %get3A_7 = arith.constant 0 : index
    %get3A_8 = arith.constant 0 : index
    %get3A_9 = vector.load %arg3[%get3A_7, %get3A_8] : memref<96x256xbf16, #tpu.memory_space<vmem>>, vector<96x256xbf16>
    %dot_general3A_10 = arith.constant dense<0.000000e+00> : vector<800x256xf32>
    %dot_general3A_11 = tpu.matmul %slice3A_6, %get3A_9, %dot_general3A_10 {dimension_numbers = #tpu.dot_dimension_numbers<[1], [0], [0], [1], [0, 0, 1, 1], [], []>, transpose_lhs_hint = false} : vector<800x96xbf16>, vector<96x256xbf16>, vector<800x256xf32> -> vector<800x256xf32>
    %slice3A_12 = vector.extract_strided_slice %get3A_1 {offsets = [0, 192], sizes = [800, 96], strides = [1, 1]} : vector<800x768xbf16> to vector<800x96xbf16>
    %get3A_13 = arith.constant 0 : index
    %get3A_14 = arith.constant 0 : index
    %get3A_15 = vector.load %arg3[%get3A_13, %get3A_14] : memref<96x256xbf16, #tpu.memory_space<vmem>>, vector<96x256xbf16>
    %dot_general3A_16 = arith.constant dense<0.000000e+00> : vector<800x256xf32>
    %dot_general3A_17 = tpu.matmul %slice3A_12, %get3A_15, %dot_general3A_16 {dimension_numbers = #tpu.dot_dimension_numbers<[1], [0], [0], [1], [0, 0, 1, 1], [], []>, transpose_lhs_hint = false} : vector<800x96xbf16>, vector<96x256xbf16>, vector<800x256xf32> -> vector<800x256xf32>
    %slice3A_18 = vector.extract_strided_slice %get3A_1 {offsets = [0, 288], sizes = [800, 96], strides = [1, 1]} : vector<800x768xbf16> to vector<800x96xbf16>
    %get3A_19 = arith.constant 0 : index
    %get3A_20 = arith.constant 0 : index
    %get3A_21 = vector.load %arg3[%get3A_19, %get3A_20] : memref<96x256xbf16, #tpu.memory_space<vmem>>, vector<96x256xbf16>
    %dot_general3A_22 = arith.constant dense<0.000000e+00> : vector<800x256xf32>
    %dot_general3A_23 = tpu.matmul %slice3A_18, %get3A_21, %dot_general3A_22 {dimension_numbers = #tpu.dot_dimension_numbers<[1], [0], [0], [1], [0, 0, 1, 1], [], []>, transpose_lhs_hint = false} : vector<800x96xbf16>, vector<96x256xbf16>, vector<800x256xf32> -> vector<800x256xf32>
    %slice3A_24 = vector.extract_strided_slice %get3A_1 {offsets = [0, 384], sizes = [800, 96], strides = [1, 1]} : vector<800x768xbf16> to vector<800x96xbf16>
    %get3A_25 = arith.constant 0 : index
    %get3A_26 = arith.constant 0 : index
    %get3A_27 = vector.load %arg3[%get3A_25, %get3A_26] : memref<96x256xbf16, #tpu.memory_space<vmem>>, vector<96x256xbf16>
    %dot_general3A_28 = arith.constant dense<0.000000e+00> : vector<800x256xf32>
    %dot_general3A_29 = tpu.matmul %slice3A_24, %get3A_27, %dot_general3A_28 {dimension_numbers = #tpu.dot_dimension_numbers<[1], [0], [0], [1], [0, 0, 1, 1], [], []>, transpose_lhs_hint = false} : vector<800x96xbf16>, vector<96x256xbf16>, vector<800x256xf32> -> vector<800x256xf32>
    %slice3A_30 = vector.extract_strided_slice %get3A_1 {offsets = [0, 480], sizes = [800, 96], strides = [1, 1]} : vector<800x768xbf16> to vector<800x96xbf16>
    %get3A_31 = arith.constant 0 : index
    %get3A_32 = arith.constant 0 : index
    %get3A_33 = vector.load %arg3[%get3A_31, %get3A_32] : memref<96x256xbf16, #tpu.memory_space<vmem>>, vector<96x256xbf16>
    %dot_general3A_34 = arith.constant dense<0.000000e+00> : vector<800x256xf32>
    %dot_general3A_35 = tpu.matmul %slice3A_30, %get3A_33, %dot_general3A_34 {dimension_numbers = #tpu.dot_dimension_numbers<[1], [0], [0], [1], [0, 0, 1, 1], [], []>, transpose_lhs_hint = false} : vector<800x96xbf16>, vector<96x256xbf16>, vector<800x256xf32> -> vector<800x256xf32>
    %slice3A_36 = vector.extract_strided_slice %get3A_1 {offsets = [0, 576], sizes = [800, 96], strides = [1, 1]} : vector<800x768xbf16> to vector<800x96xbf16>
    %get3A_37 = arith.constant 0 : index
    %get3A_38 = arith.constant 0 : index
    %get3A_39 = vector.load %arg3[%get3A_37, %get3A_38] : memref<96x256xbf16, #tpu.memory_space<vmem>>, vector<96x256xbf16>
    %dot_general3A_40 = arith.constant dense<0.000000e+00> : vector<800x256xf32>
    %dot_general3A_41 = tpu.matmul %slice3A_36, %get3A_39, %dot_general3A_40 {dimension_numbers = #tpu.dot_dimension_numbers<[1], [0], [0], [1], [0, 0, 1, 1], [], []>, transpose_lhs_hint = false} : vector<800x96xbf16>, vector<96x256xbf16>, vector<800x256xf32> -> vector<800x256xf32>
    %slice3A_42 = vector.extract_strided_slice %get3A_1 {offsets = [0, 672], sizes = [800, 96], strides = [1, 1]} : vector<800x768xbf16> to vector<800x96xbf16>
    %get3A_43 = arith.constant 0 : index
    %get3A_44 = arith.constant 0 : index
    %get3A_45 = vector.load %arg3[%get3A_43, %get3A_44] : memref<96x256xbf16, #tpu.memory_space<vmem>>, vector<96x256xbf16>
    %dot_general3A_46 = arith.constant dense<0.000000e+00> : vector<800x256xf32>
    %dot_general3A_47 = tpu.matmul %slice3A_42, %get3A_45, %dot_general3A_46 {dimension_numbers = #tpu.dot_dimension_numbers<[1], [0], [0], [1], [0, 0, 1, 1], [], []>, transpose_lhs_hint = false} : vector<800x96xbf16>, vector<96x256xbf16>, vector<800x256xf32> -> vector<800x256xf32>
    %concatenate3A = tpu.concatenate %dot_general3A_5, %dot_general3A_11, %dot_general3A_17, %dot_general3A_23, %dot_general3A_29, %dot_general3A_35, %dot_general3A_41, %dot_general3A_47 in 1 : vector<800x256xf32>, vector<800x256xf32>, vector<800x256xf32>, vector<800x256xf32>, vector<800x256xf32>, vector<800x256xf32>, vector<800x256xf32>, vector<800x256xf32> -> vector<800x2048xf32>
    %get3A_48 = arith.constant 0 : index
    %get3A_49 = arith.constant 0 : index
    %get3A_50 = vector.load %arg4[%get3A_48, %get3A_49] : memref<1x2048xf32, #tpu.memory_space<vmem>>, vector<1x2048xf32>
    %add3A = vector.broadcast %get3A_50 : vector<1x2048xf32> to vector<800x2048xf32>
    %add3A_51 = arith.addf %concatenate3A, %add3A : vector<800x2048xf32>
    %get3A_52 = arith.constant 0 : index
    %get3A_53 = arith.constant 0 : index
    %get3A_54 = vector.load %arg2[%get3A_52, %get3A_53] : memref<800x128xf32, #tpu.memory_space<vmem>>, vector<800x128xf32>
    %get3A_55 = arith.constant 0 : index
    %get3A_56 = arith.constant 0 : index
    %get3A_57 = vector.load %arg5[%get3A_55, %get3A_56] : memref<128x2048xbf16, #tpu.memory_space<vmem>>, vector<128x2048xbf16>
    %convert_element_type3A = arith.truncf %get3A_54 : vector<800x128xf32> to vector<800x128xbf16>
    %convert_element_type3A_58 = arith.extf %convert_element_type3A : vector<800x128xbf16> to vector<800x128xf32>
    %sub3A = arith.subf %get3A_54, %convert_element_type3A_58 : vector<800x128xf32>
    %convert_element_type3A_59 = arith.truncf %sub3A : vector<800x128xf32> to vector<800x128xbf16>
    %dot_general3A_60 = arith.constant dense<0.000000e+00> : vector<800x2048xf32>
    %dot_general3A_61 = tpu.matmul %convert_element_type3A, %get3A_57, %dot_general3A_60 {dimension_numbers = #tpu.dot_dimension_numbers<[1], [0], [0], [1], [0, 0, 1, 1], [], []>, transpose_lhs_hint = false} : vector<800x128xbf16>, vector<128x2048xbf16>, vector<800x2048xf32> -> vector<800x2048xf32>
    %dot_general3A_62 = arith.constant dense<0.000000e+00> : vector<800x2048xf32>
    %dot_general3A_63 = tpu.matmul %convert_element_type3A_59, %get3A_57, %dot_general3A_62 {dimension_numbers = #tpu.dot_dimension_numbers<[1], [0], [0], [1], [0, 0, 1, 1], [], []>, transpose_lhs_hint = false} : vector<800x128xbf16>, vector<128x2048xbf16>, vector<800x2048xf32> -> vector<800x2048xf32>
    %add3A_64 = arith.addf %dot_general3A_61, %dot_general3A_63 : vector<800x2048xf32>
    %mul3A = arith.mulf %add3A_64, %add3A_51 : vector<800x2048xf32>
    %get3A_65 = arith.constant 0 : index
    %get3A_66 = arith.constant 0 : index
    %get3A_67 = vector.load %arg6[%get3A_65, %get3A_66] : memref<2048x128xbf16, #tpu.memory_space<vmem>>, vector<2048x128xbf16>
    %convert_element_type3A_68 = arith.truncf %mul3A : vector<800x2048xf32> to vector<800x2048xbf16>
    %convert_element_type3A_69 = arith.extf %convert_element_type3A_68 : vector<800x2048xbf16> to vector<800x2048xf32>
    %sub3A_70 = arith.subf %mul3A, %convert_element_type3A_69 : vector<800x2048xf32>
    %convert_element_type3A_71 = arith.truncf %sub3A_70 : vector<800x2048xf32> to vector<800x2048xbf16>
    %dot_general3A_72 = arith.constant dense<0.000000e+00> : vector<800x128xf32>
    %dot_general3A_73 = tpu.matmul %convert_element_type3A_68, %get3A_67, %dot_general3A_72 {dimension_numbers = #tpu.dot_dimension_numbers<[1], [0], [0], [1], [0, 0, 1, 1], [], []>, transpose_lhs_hint = false} : vector<800x2048xbf16>, vector<2048x128xbf16>, vector<800x128xf32> -> vector<800x128xf32>
    %dot_general3A_74 = arith.constant dense<0.000000e+00> : vector<800x128xf32>
    %dot_general3A_75 = tpu.matmul %convert_element_type3A_71, %get3A_67, %dot_general3A_74 {dimension_numbers = #tpu.dot_dimension_numbers<[1], [0], [0], [1], [0, 0, 1, 1], [], []>, transpose_lhs_hint = false} : vector<800x2048xbf16>, vector<2048x128xbf16>, vector<800x128xf32> -> vector<800x128xf32>
    %add3A_76 = arith.addf %dot_general3A_73, %dot_general3A_75 : vector<800x128xf32>
    %swap3A = arith.constant 0 : index
    %swap3A_77 = arith.constant 0 : index
    %swap3A_78 = vector.load %arg7[%swap3A, %swap3A_77] : memref<800x128xf32, #tpu.memory_space<vmem>>, vector<800x128xf32>
    tpu.vector_store %arg7[%swap3A, %swap3A_77], %add3A_76 {strides = array<i32>} : memref<800x128xf32, #tpu.memory_space<vmem>>, vector<800x128xf32>,
    return
  }
  func.func @transform_0(%arg0: i32) -> (i32, i32) {
    %c0_i32 = arith.constant 0 : i32
    %c0_i32_0 = arith.constant 0 : i32
    return %arg0, %c0_i32 : i32, i32
  }
  func.func @transform_1(%arg0: i32) -> (i32, i32) {
    %c0_i32 = arith.constant 0 : i32
    %c0_i32_0 = arith.constant 0 : i32
    return %arg0, %c0_i32 : i32, i32
  }
  func.func @transform_2(%arg0: i32) -> (i32, i32) {
    %c0_i32 = arith.constant 0 : i32
    %c0_i32_0 = arith.constant 0 : i32
    %c0_i32_1 = arith.constant 0 : i32
    return %c0_i32, %c0_i32_0 : i32, i32
  }
  func.func @transform_3(%arg0: i32) -> (i32, i32) {
    %c0_i32 = arith.constant 0 : i32
    %c0_i32_0 = arith.constant 0 : i32
    %c0_i32_1 = arith.constant 0 : i32
    return %c0_i32, %c0_i32_0 : i32, i32
  }
  func.func @transform_4(%arg0: i32) -> (i32, i32) {
    %c0_i32 = arith.constant 0 : i32
    %c0_i32_0 = arith.constant 0 : i32
    %c0_i32_1 = arith.constant 0 : i32
    return %c0_i32, %c0_i32_0 : i32, i32
  }
  func.func @transform_5(%arg0: i32) -> (i32, i32) {
    %c0_i32 = arith.constant 0 : i32
    %c0_i32_0 = arith.constant 0 : i32
    %c0_i32_1 = arith.constant 0 : i32
    return %c0_i32, %c0_i32_0 : i32, i32
  }
  func.func @transform_6(%arg0: i32) -> (i32, i32) {
    %c0_i32 = arith.constant 0 : i32
    %c0_i32_0 = arith.constant 0 : i32
    return %arg0, %c0_i32 : i32, i32
  }
}

module attributes {stable_mosaic.version = 14 : i64} {
  func.func @_pool_body(%arg0: memref<2x1250x128xf32, #tpu.memory_space<vmem>>, %arg1: memref<2x1250x128xf32, #tpu.memory_space<vmem>>, %arg2: memref<1250x128xf32, #tpu.memory_space<vmem>>, %arg3: memref<16x16xbf16, #tpu.memory_space<vmem>>, %arg4: memref<1x128xf32, #tpu.memory_space<vmem>>, %arg5: memref<8x1250xi32, #tpu.memory_space<vmem>>, %arg6: memref<16x1xbf16, #tpu.memory_space<vmem>>, %arg7: memref<1x1xf32, #tpu.memory_space<vmem>>, %arg8: memref<16x1xf32, #tpu.memory_space<vmem>>) attributes {dimension_semantics = [], scalar_prefetch = 0 : i64, scratch_operands = 0 : i64, tpu.core_type = #tpu.core_type<tc>} {
    %get3A = arith.constant 0 : index
    %get3A_0 = arith.constant 0 : index
    %get3A_1 = arith.constant 0 : index
    %get3A_2 = vector.load %arg1[%get3A, %get3A_0, %get3A_1] : memref<2x1250x128xf32, #tpu.memory_space<vmem>>, vector<1x1250x128xf32>
    %get3A_3 = vector.shape_cast %get3A_2 : vector<1x1250x128xf32> to vector<1250x128xf32>
    %get3A_4 = arith.constant 1 : index
    %get3A_5 = arith.constant 0 : index
    %get3A_6 = arith.constant 0 : index
    %get3A_7 = vector.load %arg1[%get3A_4, %get3A_5, %get3A_6] : memref<2x1250x128xf32, #tpu.memory_space<vmem>>, vector<1x1250x128xf32>
    %get3A_8 = vector.shape_cast %get3A_7 : vector<1x1250x128xf32> to vector<1250x128xf32>
    %add3A = arith.addf %get3A_3, %get3A_8 : vector<1250x128xf32>
    %max3A = arith.constant 1.000000e+00 : f32
    %max3A_9 = vector.broadcast %max3A : f32 to vector<1250x128xf32>
    %max3A_10 = arith.maximumf %add3A, %max3A_9 : vector<1250x128xf32>
    %get3A_11 = arith.constant 0 : index
    %get3A_12 = arith.constant 0 : index
    %get3A_13 = arith.constant 0 : index
    %get3A_14 = vector.load %arg0[%get3A_11, %get3A_12, %get3A_13] : memref<2x1250x128xf32, #tpu.memory_space<vmem>>, vector<1x1250x128xf32>
    %get3A_15 = vector.shape_cast %get3A_14 : vector<1x1250x128xf32> to vector<1250x128xf32>
    %get3A_16 = arith.constant 1 : index
    %get3A_17 = arith.constant 0 : index
    %get3A_18 = arith.constant 0 : index
    %get3A_19 = vector.load %arg0[%get3A_16, %get3A_17, %get3A_18] : memref<2x1250x128xf32, #tpu.memory_space<vmem>>, vector<1x1250x128xf32>
    %get3A_20 = vector.shape_cast %get3A_19 : vector<1x1250x128xf32> to vector<1250x128xf32>
    %add3A_21 = arith.addf %get3A_15, %get3A_20 : vector<1250x128xf32>
    %div3A = arith.divf %add3A_21, %max3A_10 : vector<1250x128xf32>
    %get3A_22 = arith.constant 0 : index
    %get3A_23 = arith.constant 0 : index
    %get3A_24 = vector.load %arg2[%get3A_22, %get3A_23] : memref<1250x128xf32, #tpu.memory_space<vmem>>, vector<1250x128xf32>
    %get3A_25 = arith.constant 0 : index
    %get3A_26 = arith.constant 0 : index
    %get3A_27 = vector.load %arg3[%get3A_25, %get3A_26] : memref<16x16xbf16, #tpu.memory_space<vmem>>, vector<16x16xbf16>
    %slice3A = vector.extract_strided_slice %get3A_24 {offsets = [0, 0], sizes = [1250, 16], strides = [1, 1]} : vector<1250x128xf32> to vector<1250x16xf32>
    %convert_element_type3A = arith.truncf %slice3A : vector<1250x16xf32> to vector<1250x16xbf16>
    %dot_general3A = arith.constant dense<0.000000e+00> : vector<1250x16xf32>
    %dot_general3A_28 = tpu.matmul %convert_element_type3A, %get3A_27, %dot_general3A {dimension_numbers = #tpu.dot_dimension_numbers<[1], [0], [0], [1], [0, 0, 1, 1], [], []>, transpose_lhs_hint = false} : vector<1250x16xbf16>, vector<16x16xbf16>, vector<1250x16xf32> -> vector<1250x16xf32>
    %slice3A_29 = vector.extract_strided_slice %get3A_24 {offsets = [0, 16], sizes = [1250, 16], strides = [1, 1]} : vector<1250x128xf32> to vector<1250x16xf32>
    %convert_element_type3A_30 = arith.truncf %slice3A_29 : vector<1250x16xf32> to vector<1250x16xbf16>
    %dot_general3A_31 = arith.constant dense<0.000000e+00> : vector<1250x16xf32>
    %dot_general3A_32 = tpu.matmul %convert_element_type3A_30, %get3A_27, %dot_general3A_31 {dimension_numbers = #tpu.dot_dimension_numbers<[1], [0], [0], [1], [0, 0, 1, 1], [], []>, transpose_lhs_hint = false} : vector<1250x16xbf16>, vector<16x16xbf16>, vector<1250x16xf32> -> vector<1250x16xf32>
    %slice3A_33 = vector.extract_strided_slice %get3A_24 {offsets = [0, 32], sizes = [1250, 16], strides = [1, 1]} : vector<1250x128xf32> to vector<1250x16xf32>
    %convert_element_type3A_34 = arith.truncf %slice3A_33 : vector<1250x16xf32> to vector<1250x16xbf16>
    %dot_general3A_35 = arith.constant dense<0.000000e+00> : vector<1250x16xf32>
    %dot_general3A_36 = tpu.matmul %convert_element_type3A_34, %get3A_27, %dot_general3A_35 {dimension_numbers = #tpu.dot_dimension_numbers<[1], [0], [0], [1], [0, 0, 1, 1], [], []>, transpose_lhs_hint = false} : vector<1250x16xbf16>, vector<16x16xbf16>, vector<1250x16xf32> -> vector<1250x16xf32>
    %slice3A_37 = vector.extract_strided_slice %get3A_24 {offsets = [0, 48], sizes = [1250, 16], strides = [1, 1]} : vector<1250x128xf32> to vector<1250x16xf32>
    %convert_element_type3A_38 = arith.truncf %slice3A_37 : vector<1250x16xf32> to vector<1250x16xbf16>
    %dot_general3A_39 = arith.constant dense<0.000000e+00> : vector<1250x16xf32>
    %dot_general3A_40 = tpu.matmul %convert_element_type3A_38, %get3A_27, %dot_general3A_39 {dimension_numbers = #tpu.dot_dimension_numbers<[1], [0], [0], [1], [0, 0, 1, 1], [], []>, transpose_lhs_hint = false} : vector<1250x16xbf16>, vector<16x16xbf16>, vector<1250x16xf32> -> vector<1250x16xf32>
    %slice3A_41 = vector.extract_strided_slice %get3A_24 {offsets = [0, 64], sizes = [1250, 16], strides = [1, 1]} : vector<1250x128xf32> to vector<1250x16xf32>
    %convert_element_type3A_42 = arith.truncf %slice3A_41 : vector<1250x16xf32> to vector<1250x16xbf16>
    %dot_general3A_43 = arith.constant dense<0.000000e+00> : vector<1250x16xf32>
    %dot_general3A_44 = tpu.matmul %convert_element_type3A_42, %get3A_27, %dot_general3A_43 {dimension_numbers = #tpu.dot_dimension_numbers<[1], [0], [0], [1], [0, 0, 1, 1], [], []>, transpose_lhs_hint = false} : vector<1250x16xbf16>, vector<16x16xbf16>, vector<1250x16xf32> -> vector<1250x16xf32>
    %slice3A_45 = vector.extract_strided_slice %get3A_24 {offsets = [0, 80], sizes = [1250, 16], strides = [1, 1]} : vector<1250x128xf32> to vector<1250x16xf32>
    %convert_element_type3A_46 = arith.truncf %slice3A_45 : vector<1250x16xf32> to vector<1250x16xbf16>
    %dot_general3A_47 = arith.constant dense<0.000000e+00> : vector<1250x16xf32>
    %dot_general3A_48 = tpu.matmul %convert_element_type3A_46, %get3A_27, %dot_general3A_47 {dimension_numbers = #tpu.dot_dimension_numbers<[1], [0], [0], [1], [0, 0, 1, 1], [], []>, transpose_lhs_hint = false} : vector<1250x16xbf16>, vector<16x16xbf16>, vector<1250x16xf32> -> vector<1250x16xf32>
    %slice3A_49 = vector.extract_strided_slice %get3A_24 {offsets = [0, 96], sizes = [1250, 16], strides = [1, 1]} : vector<1250x128xf32> to vector<1250x16xf32>
    %convert_element_type3A_50 = arith.truncf %slice3A_49 : vector<1250x16xf32> to vector<1250x16xbf16>
    %dot_general3A_51 = arith.constant dense<0.000000e+00> : vector<1250x16xf32>
    %dot_general3A_52 = tpu.matmul %convert_element_type3A_50, %get3A_27, %dot_general3A_51 {dimension_numbers = #tpu.dot_dimension_numbers<[1], [0], [0], [1], [0, 0, 1, 1], [], []>, transpose_lhs_hint = false} : vector<1250x16xbf16>, vector<16x16xbf16>, vector<1250x16xf32> -> vector<1250x16xf32>
    %slice3A_53 = vector.extract_strided_slice %get3A_24 {offsets = [0, 112], sizes = [1250, 16], strides = [1, 1]} : vector<1250x128xf32> to vector<1250x16xf32>
    %convert_element_type3A_54 = arith.truncf %slice3A_53 : vector<1250x16xf32> to vector<1250x16xbf16>
    %dot_general3A_55 = arith.constant dense<0.000000e+00> : vector<1250x16xf32>
    %dot_general3A_56 = tpu.matmul %convert_element_type3A_54, %get3A_27, %dot_general3A_55 {dimension_numbers = #tpu.dot_dimension_numbers<[1], [0], [0], [1], [0, 0, 1, 1], [], []>, transpose_lhs_hint = false} : vector<1250x16xbf16>, vector<16x16xbf16>, vector<1250x16xf32> -> vector<1250x16xf32>
    %concatenate3A = tpu.concatenate %dot_general3A_28, %dot_general3A_32, %dot_general3A_36, %dot_general3A_40, %dot_general3A_44, %dot_general3A_48, %dot_general3A_52, %dot_general3A_56 in 1 : vector<1250x16xf32>, vector<1250x16xf32>, vector<1250x16xf32>, vector<1250x16xf32>, vector<1250x16xf32>, vector<1250x16xf32>, vector<1250x16xf32>, vector<1250x16xf32> -> vector<1250x128xf32>
    %add3A_57 = arith.addf %div3A, %concatenate3A : vector<1250x128xf32>
    %get3A_58 = arith.constant 0 : index
    %get3A_59 = arith.constant 0 : index
    %get3A_60 = vector.load %arg4[%get3A_58, %get3A_59] : memref<1x128xf32, #tpu.memory_space<vmem>>, vector<1x128xf32>
    %add3A_61 = vector.broadcast %get3A_60 : vector<1x128xf32> to vector<1250x128xf32>
    %add3A_62 = arith.addf %add3A_57, %add3A_61 : vector<1250x128xf32>
    %max3A_63 = arith.constant 0.000000e+00 : f32
    %max3A_64 = vector.broadcast %max3A_63 : f32 to vector<1250x128xf32>
    %max3A_65 = arith.maximumf %add3A_62, %max3A_64 : vector<1250x128xf32>
    %convert_element_type3A_66 = arith.truncf %max3A_65 : vector<1250x128xf32> to vector<1250x128xbf16>
    %convert_element_type3A_67 = arith.extf %convert_element_type3A_66 : vector<1250x128xbf16> to vector<1250x128xf32>
    %sub3A = arith.subf %max3A_65, %convert_element_type3A_67 : vector<1250x128xf32>
    %convert_element_type3A_68 = arith.truncf %sub3A : vector<1250x128xf32> to vector<1250x128xbf16>
    %iota3A = tpu.iota {dimensions = array<i32: 0>} : vector<16x1250xi32>
    %broadcast_in_dim3A = arith.constant 0.000000e+00 : f32
    %broadcast_in_dim3A_69 = vector.broadcast %broadcast_in_dim3A : f32 to vector<16x16xf32>
    %broadcast_in_dim3A_70 = arith.constant 0.000000e+00 : f32
    %broadcast_in_dim3A_71 = vector.broadcast %broadcast_in_dim3A_70 : f32 to vector<16x1xf32>
    %get3A_72 = arith.constant 0 : index
    %get3A_73 = arith.constant 0 : index
    %get3A_74 = vector.load %arg5[%get3A_72, %get3A_73] : memref<8x1250xi32, #tpu.memory_space<vmem>>, vector<1x1250xi32>
    %eq3A = vector.broadcast %get3A_74 : vector<1x1250xi32> to vector<16x1250xi32>
    %eq3A_75 = arith.cmpi eq, %iota3A, %eq3A : vector<16x1250xi32>
    %convert_element_type3A_76 = arith.extui %eq3A_75 : vector<16x1250xi1> to vector<16x1250xi32>
    %convert_element_type3A_77 = arith.sitofp %convert_element_type3A_76 : vector<16x1250xi32> to vector<16x1250xf32>
    %convert_element_type3A_78 = arith.truncf %convert_element_type3A_77 : vector<16x1250xf32> to vector<16x1250xbf16>
    %slice3A_79 = vector.extract_strided_slice %convert_element_type3A_66 {offsets = [0, 0], sizes = [1250, 16], strides = [1, 1]} : vector<1250x128xbf16> to vector<1250x16xbf16>
    %slice3A_80 = vector.extract_strided_slice %convert_element_type3A_68 {offsets = [0, 0], sizes = [1250, 16], strides = [1, 1]} : vector<1250x128xbf16> to vector<1250x16xbf16>
    %dot_general3A_81 = arith.constant dense<0.000000e+00> : vector<16x16xf32>
    %dot_general3A_82 = tpu.matmul %convert_element_type3A_78, %slice3A_79, %dot_general3A_81 {dimension_numbers = #tpu.dot_dimension_numbers<[1], [0], [0], [1], [0, 0, 1, 1], [], []>, transpose_lhs_hint = false} : vector<16x1250xbf16>, vector<1250x16xbf16>, vector<16x16xf32> -> vector<16x16xf32>
    %add3A_83 = arith.addf %broadcast_in_dim3A_69, %dot_general3A_82 : vector<16x16xf32>
    %dot_general3A_84 = arith.constant dense<0.000000e+00> : vector<16x16xf32>
    %dot_general3A_85 = tpu.matmul %convert_element_type3A_78, %slice3A_80, %dot_general3A_84 {dimension_numbers = #tpu.dot_dimension_numbers<[1], [0], [0], [1], [0, 0, 1, 1], [], []>, transpose_lhs_hint = false} : vector<16x1250xbf16>, vector<1250x16xbf16>, vector<16x16xf32> -> vector<16x16xf32>
    %add3A_86 = arith.addf %add3A_83, %dot_general3A_85 : vector<16x16xf32>
    %convert_element_type3A_87 = arith.extf %convert_element_type3A_78 : vector<16x1250xbf16> to vector<16x1250xf32>
    %reduce_sum3A = arith.constant dense<0.000000e+00> : vector<16xf32>
    %reduce_sum3A_88 = vector.multi_reduction <add>, %convert_element_type3A_87, %reduce_sum3A [1] : vector<16x1250xf32> to vector<16xf32>
    %broadcast_in_dim3A_89 = vector.shape_cast %reduce_sum3A_88 : vector<16xf32> to vector<16x1xf32>
    %add3A_90 = arith.addf %broadcast_in_dim3A_71, %broadcast_in_dim3A_89 : vector<16x1xf32>
    %get3A_91 = arith.constant 1 : index
    %get3A_92 = arith.constant 0 : index
    %get3A_93 = vector.load %arg5[%get3A_91, %get3A_92] : memref<8x1250xi32, #tpu.memory_space<vmem>>, vector<1x1250xi32>
    %eq3A_94 = vector.broadcast %get3A_93 : vector<1x1250xi32> to vector<16x1250xi32>
    %eq3A_95 = arith.cmpi eq, %iota3A, %eq3A_94 : vector<16x1250xi32>
    %convert_element_type3A_96 = arith.extui %eq3A_95 : vector<16x1250xi1> to vector<16x1250xi32>
    %convert_element_type3A_97 = arith.sitofp %convert_element_type3A_96 : vector<16x1250xi32> to vector<16x1250xf32>
    %convert_element_type3A_98 = arith.truncf %convert_element_type3A_97 : vector<16x1250xf32> to vector<16x1250xbf16>
    %slice3A_99 = vector.extract_strided_slice %convert_element_type3A_66 {offsets = [0, 16], sizes = [1250, 16], strides = [1, 1]} : vector<1250x128xbf16> to vector<1250x16xbf16>
    %slice3A_100 = vector.extract_strided_slice %convert_element_type3A_68 {offsets = [0, 16], sizes = [1250, 16], strides = [1, 1]} : vector<1250x128xbf16> to vector<1250x16xbf16>
    %dot_general3A_101 = arith.constant dense<0.000000e+00> : vector<16x16xf32>
    %dot_general3A_102 = tpu.matmul %convert_element_type3A_98, %slice3A_99, %dot_general3A_101 {dimension_numbers = #tpu.dot_dimension_numbers<[1], [0], [0], [1], [0, 0, 1, 1], [], []>, transpose_lhs_hint = false} : vector<16x1250xbf16>, vector<1250x16xbf16>, vector<16x16xf32> -> vector<16x16xf32>
    %add3A_103 = arith.addf %add3A_86, %dot_general3A_102 : vector<16x16xf32>
    %dot_general3A_104 = arith.constant dense<0.000000e+00> : vector<16x16xf32>
    %dot_general3A_105 = tpu.matmul %convert_element_type3A_98, %slice3A_100, %dot_general3A_104 {dimension_numbers = #tpu.dot_dimension_numbers<[1], [0], [0], [1], [0, 0, 1, 1], [], []>, transpose_lhs_hint = false} : vector<16x1250xbf16>, vector<1250x16xbf16>, vector<16x16xf32> -> vector<16x16xf32>
    %add3A_106 = arith.addf %add3A_103, %dot_general3A_105 : vector<16x16xf32>
    %convert_element_type3A_107 = arith.extf %convert_element_type3A_98 : vector<16x1250xbf16> to vector<16x1250xf32>
    %reduce_sum3A_108 = arith.constant dense<0.000000e+00> : vector<16xf32>
    %reduce_sum3A_109 = vector.multi_reduction <add>, %convert_element_type3A_107, %reduce_sum3A_108 [1] : vector<16x1250xf32> to vector<16xf32>
    %broadcast_in_dim3A_110 = vector.shape_cast %reduce_sum3A_109 : vector<16xf32> to vector<16x1xf32>
    %add3A_111 = arith.addf %add3A_90, %broadcast_in_dim3A_110 : vector<16x1xf32>
    %get3A_112 = arith.constant 2 : index
    %get3A_113 = arith.constant 0 : index
    %get3A_114 = vector.load %arg5[%get3A_112, %get3A_113] : memref<8x1250xi32, #tpu.memory_space<vmem>>, vector<1x1250xi32>
    %eq3A_115 = vector.broadcast %get3A_114 : vector<1x1250xi32> to vector<16x1250xi32>
    %eq3A_116 = arith.cmpi eq, %iota3A, %eq3A_115 : vector<16x1250xi32>
    %convert_element_type3A_117 = arith.extui %eq3A_116 : vector<16x1250xi1> to vector<16x1250xi32>
    %convert_element_type3A_118 = arith.sitofp %convert_element_type3A_117 : vector<16x1250xi32> to vector<16x1250xf32>
    %convert_element_type3A_119 = arith.truncf %convert_element_type3A_118 : vector<16x1250xf32> to vector<16x1250xbf16>
    %slice3A_120 = vector.extract_strided_slice %convert_element_type3A_66 {offsets = [0, 32], sizes = [1250, 16], strides = [1, 1]} : vector<1250x128xbf16> to vector<1250x16xbf16>
    %slice3A_121 = vector.extract_strided_slice %convert_element_type3A_68 {offsets = [0, 32], sizes = [1250, 16], strides = [1, 1]} : vector<1250x128xbf16> to vector<1250x16xbf16>
    %dot_general3A_122 = arith.constant dense<0.000000e+00> : vector<16x16xf32>
    %dot_general3A_123 = tpu.matmul %convert_element_type3A_119, %slice3A_120, %dot_general3A_122 {dimension_numbers = #tpu.dot_dimension_numbers<[1], [0], [0], [1], [0, 0, 1, 1], [], []>, transpose_lhs_hint = false} : vector<16x1250xbf16>, vector<1250x16xbf16>, vector<16x16xf32> -> vector<16x16xf32>
    %add3A_124 = arith.addf %add3A_106, %dot_general3A_123 : vector<16x16xf32>
    %dot_general3A_125 = arith.constant dense<0.000000e+00> : vector<16x16xf32>
    %dot_general3A_126 = tpu.matmul %convert_element_type3A_119, %slice3A_121, %dot_general3A_125 {dimension_numbers = #tpu.dot_dimension_numbers<[1], [0], [0], [1], [0, 0, 1, 1], [], []>, transpose_lhs_hint = false} : vector<16x1250xbf16>, vector<1250x16xbf16>, vector<16x16xf32> -> vector<16x16xf32>
    %add3A_127 = arith.addf %add3A_124, %dot_general3A_126 : vector<16x16xf32>
    %convert_element_type3A_128 = arith.extf %convert_element_type3A_119 : vector<16x1250xbf16> to vector<16x1250xf32>
    %reduce_sum3A_129 = arith.constant dense<0.000000e+00> : vector<16xf32>
    %reduce_sum3A_130 = vector.multi_reduction <add>, %convert_element_type3A_128, %reduce_sum3A_129 [1] : vector<16x1250xf32> to vector<16xf32>
    %broadcast_in_dim3A_131 = vector.shape_cast %reduce_sum3A_130 : vector<16xf32> to vector<16x1xf32>
    %add3A_132 = arith.addf %add3A_111, %broadcast_in_dim3A_131 : vector<16x1xf32>
    %get3A_133 = arith.constant 3 : index
    %get3A_134 = arith.constant 0 : index
    %get3A_135 = vector.load %arg5[%get3A_133, %get3A_134] : memref<8x1250xi32, #tpu.memory_space<vmem>>, vector<1x1250xi32>
    %eq3A_136 = vector.broadcast %get3A_135 : vector<1x1250xi32> to vector<16x1250xi32>
    %eq3A_137 = arith.cmpi eq, %iota3A, %eq3A_136 : vector<16x1250xi32>
    %convert_element_type3A_138 = arith.extui %eq3A_137 : vector<16x1250xi1> to vector<16x1250xi32>
    %convert_element_type3A_139 = arith.sitofp %convert_element_type3A_138 : vector<16x1250xi32> to vector<16x1250xf32>
    %convert_element_type3A_140 = arith.truncf %convert_element_type3A_139 : vector<16x1250xf32> to vector<16x1250xbf16>
    %slice3A_141 = vector.extract_strided_slice %convert_element_type3A_66 {offsets = [0, 48], sizes = [1250, 16], strides = [1, 1]} : vector<1250x128xbf16> to vector<1250x16xbf16>
    %slice3A_142 = vector.extract_strided_slice %convert_element_type3A_68 {offsets = [0, 48], sizes = [1250, 16], strides = [1, 1]} : vector<1250x128xbf16> to vector<1250x16xbf16>
    %dot_general3A_143 = arith.constant dense<0.000000e+00> : vector<16x16xf32>
    %dot_general3A_144 = tpu.matmul %convert_element_type3A_140, %slice3A_141, %dot_general3A_143 {dimension_numbers = #tpu.dot_dimension_numbers<[1], [0], [0], [1], [0, 0, 1, 1], [], []>, transpose_lhs_hint = false} : vector<16x1250xbf16>, vector<1250x16xbf16>, vector<16x16xf32> -> vector<16x16xf32>
    %add3A_145 = arith.addf %add3A_127, %dot_general3A_144 : vector<16x16xf32>
    %dot_general3A_146 = arith.constant dense<0.000000e+00> : vector<16x16xf32>
    %dot_general3A_147 = tpu.matmul %convert_element_type3A_140, %slice3A_142, %dot_general3A_146 {dimension_numbers = #tpu.dot_dimension_numbers<[1], [0], [0], [1], [0, 0, 1, 1], [], []>, transpose_lhs_hint = false} : vector<16x1250xbf16>, vector<1250x16xbf16>, vector<16x16xf32> -> vector<16x16xf32>
    %add3A_148 = arith.addf %add3A_145, %dot_general3A_147 : vector<16x16xf32>
    %convert_element_type3A_149 = arith.extf %convert_element_type3A_140 : vector<16x1250xbf16> to vector<16x1250xf32>
    %reduce_sum3A_150 = arith.constant dense<0.000000e+00> : vector<16xf32>
    %reduce_sum3A_151 = vector.multi_reduction <add>, %convert_element_type3A_149, %reduce_sum3A_150 [1] : vector<16x1250xf32> to vector<16xf32>
    %broadcast_in_dim3A_152 = vector.shape_cast %reduce_sum3A_151 : vector<16xf32> to vector<16x1xf32>
    %add3A_153 = arith.addf %add3A_132, %broadcast_in_dim3A_152 : vector<16x1xf32>
    %get3A_154 = arith.constant 4 : index
    %get3A_155 = arith.constant 0 : index
    %get3A_156 = vector.load %arg5[%get3A_154, %get3A_155] : memref<8x1250xi32, #tpu.memory_space<vmem>>, vector<1x1250xi32>
    %eq3A_157 = vector.broadcast %get3A_156 : vector<1x1250xi32> to vector<16x1250xi32>
    %eq3A_158 = arith.cmpi eq, %iota3A, %eq3A_157 : vector<16x1250xi32>
    %convert_element_type3A_159 = arith.extui %eq3A_158 : vector<16x1250xi1> to vector<16x1250xi32>
    %convert_element_type3A_160 = arith.sitofp %convert_element_type3A_159 : vector<16x1250xi32> to vector<16x1250xf32>
    %convert_element_type3A_161 = arith.truncf %convert_element_type3A_160 : vector<16x1250xf32> to vector<16x1250xbf16>
    %slice3A_162 = vector.extract_strided_slice %convert_element_type3A_66 {offsets = [0, 64], sizes = [1250, 16], strides = [1, 1]} : vector<1250x128xbf16> to vector<1250x16xbf16>
    %slice3A_163 = vector.extract_strided_slice %convert_element_type3A_68 {offsets = [0, 64], sizes = [1250, 16], strides = [1, 1]} : vector<1250x128xbf16> to vector<1250x16xbf16>
    %dot_general3A_164 = arith.constant dense<0.000000e+00> : vector<16x16xf32>
    %dot_general3A_165 = tpu.matmul %convert_element_type3A_161, %slice3A_162, %dot_general3A_164 {dimension_numbers = #tpu.dot_dimension_numbers<[1], [0], [0], [1], [0, 0, 1, 1], [], []>, transpose_lhs_hint = false} : vector<16x1250xbf16>, vector<1250x16xbf16>, vector<16x16xf32> -> vector<16x16xf32>
    %add3A_166 = arith.addf %add3A_148, %dot_general3A_165 : vector<16x16xf32>
    %dot_general3A_167 = arith.constant dense<0.000000e+00> : vector<16x16xf32>
    %dot_general3A_168 = tpu.matmul %convert_element_type3A_161, %slice3A_163, %dot_general3A_167 {dimension_numbers = #tpu.dot_dimension_numbers<[1], [0], [0], [1], [0, 0, 1, 1], [], []>, transpose_lhs_hint = false} : vector<16x1250xbf16>, vector<1250x16xbf16>, vector<16x16xf32> -> vector<16x16xf32>
    %add3A_169 = arith.addf %add3A_166, %dot_general3A_168 : vector<16x16xf32>
    %convert_element_type3A_170 = arith.extf %convert_element_type3A_161 : vector<16x1250xbf16> to vector<16x1250xf32>
    %reduce_sum3A_171 = arith.constant dense<0.000000e+00> : vector<16xf32>
    %reduce_sum3A_172 = vector.multi_reduction <add>, %convert_element_type3A_170, %reduce_sum3A_171 [1] : vector<16x1250xf32> to vector<16xf32>
    %broadcast_in_dim3A_173 = vector.shape_cast %reduce_sum3A_172 : vector<16xf32> to vector<16x1xf32>
    %add3A_174 = arith.addf %add3A_153, %broadcast_in_dim3A_173 : vector<16x1xf32>
    %get3A_175 = arith.constant 5 : index
    %get3A_176 = arith.constant 0 : index
    %get3A_177 = vector.load %arg5[%get3A_175, %get3A_176] : memref<8x1250xi32, #tpu.memory_space<vmem>>, vector<1x1250xi32>
    %eq3A_178 = vector.broadcast %get3A_177 : vector<1x1250xi32> to vector<16x1250xi32>
    %eq3A_179 = arith.cmpi eq, %iota3A, %eq3A_178 : vector<16x1250xi32>
    %convert_element_type3A_180 = arith.extui %eq3A_179 : vector<16x1250xi1> to vector<16x1250xi32>
    %convert_element_type3A_181 = arith.sitofp %convert_element_type3A_180 : vector<16x1250xi32> to vector<16x1250xf32>
    %convert_element_type3A_182 = arith.truncf %convert_element_type3A_181 : vector<16x1250xf32> to vector<16x1250xbf16>
    %slice3A_183 = vector.extract_strided_slice %convert_element_type3A_66 {offsets = [0, 80], sizes = [1250, 16], strides = [1, 1]} : vector<1250x128xbf16> to vector<1250x16xbf16>
    %slice3A_184 = vector.extract_strided_slice %convert_element_type3A_68 {offsets = [0, 80], sizes = [1250, 16], strides = [1, 1]} : vector<1250x128xbf16> to vector<1250x16xbf16>
    %dot_general3A_185 = arith.constant dense<0.000000e+00> : vector<16x16xf32>
    %dot_general3A_186 = tpu.matmul %convert_element_type3A_182, %slice3A_183, %dot_general3A_185 {dimension_numbers = #tpu.dot_dimension_numbers<[1], [0], [0], [1], [0, 0, 1, 1], [], []>, transpose_lhs_hint = false} : vector<16x1250xbf16>, vector<1250x16xbf16>, vector<16x16xf32> -> vector<16x16xf32>
    %add3A_187 = arith.addf %add3A_169, %dot_general3A_186 : vector<16x16xf32>
    %dot_general3A_188 = arith.constant dense<0.000000e+00> : vector<16x16xf32>
    %dot_general3A_189 = tpu.matmul %convert_element_type3A_182, %slice3A_184, %dot_general3A_188 {dimension_numbers = #tpu.dot_dimension_numbers<[1], [0], [0], [1], [0, 0, 1, 1], [], []>, transpose_lhs_hint = false} : vector<16x1250xbf16>, vector<1250x16xbf16>, vector<16x16xf32> -> vector<16x16xf32>
    %add3A_190 = arith.addf %add3A_187, %dot_general3A_189 : vector<16x16xf32>
    %convert_element_type3A_191 = arith.extf %convert_element_type3A_182 : vector<16x1250xbf16> to vector<16x1250xf32>
    %reduce_sum3A_192 = arith.constant dense<0.000000e+00> : vector<16xf32>
    %reduce_sum3A_193 = vector.multi_reduction <add>, %convert_element_type3A_191, %reduce_sum3A_192 [1] : vector<16x1250xf32> to vector<16xf32>
    %broadcast_in_dim3A_194 = vector.shape_cast %reduce_sum3A_193 : vector<16xf32> to vector<16x1xf32>
    %add3A_195 = arith.addf %add3A_174, %broadcast_in_dim3A_194 : vector<16x1xf32>
    %get3A_196 = arith.constant 6 : index
    %get3A_197 = arith.constant 0 : index
    %get3A_198 = vector.load %arg5[%get3A_196, %get3A_197] : memref<8x1250xi32, #tpu.memory_space<vmem>>, vector<1x1250xi32>
    %eq3A_199 = vector.broadcast %get3A_198 : vector<1x1250xi32> to vector<16x1250xi32>
    %eq3A_200 = arith.cmpi eq, %iota3A, %eq3A_199 : vector<16x1250xi32>
    %convert_element_type3A_201 = arith.extui %eq3A_200 : vector<16x1250xi1> to vector<16x1250xi32>
    %convert_element_type3A_202 = arith.sitofp %convert_element_type3A_201 : vector<16x1250xi32> to vector<16x1250xf32>
    %convert_element_type3A_203 = arith.truncf %convert_element_type3A_202 : vector<16x1250xf32> to vector<16x1250xbf16>
    %slice3A_204 = vector.extract_strided_slice %convert_element_type3A_66 {offsets = [0, 96], sizes = [1250, 16], strides = [1, 1]} : vector<1250x128xbf16> to vector<1250x16xbf16>
    %slice3A_205 = vector.extract_strided_slice %convert_element_type3A_68 {offsets = [0, 96], sizes = [1250, 16], strides = [1, 1]} : vector<1250x128xbf16> to vector<1250x16xbf16>
    %dot_general3A_206 = arith.constant dense<0.000000e+00> : vector<16x16xf32>
    %dot_general3A_207 = tpu.matmul %convert_element_type3A_203, %slice3A_204, %dot_general3A_206 {dimension_numbers = #tpu.dot_dimension_numbers<[1], [0], [0], [1], [0, 0, 1, 1], [], []>, transpose_lhs_hint = false} : vector<16x1250xbf16>, vector<1250x16xbf16>, vector<16x16xf32> -> vector<16x16xf32>
    %add3A_208 = arith.addf %add3A_190, %dot_general3A_207 : vector<16x16xf32>
    %dot_general3A_209 = arith.constant dense<0.000000e+00> : vector<16x16xf32>
    %dot_general3A_210 = tpu.matmul %convert_element_type3A_203, %slice3A_205, %dot_general3A_209 {dimension_numbers = #tpu.dot_dimension_numbers<[1], [0], [0], [1], [0, 0, 1, 1], [], []>, transpose_lhs_hint = false} : vector<16x1250xbf16>, vector<1250x16xbf16>, vector<16x16xf32> -> vector<16x16xf32>
    %add3A_211 = arith.addf %add3A_208, %dot_general3A_210 : vector<16x16xf32>
    %convert_element_type3A_212 = arith.extf %convert_element_type3A_203 : vector<16x1250xbf16> to vector<16x1250xf32>
    %reduce_sum3A_213 = arith.constant dense<0.000000e+00> : vector<16xf32>
    %reduce_sum3A_214 = vector.multi_reduction <add>, %convert_element_type3A_212, %reduce_sum3A_213 [1] : vector<16x1250xf32> to vector<16xf32>
    %broadcast_in_dim3A_215 = vector.shape_cast %reduce_sum3A_214 : vector<16xf32> to vector<16x1xf32>
    %add3A_216 = arith.addf %add3A_195, %broadcast_in_dim3A_215 : vector<16x1xf32>
    %get3A_217 = arith.constant 7 : index
    %get3A_218 = arith.constant 0 : index
    %get3A_219 = vector.load %arg5[%get3A_217, %get3A_218] : memref<8x1250xi32, #tpu.memory_space<vmem>>, vector<1x1250xi32>
    %eq3A_220 = vector.broadcast %get3A_219 : vector<1x1250xi32> to vector<16x1250xi32>
    %eq3A_221 = arith.cmpi eq, %iota3A, %eq3A_220 : vector<16x1250xi32>
    %convert_element_type3A_222 = arith.extui %eq3A_221 : vector<16x1250xi1> to vector<16x1250xi32>
    %convert_element_type3A_223 = arith.sitofp %convert_element_type3A_222 : vector<16x1250xi32> to vector<16x1250xf32>
    %convert_element_type3A_224 = arith.truncf %convert_element_type3A_223 : vector<16x1250xf32> to vector<16x1250xbf16>
    %slice3A_225 = vector.extract_strided_slice %convert_element_type3A_66 {offsets = [0, 112], sizes = [1250, 16], strides = [1, 1]} : vector<1250x128xbf16> to vector<1250x16xbf16>
    %slice3A_226 = vector.extract_strided_slice %convert_element_type3A_68 {offsets = [0, 112], sizes = [1250, 16], strides = [1, 1]} : vector<1250x128xbf16> to vector<1250x16xbf16>
    %dot_general3A_227 = arith.constant dense<0.000000e+00> : vector<16x16xf32>
    %dot_general3A_228 = tpu.matmul %convert_element_type3A_224, %slice3A_225, %dot_general3A_227 {dimension_numbers = #tpu.dot_dimension_numbers<[1], [0], [0], [1], [0, 0, 1, 1], [], []>, transpose_lhs_hint = false} : vector<16x1250xbf16>, vector<1250x16xbf16>, vector<16x16xf32> -> vector<16x16xf32>
    %add3A_229 = arith.addf %add3A_211, %dot_general3A_228 : vector<16x16xf32>
    %dot_general3A_230 = arith.constant dense<0.000000e+00> : vector<16x16xf32>
    %dot_general3A_231 = tpu.matmul %convert_element_type3A_224, %slice3A_226, %dot_general3A_230 {dimension_numbers = #tpu.dot_dimension_numbers<[1], [0], [0], [1], [0, 0, 1, 1], [], []>, transpose_lhs_hint = false} : vector<16x1250xbf16>, vector<1250x16xbf16>, vector<16x16xf32> -> vector<16x16xf32>
    %add3A_232 = arith.addf %add3A_229, %dot_general3A_231 : vector<16x16xf32>
    %convert_element_type3A_233 = arith.extf %convert_element_type3A_224 : vector<16x1250xbf16> to vector<16x1250xf32>
    %reduce_sum3A_234 = arith.constant dense<0.000000e+00> : vector<16xf32>
    %reduce_sum3A_235 = vector.multi_reduction <add>, %convert_element_type3A_233, %reduce_sum3A_234 [1] : vector<16x1250xf32> to vector<16xf32>
    %broadcast_in_dim3A_236 = vector.shape_cast %reduce_sum3A_235 : vector<16xf32> to vector<16x1xf32>
    %add3A_237 = arith.addf %add3A_216, %broadcast_in_dim3A_236 : vector<16x1xf32>
    %max3A_238 = arith.constant 1.000000e+00 : f32
    %max3A_239 = vector.broadcast %max3A_238 : f32 to vector<16x1xf32>
    %max3A_240 = arith.maximumf %add3A_237, %max3A_239 : vector<16x1xf32>
    %div3A_241 = vector.broadcast %max3A_240 : vector<16x1xf32> to vector<16x16xf32>
    %div3A_242 = arith.divf %add3A_232, %div3A_241 : vector<16x16xf32>
    %get3A_243 = arith.constant 0 : index
    %get3A_244 = arith.constant 0 : index
    %get3A_245 = vector.load %arg6[%get3A_243, %get3A_244] : memref<16x1xbf16, #tpu.memory_space<vmem>>, vector<16x1xbf16>
    %convert_element_type3A_246 = arith.truncf %div3A_242 : vector<16x16xf32> to vector<16x16xbf16>
    %dot_general3A_247 = arith.constant dense<0.000000e+00> : vector<16x1xf32>
    %dot_general3A_248 = tpu.matmul %convert_element_type3A_246, %get3A_245, %dot_general3A_247 {dimension_numbers = #tpu.dot_dimension_numbers<[1], [0], [0], [1], [0, 0, 1, 1], [], []>, transpose_lhs_hint = false} : vector<16x16xbf16>, vector<16x1xbf16>, vector<16x1xf32> -> vector<16x1xf32>
    %get3A_249 = arith.constant 0 : index
    %get3A_250 = arith.constant 0 : index
    %get3A_251 = vector.load %arg7[%get3A_249, %get3A_250] : memref<1x1xf32, #tpu.memory_space<vmem>>, vector<1x1xf32>
    %add3A_252 = vector.broadcast %get3A_251 : vector<1x1xf32> to vector<16x1xf32>
    %add3A_253 = arith.addf %dot_general3A_248, %add3A_252 : vector<16x1xf32>
    %swap3A = arith.constant 0 : index
    %swap3A_254 = arith.constant 0 : index
    %swap3A_255 = vector.load %arg8[%swap3A, %swap3A_254] : memref<16x1xf32, #tpu.memory_space<vmem>>, vector<16x1xf32>
    tpu.vector_store %arg8[%swap3A, %swap3A_254], %add3A_253 {strides = array<i32>} : memref<16x1xf32, #tpu.memory_space<vmem>>, vector<16x1xf32>,
    return
  }
}

</mosaic_0001>

<sc_bundles>
// kernel: kernel.11.cloned.1.call-start
scs
__scs_entry_jumppad:
0x0: {  	(pc) =	sbr.rel $0x88, $3  }
0x1: {  	(tag) =	ssettag $0x0;
	lr =	simm.s32 $0x1  }
0x2: {  	[smem:$0x3F91] =	sst lr;
	_ =	strace $0xD0000000  }
0x3: {  	_ = 	snop  }
0x4: {  	_ = 	snop  }
0x5: {  	_ = 	snop  }
0x6: {  	_ = 	snop  }
0x7: {  	_ = 	snop  }
__scs_overlays_trampoline_lowered:
0x8: {  	[smem:$0x3FA0] =	sst s0  }
0x9: {  	[smem:$0x3FA1] =	sst s1  }
0xa: {  	[smem:$0x3FA2] =	sst s2  }
0xb: {  	[smem:$0x3FA3] =	sst s3  }
0xc: {  	[smem:$0x3FA4] =	sst s4  }
0xd: {  	[smem:$0x3FA5] =	sst s5  }
0xe: {  	[smem:$0x3FA6] =	sst s6  }
0xf: {  	[smem:$0x3FA7] =	sst s7  }
0x10: {  	[smem:$0x3FA8] =	sst s8  }
0x11: {  	[smem:$0x3FA9] =	sst s9;
	s0 =	simm.s32 @!p0 $0x0  }
0x12: {  	s1 =	sld [smem:$0x3F8F];
	s0 =	simm.s32 @p0 $0x1  }
0x13: {  	[smem:$0x3FAA] =	sst s0;
	s0 =	simm.s32 @!p1 $0x0  }
0x14: {  	s2 =	sld [smem:$0x3F8E];
	s0 =	simm.s32 @p1 $0x1  }
0x15: {  	[smem:$0x3FAB] =	sst s0;
	s0 =	simm.s32 @!p2 $0x0  }
0x16: {  	s3 =	sld [smem:$0x3FDB];
	s0 =	simm.s32 @p2 $0x1  }
0x17: {  	s4 =	simm.s32 $0x1BF5;
	[smem:$0x3FAD] =	sst s0  }
0x18: {  	s0 =	sld [smem:$0x3F90];
	_ =	swait.ge [sflag:s4], $0x0  }
0x19: {  	s7 =	sld [smem:$0x3F91]  }
0x1a: {  	s8 =	sadd.s32 $0xFFFFE003, lr  }
0x1b: {  	s9 =	sadd.s32 $0xFFFFFEF7, lr;
	s5 =	simm.s32 $0xFFFFFFFF;
	p2 =	slt.u32 s8, $0xFFFFF086  }
0x1c: {  	p1 =	slt.u32 s9, $0xF7A;
	s5 =	simm.s32 @!p2 $0x0  }
0x1d: {  	s5 =	simm.s32 @p1 $0x1;
	p0 =	seq.s32 s7, s2  }
0x1e: {  	s7 =	smul.u32 @!p0 $0xF7A, s2;
	p2 =	seq.s32 @!p0 s5, $0x0  }
0x1f: {  	s9 =	smul.u32 $0xF7A, s1;
	s8 =	simm.s32 @!p0 $0x1BF5;
	p2 =	por !p2, p0  }
0x20: {  	[sflag:s8] =	ssyncset.s32 @!p0 $0xFFFFF086;
	s6 =	sadd.s32 @!p0 s3, s7;
	s7 =	simm.s32 @!p0 $0x108  }
0x21: {  	s3 =	sadd.s32 s3, s9;
	s6 =	sadd.s32 @!p0 $0x88, s6;
	s7 =	simm.s32 @p2 $0x1082  }
0x22: {  	[simem:s7], [sflag:s8] =	dma.local @!p0 [hbm:s6], $0xF7A  }
0x23: {  	s9 =	sor.u32 $0xD0000000, s2;
	s6 =	simm.s32 $0x108;
	_ =	swait.ge @!p0 [sflag:s8], $0x0  }
0x24: {  	s3 =	sadd.s32 $0x88, s3;
	s6 =	simm.s32 @!p1 $0x1082;
	[sflag:s4] =	ssyncset.s32 $0xFFFFF086  }
0x25: {  	[simem:s6], [sflag:s4] =	dma.local [hbm:s3], $0xF7A  }
0x26: {  	[smem:$0x3F91] =	sst s1;
	(tag) =	ssettag s2;
	_ =	strace s9  }
0x27: {  	s1 =	sld [smem:$0x3FA1]  }
0x28: {  	s2 =	sld [smem:$0x3FA2]  }
0x29: {  	s4 =	sld [smem:$0x3FA4]  }
0x2a: {  	p0 =	seq.s32 s5, $0x0;
	s5 =	sld [smem:$0x3FA5]  }
0x2b: {  	s6 =	sld [smem:$0x3FA6]  }
0x2c: {  	s7 =	sld [smem:$0x3FA7]  }
0x2d: {  	s3 =	simm.s32 $0x108;
	s8 =	sld [smem:$0x3FA8]  }
0x2e: {  	s3 =	simm.s32 @!p0 $0x1082;
	s9 =	sld [smem:$0x3FA9]  }
0x2f: {  	lr =	sadd.s32 s0, s3;
	s0 =	sld [smem:$0x3FA0]  }
0x30: {  	s3 =	sld [smem:$0x3FA3]  }
0x31: {  	[smem:$0x3FAC] =	sst s10  }
0x32: {  	s10 =	sld [smem:$0x3FAA];
	_ =	sdelay $0x3  }
0x33: {  	p0 =	seq.s32 s10, $0x1;
	s10 =	sld [smem:$0x3FAC];
	_ =	sdelay $0x3  }
0x34: {  	[smem:$0x3FAC] =	sst s10  }
0x35: {  	s10 =	sld [smem:$0x3FAB];
	_ =	sdelay $0x3  }
0x36: {  	p1 =	seq.s32 s10, $0x1;
	s10 =	sld [smem:$0x3FAC];
	_ =	sdelay $0x3  }
0x37: {  	[smem:$0x3FAC] =	sst s10  }
0x38: {  	s10 =	sld [smem:$0x3FAD]  }
0x39: {  	_ = 	snop;
	(pc) =	sbr.ind lr, $3  }
0x3a: {  	_ = 	snop  }
0x3b: {  	_ = 	snop  }
0x3c: {  	p2 =	seq.s32 s10, $0x1;
	s10 =	sld [smem:$0x3FAC]  }
0x3d: {  	_ =	shalt  }
0x3e: {  	_ =	shalt  }
0x3f: {  	_ =	shalt  }
0x40: {  	_ =	shalt  }
0x41: {  	_ =	shalt  }
0x42: {  	_ =	shalt  }
0x43: {  	_ =	shalt  }
0x44: {  	_ =	shalt  }
0x45: {  	_ =	shalt  }
0x46: {  	_ =	shalt  }
0x47: {  	_ =	shalt  }
0x48: {  	_ =	shalt  }
0x49: {  	_ =	shalt  }
0x4a: {  	_ =	shalt  }
0x4b: {  	_ =	shalt  }
0x4c: {  	_ =	shalt  }
0x4d: {  	_ =	shalt  }
0x4e: {  	_ =	shalt  }
0x4f: {  	_ =	shalt  }
0x50: {  	_ =	shalt  }
0x51: {  	_ =	shalt  }
0x52: {  	_ =	shalt  }
0x53: {  	_ =	shalt  }
0x54: {  	_ =	shalt  }
0x55: {  	_ =	shalt  }
0x56: {  	_ =	shalt  }
0x57: {  	_ =	shalt  }
0x58: {  	_ =	shalt  }
0x59: {  	_ =	shalt  }
0x5a: {  	_ =	shalt  }
0x5b: {  	_ =	shalt  }
0x5c: {  	_ =	shalt  }
0x5d: {  	_ =	shalt  }
0x5e: {  	_ =	shalt  }
0x5f: {  	_ =	shalt  }
0x60: {  	_ =	shalt  }
0x61: {  	_ =	shalt  }
0x62: {  	_ =	shalt  }
0x63: {  	_ =	shalt  }
0x64: {  	_ =	shalt  }
0x65: {  	_ =	shalt  }
0x66: {  	_ =	shalt  }
0x67: {  	_ =	shalt  }
0x68: {  	_ =	shalt  }
0x69: {  	_ =	shalt  }
0x6a: {  	_ =	shalt  }
0x6b: {  	_ =	shalt  }
0x6c: {  	_ =	shalt  }
0x6d: {  	_ =	shalt  }
0x6e: {  	_ =	shalt  }
0x6f: {  	_ =	shalt  }
0x70: {  	_ =	shalt  }
0x71: {  	_ =	shalt  }
0x72: {  	_ =	shalt  }
0x73: {  	_ =	shalt  }
0x74: {  	_ =	shalt  }
0x75: {  	_ =	shalt  }
0x76: {  	_ =	shalt  }
0x77: {  	_ =	shalt  }
0x78: {  	_ =	shalt  }
0x79: {  	_ =	shalt  }
0x7a: {  	_ =	shalt  }
0x7b: {  	_ =	shalt  }
0x7c: {  	_ =	shalt  }
0x7d: {  	_ =	shalt  }
0x7e: {  	_ =	shalt  }
0x7f: {  	_ =	shalt  }
0x80: {  	_ =	shalt  }
0x81: {  	_ =	shalt  }
0x82: {  	_ =	shalt  }
0x83: {  	_ =	shalt  }
0x84: {  	_ =	shalt  }
0x85: {  	_ =	shalt  }
0x86: {  	_ =	shalt  }
0x87: {  	_ =	shalt  }
.Lfunc_end0:
.L_simem_size_0:
called_computation_lowered:
.L_overlay_start_0:
0x88: {  	s2 =	sld [smem:$0x3FD9]  }
0x89: {  	s3 =	sld [smem:$0x3FFE];
	_ =	sdelay $0x1  }
0x8a: {  	s1 =	srdreg.scid  }
0x8b: {  	s0 =	sand.u32 $0x1, s1  }
0x8c: {  	s16 =	sshll.u32 s0, $0xA;
	s2 =	sadd.s32 s3, s2  }
0x8d: {  	s2 =	sadd.s32 s2, s16  }
0x8e: {  	[smem:$0x3FB8] =	sst s2  }
0x8f: {  	_ = 	snop  }
0x90: {  	(tm) =	ssettm $0x1  }
0x91: {  	s17 =	sld [smem:$0x3FFB];
	_ =	sdelay $0x3  }
0x92: {  	_ =	strace s17  }
0x93: {  	s2 =	sld [smem:$0x3FFC];
	_ =	sdelay $0x3  }
0x94: {  	_ =	strace s2  }
0x95: {  	s2 =	sld [smem:$0x3FFD];
	_ =	sdelay $0x3  }
0x96: {  	_ =	strace s2  }
0x97: {  	_ =	strace $0x8FFFFFFF  }
0x98: {  	s18 =	sld [smem:$0x3FDB];
	_ =	sdelay $0x1  }
0x99: {  	s19 =	simm.s32 $_scs_section_size  }
0x9a: {  	s4 =	simm.s32 $_size__tile_overlayer_lowered;
	s5 =	simm.s32 $_tile_overlayer_lowered  }
0x9b: {  	s22 =	simm.s32 $0x1BFF;
	s21 =	sshll.u32 s5, $0x1;
	s2 =	sadd.s32 s19, s18  }
0x9c: {  	s6 =	simm.s32 $0x0;
	s20 =	sshll.u32 s4, $0x1;
	s4 =	sadd.s32 s21, s2  }
0x9d: {  	[timem:s6], [sflag:s22] =	dma.local [hbm:s4], s20  }
0x9e: {  	_ =	swait.ge [sflag:s22], s20  }
0x9f: {  	s3 =	ssub.s32 $0x0, s20;
	[sflag:s22] =	ssyncset.done $0x0  }
0xa0: {  	[sflag:s22] =	ssyncadd.s32 s3;
	_ =	sdelay $0x1  }
0xa1: {  	s23 =	simm.s32 $0x1B8B  }
0xa2: {  	_ =	swait.ge [sflag:s23], $0x1  }
0xa3: {  	[sflag:s23] =	ssyncset.done $0x0  }
0xa4: {  	s25 =	simm.s32 $0x1B8E;
	s24 =	sld [smem:$0x3FFE];
	[sflag:s23] =	ssyncadd.s32 $0xFFFFFFFF  }
0xa5: {  	s26 =	simm.s32 $execute0_lowered;
	[smem:$0x3FD2] =	sst s25  }
0xa6: {  	s4 =	sshll.u32 s26, $0x1;
	_ =	strace $0x80000046;
	[dreg:$0x1] =	wrdreg $0xFFFFFFFF  }
0xa7: {  	s28 =	simm.s32 $_size_execute0_lowered;
	s2 =	sadd.s32 s2, s4;
	[dreg:$0x0] =	wrdreg $0x0  }
0xa8: {  	s4 =	sshll.u32 s28, $0x1;
	[dreg:$0x2] =	wrdreg s2  }
0xa9: {  	[dreg:$0x3] =	wrdreg s4  }
0xaa: {  	[dreg:$0x4] =	wrdreg $0xC0  }
0xab: {  	_ =	task [dreg:s6], $0x5FFFF  }
0xac: {  	[dreg:$0x1] =	wrdreg $0xFFFFFFFF  }
0xad: {  	[dreg:$0x0] =	wrdreg $0x60  }
0xae: {  	[dreg:$0x2] =	wrdreg s24  }
0xaf: {  	[dreg:$0x3] =	wrdreg $0x9  }
0xb0: {  	_ =	task.clear_ibuf [dreg:s6], $0x4FFFF;
	_ =	strace $0x90000046  }
0xb1: {  	s29 =	simm.s32 $0x9;
	_ =	strace $0x80000048  }
0xb2: {  	_ =	swait.ge [sflag:s29], $0x1  }
0xb3: {  	[sflag:s29] =	ssyncadd.s32 $0xFFFFFFFF  }
0xb4: {  	_ =	strace $0x90000048  }
0xb5: {  	_ =	sfence  }
0xb6: {  	s30 =	sld [smem:$0x0];
	_ =	sdelay $0x2  }
0xb7: {  	s31 =	sshll.u32 s1, $0xD;
	s1 =	sshrl.u32 s1, $0x2  }
0xb8: {  	s3 =	sand.u32 $0x4000, s31;
	s1 =	sadd.s32 s1, s30  }
0xb9: {  	s0 =	sor.u32 s3, s0;
	s1 =	sshll.u32 s1, $0x11  }
0xba: {  	s0 =	sor.u32 s1, s0  }
0xbb: {  	s0 =	sadd.s32 $0x8F2B, s0  }
0xbc: {  	[sflag:s0] =	ssyncadd.remote.s32 $0x1  }
0xbd: {  	_ =	sfence.sel $0xFFFF  }
0xbe: {  	[dreg:$0x0] =	wrdreg $0xFFFFFFFF;
	(pc) =	sbr.abs _section_cstart, $3  }
0xbf: {  	[dreg:$0x1] =	wrdreg $0xFFFFFFFF  }
0xc0: {  	_ =	task.clear_ibuf [dreg:s6], $0x2FFFF;
	_ =	strace $0x9FFFFFFF  }
0xc1: {  	(tm) =	ssettm $0x7FFFFFFF  }
tec
execute0_lowered:
.L_overlay_start_1:
0x0: {  	(tag) =	ssettag $0x1  }
0x1: {  	s1 =	srdreg.scid;
	s0 =	stileid.u32  }
0x2: {  	s19 =	sand.u32 $0x1, s1;
	s25 =	sshll.u32 s0, $0x1  }
0x3: {  	s11 =	sor.u32 s19, s25  }
0x4: {  	s12 =	rddreg [dreg:$0x0];
	s18 =	smul.u32 $0x2710, s11  }
0x5: {  	s2 =	simm.s32 $0x0;
	s1 =	rddreg [dreg:$0x1]  }
0x6: {  	[smem:$0x7FF] =	sst s2;
	s17 =	sadd.s32 $0x4C00, s12;
	s3 =	sshrl.u32 s18, $0x3  }
0x7: {  	_ =	strace $0x80000047;
	s4 =	sadd.s32 s17, s3;
	s3 =	simm.s32 $0x3  }
0x8: {  	[tilespmem:s2], [sflag:$0x3] =	stream.linear.gather [hbm4b:s4+s2], $0x7D0, $0x38;
	[tilespmem:$0x109A0] =	vst v63  }
0x9: {  	s6 =	simm.s32 $0x7D0;
	_ =	swait.ge [sflag:s3], $0x7D0  }
0xa: {  	s7 =	simm.s32 $0xFA0;
	s14 =	sadd.s32 $0x7D0, s18;
	[sflag:s3] =	ssyncset.done $0x0  }
0xb: {  	s5 =	sadd.s32 $0x18800, s12;
	s8 =	sshrl.u32 s14, $0x3;
	[sflag:s3] =	ssyncadd.s32 $0xFFFFF830  }
0xc: {  	[tilespmem:s7], [sflag:$0x1] =	stream.indirect.gather [hbm4b:s5+s6], $0x10, s2, s6, $0xb8;
	[tilespmem:$0x109A0] =	vst v63  }
0xd: {  	s8 =	sadd.s32 s17, s8  }
0xe: {  	[tilespmem:s6], [sflag:$0x3] =	stream.linear.gather [hbm4b:s8+s2], $0x7D0, $0x38;
	[tilespmem:$0x109A0] =	vst v63  }
0xf: {  	_ =	swait.ge [sflag:s3], $0x7D0  }
0x10: {  	[sflag:s3] =	ssyncset.done $0x0  }
0x11: {  	s9 =	simm.s32 $0x8CA0;
	s10 =	simm.s32 $0x1;
	[sflag:s3] =	ssyncadd.s32 $0xFFFFF830  }
0x12: {  	[tilespmem:s9], [sflag:$0x2] =	stream.indirect.gather [hbm4b:s5+s6], $0x10, s6, s6, $0xb8;
	[tilespmem:$0x109A0] =	vst v63  }
0x13: {  	s11 =	smul.u32 $0x4E20, s11;
	_ =	swait.ge [sflag:s10], $0x7D00  }
0x14: {  	s20 =	sadd.s32 $0x1D800, s12;
	[sflag:s10] =	ssyncset.done $0x0  }
0x15: {  	s11 =	sadd.s32 s20, s11;
	[sflag:s10] =	ssyncadd.s32 $0xFFFF8300  }
0x16: {  	[hbm4b:s11+s2] =	stream.linear.scatter [tilespmem:s7], [sflag:$0x3], $0x7D00, $0x38;
	[tilespmem:$0x109A0] =	vst v63  }
0x17: {  	s16 =	sadd.s32 $0xFA0, s18;
	_ =	swait.ge [sflag:s3], $0x7D00  }
0x18: {  	s26 =	sshrl.u32 s16, $0x3;
	[sflag:s3] =	ssyncset.done $0x0  }
0x19: {  	s12 =	sadd.s32 s17, s26;
	[sflag:s3] =	ssyncadd.s32 $0xFFFF8300  }
0x1a: {  	[tilespmem:s2], [sflag:$0x3] =	stream.linear.gather [hbm4b:s12+s2], $0x7D0, $0x38;
	[tilespmem:$0x109A0] =	vst v63  }
0x1b: {  	_ =	swait.ge [sflag:s3], $0x7D0  }
0x1c: {  	[sflag:s3] =	ssyncset.done $0x0  }
0x1d: {  	s13 =	simm.s32 $0x2;
	[sflag:s3] =	ssyncadd.s32 $0xFFFFF830  }
0x1e: {  	[tilespmem:s7], [sflag:$0x1] =	stream.indirect.gather [hbm4b:s5+s6], $0x10, s2, s6, $0xb8;
	[tilespmem:$0x109A0] =	vst v63  }
0x1f: {  	_ =	swait.ge [sflag:s13], $0x7D00  }
0x20: {  	s14 =	sshll.u32 s14, $0x1;
	[sflag:s13] =	ssyncset.done $0x0  }
0x21: {  	s14 =	sadd.s32 s20, s14;
	[sflag:s13] =	ssyncadd.s32 $0xFFFF8300  }
0x22: {  	[hbm4b:s14+s2] =	stream.linear.scatter [tilespmem:s9], [sflag:$0x3], $0x7D00, $0x38;
	[tilespmem:$0x109A0] =	vst v63  }
0x23: {  	s21 =	sadd.s32 $0x1770, s18;
	_ =	swait.ge [sflag:s3], $0x7D00  }
0x24: {  	s15 =	sshrl.u32 s21, $0x3;
	[sflag:s3] =	ssyncset.done $0x0  }
0x25: {  	s15 =	sadd.s32 s17, s15;
	[sflag:s3] =	ssyncadd.s32 $0xFFFF8300  }
0x26: {  	[tilespmem:s6], [sflag:$0x3] =	stream.linear.gather [hbm4b:s15+s2], $0x7D0, $0x38;
	[tilespmem:$0x109A0] =	vst v63  }
0x27: {  	_ =	swait.ge [sflag:s3], $0x7D0  }
0x28: {  	[sflag:s3] =	ssyncset.done $0x0  }
0x29: {  	[sflag:s3] =	ssyncadd.s32 $0xFFFFF830  }
0x2a: {  	[tilespmem:s9], [sflag:$0x2] =	stream.indirect.gather [hbm4b:s5+s6], $0x10, s6, s6, $0xb8;
	[tilespmem:$0x109A0] =	vst v63  }
0x2b: {  	_ =	swait.ge [sflag:s10], $0x7D00  }
0x2c: {  	s16 =	sshll.u32 s16, $0x1;
	[sflag:s10] =	ssyncset.done $0x0  }
0x2d: {  	s16 =	sadd.s32 s20, s16;
	[sflag:s10] =	ssyncadd.s32 $0xFFFF8300  }
0x2e: {  	[hbm4b:s16+s2] =	stream.linear.scatter [tilespmem:s7], [sflag:$0x3], $0x7D00, $0x38;
	[tilespmem:$0x109A0] =	vst v63  }
0x2f: {  	s22 =	sadd.s32 $0x1F40, s18;
	_ =	swait.ge [sflag:s3], $0x7D00  }
0x30: {  	s18 =	sshrl.u32 s22, $0x3;
	[sflag:s3] =	ssyncset.done $0x0  }
0x31: {  	s17 =	sadd.s32 s17, s18;
	[sflag:s3] =	ssyncadd.s32 $0xFFFF8300  }
0x32: {  	[tilespmem:s2], [sflag:$0x3] =	stream.linear.gather [hbm4b:s17+s2], $0x7D0, $0x38;
	[tilespmem:$0x109A0] =	vst v63  }
0x33: {  	_ =	swait.ge [sflag:s3], $0x7D0  }
0x34: {  	[sflag:s3] =	ssyncset.done $0x0  }
0x35: {  	[sflag:s3] =	ssyncadd.s32 $0xFFFFF830  }
0x36: {  	[tilespmem:s7], [sflag:$0x1] =	stream.indirect.gather [hbm4b:s5+s6], $0x10, s2, s6, $0xb8;
	[tilespmem:$0x109A0] =	vst v63  }
0x37: {  	_ =	swait.ge [sflag:s13], $0x7D00  }
0x38: {  	s28 =	sshll.u32 s21, $0x1;
	[sflag:s13] =	ssyncset.done $0x0  }
0x39: {  	s19 =	ssub.s32 $0x2, s19;
	s18 =	sadd.s32 s20, s28;
	[sflag:s13] =	ssyncadd.s32 $0xFFFF8300  }
0x3a: {  	[hbm4b:s18+s2] =	stream.linear.scatter [tilespmem:s9], [sflag:$0x3], $0x7D00, $0x38;
	[tilespmem:$0x109A0] =	vst v63  }
0x3b: {  	s29 =	sshrl.u32 s19, $0x1;
	_ =	swait.ge [sflag:s3], $0x7D00  }
0x3c: {  	s21 =	ssub.s32 s19, s29;
	[sflag:s3] =	ssyncset.done $0x0  }
0x3d: {  	s31 =	smax.u32 s21, $0x1;
	[sflag:s3] =	ssyncadd.s32 $0xFFFF8300  }
0x3e: {  	p0 =	sne.s32 s31, $0x1;
	_ =	swait.ge [sflag:s10], $0x7D00  }
.Ltmp0:
0x3f: {  	s30 =	sshll.u32 s22, $0x1;
	[sflag:s10] =	ssyncset.done $0x0;
	(pc) =	sbr.rel @!p0 .LBB2_2-.Ltmp0, $4  }
0x40: {  	s19 =	sadd.s32 s20, s30;
	[sflag:s10] =	ssyncadd.s32 $0xFFFF8300  }
0x41: {  	[hbm4b:s19+s2] =	stream.linear.scatter [tilespmem:s7], [sflag:$0x3], $0x7D00, $0x38;
	[tilespmem:$0x109A0] =	vst v63  }
0x42: {  	_ =	swait.ge [sflag:s3], $0x7D00  }
0x43: {  	s20 =	sadd.s32 $0xFFFFFFFF, s31;
	[sflag:s3] =	ssyncset.done $0x0  }
.LBB2_1:
0x44: {  	p0 =	sne.s32 s20, $0x1;
	s20 =	sadd.s32 $0xFFFFFFFF, s20;
	[sflag:s3] =	ssyncadd.s32 $0xFFFF8300  }
0x45: {  	[tilespmem:s2], [sflag:$0x3] =	stream.linear.gather [hbm4b:s4+s2], $0x7D0, $0x38;
	[tilespmem:$0x109A0] =	vst v63  }
0x46: {  	_ =	swait.ge [sflag:s3], $0x7D0  }
0x47: {  	[sflag:s3] =	ssyncset.done $0x0  }
0x48: {  	[sflag:s3] =	ssyncadd.s32 $0xFFFFF830  }
0x49: {  	[tilespmem:s7], [sflag:$0x1] =	stream.indirect.gather [hbm4b:s5+s6], $0x10, s2, s6, $0xb8;
	[tilespmem:$0x109A0] =	vst v63  }
0x4a: {  	_ = 	snop  }
0x4b: {  	[tilespmem:s6], [sflag:$0x3] =	stream.linear.gather [hbm4b:s8+s2], $0x7D0, $0x38;
	[tilespmem:$0x109A0] =	vst v63  }
0x4c: {  	_ =	swait.ge [sflag:s3], $0x7D0  }
0x4d: {  	[sflag:s3] =	ssyncset.done $0x0  }
0x4e: {  	[sflag:s3] =	ssyncadd.s32 $0xFFFFF830  }
0x4f: {  	[tilespmem:s9], [sflag:$0x2] =	stream.indirect.gather [hbm4b:s5+s6], $0x10, s6, s6, $0xb8;
	[tilespmem:$0x109A0] =	vst v63  }
0x50: {  	_ =	swait.ge [sflag:s10], $0x7D00  }
0x51: {  	[sflag:s10] =	ssyncset.done $0x0  }
0x52: {  	[sflag:s10] =	ssyncadd.s32 $0xFFFF8300  }
0x53: {  	[hbm4b:s11+s2] =	stream.linear.scatter [tilespmem:s7], [sflag:$0x3], $0x7D00, $0x38;
	[tilespmem:$0x109A0] =	vst v63  }
0x54: {  	_ =	swait.ge [sflag:s3], $0x7D00  }
0x55: {  	[sflag:s3] =	ssyncset.done $0x0  }
0x56: {  	[sflag:s3] =	ssyncadd.s32 $0xFFFF8300  }
0x57: {  	[tilespmem:s2], [sflag:$0x3] =	stream.linear.gather [hbm4b:s12+s2], $0x7D0, $0x38;
	[tilespmem:$0x109A0] =	vst v63  }
0x58: {  	_ =	swait.ge [sflag:s3], $0x7D0  }
0x59: {  	[sflag:s3] =	ssyncset.done $0x0  }
0x5a: {  	[sflag:s3] =	ssyncadd.s32 $0xFFFFF830  }
0x5b: {  	[tilespmem:s7], [sflag:$0x1] =	stream.indirect.gather [hbm4b:s5+s6], $0x10, s2, s6, $0xb8;
	[tilespmem:$0x109A0] =	vst v63  }
0x5c: {  	_ =	swait.ge [sflag:s13], $0x7D00  }
0x5d: {  	[sflag:s13] =	ssyncset.done $0x0  }
0x5e: {  	[sflag:s13] =	ssyncadd.s32 $0xFFFF8300  }
0x5f: {  	[hbm4b:s14+s2] =	stream.linear.scatter [tilespmem:s9], [sflag:$0x3], $0x7D00, $0x38;
	[tilespmem:$0x109A0] =	vst v63  }
0x60: {  	_ =	swait.ge [sflag:s3], $0x7D00  }
0x61: {  	[sflag:s3] =	ssyncset.done $0x0  }
0x62: {  	[sflag:s3] =	ssyncadd.s32 $0xFFFF8300  }
0x63: {  	[tilespmem:s6], [sflag:$0x3] =	stream.linear.gather [hbm4b:s15+s2], $0x7D0, $0x38;
	[tilespmem:$0x109A0] =	vst v63  }
0x64: {  	_ =	swait.ge [sflag:s3], $0x7D0  }
0x65: {  	[sflag:s3] =	ssyncset.done $0x0  }
0x66: {  	[sflag:s3] =	ssyncadd.s32 $0xFFFFF830  }
0x67: {  	[tilespmem:s9], [sflag:$0x2] =	stream.indirect.gather [hbm4b:s5+s6], $0x10, s6, s6, $0xb8;
	[tilespmem:$0x109A0] =	vst v63  }
0x68: {  	_ =	swait.ge [sflag:s10], $0x7D00  }
0x69: {  	[sflag:s10] =	ssyncset.done $0x0  }
0x6a: {  	[sflag:s10] =	ssyncadd.s32 $0xFFFF8300  }
0x6b: {  	[hbm4b:s16+s2] =	stream.linear.scatter [tilespmem:s7], [sflag:$0x3], $0x7D00, $0x38;
	[tilespmem:$0x109A0] =	vst v63  }
0x6c: {  	_ =	swait.ge [sflag:s3], $0x7D00  }
0x6d: {  	[sflag:s3] =	ssyncset.done $0x0  }
0x6e: {  	[sflag:s3] =	ssyncadd.s32 $0xFFFF8300  }
0x6f: {  	[tilespmem:s2], [sflag:$0x3] =	stream.linear.gather [hbm4b:s17+s2], $0x7D0, $0x38;
	[tilespmem:$0x109A0] =	vst v63  }
0x70: {  	_ =	swait.ge [sflag:s3], $0x7D0  }
0x71: {  	[sflag:s3] =	ssyncset.done $0x0  }
0x72: {  	[sflag:s3] =	ssyncadd.s32 $0xFFFFF830  }
0x73: {  	[tilespmem:s7], [sflag:$0x1] =	stream.indirect.gather [hbm4b:s5+s6], $0x10, s2, s6, $0xb8;
	[tilespmem:$0x109A0] =	vst v63  }
0x74: {  	_ =	swait.ge [sflag:s13], $0x7D00  }
0x75: {  	[sflag:s13] =	ssyncset.done $0x0  }
0x76: {  	[sflag:s13] =	ssyncadd.s32 $0xFFFF8300  }
0x77: {  	[hbm4b:s18+s2] =	stream.linear.scatter [tilespmem:s9], [sflag:$0x3], $0x7D00, $0x38;
	[tilespmem:$0x109A0] =	vst v63  }
0x78: {  	_ =	swait.ge [sflag:s3], $0x7D00  }
0x79: {  	[sflag:s3] =	ssyncset.done $0x0  }
0x7a: {  	[sflag:s3] =	ssyncadd.s32 $0xFFFF8300  }
0x7b: {  	_ =	swait.ge [sflag:s10], $0x7D00  }
.Ltmp1:
0x7c: {  	[sflag:s10] =	ssyncset.done $0x0;
	(pc) =	sbr.rel @p0 .LBB2_1-.Ltmp1, $4  }
0x7d: {  	[sflag:s10] =	ssyncadd.s32 $0xFFFF8300  }
0x7e: {  	[hbm4b:s19+s2] =	stream.linear.scatter [tilespmem:s7], [sflag:$0x3], $0x7D00, $0x38;
	[tilespmem:$0x109A0] =	vst v63  }
0x7f: {  	_ =	swait.ge [sflag:s3], $0x7D00  }
0x80: {  	[sflag:s3] =	ssyncset.done $0x0  }
.LBB2_2:
0x81: {  	[sflag:s3] =	ssyncadd.s32 $0xFFFF8300  }
0x82: {  	_ =	sfence.sel $0x180000  }
0x83: {  	[bflag:$0x0] =	sbarrier.arrive $0xFFFF  }
0x84: {  	p0 =	sne.s32 s0, $0x0;
	_ =	strace $0x90000047  }
0x85: {  	s0 =	sadd.s32 @!p0 $0x100000, s1;
	[bflag:$0x2] =	sbarrier.arrive $0xFFFF  }
0x86: {  	[sflag:s0] =	ssyncadd.tile.s32 @!p0 $0x1;
	_ =	shalt  }
.Lfunc_end2:
_tile_overlayer_lowered:
.L_overlay_start_2:
0x87: {  	(tag) =	ssettag $0x2  }
0x88: {  	s0 =	rddreg [dreg:$0x0];
	s2 =	stileid.u32  }
0x89: {  	s1 =	rddreg [dreg:$0x1];
	p0 =	sne.s32 s2, $0x0  }
0x8a: {  	s3 =	rddreg [dreg:$0x2];
	[bflag:$0x3] =	sbarrier.arrive $0xFFFF;
	s2 =	simm.s32 @!p0 $0x1C03  }
0x8b: {  	[timem:s3], [sflag:s2] =	dma.local @!p0 [hbm:s0], s1  }
0x8c: {  	s0 =	simm.s32 @!p0 $0x3  }
0x8d: {  	_ =	swait.ge @!p0 [sflag:s0], s1  }
0x8e: {  	s1 =	ssub.s32 @!p0 $0x0, s1;
	[sflag:s0] =	ssyncset.done @!p0 $0x0  }
0x8f: {  	[sflag:s0] =	ssyncadd.s32 @!p0 s1  }
0x90: {  	[bflag:$0x3] =	sbarrier.arrive $0xFFFF  }
0x91: {  	_ =	shalt  }

// kernel: kernel.14.cloned.1.call-start
scs
__scs_entry_jumppad:
0x0: {  	(pc) =	sbr.rel $0x88, $3  }
0x1: {  	(tag) =	ssettag $0x0;
	lr =	simm.s32 $0x1  }
0x2: {  	[smem:$0x3F91] =	sst lr;
	_ =	strace $0xD0000000  }
0x3: {  	_ = 	snop  }
0x4: {  	_ = 	snop  }
0x5: {  	_ = 	snop  }
0x6: {  	_ = 	snop  }
0x7: {  	_ = 	snop  }
__scs_overlays_trampoline_lowered:
0x8: {  	[smem:$0x3FA0] =	sst s0  }
0x9: {  	[smem:$0x3FA1] =	sst s1  }
0xa: {  	[smem:$0x3FA2] =	sst s2  }
0xb: {  	[smem:$0x3FA3] =	sst s3  }
0xc: {  	[smem:$0x3FA4] =	sst s4  }
0xd: {  	[smem:$0x3FA5] =	sst s5  }
0xe: {  	[smem:$0x3FA6] =	sst s6  }
0xf: {  	[smem:$0x3FA7] =	sst s7  }
0x10: {  	[smem:$0x3FA8] =	sst s8  }
0x11: {  	[smem:$0x3FA9] =	sst s9;
	s0 =	simm.s32 @!p0 $0x0  }
0x12: {  	s1 =	sld [smem:$0x3F8F];
	s0 =	simm.s32 @p0 $0x1  }
0x13: {  	[smem:$0x3FAA] =	sst s0;
	s0 =	simm.s32 @!p1 $0x0  }
0x14: {  	s2 =	sld [smem:$0x3F8E];
	s0 =	simm.s32 @p1 $0x1  }
0x15: {  	[smem:$0x3FAB] =	sst s0;
	s0 =	simm.s32 @!p2 $0x0  }
0x16: {  	s3 =	sld [smem:$0x3FDB];
	s0 =	simm.s32 @p2 $0x1  }
0x17: {  	s4 =	simm.s32 $0x1BF5;
	[smem:$0x3FAD] =	sst s0  }
0x18: {  	s0 =	sld [smem:$0x3F90];
	_ =	swait.ge [sflag:s4], $0x0  }
0x19: {  	s7 =	sld [smem:$0x3F91]  }
0x1a: {  	s8 =	sadd.s32 $0xFFFFE003, lr  }
0x1b: {  	s9 =	sadd.s32 $0xFFFFFEF7, lr;
	s5 =	simm.s32 $0xFFFFFFFF;
	p2 =	slt.u32 s8, $0xFFFFF086  }
0x1c: {  	p1 =	slt.u32 s9, $0xF7A;
	s5 =	simm.s32 @!p2 $0x0  }
0x1d: {  	s5 =	simm.s32 @p1 $0x1;
	p0 =	seq.s32 s7, s2  }
0x1e: {  	s7 =	smul.u32 @!p0 $0xF7A, s2;
	p2 =	seq.s32 @!p0 s5, $0x0  }
0x1f: {  	s9 =	smul.u32 $0xF7A, s1;
	s8 =	simm.s32 @!p0 $0x1BF5;
	p2 =	por !p2, p0  }
0x20: {  	[sflag:s8] =	ssyncset.s32 @!p0 $0xFFFFF086;
	s6 =	sadd.s32 @!p0 s3, s7;
	s7 =	simm.s32 @!p0 $0x108  }
0x21: {  	s3 =	sadd.s32 s3, s9;
	s6 =	sadd.s32 @!p0 $0x88, s6;
	s7 =	simm.s32 @p2 $0x1082  }
0x22: {  	[simem:s7], [sflag:s8] =	dma.local @!p0 [hbm:s6], $0xF7A  }
0x23: {  	s9 =	sor.u32 $0xD0000000, s2;
	s6 =	simm.s32 $0x108;
	_ =	swait.ge @!p0 [sflag:s8], $0x0  }
0x24: {  	s3 =	sadd.s32 $0x88, s3;
	s6 =	simm.s32 @!p1 $0x1082;
	[sflag:s4] =	ssyncset.s32 $0xFFFFF086  }
0x25: {  	[simem:s6], [sflag:s4] =	dma.local [hbm:s3], $0xF7A  }
0x26: {  	[smem:$0x3F91] =	sst s1;
	(tag) =	ssettag s2;
	_ =	strace s9  }
0x27: {  	s1 =	sld [smem:$0x3FA1]  }
0x28: {  	s2 =	sld [smem:$0x3FA2]  }
0x29: {  	s4 =	sld [smem:$0x3FA4]  }
0x2a: {  	p0 =	seq.s32 s5, $0x0;
	s5 =	sld [smem:$0x3FA5]  }
0x2b: {  	s6 =	sld [smem:$0x3FA6]  }
0x2c: {  	s7 =	sld [smem:$0x3FA7]  }
0x2d: {  	s3 =	simm.s32 $0x108;
	s8 =	sld [smem:$0x3FA8]  }
0x2e: {  	s3 =	simm.s32 @!p0 $0x1082;
	s9 =	sld [smem:$0x3FA9]  }
0x2f: {  	lr =	sadd.s32 s0, s3;
	s0 =	sld [smem:$0x3FA0]  }
0x30: {  	s3 =	sld [smem:$0x3FA3]  }
0x31: {  	[smem:$0x3FAC] =	sst s10  }
0x32: {  	s10 =	sld [smem:$0x3FAA];
	_ =	sdelay $0x3  }
0x33: {  	p0 =	seq.s32 s10, $0x1;
	s10 =	sld [smem:$0x3FAC];
	_ =	sdelay $0x3  }
0x34: {  	[smem:$0x3FAC] =	sst s10  }
0x35: {  	s10 =	sld [smem:$0x3FAB];
	_ =	sdelay $0x3  }
0x36: {  	p1 =	seq.s32 s10, $0x1;
	s10 =	sld [smem:$0x3FAC];
	_ =	sdelay $0x3  }
0x37: {  	[smem:$0x3FAC] =	sst s10  }
0x38: {  	s10 =	sld [smem:$0x3FAD]  }
0x39: {  	_ = 	snop;
	(pc) =	sbr.ind lr, $3  }
0x3a: {  	_ = 	snop  }
0x3b: {  	_ = 	snop  }
0x3c: {  	p2 =	seq.s32 s10, $0x1;
	s10 =	sld [smem:$0x3FAC]  }
0x3d: {  	_ =	shalt  }
0x3e: {  	_ =	shalt  }
0x3f: {  	_ =	shalt  }
0x40: {  	_ =	shalt  }
0x41: {  	_ =	shalt  }
0x42: {  	_ =	shalt  }
0x43: {  	_ =	shalt  }
0x44: {  	_ =	shalt  }
0x45: {  	_ =	shalt  }
0x46: {  	_ =	shalt  }
0x47: {  	_ =	shalt  }
0x48: {  	_ =	shalt  }
0x49: {  	_ =	shalt  }
0x4a: {  	_ =	shalt  }
0x4b: {  	_ =	shalt  }
0x4c: {  	_ =	shalt  }
0x4d: {  	_ =	shalt  }
0x4e: {  	_ =	shalt  }
0x4f: {  	_ =	shalt  }
0x50: {  	_ =	shalt  }
0x51: {  	_ =	shalt  }
0x52: {  	_ =	shalt  }
0x53: {  	_ =	shalt  }
0x54: {  	_ =	shalt  }
0x55: {  	_ =	shalt  }
0x56: {  	_ =	shalt  }
0x57: {  	_ =	shalt  }
0x58: {  	_ =	shalt  }
0x59: {  	_ =	shalt  }
0x5a: {  	_ =	shalt  }
0x5b: {  	_ =	shalt  }
0x5c: {  	_ =	shalt  }
0x5d: {  	_ =	shalt  }
0x5e: {  	_ =	shalt  }
0x5f: {  	_ =	shalt  }
0x60: {  	_ =	shalt  }
0x61: {  	_ =	shalt  }
0x62: {  	_ =	shalt  }
0x63: {  	_ =	shalt  }
0x64: {  	_ =	shalt  }
0x65: {  	_ =	shalt  }
0x66: {  	_ =	shalt  }
0x67: {  	_ =	shalt  }
0x68: {  	_ =	shalt  }
0x69: {  	_ =	shalt  }
0x6a: {  	_ =	shalt  }
0x6b: {  	_ =	shalt  }
0x6c: {  	_ =	shalt  }
0x6d: {  	_ =	shalt  }
0x6e: {  	_ =	shalt  }
0x6f: {  	_ =	shalt  }
0x70: {  	_ =	shalt  }
0x71: {  	_ =	shalt  }
0x72: {  	_ =	shalt  }
0x73: {  	_ =	shalt  }
0x74: {  	_ =	shalt  }
0x75: {  	_ =	shalt  }
0x76: {  	_ =	shalt  }
0x77: {  	_ =	shalt  }
0x78: {  	_ =	shalt  }
0x79: {  	_ =	shalt  }
0x7a: {  	_ =	shalt  }
0x7b: {  	_ =	shalt  }
0x7c: {  	_ =	shalt  }
0x7d: {  	_ =	shalt  }
0x7e: {  	_ =	shalt  }
0x7f: {  	_ =	shalt  }
0x80: {  	_ =	shalt  }
0x81: {  	_ =	shalt  }
0x82: {  	_ =	shalt  }
0x83: {  	_ =	shalt  }
0x84: {  	_ =	shalt  }
0x85: {  	_ =	shalt  }
0x86: {  	_ =	shalt  }
0x87: {  	_ =	shalt  }
.Lfunc_end0:
.L_simem_size_0:
called_computation.1_lowered:
.L_overlay_start_0:
0x88: {  	s2 =	sld [smem:$0x3FD9]  }
0x89: {  	s3 =	sld [smem:$0x3FFE];
	_ =	sdelay $0x1  }
0x8a: {  	s1 =	srdreg.scid  }
0x8b: {  	s0 =	sand.u32 $0x1, s1  }
0x8c: {  	s16 =	sshll.u32 s0, $0xA;
	s2 =	sadd.s32 s3, s2  }
0x8d: {  	s2 =	sadd.s32 s2, s16  }
0x8e: {  	[smem:$0x3FB8] =	sst s2  }
0x8f: {  	_ = 	snop  }
0x90: {  	(tm) =	ssettm $0x1  }
0x91: {  	s17 =	sld [smem:$0x3FFB];
	_ =	sdelay $0x3  }
0x92: {  	_ =	strace s17  }
0x93: {  	s2 =	sld [smem:$0x3FFC];
	_ =	sdelay $0x3  }
0x94: {  	_ =	strace s2  }
0x95: {  	s2 =	sld [smem:$0x3FFD];
	_ =	sdelay $0x3  }
0x96: {  	_ =	strace s2  }
0x97: {  	_ =	strace $0x8FFFFFFF  }
0x98: {  	s18 =	sld [smem:$0x3FDB];
	_ =	sdelay $0x1  }
0x99: {  	s19 =	simm.s32 $_scs_section_size  }
0x9a: {  	s4 =	simm.s32 $_size__tile_overlayer_lowered;
	s5 =	simm.s32 $_tile_overlayer_lowered  }
0x9b: {  	s22 =	simm.s32 $0x1BFF;
	s21 =	sshll.u32 s5, $0x1;
	s2 =	sadd.s32 s19, s18  }
0x9c: {  	s6 =	simm.s32 $0x0;
	s20 =	sshll.u32 s4, $0x1;
	s4 =	sadd.s32 s21, s2  }
0x9d: {  	[timem:s6], [sflag:s22] =	dma.local [hbm:s4], s20  }
0x9e: {  	_ =	swait.ge [sflag:s22], s20  }
0x9f: {  	s3 =	ssub.s32 $0x0, s20;
	[sflag:s22] =	ssyncset.done $0x0  }
0xa0: {  	[sflag:s22] =	ssyncadd.s32 s3;
	_ =	sdelay $0x1  }
0xa1: {  	s23 =	simm.s32 $0x1B8B  }
0xa2: {  	_ =	swait.ge [sflag:s23], $0x1  }
0xa3: {  	[sflag:s23] =	ssyncset.done $0x0  }
0xa4: {  	s25 =	simm.s32 $0x1B8E;
	s24 =	sld [smem:$0x3FFE];
	[sflag:s23] =	ssyncadd.s32 $0xFFFFFFFF  }
0xa5: {  	s26 =	simm.s32 $execute0_lowered;
	[smem:$0x3FD2] =	sst s25  }
0xa6: {  	s4 =	sshll.u32 s26, $0x1;
	_ =	strace $0x80000049;
	[dreg:$0x1] =	wrdreg $0xFFFFFFFF  }
0xa7: {  	s28 =	simm.s32 $_size_execute0_lowered;
	s2 =	sadd.s32 s2, s4;
	[dreg:$0x0] =	wrdreg $0x0  }
0xa8: {  	s4 =	sshll.u32 s28, $0x1;
	[dreg:$0x2] =	wrdreg s2  }
0xa9: {  	[dreg:$0x3] =	wrdreg s4  }
0xaa: {  	[dreg:$0x4] =	wrdreg $0xC0  }
0xab: {  	_ =	task [dreg:s6], $0x5FFFF  }
0xac: {  	[dreg:$0x1] =	wrdreg $0xFFFFFFFF  }
0xad: {  	[dreg:$0x0] =	wrdreg $0x60  }
0xae: {  	[dreg:$0x2] =	wrdreg s24  }
0xaf: {  	[dreg:$0x3] =	wrdreg $0x109A00  }
0xb0: {  	[dreg:$0x4] =	wrdreg $0x1ADB00  }
0xb1: {  	[dreg:$0x5] =	wrdreg $0x9  }
0xb2: {  	_ =	task.clear_ibuf [dreg:s6], $0x6FFFF;
	_ =	strace $0x90000049  }
0xb3: {  	s29 =	simm.s32 $0x9;
	_ =	strace $0x8000004B  }
0xb4: {  	_ =	swait.ge [sflag:s29], $0x1  }
0xb5: {  	[sflag:s29] =	ssyncadd.s32 $0xFFFFFFFF  }
0xb6: {  	_ =	strace $0x9000004B  }
0xb7: {  	_ =	sfence  }
0xb8: {  	s30 =	sld [smem:$0x0];
	_ =	sdelay $0x2  }
0xb9: {  	s31 =	sshll.u32 s1, $0xD;
	s1 =	sshrl.u32 s1, $0x2  }
0xba: {  	s3 =	sand.u32 $0x4000, s31;
	s1 =	sadd.s32 s1, s30  }
0xbb: {  	s0 =	sor.u32 s3, s0;
	s1 =	sshll.u32 s1, $0x11  }
0xbc: {  	s0 =	sor.u32 s1, s0  }
0xbd: {  	s0 =	sadd.s32 $0x8F2B, s0  }
0xbe: {  	[sflag:s0] =	ssyncadd.remote.s32 $0x1  }
0xbf: {  	_ =	sfence.sel $0xFFFF  }
0xc0: {  	[dreg:$0x0] =	wrdreg $0xFFFFFFFF;
	(pc) =	sbr.abs _section_cstart, $3  }
0xc1: {  	[dreg:$0x1] =	wrdreg $0xFFFFFFFF  }
0xc2: {  	_ =	task.clear_ibuf [dreg:s6], $0x2FFFF;
	_ =	strace $0x9FFFFFFF  }
0xc3: {  	(tm) =	ssettm $0x7FFFFFFF  }
tec
execute0_lowered:
.L_overlay_start_1:
0x0: {  	(tag) =	ssettag $0x1  }
0x1: {  	s0 =	rddreg [dreg:$0x0]  }
0x2: {  	s1 =	rddreg [dreg:$0x1]  }
0x3: {  	s2 =	rddreg [dreg:$0x2]  }
0x4: {  	s30 =	rddreg [dreg:$0x3];
	s3 =	simm.s32 $0x0  }
0x5: {  	s4 =	srdreg.scid;
	s6 =	stileid.u32;
	s21 =	simm.s32 $0x8CA0  }
0x6: {  	p1 =	por $0x0, $0x0;
	[smem:$0x7FF] =	sst s3;
	s5 =	sadd.s32 $0x1D800, s0  }
0x7: {  	s4 =	sand.u32 $0x1, s4;
	s7 =	sshll.u32 s6, $0x1;
	s26 =	sadd.s32 $0x28E800, s0  }
0x8: {  	s9 =	sadd.s32 $0xEA00, s0;
	s10 =	sadd.s32 $0x293800, s0;
	p0 =	sne.s32 s6, $0x0  }
0x9: {  	_ =	strace $0x8000004A;
	s8 =	smul.u32 $0x4E20, s4;
	s7 =	sor.u32 s4, s7  }
0xa: {  	[dreg:$0x4] =	wrdreg s10;
	s4 =	ssub.s32 $0x2, s4;
	s11 =	smul.u32 $0x2710, s7  }
0xb: {  	s6 =	simm.s32 @!p0 $0x5;
	s22 =	sshrl.u32 s4, $0x1;
	s7 =	smul.u32 $0x4E20, s7  }
0xc: {  	s0 =	sadd.s32 s8, s0;
	s4 =	ssub.s32 s4, s22;
	s23 =	sshrl.u32 s11, $0x3  }
0xd: {  	s25 =	sadd.s32 $0x7D0, s11;
	s31 =	sadd.s32 s5, s7;
	s12 =	sadd.s32 $0xFA0, s11  }
0xe: {  	s14 =	sadd.s32 $0x1770, s11;
	s17 =	sadd.s32 $0x1F40, s11;
	s11 =	sadd.s32 $0x294800, s0  }
0xf: {  	s19 =	smax.u32 s4, $0x1;
	s24 =	sadd.s32 s9, s23;
	s8 =	sshll.u32 s25, $0x1  }
0x10: {  	s7 =	sshll.u32 s12, $0x1;
	s15 =	sshrl.u32 s14, $0x3;
	s16 =	sshll.u32 s14, $0x1  }
0x11: {  	[dreg:$0x5] =	wrdreg s24;
	s28 =	sadd.s32 s5, s8;
	s24 =	sadd.s32 s5, s7  }
0x12: {  	s23 =	sadd.s32 s9, s15;
	s22 =	sadd.s32 s5, s16;
	s8 =	sshll.u32 s17, $0x1  }
0x13: {  	s15 =	sadd.s32 s5, s8;
	s5 =	sadd.s32 $0x29E600, s0;
	s0 =	sadd.s32 $0xFFFFFFFF, s19  }
0x14: {  	s10 =	sshrl.u32 s25, $0x3;
	s13 =	sshrl.u32 s12, $0x3;
	p2 =	sne.s32 s0, $0x0  }
.Ltmp0:
0x15: {  	s18 =	sshrl.u32 s17, $0x3;
	s12 =	simm.s32 $0x130B0;
	(pc) =	sbr.rel @!p2 .LBB2_1-.Ltmp0, $4  }
0x16: {  	s14 =	simm.s32 $0x1;
	s29 =	sadd.s32 s9, s10;
	s25 =	sadd.s32 s9, s13  }
0x17: {  	s20 =	sadd.s32 s9, s18;
	s16 =	simm.s32 $0x5;
	s17 =	simm.s32 $0xFA0  }
0x18: {  	s18 =	simm.s32 $0x7D0;
	s13 =	simm.s32 $0x3;
	s9 =	simm.s32 $0x4  }
0x19: {  	s7 =	sshrl.u32 @!p0 s2, $0x3;
	s8 =	simm.s32 $0x2;
	s19 =	sshrl.u32 @!p0 s1, $0x3  }
0x1a: {  	s30 =	simm.s32 @!p0 $0x1C05  }
0x1b: {  	[spmem:s19], [sflag:s30] =	dma.local @!p0 [hbm:s26], $0x4E20  }
0x1c: {  	_ =	swait.ge @!p0 [sflag:s6], $0x4E20  }
0x1d: {  	[sflag:s6] =	ssyncset.done @!p0 $0x0  }
0x1e: {  	[sflag:s6] =	ssyncadd.s32 @!p0 $0xFFFFB1E0  }
0x1f: {  	[spmem:s7], [sflag:s30] =	dma.local @!p0 [hbm:s26], $0x4E20  }
0x20: {  	_ =	swait.ge @!p0 [sflag:s6], $0x4E20  }
0x21: {  	[sflag:s6] =	ssyncset.done @!p0 $0x0  }
0x22: {  	s10 =	rddreg [dreg:$0x4];
	[sflag:s6] =	ssyncadd.s32 @!p0 $0xFFFFB1E0  }
0x23: {  	[tilespmem:s12], [sflag:$0x5] =	stream.linear.gather [hbm4b:s10+s3], $0x7D00, $0x38;
	[tilespmem:$0x1D4C0] =	vst v63  }
0x24: {  	_ =	swait.ge [sflag:s16], $0x7D00  }
0x25: {  	[sflag:s16] =	ssyncset.done $0x0  }
0x26: {  	[sflag:s16] =	ssyncadd.s32 $0xFFFF8300  }
0x27: {  	[bflag:$0x0] =	sbarrier.arrive $0xFFFF  }
0x28: {  	s4 =	rddreg [dreg:$0x5]  }
0x29: {  	[tilespmem:s3], [sflag:$0x5] =	stream.linear.gather [hbm4b:s4+s3], $0x7D0, $0x38;
	[tilespmem:$0x1D4C0] =	vst v63  }
0x2a: {  	_ =	swait.ge [sflag:s16], $0x7D0  }
0x2b: {  	[sflag:s16] =	ssyncset.done $0x0  }
0x2c: {  	[sflag:s16] =	ssyncadd.s32 $0xFFFFF830  }
0x2d: {  	[tilespmem:s17], [sflag:$0x5] =	stream.linear.gather [hbm4b:s31+s3], $0x7D00, $0x38;
	[tilespmem:$0x1D4C0] =	vst v63  }
0x2e: {  	_ =	swait.ge [sflag:s16], $0x7D00  }
0x2f: {  	[sflag:s16] =	ssyncset.done $0x0  }
0x30: {  	[sflag:s16] =	ssyncadd.s32 $0xFFFF8300  }
0x31: {  	[spmem:s1] =	stream.indirect.scatter.add.f32 [tilespmem:s17], [sflag:$0x1], $0x10, s3, s18, $0xb8;
	[tilespmem:$0x1D4C0] =	vst v63  }
0x32: {  	_ = 	snop  }
0x33: {  	[spmem:s2] =	stream.indirect.scatter.add.f32 [tilespmem:s12], [sflag:$0x3], $0x10, s3, s18, $0xb8;
	[tilespmem:$0x1D4C0] =	vst v63  }
0x34: {  	_ = 	snop  }
0x35: {  	[tilespmem:s18], [sflag:$0x5] =	stream.linear.gather [hbm4b:s29+s3], $0x7D0, $0x38;
	[tilespmem:$0x1D4C0] =	vst v63  }
0x36: {  	_ =	swait.ge [sflag:s16], $0x7D0  }
0x37: {  	[sflag:s16] =	ssyncset.done $0x0  }
0x38: {  	[sflag:s16] =	ssyncadd.s32 $0xFFFFF830  }
0x39: {  	[tilespmem:s21], [sflag:$0x5] =	stream.linear.gather [hbm4b:s28+s3], $0x7D00, $0x38;
	[tilespmem:$0x1D4C0] =	vst v63  }
0x3a: {  	_ =	swait.ge [sflag:s16], $0x7D00  }
0x3b: {  	[sflag:s16] =	ssyncset.done $0x0  }
0x3c: {  	[sflag:s16] =	ssyncadd.s32 $0xFFFF8300  }
0x3d: {  	[spmem:s1] =	stream.indirect.scatter.add.f32 [tilespmem:s21], [sflag:$0x2], $0x10, s18, s18, $0xb8;
	[tilespmem:$0x1D4C0] =	vst v63  }
0x3e: {  	_ = 	snop  }
0x3f: {  	[spmem:s2] =	stream.indirect.scatter.add.f32 [tilespmem:s12], [sflag:$0x4], $0x10, s18, s18, $0xb8;
	[tilespmem:$0x1D4C0] =	vst v63  }
0x40: {  	_ =	swait.ge [sflag:s14], $0x7D00  }
0x41: {  	[sflag:s14] =	ssyncset.done $0x0  }
0x42: {  	[sflag:s14] =	ssyncadd.s32 $0xFFFF8300  }
0x43: {  	_ =	swait.ge [sflag:s13], $0x7D00  }
0x44: {  	[sflag:s13] =	ssyncset.done $0x0  }
0x45: {  	[sflag:s13] =	ssyncadd.s32 $0xFFFF8300  }
0x46: {  	[tilespmem:s3], [sflag:$0x5] =	stream.linear.gather [hbm4b:s25+s3], $0x7D0, $0x38;
	[tilespmem:$0x1D4C0] =	vst v63  }
0x47: {  	_ =	swait.ge [sflag:s16], $0x7D0  }
0x48: {  	[sflag:s16] =	ssyncset.done $0x0  }
0x49: {  	[sflag:s16] =	ssyncadd.s32 $0xFFFFF830  }
0x4a: {  	[tilespmem:s17], [sflag:$0x5] =	stream.linear.gather [hbm4b:s24+s3], $0x7D00, $0x38;
	[tilespmem:$0x1D4C0] =	vst v63  }
0x4b: {  	_ =	swait.ge [sflag:s16], $0x7D00  }
0x4c: {  	[sflag:s16] =	ssyncset.done $0x0  }
0x4d: {  	[sflag:s16] =	ssyncadd.s32 $0xFFFF8300  }
0x4e: {  	[spmem:s1] =	stream.indirect.scatter.add.f32 [tilespmem:s17], [sflag:$0x1], $0x10, s3, s18, $0xb8;
	[tilespmem:$0x1D4C0] =	vst v63  }
0x4f: {  	_ = 	snop  }
0x50: {  	[spmem:s2] =	stream.indirect.scatter.add.f32 [tilespmem:s12], [sflag:$0x3], $0x10, s3, s18, $0xb8;
	[tilespmem:$0x1D4C0] =	vst v63  }
0x51: {  	_ =	swait.ge [sflag:s8], $0x7D00  }
0x52: {  	[sflag:s8] =	ssyncset.done $0x0  }
0x53: {  	[sflag:s8] =	ssyncadd.s32 $0xFFFF8300  }
0x54: {  	_ =	swait.ge [sflag:s9], $0x7D00  }
0x55: {  	[sflag:s9] =	ssyncset.done $0x0  }
0x56: {  	[sflag:s9] =	ssyncadd.s32 $0xFFFF8300  }
0x57: {  	[tilespmem:s18], [sflag:$0x5] =	stream.linear.gather [hbm4b:s23+s3], $0x7D0, $0x38;
	[tilespmem:$0x1D4C0] =	vst v63  }
0x58: {  	_ =	swait.ge [sflag:s16], $0x7D0  }
0x59: {  	[sflag:s16] =	ssyncset.done $0x0  }
0x5a: {  	[sflag:s16] =	ssyncadd.s32 $0xFFFFF830  }
0x5b: {  	[tilespmem:s21], [sflag:$0x5] =	stream.linear.gather [hbm4b:s22+s3], $0x7D00, $0x38;
	[tilespmem:$0x1D4C0] =	vst v63  }
0x5c: {  	_ =	swait.ge [sflag:s16], $0x7D00  }
0x5d: {  	[sflag:s16] =	ssyncset.done $0x0  }
0x5e: {  	[sflag:s16] =	ssyncadd.s32 $0xFFFF8300  }
0x5f: {  	[spmem:s1] =	stream.indirect.scatter.add.f32 [tilespmem:s21], [sflag:$0x2], $0x10, s18, s18, $0xb8;
	[tilespmem:$0x1D4C0] =	vst v63  }
0x60: {  	_ = 	snop  }
0x61: {  	[spmem:s2] =	stream.indirect.scatter.add.f32 [tilespmem:s12], [sflag:$0x4], $0x10, s18, s18, $0xb8;
	[tilespmem:$0x1D4C0] =	vst v63  }
0x62: {  	_ =	swait.ge [sflag:s14], $0x7D00  }
0x63: {  	[sflag:s14] =	ssyncset.done $0x0  }
0x64: {  	[sflag:s14] =	ssyncadd.s32 $0xFFFF8300  }
0x65: {  	_ =	swait.ge [sflag:s13], $0x7D00  }
0x66: {  	[sflag:s13] =	ssyncset.done $0x0  }
0x67: {  	[sflag:s13] =	ssyncadd.s32 $0xFFFF8300  }
0x68: {  	[tilespmem:s3], [sflag:$0x5] =	stream.linear.gather [hbm4b:s20+s3], $0x7D0, $0x38;
	[tilespmem:$0x1D4C0] =	vst v63  }
0x69: {  	_ =	swait.ge [sflag:s16], $0x7D0  }
0x6a: {  	[sflag:s16] =	ssyncset.done $0x0  }
0x6b: {  	[sflag:s16] =	ssyncadd.s32 $0xFFFFF830  }
0x6c: {  	[tilespmem:s17], [sflag:$0x5] =	stream.linear.gather [hbm4b:s15+s3], $0x7D00, $0x38;
	[tilespmem:$0x1D4C0] =	vst v63  }
0x6d: {  	_ =	swait.ge [sflag:s16], $0x7D00  }
0x6e: {  	[sflag:s16] =	ssyncset.done $0x0  }
0x6f: {  	[sflag:s16] =	ssyncadd.s32 $0xFFFF8300  }
0x70: {  	[spmem:s1] =	stream.indirect.scatter.add.f32 [tilespmem:s17], [sflag:$0x1], $0x10, s3, s18, $0xb8;
	[tilespmem:$0x1D4C0] =	vst v63  }
0x71: {  	_ = 	snop  }
0x72: {  	[spmem:s2] =	stream.indirect.scatter.add.f32 [tilespmem:s12], [sflag:$0x3], $0x10, s3, s18, $0xb8;
	[tilespmem:$0x1D4C0] =	vst v63  }
0x73: {  	_ =	swait.ge [sflag:s14], $0x7D00  }
0x74: {  	[sflag:s14] =	ssyncset.done $0x0  }
0x75: {  	[sflag:s14] =	ssyncadd.s32 $0xFFFF8300  }
0x76: {  	_ =	swait.ge [sflag:s13], $0x7D00  }
0x77: {  	[sflag:s13] =	ssyncset.done $0x0  }
0x78: {  	[sflag:s13] =	ssyncadd.s32 $0xFFFF8300  }
0x79: {  	_ =	swait.ge [sflag:s8], $0x7D00  }
0x7a: {  	[sflag:s8] =	ssyncset.done $0x0  }
0x7b: {  	[sflag:s8] =	ssyncadd.s32 $0xFFFF8300  }
0x7c: {  	_ =	swait.ge [sflag:s9], $0x7D00  }
0x7d: {  	[sflag:s9] =	ssyncset.done $0x0  }
0x7e: {  	[sflag:s9] =	ssyncadd.s32 $0xFFFF8300  }
0x7f: {  	[bflag:$0x0] =	sbarrier.arrive $0xFFFF  }
0x80: {  	[hbm:s11], [sflag:s30] =	dma.local @!p0 [spmem:s19], $0x4E20  }
0x81: {  	_ =	swait.ge @!p0 [sflag:s6], $0x4E20;
	[dreg:$0x6] =	wrdreg s31;
	s31 =	sadd.s32 $0xFFFFFFFF, s0  }
0x82: {  	p2 =	sne.s32 s31, $0x0  }
.Ltmp1:
0x83: {  	[sflag:s6] =	ssyncset.done @!p0 $0x0;
	(pc) =	sbr.rel @!p2 .LBB2_7-.Ltmp1, $4  }
0x84: {  	[dreg:$0x7] =	wrdreg s22;
	[sflag:s6] =	ssyncadd.s32 @!p0 $0xFFFFB1E0  }
0x85: {  	[hbm:s5], [sflag:s30] =	dma.local @!p0 [spmem:s7], $0x4E20  }
0x86: {  	p1 =	por $0x1, $0x1;
	s0 =	simm.s32 @!p0 $0x5;
	_ =	swait.ge @!p0 [sflag:s6], $0x4E20  }
0x87: {  	s22 =	smov.u32 s15;
	s15 =	simm.s32 @!p0 $0x5;
	[sflag:s6] =	ssyncset.done @!p0 $0x0  }
0x88: {  	s10 =	smov.u32 s19  }
.LBB2_4:
0x89: {  	[sflag:s0] =	ssyncadd.s32 @!p0 $0xFFFFB1E0  }
0x8a: {  	[spmem:s10], [sflag:s30] =	dma.local @!p0 [hbm:s26], $0x4E20  }
0x8b: {  	s0 =	smov.u32 s15;
	_ =	swait.ge @!p0 [sflag:s15], $0x4E20  }
0x8c: {  	[sflag:s0] =	ssyncset.done @!p0 $0x0  }
0x8d: {  	[sflag:s0] =	ssyncadd.s32 @!p0 $0xFFFFB1E0  }
0x8e: {  	[spmem:s7], [sflag:s30] =	dma.local @!p0 [hbm:s26], $0x4E20  }
0x8f: {  	_ =	swait.ge @!p0 [sflag:s0], $0x4E20  }
0x90: {  	[sflag:s0] =	ssyncset.done @!p0 $0x0  }
0x91: {  	s4 =	rddreg [dreg:$0x4];
	[sflag:s0] =	ssyncadd.s32 @!p0 $0xFFFFB1E0  }
0x92: {  	[tilespmem:s12], [sflag:$0x5] =	stream.linear.gather [hbm4b:s4+s3], $0x7D00, $0x38;
	[tilespmem:$0x1D4C0] =	vst v63  }
0x93: {  	_ =	swait.ge [sflag:s16], $0x7D00  }
0x94: {  	[sflag:s16] =	ssyncset.done $0x0  }
0x95: {  	[sflag:s16] =	ssyncadd.s32 $0xFFFF8300  }
0x96: {  	[bflag:$0x0] =	sbarrier.arrive $0xFFFF  }
0x97: {  	s4 =	rddreg [dreg:$0x5]  }
0x98: {  	[tilespmem:s3], [sflag:$0x5] =	stream.linear.gather [hbm4b:s4+s3], $0x7D0, $0x38;
	[tilespmem:$0x1D4C0] =	vst v63  }
0x99: {  	_ =	swait.ge [sflag:s16], $0x7D0  }
0x9a: {  	[sflag:s16] =	ssyncset.done $0x0  }
0x9b: {  	s4 =	rddreg [dreg:$0x6];
	[sflag:s16] =	ssyncadd.s32 $0xFFFFF830  }
0x9c: {  	[tilespmem:s17], [sflag:$0x5] =	stream.linear.gather [hbm4b:s4+s3], $0x7D00, $0x38;
	[tilespmem:$0x1D4C0] =	vst v63  }
0x9d: {  	_ =	swait.ge [sflag:s16], $0x7D00  }
0x9e: {  	[sflag:s16] =	ssyncset.done $0x0  }
0x9f: {  	[sflag:s16] =	ssyncadd.s32 $0xFFFF8300  }
0xa0: {  	[spmem:s1] =	stream.indirect.scatter.add.f32 [tilespmem:s17], [sflag:$0x1], $0x10, s3, s18, $0xb8;
	[tilespmem:$0x1D4C0] =	vst v63  }
0xa1: {  	_ = 	snop  }
0xa2: {  	[spmem:s2] =	stream.indirect.scatter.add.f32 [tilespmem:s12], [sflag:$0x3], $0x10, s3, s18, $0xb8;
	[tilespmem:$0x1D4C0] =	vst v63  }
0xa3: {  	_ = 	snop  }
0xa4: {  	[tilespmem:s18], [sflag:$0x5] =	stream.linear.gather [hbm4b:s29+s3], $0x7D0, $0x38;
	[tilespmem:$0x1D4C0] =	vst v63  }
0xa5: {  	_ =	swait.ge [sflag:s16], $0x7D0  }
0xa6: {  	[sflag:s16] =	ssyncset.done $0x0  }
0xa7: {  	[sflag:s16] =	ssyncadd.s32 $0xFFFFF830  }
0xa8: {  	[tilespmem:s21], [sflag:$0x5] =	stream.linear.gather [hbm4b:s28+s3], $0x7D00, $0x38;
	[tilespmem:$0x1D4C0] =	vst v63  }
0xa9: {  	_ =	swait.ge [sflag:s16], $0x7D00  }
0xaa: {  	[sflag:s16] =	ssyncset.done $0x0  }
0xab: {  	[sflag:s16] =	ssyncadd.s32 $0xFFFF8300  }
0xac: {  	[spmem:s1] =	stream.indirect.scatter.add.f32 [tilespmem:s21], [sflag:$0x2], $0x10, s18, s18, $0xb8;
	[tilespmem:$0x1D4C0] =	vst v63  }
0xad: {  	_ = 	snop  }
0xae: {  	[spmem:s2] =	stream.indirect.scatter.add.f32 [tilespmem:s12], [sflag:$0x4], $0x10, s18, s18, $0xb8;
	[tilespmem:$0x1D4C0] =	vst v63  }
0xaf: {  	_ =	swait.ge [sflag:s14], $0x7D00  }
0xb0: {  	[sflag:s14] =	ssyncset.done $0x0  }
0xb1: {  	[sflag:s14] =	ssyncadd.s32 $0xFFFF8300  }
0xb2: {  	_ =	swait.ge [sflag:s13], $0x7D00  }
0xb3: {  	[sflag:s13] =	ssyncset.done $0x0  }
0xb4: {  	[sflag:s13] =	ssyncadd.s32 $0xFFFF8300  }
0xb5: {  	[tilespmem:s3], [sflag:$0x5] =	stream.linear.gather [hbm4b:s25+s3], $0x7D0, $0x38;
	[tilespmem:$0x1D4C0] =	vst v63  }
0xb6: {  	_ =	swait.ge [sflag:s16], $0x7D0  }
0xb7: {  	[sflag:s16] =	ssyncset.done $0x0  }
0xb8: {  	[sflag:s16] =	ssyncadd.s32 $0xFFFFF830  }
0xb9: {  	[tilespmem:s17], [sflag:$0x5] =	stream.linear.gather [hbm4b:s24+s3], $0x7D00, $0x38;
	[tilespmem:$0x1D4C0] =	vst v63  }
0xba: {  	_ =	swait.ge [sflag:s16], $0x7D00  }
0xbb: {  	[sflag:s16] =	ssyncset.done $0x0  }
0xbc: {  	[sflag:s16] =	ssyncadd.s32 $0xFFFF8300  }
0xbd: {  	[spmem:s1] =	stream.indirect.scatter.add.f32 [tilespmem:s17], [sflag:$0x1], $0x10, s3, s18, $0xb8;
	[tilespmem:$0x1D4C0] =	vst v63  }
0xbe: {  	_ = 	snop  }
0xbf: {  	[spmem:s2] =	stream.indirect.scatter.add.f32 [tilespmem:s12], [sflag:$0x3], $0x10, s3, s18, $0xb8;
	[tilespmem:$0x1D4C0] =	vst v63  }
0xc0: {  	_ =	swait.ge [sflag:s8], $0x7D00  }
0xc1: {  	[sflag:s8] =	ssyncset.done $0x0  }
0xc2: {  	[sflag:s8] =	ssyncadd.s32 $0xFFFF8300  }
0xc3: {  	_ =	swait.ge [sflag:s9], $0x7D00  }
0xc4: {  	[sflag:s9] =	ssyncset.done $0x0  }
0xc5: {  	[sflag:s9] =	ssyncadd.s32 $0xFFFF8300  }
0xc6: {  	[tilespmem:s18], [sflag:$0x5] =	stream.linear.gather [hbm4b:s23+s3], $0x7D0, $0x38;
	[tilespmem:$0x1D4C0] =	vst v63  }
0xc7: {  	_ =	swait.ge [sflag:s16], $0x7D0  }
0xc8: {  	[sflag:s16] =	ssyncset.done $0x0  }
0xc9: {  	s4 =	rddreg [dreg:$0x7];
	[sflag:s16] =	ssyncadd.s32 $0xFFFFF830  }
0xca: {  	[tilespmem:s21], [sflag:$0x5] =	stream.linear.gather [hbm4b:s4+s3], $0x7D00, $0x38;
	[tilespmem:$0x1D4C0] =	vst v63  }
0xcb: {  	_ =	swait.ge [sflag:s16], $0x7D00  }
0xcc: {  	[sflag:s16] =	ssyncset.done $0x0  }
0xcd: {  	[sflag:s16] =	ssyncadd.s32 $0xFFFF8300  }
0xce: {  	[spmem:s1] =	stream.indirect.scatter.add.f32 [tilespmem:s21], [sflag:$0x2], $0x10, s18, s18, $0xb8;
	[tilespmem:$0x1D4C0] =	vst v63  }
0xcf: {  	_ = 	snop  }
0xd0: {  	[spmem:s2] =	stream.indirect.scatter.add.f32 [tilespmem:s12], [sflag:$0x4], $0x10, s18, s18, $0xb8;
	[tilespmem:$0x1D4C0] =	vst v63  }
0xd1: {  	_ =	swait.ge [sflag:s14], $0x7D00  }
0xd2: {  	[sflag:s14] =	ssyncset.done $0x0  }
0xd3: {  	[sflag:s14] =	ssyncadd.s32 $0xFFFF8300  }
0xd4: {  	_ =	swait.ge [sflag:s13], $0x7D00  }
0xd5: {  	[sflag:s13] =	ssyncset.done $0x0  }
0xd6: {  	[sflag:s13] =	ssyncadd.s32 $0xFFFF8300  }
0xd7: {  	[tilespmem:s3], [sflag:$0x5] =	stream.linear.gather [hbm4b:s20+s3], $0x7D0, $0x38;
	[tilespmem:$0x1D4C0] =	vst v63  }
0xd8: {  	_ =	swait.ge [sflag:s16], $0x7D0  }
0xd9: {  	[sflag:s16] =	ssyncset.done $0x0  }
0xda: {  	[sflag:s16] =	ssyncadd.s32 $0xFFFFF830  }
0xdb: {  	[tilespmem:s17], [sflag:$0x5] =	stream.linear.gather [hbm4b:s22+s3], $0x7D00, $0x38;
	[tilespmem:$0x1D4C0] =	vst v63  }
0xdc: {  	_ =	swait.ge [sflag:s16], $0x7D00  }
0xdd: {  	[sflag:s16] =	ssyncset.done $0x0  }
0xde: {  	[sflag:s16] =	ssyncadd.s32 $0xFFFF8300  }
0xdf: {  	[spmem:s1] =	stream.indirect.scatter.add.f32 [tilespmem:s17], [sflag:$0x1], $0x10, s3, s18, $0xb8;
	[tilespmem:$0x1D4C0] =	vst v63  }
0xe0: {  	_ = 	snop  }
0xe1: {  	[spmem:s2] =	stream.indirect.scatter.add.f32 [tilespmem:s12], [sflag:$0x3], $0x10, s3, s18, $0xb8;
	[tilespmem:$0x1D4C0] =	vst v63  }
0xe2: {  	_ =	swait.ge [sflag:s14], $0x7D00  }
0xe3: {  	[sflag:s14] =	ssyncset.done $0x0  }
0xe4: {  	[sflag:s14] =	ssyncadd.s32 $0xFFFF8300  }
0xe5: {  	_ =	swait.ge [sflag:s13], $0x7D00  }
0xe6: {  	[sflag:s13] =	ssyncset.done $0x0  }
0xe7: {  	[sflag:s13] =	ssyncadd.s32 $0xFFFF8300  }
0xe8: {  	_ =	swait.ge [sflag:s8], $0x7D00  }
0xe9: {  	[sflag:s8] =	ssyncset.done $0x0  }
0xea: {  	[sflag:s8] =	ssyncadd.s32 $0xFFFF8300  }
0xeb: {  	_ =	swait.ge [sflag:s9], $0x7D00  }
0xec: {  	[sflag:s9] =	ssyncset.done $0x0  }
0xed: {  	[sflag:s9] =	ssyncadd.s32 $0xFFFF8300  }
0xee: {  	s31 =	sadd.s32 $0xFFFFFFFF, s31;
	[bflag:$0x0] =	sbarrier.arrive $0xFFFF  }
0xef: {  	[hbm:s11], [sflag:s30] =	dma.local @!p0 [spmem:s10], $0x4E20  }
0xf0: {  	p2 =	sne.s32 s31, $0x0;
	_ =	swait.ge @!p0 [sflag:s0], $0x4E20  }
.Ltmp2:
0xf1: {  	[sflag:s0] =	ssyncset.done @!p0 $0x0;
	(pc) =	sbr.rel @p2 .LBB2_4-.Ltmp2, $4  }
0xf2: {  	s6 =	smov.u32 s5;
	[sflag:s0] =	ssyncadd.s32 @!p0 $0xFFFFB1E0  }
0xf3: {  	[hbm:s6], [sflag:s30] =	dma.local @!p0 [spmem:s7], $0x4E20  }
0xf4: {  	_ =	swait.ge @!p0 [sflag:s0], $0x4E20  }
0xf5: {  	s5 =	smov.u32 s6;
	s10 =	smov.u32 s19;
	[sflag:s0] =	ssyncset.done @!p0 $0x0  }
0xf6: {  	s15 =	rddreg [dreg:$0x5]  }
0xf7: {  	s30 =	rddreg [dreg:$0x3]  }
0xf8: {  	s4 =	smov.u32 s22;
	s22 =	rddreg [dreg:$0x7]  }
0xf9: {  	s19 =	smov.u32 s10;
	s31 =	rddreg [dreg:$0x6]  }
.LBB2_6:
0xfa: {  	p1 =	por p0, !p1  }
0xfb: {  	s10 =	simm.s32 @!p0 $0x5;
	[sflag:s0] =	ssyncadd.s32 @!p1 $0xFFFFB1E0;
	s0 =	simm.s32 @!p0 $0x1C05  }
0xfc: {  	[spmem:s19], [sflag:s0] =	dma.local @!p0 [hbm:s26], $0x4E20  }
0xfd: {  	_ =	swait.ge @!p0 [sflag:s10], $0x4E20  }
0xfe: {  	[sflag:s10] =	ssyncset.done @!p0 $0x0  }
0xff: {  	[sflag:s10] =	ssyncadd.s32 @!p0 $0xFFFFB1E0  }
0x100: {  	[spmem:s7], [sflag:s0] =	dma.local @!p0 [hbm:s26], $0x4E20  }
0x101: {  	_ =	swait.ge @!p0 [sflag:s10], $0x4E20  }
0x102: {  	[sflag:s10] =	ssyncset.done @!p0 $0x0  }
0x103: {  	s5 =	rddreg [dreg:$0x4];
	[sflag:s10] =	ssyncadd.s32 @!p0 $0xFFFFB1E0  }
0x104: {  	[tilespmem:s12], [sflag:$0x5] =	stream.linear.gather [hbm4b:s5+s3], $0x7D00, $0x38;
	[tilespmem:$0x1D4C0] =	vst v63  }
0x105: {  	_ =	swait.ge [sflag:s16], $0x7D00  }
0x106: {  	[sflag:s16] =	ssyncset.done $0x0  }
0x107: {  	[sflag:s16] =	ssyncadd.s32 $0xFFFF8300  }
0x108: {  	[bflag:$0x0] =	sbarrier.arrive $0xFFFF  }
0x109: {  	[tilespmem:s3], [sflag:$0x5] =	stream.linear.gather [hbm4b:s15+s3], $0x7D0, $0x38;
	[tilespmem:$0x1D4C0] =	vst v63  }
0x10a: {  	_ =	swait.ge [sflag:s16], $0x7D0  }
0x10b: {  	[sflag:s16] =	ssyncset.done $0x0  }
0x10c: {  	[sflag:s16] =	ssyncadd.s32 $0xFFFFF830  }
0x10d: {  	[tilespmem:s17], [sflag:$0x5] =	stream.linear.gather [hbm4b:s31+s3], $0x7D00, $0x38;
	[tilespmem:$0x1D4C0] =	vst v63  }
0x10e: {  	_ =	swait.ge [sflag:s16], $0x7D00  }
0x10f: {  	[sflag:s16] =	ssyncset.done $0x0  }
0x110: {  	[sflag:s16] =	ssyncadd.s32 $0xFFFF8300  }
0x111: {  	[spmem:s1] =	stream.indirect.scatter.add.f32 [tilespmem:s17], [sflag:$0x1], $0x10, s3, s18, $0xb8;
	[tilespmem:$0x1D4C0] =	vst v63  }
0x112: {  	_ = 	snop  }
0x113: {  	[spmem:s2] =	stream.indirect.scatter.add.f32 [tilespmem:s12], [sflag:$0x3], $0x10, s3, s18, $0xb8;
	[tilespmem:$0x1D4C0] =	vst v63  }
0x114: {  	_ = 	snop  }
0x115: {  	[tilespmem:s18], [sflag:$0x5] =	stream.linear.gather [hbm4b:s29+s3], $0x7D0, $0x38;
	[tilespmem:$0x1D4C0] =	vst v63  }
0x116: {  	_ =	swait.ge [sflag:s16], $0x7D0  }
0x117: {  	[sflag:s16] =	ssyncset.done $0x0  }
0x118: {  	[sflag:s16] =	ssyncadd.s32 $0xFFFFF830  }
0x119: {  	[tilespmem:s21], [sflag:$0x5] =	stream.linear.gather [hbm4b:s28+s3], $0x7D00, $0x38;
	[tilespmem:$0x1D4C0] =	vst v63  }
0x11a: {  	_ =	swait.ge [sflag:s16], $0x7D00  }
0x11b: {  	[sflag:s16] =	ssyncset.done $0x0  }
0x11c: {  	[sflag:s16] =	ssyncadd.s32 $0xFFFF8300  }
0x11d: {  	[spmem:s1] =	stream.indirect.scatter.add.f32 [tilespmem:s21], [sflag:$0x2], $0x10, s18, s18, $0xb8;
	[tilespmem:$0x1D4C0] =	vst v63  }
0x11e: {  	_ = 	snop  }
0x11f: {  	[spmem:s2] =	stream.indirect.scatter.add.f32 [tilespmem:s12], [sflag:$0x4], $0x10, s18, s18, $0xb8;
	[tilespmem:$0x1D4C0] =	vst v63  }
0x120: {  	_ =	swait.ge [sflag:s14], $0x7D00  }
0x121: {  	[sflag:s14] =	ssyncset.done $0x0  }
0x122: {  	[sflag:s14] =	ssyncadd.s32 $0xFFFF8300  }
0x123: {  	_ =	swait.ge [sflag:s13], $0x7D00  }
0x124: {  	[sflag:s13] =	ssyncset.done $0x0  }
0x125: {  	[sflag:s13] =	ssyncadd.s32 $0xFFFF8300  }
0x126: {  	[tilespmem:s3], [sflag:$0x5] =	stream.linear.gather [hbm4b:s25+s3], $0x7D0, $0x38;
	[tilespmem:$0x1D4C0] =	vst v63  }
0x127: {  	_ =	swait.ge [sflag:s16], $0x7D0  }
0x128: {  	[sflag:s16] =	ssyncset.done $0x0  }
0x129: {  	[sflag:s16] =	ssyncadd.s32 $0xFFFFF830  }
0x12a: {  	[tilespmem:s17], [sflag:$0x5] =	stream.linear.gather [hbm4b:s24+s3], $0x7D00, $0x38;
	[tilespmem:$0x1D4C0] =	vst v63  }
0x12b: {  	_ =	swait.ge [sflag:s16], $0x7D00  }
0x12c: {  	[sflag:s16] =	ssyncset.done $0x0  }
0x12d: {  	[sflag:s16] =	ssyncadd.s32 $0xFFFF8300  }
0x12e: {  	[spmem:s1] =	stream.indirect.scatter.add.f32 [tilespmem:s17], [sflag:$0x1], $0x10, s3, s18, $0xb8;
	[tilespmem:$0x1D4C0] =	vst v63  }
0x12f: {  	_ = 	snop  }
0x130: {  	[spmem:s2] =	stream.indirect.scatter.add.f32 [tilespmem:s12], [sflag:$0x3], $0x10, s3, s18, $0xb8;
	[tilespmem:$0x1D4C0] =	vst v63  }
0x131: {  	_ =	swait.ge [sflag:s8], $0x7D00  }
0x132: {  	[sflag:s8] =	ssyncset.done $0x0  }
0x133: {  	[sflag:s8] =	ssyncadd.s32 $0xFFFF8300  }
0x134: {  	_ =	swait.ge [sflag:s9], $0x7D00  }
0x135: {  	[sflag:s9] =	ssyncset.done $0x0  }
0x136: {  	[sflag:s9] =	ssyncadd.s32 $0xFFFF8300  }
0x137: {  	[tilespmem:s18], [sflag:$0x5] =	stream.linear.gather [hbm4b:s23+s3], $0x7D0, $0x38;
	[tilespmem:$0x1D4C0] =	vst v63  }
0x138: {  	_ =	swait.ge [sflag:s16], $0x7D0  }
0x139: {  	[sflag:s16] =	ssyncset.done $0x0  }
0x13a: {  	[sflag:s16] =	ssyncadd.s32 $0xFFFFF830  }
0x13b: {  	[tilespmem:s21], [sflag:$0x5] =	stream.linear.gather [hbm4b:s22+s3], $0x7D00, $0x38;
	[tilespmem:$0x1D4C0] =	vst v63  }
0x13c: {  	_ =	swait.ge [sflag:s16], $0x7D00  }
0x13d: {  	[sflag:s16] =	ssyncset.done $0x0  }
0x13e: {  	[sflag:s16] =	ssyncadd.s32 $0xFFFF8300  }
0x13f: {  	[spmem:s1] =	stream.indirect.scatter.add.f32 [tilespmem:s21], [sflag:$0x2], $0x10, s18, s18, $0xb8;
	[tilespmem:$0x1D4C0] =	vst v63  }
0x140: {  	_ = 	snop  }
0x141: {  	[spmem:s2] =	stream.indirect.scatter.add.f32 [tilespmem:s12], [sflag:$0x4], $0x10, s18, s18, $0xb8;
	[tilespmem:$0x1D4C0] =	vst v63  }
0x142: {  	_ =	swait.ge [sflag:s14], $0x7D00  }
0x143: {  	[sflag:s14] =	ssyncset.done $0x0  }
0x144: {  	[sflag:s14] =	ssyncadd.s32 $0xFFFF8300  }
0x145: {  	_ =	swait.ge [sflag:s13], $0x7D00  }
0x146: {  	[sflag:s13] =	ssyncset.done $0x0  }
0x147: {  	[sflag:s13] =	ssyncadd.s32 $0xFFFF8300  }
0x148: {  	[tilespmem:s3], [sflag:$0x5] =	stream.linear.gather [hbm4b:s20+s3], $0x7D0, $0x38;
	[tilespmem:$0x1D4C0] =	vst v63  }
0x149: {  	_ =	swait.ge [sflag:s16], $0x7D0  }
0x14a: {  	[sflag:s16] =	ssyncset.done $0x0  }
0x14b: {  	[sflag:s16] =	ssyncadd.s32 $0xFFFFF830  }
0x14c: {  	[tilespmem:s17], [sflag:$0x5] =	stream.linear.gather [hbm4b:s4+s3], $0x7D00, $0x38;
	[tilespmem:$0x1D4C0] =	vst v63  }
0x14d: {  	_ =	swait.ge [sflag:s16], $0x7D00  }
0x14e: {  	[sflag:s16] =	ssyncset.done $0x0  }
0x14f: {  	[sflag:s16] =	ssyncadd.s32 $0xFFFF8300  }
0x150: {  	[spmem:s1] =	stream.indirect.scatter.add.f32 [tilespmem:s17], [sflag:$0x1], $0x10, s3, s18, $0xb8;
	[tilespmem:$0x1D4C0] =	vst v63  }
0x151: {  	_ = 	snop  }
0x152: {  	[spmem:s2] =	stream.indirect.scatter.add.f32 [tilespmem:s12], [sflag:$0x3], $0x10, s3, s18, $0xb8;
	[tilespmem:$0x1D4C0] =	vst v63  }
0x153: {  	_ =	swait.ge [sflag:s14], $0x7D00  }
0x154: {  	[sflag:s14] =	ssyncset.done $0x0  }
0x155: {  	[sflag:s14] =	ssyncadd.s32 $0xFFFF8300  }
0x156: {  	_ =	swait.ge [sflag:s13], $0x7D00  }
0x157: {  	[sflag:s13] =	ssyncset.done $0x0  }
0x158: {  	[sflag:s13] =	ssyncadd.s32 $0xFFFF8300  }
0x159: {  	_ =	swait.ge [sflag:s8], $0x7D00  }
0x15a: {  	[sflag:s8] =	ssyncset.done $0x0  }
0x15b: {  	[sflag:s8] =	ssyncadd.s32 $0xFFFF8300  }
0x15c: {  	_ =	swait.ge [sflag:s9], $0x7D00  }
0x15d: {  	[sflag:s9] =	ssyncset.done $0x0  }
0x15e: {  	[sflag:s9] =	ssyncadd.s32 $0xFFFF8300  }
0x15f: {  	[bflag:$0x0] =	sbarrier.arrive $0xFFFF  }
0x160: {  	[hbm:s11], [sflag:s0] =	dma.local @!p0 [spmem:s19], $0x4E20  }
0x161: {  	_ =	swait.ge @!p0 [sflag:s10], $0x4E20  }
0x162: {  	[sflag:s10] =	ssyncset.done @!p0 $0x0  }
0x163: {  	[sflag:s10] =	ssyncadd.s32 @!p0 $0xFFFFB1E0  }
0x164: {  	[hbm:s6], [sflag:s0] =	dma.local @!p0 [spmem:s7], $0x4E20  }
0x165: {  	_ =	swait.ge @!p0 [sflag:s10], $0x4E20  }
0x166: {  	[sflag:s10] =	ssyncset.done @!p0 $0x0  }
0x167: {  	[sflag:s10] =	ssyncadd.s32 @!p0 $0xFFFFB1E0  }
0x168: {  	_ =	sfence.sel $0x180000  }
0x169: {  	[bflag:$0x0] =	sbarrier.arrive $0xFFFF  }
0x16a: {  	_ =	strace $0x9000004A  }
0x16b: {  	s0 =	sadd.s32 @!p0 $0x100000, s30;
	[bflag:$0x2] =	sbarrier.arrive $0xFFFF  }
0x16c: {  	[sflag:s0] =	ssyncadd.tile.s32 @!p0 $0x1;
	_ =	shalt  }
.LBB2_1:
.Ltmp3:
0x16d: {  	(pc) =	sbr.rel .LBB2_6-.Ltmp3, $2  }
0x16e: {  	_ =	sdelay $0x2  }
0x16f: {  	s4 =	smov.u32 s15;
	s15 =	rddreg [dreg:$0x5];
	s6 =	smov.u32 s5  }
.LBB2_7:
.Ltmp4:
0x170: {  	(pc) =	sbr.rel .LBB2_6-.Ltmp4, $4  }
0x171: {  	s15 =	rddreg [dreg:$0x5]  }
0x172: {  	s30 =	rddreg [dreg:$0x3]  }
0x173: {  	s4 =	smov.u32 s22;
	s22 =	rddreg [dreg:$0x7]  }
0x174: {  	s6 =	smov.u32 s5;
	s0 =	simm.s32 @!p0 $0x5;
	s31 =	rddreg [dreg:$0x6]  }
.Lfunc_end2:
_tile_overlayer_lowered:
.L_overlay_start_2:
0x175: {  	(tag) =	ssettag $0x2  }
0x176: {  	s0 =	rddreg [dreg:$0x0];
	s2 =	stileid.u32  }
0x177: {  	s1 =	rddreg [dreg:$0x1];
	p0 =	sne.s32 s2, $0x0  }
0x178: {  	s3 =	rddreg [dreg:$0x2];
	[bflag:$0x3] =	sbarrier.arrive $0xFFFF;
	s2 =	simm.s32 @!p0 $0x1C05  }
0x179: {  	[timem:s3], [sflag:s2] =	dma.local @!p0 [hbm:s0], s1  }
0x17a: {  	s0 =	simm.s32 @!p0 $0x5  }
0x17b: {  	_ =	swait.ge @!p0 [sflag:s0], s1  }
0x17c: {  	s1 =	ssub.s32 @!p0 $0x0, s1;
	[sflag:s0] =	ssyncset.done @!p0 $0x0  }
0x17d: {  	[sflag:s0] =	ssyncadd.s32 @!p0 s1  }
0x17e: {  	[bflag:$0x3] =	sbarrier.arrive $0xFFFF  }
0x17f: {  	_ =	shalt  }

// kernel: kernel.17.cloned.1.call-start
scs
__scs_entry_jumppad:
0x0: {  	(pc) =	sbr.rel $0x88, $3  }
0x1: {  	(tag) =	ssettag $0x0;
	lr =	simm.s32 $0x1  }
0x2: {  	[smem:$0x3F91] =	sst lr;
	_ =	strace $0xD0000000  }
0x3: {  	_ = 	snop  }
0x4: {  	_ = 	snop  }
0x5: {  	_ = 	snop  }
0x6: {  	_ = 	snop  }
0x7: {  	_ = 	snop  }
__scs_overlays_trampoline_lowered:
0x8: {  	[smem:$0x3FA0] =	sst s0  }
0x9: {  	[smem:$0x3FA1] =	sst s1  }
0xa: {  	[smem:$0x3FA2] =	sst s2  }
0xb: {  	[smem:$0x3FA3] =	sst s3  }
0xc: {  	[smem:$0x3FA4] =	sst s4  }
0xd: {  	[smem:$0x3FA5] =	sst s5  }
0xe: {  	[smem:$0x3FA6] =	sst s6  }
0xf: {  	[smem:$0x3FA7] =	sst s7  }
0x10: {  	[smem:$0x3FA8] =	sst s8  }
0x11: {  	[smem:$0x3FA9] =	sst s9;
	s0 =	simm.s32 @!p0 $0x0  }
0x12: {  	s1 =	sld [smem:$0x3F8F];
	s0 =	simm.s32 @p0 $0x1  }
0x13: {  	[smem:$0x3FAA] =	sst s0;
	s0 =	simm.s32 @!p1 $0x0  }
0x14: {  	s2 =	sld [smem:$0x3F8E];
	s0 =	simm.s32 @p1 $0x1  }
0x15: {  	[smem:$0x3FAB] =	sst s0;
	s0 =	simm.s32 @!p2 $0x0  }
0x16: {  	s3 =	sld [smem:$0x3FDB];
	s0 =	simm.s32 @p2 $0x1  }
0x17: {  	s4 =	simm.s32 $0x1BF5;
	[smem:$0x3FAD] =	sst s0  }
0x18: {  	s0 =	sld [smem:$0x3F90];
	_ =	swait.ge [sflag:s4], $0x0  }
0x19: {  	s7 =	sld [smem:$0x3F91]  }
0x1a: {  	s8 =	sadd.s32 $0xFFFFE003, lr  }
0x1b: {  	s9 =	sadd.s32 $0xFFFFFEF7, lr;
	s5 =	simm.s32 $0xFFFFFFFF;
	p2 =	slt.u32 s8, $0xFFFFF086  }
0x1c: {  	p1 =	slt.u32 s9, $0xF7A;
	s5 =	simm.s32 @!p2 $0x0  }
0x1d: {  	s5 =	simm.s32 @p1 $0x1;
	p0 =	seq.s32 s7, s2  }
0x1e: {  	s7 =	smul.u32 @!p0 $0xF7A, s2;
	p2 =	seq.s32 @!p0 s5, $0x0  }
0x1f: {  	s9 =	smul.u32 $0xF7A, s1;
	s8 =	simm.s32 @!p0 $0x1BF5;
	p2 =	por !p2, p0  }
0x20: {  	[sflag:s8] =	ssyncset.s32 @!p0 $0xFFFFF086;
	s6 =	sadd.s32 @!p0 s3, s7;
	s7 =	simm.s32 @!p0 $0x108  }
0x21: {  	s3 =	sadd.s32 s3, s9;
	s6 =	sadd.s32 @!p0 $0x88, s6;
	s7 =	simm.s32 @p2 $0x1082  }
0x22: {  	[simem:s7], [sflag:s8] =	dma.local @!p0 [hbm:s6], $0xF7A  }
0x23: {  	s9 =	sor.u32 $0xD0000000, s2;
	s6 =	simm.s32 $0x108;
	_ =	swait.ge @!p0 [sflag:s8], $0x0  }
0x24: {  	s3 =	sadd.s32 $0x88, s3;
	s6 =	simm.s32 @!p1 $0x1082;
	[sflag:s4] =	ssyncset.s32 $0xFFFFF086  }
0x25: {  	[simem:s6], [sflag:s4] =	dma.local [hbm:s3], $0xF7A  }
0x26: {  	[smem:$0x3F91] =	sst s1;
	(tag) =	ssettag s2;
	_ =	strace s9  }
0x27: {  	s1 =	sld [smem:$0x3FA1]  }
0x28: {  	s2 =	sld [smem:$0x3FA2]  }
0x29: {  	s4 =	sld [smem:$0x3FA4]  }
0x2a: {  	p0 =	seq.s32 s5, $0x0;
	s5 =	sld [smem:$0x3FA5]  }
0x2b: {  	s6 =	sld [smem:$0x3FA6]  }
0x2c: {  	s7 =	sld [smem:$0x3FA7]  }
0x2d: {  	s3 =	simm.s32 $0x108;
	s8 =	sld [smem:$0x3FA8]  }
0x2e: {  	s3 =	simm.s32 @!p0 $0x1082;
	s9 =	sld [smem:$0x3FA9]  }
0x2f: {  	lr =	sadd.s32 s0, s3;
	s0 =	sld [smem:$0x3FA0]  }
0x30: {  	s3 =	sld [smem:$0x3FA3]  }
0x31: {  	[smem:$0x3FAC] =	sst s10  }
0x32: {  	s10 =	sld [smem:$0x3FAA];
	_ =	sdelay $0x3  }
0x33: {  	p0 =	seq.s32 s10, $0x1;
	s10 =	sld [smem:$0x3FAC];
	_ =	sdelay $0x3  }
0x34: {  	[smem:$0x3FAC] =	sst s10  }
0x35: {  	s10 =	sld [smem:$0x3FAB];
	_ =	sdelay $0x3  }
0x36: {  	p1 =	seq.s32 s10, $0x1;
	s10 =	sld [smem:$0x3FAC];
	_ =	sdelay $0x3  }
0x37: {  	[smem:$0x3FAC] =	sst s10  }
0x38: {  	s10 =	sld [smem:$0x3FAD]  }
0x39: {  	_ = 	snop;
	(pc) =	sbr.ind lr, $3  }
0x3a: {  	_ = 	snop  }
0x3b: {  	_ = 	snop  }
0x3c: {  	p2 =	seq.s32 s10, $0x1;
	s10 =	sld [smem:$0x3FAC]  }
0x3d: {  	_ =	shalt  }
0x3e: {  	_ =	shalt  }
0x3f: {  	_ =	shalt  }
0x40: {  	_ =	shalt  }
0x41: {  	_ =	shalt  }
0x42: {  	_ =	shalt  }
0x43: {  	_ =	shalt  }
0x44: {  	_ =	shalt  }
0x45: {  	_ =	shalt  }
0x46: {  	_ =	shalt  }
0x47: {  	_ =	shalt  }
0x48: {  	_ =	shalt  }
0x49: {  	_ =	shalt  }
0x4a: {  	_ =	shalt  }
0x4b: {  	_ =	shalt  }
0x4c: {  	_ =	shalt  }
0x4d: {  	_ =	shalt  }
0x4e: {  	_ =	shalt  }
0x4f: {  	_ =	shalt  }
0x50: {  	_ =	shalt  }
0x51: {  	_ =	shalt  }
0x52: {  	_ =	shalt  }
0x53: {  	_ =	shalt  }
0x54: {  	_ =	shalt  }
0x55: {  	_ =	shalt  }
0x56: {  	_ =	shalt  }
0x57: {  	_ =	shalt  }
0x58: {  	_ =	shalt  }
0x59: {  	_ =	shalt  }
0x5a: {  	_ =	shalt  }
0x5b: {  	_ =	shalt  }
0x5c: {  	_ =	shalt  }
0x5d: {  	_ =	shalt  }
0x5e: {  	_ =	shalt  }
0x5f: {  	_ =	shalt  }
0x60: {  	_ =	shalt  }
0x61: {  	_ =	shalt  }
0x62: {  	_ =	shalt  }
0x63: {  	_ =	shalt  }
0x64: {  	_ =	shalt  }
0x65: {  	_ =	shalt  }
0x66: {  	_ =	shalt  }
0x67: {  	_ =	shalt  }
0x68: {  	_ =	shalt  }
0x69: {  	_ =	shalt  }
0x6a: {  	_ =	shalt  }
0x6b: {  	_ =	shalt  }
0x6c: {  	_ =	shalt  }
0x6d: {  	_ =	shalt  }
0x6e: {  	_ =	shalt  }
0x6f: {  	_ =	shalt  }
0x70: {  	_ =	shalt  }
0x71: {  	_ =	shalt  }
0x72: {  	_ =	shalt  }
0x73: {  	_ =	shalt  }
0x74: {  	_ =	shalt  }
0x75: {  	_ =	shalt  }
0x76: {  	_ =	shalt  }
0x77: {  	_ =	shalt  }
0x78: {  	_ =	shalt  }
0x79: {  	_ =	shalt  }
0x7a: {  	_ =	shalt  }
0x7b: {  	_ =	shalt  }
0x7c: {  	_ =	shalt  }
0x7d: {  	_ =	shalt  }
0x7e: {  	_ =	shalt  }
0x7f: {  	_ =	shalt  }
0x80: {  	_ =	shalt  }
0x81: {  	_ =	shalt  }
0x82: {  	_ =	shalt  }
0x83: {  	_ =	shalt  }
0x84: {  	_ =	shalt  }
0x85: {  	_ =	shalt  }
0x86: {  	_ =	shalt  }
0x87: {  	_ =	shalt  }
.Lfunc_end0:
.L_simem_size_0:
called_computation.2_lowered:
.L_overlay_start_0:
0x88: {  	s2 =	sld [smem:$0x3FD9]  }
0x89: {  	s3 =	sld [smem:$0x3FFE];
	_ =	sdelay $0x1  }
0x8a: {  	s1 =	srdreg.scid  }
0x8b: {  	s0 =	sand.u32 $0x1, s1  }
0x8c: {  	s16 =	sshll.u32 s0, $0xA;
	s2 =	sadd.s32 s3, s2  }
0x8d: {  	s2 =	sadd.s32 s2, s16  }
0x8e: {  	[smem:$0x3FB8] =	sst s2  }
0x8f: {  	_ = 	snop  }
0x90: {  	(tm) =	ssettm $0x1  }
0x91: {  	s17 =	sld [smem:$0x3FFB];
	_ =	sdelay $0x3  }
0x92: {  	_ =	strace s17  }
0x93: {  	s2 =	sld [smem:$0x3FFC];
	_ =	sdelay $0x3  }
0x94: {  	_ =	strace s2  }
0x95: {  	s2 =	sld [smem:$0x3FFD];
	_ =	sdelay $0x3  }
0x96: {  	_ =	strace s2  }
0x97: {  	_ =	strace $0x8FFFFFFF  }
0x98: {  	s18 =	sld [smem:$0x3FDB];
	_ =	sdelay $0x1  }
0x99: {  	s19 =	simm.s32 $_scs_section_size  }
0x9a: {  	s4 =	simm.s32 $_size__tile_overlayer_lowered;
	s5 =	simm.s32 $_tile_overlayer_lowered  }
0x9b: {  	s22 =	simm.s32 $0x1BFF;
	s21 =	sshll.u32 s5, $0x1;
	s2 =	sadd.s32 s19, s18  }
0x9c: {  	s6 =	simm.s32 $0x0;
	s20 =	sshll.u32 s4, $0x1;
	s4 =	sadd.s32 s21, s2  }
0x9d: {  	[timem:s6], [sflag:s22] =	dma.local [hbm:s4], s20  }
0x9e: {  	_ =	swait.ge [sflag:s22], s20  }
0x9f: {  	s3 =	ssub.s32 $0x0, s20;
	[sflag:s22] =	ssyncset.done $0x0  }
0xa0: {  	[sflag:s22] =	ssyncadd.s32 s3;
	_ =	sdelay $0x1  }
0xa1: {  	s23 =	simm.s32 $0x1B8B  }
0xa2: {  	_ =	swait.ge [sflag:s23], $0x1  }
0xa3: {  	[sflag:s23] =	ssyncset.done $0x0  }
0xa4: {  	s25 =	simm.s32 $0x1B8E;
	s24 =	sld [smem:$0x3FFE];
	[sflag:s23] =	ssyncadd.s32 $0xFFFFFFFF  }
0xa5: {  	s26 =	simm.s32 $execute0_lowered;
	[smem:$0x3FD2] =	sst s25  }
0xa6: {  	s4 =	sshll.u32 s26, $0x1;
	_ =	strace $0x8000004C;
	[dreg:$0x1] =	wrdreg $0xFFFFFFFF  }
0xa7: {  	s28 =	simm.s32 $_size_execute0_lowered;
	s2 =	sadd.s32 s2, s4;
	[dreg:$0x0] =	wrdreg $0x0  }
0xa8: {  	s4 =	sshll.u32 s28, $0x1;
	[dreg:$0x2] =	wrdreg s2  }
0xa9: {  	[dreg:$0x3] =	wrdreg s4  }
0xaa: {  	[dreg:$0x4] =	wrdreg $0xC0  }
0xab: {  	_ =	task [dreg:s6], $0x5FFFF  }
0xac: {  	[dreg:$0x1] =	wrdreg $0xFFFFFFFF  }
0xad: {  	[dreg:$0x0] =	wrdreg $0x60  }
0xae: {  	[dreg:$0x2] =	wrdreg s24  }
0xaf: {  	[dreg:$0x3] =	wrdreg $0x9  }
0xb0: {  	_ =	task.clear_ibuf [dreg:s6], $0x4FFFF;
	_ =	strace $0x9000004C  }
0xb1: {  	s29 =	simm.s32 $0x9;
	_ =	strace $0x8000004E  }
0xb2: {  	_ =	swait.ge [sflag:s29], $0x1  }
0xb3: {  	[sflag:s29] =	ssyncadd.s32 $0xFFFFFFFF  }
0xb4: {  	_ =	strace $0x9000004E  }
0xb5: {  	_ =	sfence  }
0xb6: {  	s30 =	sld [smem:$0x0];
	_ =	sdelay $0x2  }
0xb7: {  	s31 =	sshll.u32 s1, $0xD;
	s1 =	sshrl.u32 s1, $0x2  }
0xb8: {  	s3 =	sand.u32 $0x4000, s31;
	s1 =	sadd.s32 s1, s30  }
0xb9: {  	s0 =	sor.u32 s3, s0;
	s1 =	sshll.u32 s1, $0x11  }
0xba: {  	s0 =	sor.u32 s1, s0  }
0xbb: {  	s0 =	sadd.s32 $0x8F2B, s0  }
0xbc: {  	[sflag:s0] =	ssyncadd.remote.s32 $0x1  }
0xbd: {  	_ =	sfence.sel $0xFFFF  }
0xbe: {  	[dreg:$0x0] =	wrdreg $0xFFFFFFFF;
	(pc) =	sbr.abs _section_cstart, $3  }
0xbf: {  	[dreg:$0x1] =	wrdreg $0xFFFFFFFF  }
0xc0: {  	_ =	task.clear_ibuf [dreg:s6], $0x2FFFF;
	_ =	strace $0x9FFFFFFF  }
0xc1: {  	(tm) =	ssettm $0x7FFFFFFF  }
tec
execute0_lowered:
.L_overlay_start_1:
0x0: {  	(tag) =	ssettag $0x1  }
0x1: {  	s1 =	srdreg.scid;
	s0 =	stileid.u32  }
0x2: {  	s19 =	sand.u32 $0x1, s1;
	s25 =	sshll.u32 s0, $0x1  }
0x3: {  	s11 =	sor.u32 s19, s25  }
0x4: {  	s12 =	rddreg [dreg:$0x0];
	s18 =	smul.u32 $0x2710, s11  }
0x5: {  	s2 =	simm.s32 $0x0;
	s1 =	rddreg [dreg:$0x1]  }
0x6: {  	[smem:$0x7FF] =	sst s2;
	s17 =	sadd.s32 $0x4C00, s12;
	s3 =	sshrl.u32 s18, $0x3  }
0x7: {  	_ =	strace $0x8000004D;
	s4 =	sadd.s32 s17, s3;
	s3 =	simm.s32 $0x3  }
0x8: {  	[tilespmem:s2], [sflag:$0x3] =	stream.linear.gather [hbm4b:s4+s2], $0x7D0, $0x38;
	[tilespmem:$0x109A0] =	vst v63  }
0x9: {  	s6 =	simm.s32 $0x7D0;
	_ =	swait.ge [sflag:s3], $0x7D0  }
0xa: {  	s7 =	simm.s32 $0xFA0;
	s14 =	sadd.s32 $0x7D0, s18;
	[sflag:s3] =	ssyncset.done $0x0  }
0xb: {  	s5 =	sadd.s32 $0x18800, s12;
	s8 =	sshrl.u32 s14, $0x3;
	[sflag:s3] =	ssyncadd.s32 $0xFFFFF830  }
0xc: {  	[tilespmem:s7], [sflag:$0x1] =	stream.indirect.gather [hbm4b:s5+s6], $0x10, s2, s6, $0xb8;
	[tilespmem:$0x109A0] =	vst v63  }
0xd: {  	s8 =	sadd.s32 s17, s8  }
0xe: {  	[tilespmem:s6], [sflag:$0x3] =	stream.linear.gather [hbm4b:s8+s2], $0x7D0, $0x38;
	[tilespmem:$0x109A0] =	vst v63  }
0xf: {  	_ =	swait.ge [sflag:s3], $0x7D0  }
0x10: {  	[sflag:s3] =	ssyncset.done $0x0  }
0x11: {  	s9 =	simm.s32 $0x8CA0;
	s10 =	simm.s32 $0x1;
	[sflag:s3] =	ssyncadd.s32 $0xFFFFF830  }
0x12: {  	[tilespmem:s9], [sflag:$0x2] =	stream.indirect.gather [hbm4b:s5+s6], $0x10, s6, s6, $0xb8;
	[tilespmem:$0x109A0] =	vst v63  }
0x13: {  	s11 =	smul.u32 $0x4E20, s11;
	_ =	swait.ge [sflag:s10], $0x7D00  }
0x14: {  	s20 =	sadd.s32 $0x1D800, s12;
	[sflag:s10] =	ssyncset.done $0x0  }
0x15: {  	s11 =	sadd.s32 s20, s11;
	[sflag:s10] =	ssyncadd.s32 $0xFFFF8300  }
0x16: {  	[hbm4b:s11+s2] =	stream.linear.scatter [tilespmem:s7], [sflag:$0x3], $0x7D00, $0x38;
	[tilespmem:$0x109A0] =	vst v63  }
0x17: {  	s16 =	sadd.s32 $0xFA0, s18;
	_ =	swait.ge [sflag:s3], $0x7D00  }
0x18: {  	s26 =	sshrl.u32 s16, $0x3;
	[sflag:s3] =	ssyncset.done $0x0  }
0x19: {  	s12 =	sadd.s32 s17, s26;
	[sflag:s3] =	ssyncadd.s32 $0xFFFF8300  }
0x1a: {  	[tilespmem:s2], [sflag:$0x3] =	stream.linear.gather [hbm4b:s12+s2], $0x7D0, $0x38;
	[tilespmem:$0x109A0] =	vst v63  }
0x1b: {  	_ =	swait.ge [sflag:s3], $0x7D0  }
0x1c: {  	[sflag:s3] =	ssyncset.done $0x0  }
0x1d: {  	s13 =	simm.s32 $0x2;
	[sflag:s3] =	ssyncadd.s32 $0xFFFFF830  }
0x1e: {  	[tilespmem:s7], [sflag:$0x1] =	stream.indirect.gather [hbm4b:s5+s6], $0x10, s2, s6, $0xb8;
	[tilespmem:$0x109A0] =	vst v63  }
0x1f: {  	_ =	swait.ge [sflag:s13], $0x7D00  }
0x20: {  	s14 =	sshll.u32 s14, $0x1;
	[sflag:s13] =	ssyncset.done $0x0  }
0x21: {  	s14 =	sadd.s32 s20, s14;
	[sflag:s13] =	ssyncadd.s32 $0xFFFF8300  }
0x22: {  	[hbm4b:s14+s2] =	stream.linear.scatter [tilespmem:s9], [sflag:$0x3], $0x7D00, $0x38;
	[tilespmem:$0x109A0] =	vst v63  }
0x23: {  	s21 =	sadd.s32 $0x1770, s18;
	_ =	swait.ge [sflag:s3], $0x7D00  }
0x24: {  	s15 =	sshrl.u32 s21, $0x3;
	[sflag:s3] =	ssyncset.done $0x0  }
0x25: {  	s15 =	sadd.s32 s17, s15;
	[sflag:s3] =	ssyncadd.s32 $0xFFFF8300  }
0x26: {  	[tilespmem:s6], [sflag:$0x3] =	stream.linear.gather [hbm4b:s15+s2], $0x7D0, $0x38;
	[tilespmem:$0x109A0] =	vst v63  }
0x27: {  	_ =	swait.ge [sflag:s3], $0x7D0  }
0x28: {  	[sflag:s3] =	ssyncset.done $0x0  }
0x29: {  	[sflag:s3] =	ssyncadd.s32 $0xFFFFF830  }
0x2a: {  	[tilespmem:s9], [sflag:$0x2] =	stream.indirect.gather [hbm4b:s5+s6], $0x10, s6, s6, $0xb8;
	[tilespmem:$0x109A0] =	vst v63  }
0x2b: {  	_ =	swait.ge [sflag:s10], $0x7D00  }
0x2c: {  	s16 =	sshll.u32 s16, $0x1;
	[sflag:s10] =	ssyncset.done $0x0  }
0x2d: {  	s16 =	sadd.s32 s20, s16;
	[sflag:s10] =	ssyncadd.s32 $0xFFFF8300  }
0x2e: {  	[hbm4b:s16+s2] =	stream.linear.scatter [tilespmem:s7], [sflag:$0x3], $0x7D00, $0x38;
	[tilespmem:$0x109A0] =	vst v63  }
0x2f: {  	s22 =	sadd.s32 $0x1F40, s18;
	_ =	swait.ge [sflag:s3], $0x7D00  }
0x30: {  	s18 =	sshrl.u32 s22, $0x3;
	[sflag:s3] =	ssyncset.done $0x0  }
0x31: {  	s17 =	sadd.s32 s17, s18;
	[sflag:s3] =	ssyncadd.s32 $0xFFFF8300  }
0x32: {  	[tilespmem:s2], [sflag:$0x3] =	stream.linear.gather [hbm4b:s17+s2], $0x7D0, $0x38;
	[tilespmem:$0x109A0] =	vst v63  }
0x33: {  	_ =	swait.ge [sflag:s3], $0x7D0  }
0x34: {  	[sflag:s3] =	ssyncset.done $0x0  }
0x35: {  	[sflag:s3] =	ssyncadd.s32 $0xFFFFF830  }
0x36: {  	[tilespmem:s7], [sflag:$0x1] =	stream.indirect.gather [hbm4b:s5+s6], $0x10, s2, s6, $0xb8;
	[tilespmem:$0x109A0] =	vst v63  }
0x37: {  	_ =	swait.ge [sflag:s13], $0x7D00  }
0x38: {  	s28 =	sshll.u32 s21, $0x1;
	[sflag:s13] =	ssyncset.done $0x0  }
0x39: {  	s19 =	ssub.s32 $0x2, s19;
	s18 =	sadd.s32 s20, s28;
	[sflag:s13] =	ssyncadd.s32 $0xFFFF8300  }
0x3a: {  	[hbm4b:s18+s2] =	stream.linear.scatter [tilespmem:s9], [sflag:$0x3], $0x7D00, $0x38;
	[tilespmem:$0x109A0] =	vst v63  }
0x3b: {  	s29 =	sshrl.u32 s19, $0x1;
	_ =	swait.ge [sflag:s3], $0x7D00  }
0x3c: {  	s21 =	ssub.s32 s19, s29;
	[sflag:s3] =	ssyncset.done $0x0  }
0x3d: {  	s31 =	smax.u32 s21, $0x1;
	[sflag:s3] =	ssyncadd.s32 $0xFFFF8300  }
0x3e: {  	p0 =	sne.s32 s31, $0x1;
	_ =	swait.ge [sflag:s10], $0x7D00  }
.Ltmp0:
0x3f: {  	s30 =	sshll.u32 s22, $0x1;
	[sflag:s10] =	ssyncset.done $0x0;
	(pc) =	sbr.rel @!p0 .LBB2_2-.Ltmp0, $4  }
0x40: {  	s19 =	sadd.s32 s20, s30;
	[sflag:s10] =	ssyncadd.s32 $0xFFFF8300  }
0x41: {  	[hbm4b:s19+s2] =	stream.linear.scatter [tilespmem:s7], [sflag:$0x3], $0x7D00, $0x38;
	[tilespmem:$0x109A0] =	vst v63  }
0x42: {  	_ =	swait.ge [sflag:s3], $0x7D00  }
0x43: {  	s20 =	sadd.s32 $0xFFFFFFFF, s31;
	[sflag:s3] =	ssyncset.done $0x0  }
.LBB2_1:
0x44: {  	p0 =	sne.s32 s20, $0x1;
	s20 =	sadd.s32 $0xFFFFFFFF, s20;
	[sflag:s3] =	ssyncadd.s32 $0xFFFF8300  }
0x45: {  	[tilespmem:s2], [sflag:$0x3] =	stream.linear.gather [hbm4b:s4+s2], $0x7D0, $0x38;
	[tilespmem:$0x109A0] =	vst v63  }
0x46: {  	_ =	swait.ge [sflag:s3], $0x7D0  }
0x47: {  	[sflag:s3] =	ssyncset.done $0x0  }
0x48: {  	[sflag:s3] =	ssyncadd.s32 $0xFFFFF830  }
0x49: {  	[tilespmem:s7], [sflag:$0x1] =	stream.indirect.gather [hbm4b:s5+s6], $0x10, s2, s6, $0xb8;
	[tilespmem:$0x109A0] =	vst v63  }
0x4a: {  	_ = 	snop  }
0x4b: {  	[tilespmem:s6], [sflag:$0x3] =	stream.linear.gather [hbm4b:s8+s2], $0x7D0, $0x38;
	[tilespmem:$0x109A0] =	vst v63  }
0x4c: {  	_ =	swait.ge [sflag:s3], $0x7D0  }
0x4d: {  	[sflag:s3] =	ssyncset.done $0x0  }
0x4e: {  	[sflag:s3] =	ssyncadd.s32 $0xFFFFF830  }
0x4f: {  	[tilespmem:s9], [sflag:$0x2] =	stream.indirect.gather [hbm4b:s5+s6], $0x10, s6, s6, $0xb8;
	[tilespmem:$0x109A0] =	vst v63  }
0x50: {  	_ =	swait.ge [sflag:s10], $0x7D00  }
0x51: {  	[sflag:s10] =	ssyncset.done $0x0  }
0x52: {  	[sflag:s10] =	ssyncadd.s32 $0xFFFF8300  }
0x53: {  	[hbm4b:s11+s2] =	stream.linear.scatter [tilespmem:s7], [sflag:$0x3], $0x7D00, $0x38;
	[tilespmem:$0x109A0] =	vst v63  }
0x54: {  	_ =	swait.ge [sflag:s3], $0x7D00  }
0x55: {  	[sflag:s3] =	ssyncset.done $0x0  }
0x56: {  	[sflag:s3] =	ssyncadd.s32 $0xFFFF8300  }
0x57: {  	[tilespmem:s2], [sflag:$0x3] =	stream.linear.gather [hbm4b:s12+s2], $0x7D0, $0x38;
	[tilespmem:$0x109A0] =	vst v63  }
0x58: {  	_ =	swait.ge [sflag:s3], $0x7D0  }
0x59: {  	[sflag:s3] =	ssyncset.done $0x0  }
0x5a: {  	[sflag:s3] =	ssyncadd.s32 $0xFFFFF830  }
0x5b: {  	[tilespmem:s7], [sflag:$0x1] =	stream.indirect.gather [hbm4b:s5+s6], $0x10, s2, s6, $0xb8;
	[tilespmem:$0x109A0] =	vst v63  }
0x5c: {  	_ =	swait.ge [sflag:s13], $0x7D00  }
0x5d: {  	[sflag:s13] =	ssyncset.done $0x0  }
0x5e: {  	[sflag:s13] =	ssyncadd.s32 $0xFFFF8300  }
0x5f: {  	[hbm4b:s14+s2] =	stream.linear.scatter [tilespmem:s9], [sflag:$0x3], $0x7D00, $0x38;
	[tilespmem:$0x109A0] =	vst v63  }
0x60: {  	_ =	swait.ge [sflag:s3], $0x7D00  }
0x61: {  	[sflag:s3] =	ssyncset.done $0x0  }
0x62: {  	[sflag:s3] =	ssyncadd.s32 $0xFFFF8300  }
0x63: {  	[tilespmem:s6], [sflag:$0x3] =	stream.linear.gather [hbm4b:s15+s2], $0x7D0, $0x38;
	[tilespmem:$0x109A0] =	vst v63  }
0x64: {  	_ =	swait.ge [sflag:s3], $0x7D0  }
0x65: {  	[sflag:s3] =	ssyncset.done $0x0  }
0x66: {  	[sflag:s3] =	ssyncadd.s32 $0xFFFFF830  }
0x67: {  	[tilespmem:s9], [sflag:$0x2] =	stream.indirect.gather [hbm4b:s5+s6], $0x10, s6, s6, $0xb8;
	[tilespmem:$0x109A0] =	vst v63  }
0x68: {  	_ =	swait.ge [sflag:s10], $0x7D00  }
0x69: {  	[sflag:s10] =	ssyncset.done $0x0  }
0x6a: {  	[sflag:s10] =	ssyncadd.s32 $0xFFFF8300  }
0x6b: {  	[hbm4b:s16+s2] =	stream.linear.scatter [tilespmem:s7], [sflag:$0x3], $0x7D00, $0x38;
	[tilespmem:$0x109A0] =	vst v63  }
0x6c: {  	_ =	swait.ge [sflag:s3], $0x7D00  }
0x6d: {  	[sflag:s3] =	ssyncset.done $0x0  }
0x6e: {  	[sflag:s3] =	ssyncadd.s32 $0xFFFF8300  }
0x6f: {  	[tilespmem:s2], [sflag:$0x3] =	stream.linear.gather [hbm4b:s17+s2], $0x7D0, $0x38;
	[tilespmem:$0x109A0] =	vst v63  }
0x70: {  	_ =	swait.ge [sflag:s3], $0x7D0  }
0x71: {  	[sflag:s3] =	ssyncset.done $0x0  }
0x72: {  	[sflag:s3] =	ssyncadd.s32 $0xFFFFF830  }
0x73: {  	[tilespmem:s7], [sflag:$0x1] =	stream.indirect.gather [hbm4b:s5+s6], $0x10, s2, s6, $0xb8;
	[tilespmem:$0x109A0] =	vst v63  }
0x74: {  	_ =	swait.ge [sflag:s13], $0x7D00  }
0x75: {  	[sflag:s13] =	ssyncset.done $0x0  }
0x76: {  	[sflag:s13] =	ssyncadd.s32 $0xFFFF8300  }
0x77: {  	[hbm4b:s18+s2] =	stream.linear.scatter [tilespmem:s9], [sflag:$0x3], $0x7D00, $0x38;
	[tilespmem:$0x109A0] =	vst v63  }
0x78: {  	_ =	swait.ge [sflag:s3], $0x7D00  }
0x79: {  	[sflag:s3] =	ssyncset.done $0x0  }
0x7a: {  	[sflag:s3] =	ssyncadd.s32 $0xFFFF8300  }
0x7b: {  	_ =	swait.ge [sflag:s10], $0x7D00  }
.Ltmp1:
0x7c: {  	[sflag:s10] =	ssyncset.done $0x0;
	(pc) =	sbr.rel @p0 .LBB2_1-.Ltmp1, $4  }
0x7d: {  	[sflag:s10] =	ssyncadd.s32 $0xFFFF8300  }
0x7e: {  	[hbm4b:s19+s2] =	stream.linear.scatter [tilespmem:s7], [sflag:$0x3], $0x7D00, $0x38;
	[tilespmem:$0x109A0] =	vst v63  }
0x7f: {  	_ =	swait.ge [sflag:s3], $0x7D00  }
0x80: {  	[sflag:s3] =	ssyncset.done $0x0  }
.LBB2_2:
0x81: {  	[sflag:s3] =	ssyncadd.s32 $0xFFFF8300  }
0x82: {  	_ =	sfence.sel $0x180000  }
0x83: {  	[bflag:$0x0] =	sbarrier.arrive $0xFFFF  }
0x84: {  	p0 =	sne.s32 s0, $0x0;
	_ =	strace $0x9000004D  }
0x85: {  	s0 =	sadd.s32 @!p0 $0x100000, s1;
	[bflag:$0x2] =	sbarrier.arrive $0xFFFF  }
0x86: {  	[sflag:s0] =	ssyncadd.tile.s32 @!p0 $0x1;
	_ =	shalt  }
.Lfunc_end2:
_tile_overlayer_lowered:
.L_overlay_start_2:
0x87: {  	(tag) =	ssettag $0x2  }
0x88: {  	s0 =	rddreg [dreg:$0x0];
	s2 =	stileid.u32  }
0x89: {  	s1 =	rddreg [dreg:$0x1];
	p0 =	sne.s32 s2, $0x0  }
0x8a: {  	s3 =	rddreg [dreg:$0x2];
	[bflag:$0x3] =	sbarrier.arrive $0xFFFF;
	s2 =	simm.s32 @!p0 $0x1C03  }
0x8b: {  	[timem:s3], [sflag:s2] =	dma.local @!p0 [hbm:s0], s1  }
0x8c: {  	s0 =	simm.s32 @!p0 $0x3  }
0x8d: {  	_ =	swait.ge @!p0 [sflag:s0], s1  }
0x8e: {  	s1 =	ssub.s32 @!p0 $0x0, s1;
	[sflag:s0] =	ssyncset.done @!p0 $0x0  }
0x8f: {  	[sflag:s0] =	ssyncadd.s32 @!p0 s1  }
0x90: {  	[bflag:$0x3] =	sbarrier.arrive $0xFFFF  }
0x91: {  	_ =	shalt  }

// kernel: kernel.20.cloned.1.call-start
scs
__scs_entry_jumppad:
0x0: {  	(pc) =	sbr.rel $0x88, $3  }
0x1: {  	(tag) =	ssettag $0x0;
	lr =	simm.s32 $0x1  }
0x2: {  	[smem:$0x3F91] =	sst lr;
	_ =	strace $0xD0000000  }
0x3: {  	_ = 	snop  }
0x4: {  	_ = 	snop  }
0x5: {  	_ = 	snop  }
0x6: {  	_ = 	snop  }
0x7: {  	_ = 	snop  }
__scs_overlays_trampoline_lowered:
0x8: {  	[smem:$0x3FA0] =	sst s0  }
0x9: {  	[smem:$0x3FA1] =	sst s1  }
0xa: {  	[smem:$0x3FA2] =	sst s2  }
0xb: {  	[smem:$0x3FA3] =	sst s3  }
0xc: {  	[smem:$0x3FA4] =	sst s4  }
0xd: {  	[smem:$0x3FA5] =	sst s5  }
0xe: {  	[smem:$0x3FA6] =	sst s6  }
0xf: {  	[smem:$0x3FA7] =	sst s7  }
0x10: {  	[smem:$0x3FA8] =	sst s8  }
0x11: {  	[smem:$0x3FA9] =	sst s9;
	s0 =	simm.s32 @!p0 $0x0  }
0x12: {  	s1 =	sld [smem:$0x3F8F];
	s0 =	simm.s32 @p0 $0x1  }
0x13: {  	[smem:$0x3FAA] =	sst s0;
	s0 =	simm.s32 @!p1 $0x0  }
0x14: {  	s2 =	sld [smem:$0x3F8E];
	s0 =	simm.s32 @p1 $0x1  }
0x15: {  	[smem:$0x3FAB] =	sst s0;
	s0 =	simm.s32 @!p2 $0x0  }
0x16: {  	s3 =	sld [smem:$0x3FDB];
	s0 =	simm.s32 @p2 $0x1  }
0x17: {  	s4 =	simm.s32 $0x1BF5;
	[smem:$0x3FAD] =	sst s0  }
0x18: {  	s0 =	sld [smem:$0x3F90];
	_ =	swait.ge [sflag:s4], $0x0  }
0x19: {  	s7 =	sld [smem:$0x3F91]  }
0x1a: {  	s8 =	sadd.s32 $0xFFFFE003, lr  }
0x1b: {  	s9 =	sadd.s32 $0xFFFFFEF7, lr;
	s5 =	simm.s32 $0xFFFFFFFF;
	p2 =	slt.u32 s8, $0xFFFFF086  }
0x1c: {  	p1 =	slt.u32 s9, $0xF7A;
	s5 =	simm.s32 @!p2 $0x0  }
0x1d: {  	s5 =	simm.s32 @p1 $0x1;
	p0 =	seq.s32 s7, s2  }
0x1e: {  	s7 =	smul.u32 @!p0 $0xF7A, s2;
	p2 =	seq.s32 @!p0 s5, $0x0  }
0x1f: {  	s9 =	smul.u32 $0xF7A, s1;
	s8 =	simm.s32 @!p0 $0x1BF5;
	p2 =	por !p2, p0  }
0x20: {  	[sflag:s8] =	ssyncset.s32 @!p0 $0xFFFFF086;
	s6 =	sadd.s32 @!p0 s3, s7;
	s7 =	simm.s32 @!p0 $0x108  }
0x21: {  	s3 =	sadd.s32 s3, s9;
	s6 =	sadd.s32 @!p0 $0x88, s6;
	s7 =	simm.s32 @p2 $0x1082  }
0x22: {  	[simem:s7], [sflag:s8] =	dma.local @!p0 [hbm:s6], $0xF7A  }
0x23: {  	s9 =	sor.u32 $0xD0000000, s2;
	s6 =	simm.s32 $0x108;
	_ =	swait.ge @!p0 [sflag:s8], $0x0  }
0x24: {  	s3 =	sadd.s32 $0x88, s3;
	s6 =	simm.s32 @!p1 $0x1082;
	[sflag:s4] =	ssyncset.s32 $0xFFFFF086  }
0x25: {  	[simem:s6], [sflag:s4] =	dma.local [hbm:s3], $0xF7A  }
0x26: {  	[smem:$0x3F91] =	sst s1;
	(tag) =	ssettag s2;
	_ =	strace s9  }
0x27: {  	s1 =	sld [smem:$0x3FA1]  }
0x28: {  	s2 =	sld [smem:$0x3FA2]  }
0x29: {  	s4 =	sld [smem:$0x3FA4]  }
0x2a: {  	p0 =	seq.s32 s5, $0x0;
	s5 =	sld [smem:$0x3FA5]  }
0x2b: {  	s6 =	sld [smem:$0x3FA6]  }
0x2c: {  	s7 =	sld [smem:$0x3FA7]  }
0x2d: {  	s3 =	simm.s32 $0x108;
	s8 =	sld [smem:$0x3FA8]  }
0x2e: {  	s3 =	simm.s32 @!p0 $0x1082;
	s9 =	sld [smem:$0x3FA9]  }
0x2f: {  	lr =	sadd.s32 s0, s3;
	s0 =	sld [smem:$0x3FA0]  }
0x30: {  	s3 =	sld [smem:$0x3FA3]  }
0x31: {  	[smem:$0x3FAC] =	sst s10  }
0x32: {  	s10 =	sld [smem:$0x3FAA];
	_ =	sdelay $0x3  }
0x33: {  	p0 =	seq.s32 s10, $0x1;
	s10 =	sld [smem:$0x3FAC];
	_ =	sdelay $0x3  }
0x34: {  	[smem:$0x3FAC] =	sst s10  }
0x35: {  	s10 =	sld [smem:$0x3FAB];
	_ =	sdelay $0x3  }
0x36: {  	p1 =	seq.s32 s10, $0x1;
	s10 =	sld [smem:$0x3FAC];
	_ =	sdelay $0x3  }
0x37: {  	[smem:$0x3FAC] =	sst s10  }
0x38: {  	s10 =	sld [smem:$0x3FAD]  }
0x39: {  	_ = 	snop;
	(pc) =	sbr.ind lr, $3  }
0x3a: {  	_ = 	snop  }
0x3b: {  	_ = 	snop  }
0x3c: {  	p2 =	seq.s32 s10, $0x1;
	s10 =	sld [smem:$0x3FAC]  }
0x3d: {  	_ =	shalt  }
0x3e: {  	_ =	shalt  }
0x3f: {  	_ =	shalt  }
0x40: {  	_ =	shalt  }
0x41: {  	_ =	shalt  }
0x42: {  	_ =	shalt  }
0x43: {  	_ =	shalt  }
0x44: {  	_ =	shalt  }
0x45: {  	_ =	shalt  }
0x46: {  	_ =	shalt  }
0x47: {  	_ =	shalt  }
0x48: {  	_ =	shalt  }
0x49: {  	_ =	shalt  }
0x4a: {  	_ =	shalt  }
0x4b: {  	_ =	shalt  }
0x4c: {  	_ =	shalt  }
0x4d: {  	_ =	shalt  }
0x4e: {  	_ =	shalt  }
0x4f: {  	_ =	shalt  }
0x50: {  	_ =	shalt  }
0x51: {  	_ =	shalt  }
0x52: {  	_ =	shalt  }
0x53: {  	_ =	shalt  }
0x54: {  	_ =	shalt  }
0x55: {  	_ =	shalt  }
0x56: {  	_ =	shalt  }
0x57: {  	_ =	shalt  }
0x58: {  	_ =	shalt  }
0x59: {  	_ =	shalt  }
0x5a: {  	_ =	shalt  }
0x5b: {  	_ =	shalt  }
0x5c: {  	_ =	shalt  }
0x5d: {  	_ =	shalt  }
0x5e: {  	_ =	shalt  }
0x5f: {  	_ =	shalt  }
0x60: {  	_ =	shalt  }
0x61: {  	_ =	shalt  }
0x62: {  	_ =	shalt  }
0x63: {  	_ =	shalt  }
0x64: {  	_ =	shalt  }
0x65: {  	_ =	shalt  }
0x66: {  	_ =	shalt  }
0x67: {  	_ =	shalt  }
0x68: {  	_ =	shalt  }
0x69: {  	_ =	shalt  }
0x6a: {  	_ =	shalt  }
0x6b: {  	_ =	shalt  }
0x6c: {  	_ =	shalt  }
0x6d: {  	_ =	shalt  }
0x6e: {  	_ =	shalt  }
0x6f: {  	_ =	shalt  }
0x70: {  	_ =	shalt  }
0x71: {  	_ =	shalt  }
0x72: {  	_ =	shalt  }
0x73: {  	_ =	shalt  }
0x74: {  	_ =	shalt  }
0x75: {  	_ =	shalt  }
0x76: {  	_ =	shalt  }
0x77: {  	_ =	shalt  }
0x78: {  	_ =	shalt  }
0x79: {  	_ =	shalt  }
0x7a: {  	_ =	shalt  }
0x7b: {  	_ =	shalt  }
0x7c: {  	_ =	shalt  }
0x7d: {  	_ =	shalt  }
0x7e: {  	_ =	shalt  }
0x7f: {  	_ =	shalt  }
0x80: {  	_ =	shalt  }
0x81: {  	_ =	shalt  }
0x82: {  	_ =	shalt  }
0x83: {  	_ =	shalt  }
0x84: {  	_ =	shalt  }
0x85: {  	_ =	shalt  }
0x86: {  	_ =	shalt  }
0x87: {  	_ =	shalt  }
.Lfunc_end0:
.L_simem_size_0:
called_computation.3_lowered:
.L_overlay_start_0:
0x88: {  	s2 =	sld [smem:$0x3FD9]  }
0x89: {  	s3 =	sld [smem:$0x3FFE];
	_ =	sdelay $0x1  }
0x8a: {  	s1 =	srdreg.scid  }
0x8b: {  	s0 =	sand.u32 $0x1, s1  }
0x8c: {  	s16 =	sshll.u32 s0, $0xA;
	s2 =	sadd.s32 s3, s2  }
0x8d: {  	s2 =	sadd.s32 s2, s16  }
0x8e: {  	[smem:$0x3FB8] =	sst s2  }
0x8f: {  	_ = 	snop  }
0x90: {  	(tm) =	ssettm $0x1  }
0x91: {  	s17 =	sld [smem:$0x3FFB];
	_ =	sdelay $0x3  }
0x92: {  	_ =	strace s17  }
0x93: {  	s2 =	sld [smem:$0x3FFC];
	_ =	sdelay $0x3  }
0x94: {  	_ =	strace s2  }
0x95: {  	s2 =	sld [smem:$0x3FFD];
	_ =	sdelay $0x3  }
0x96: {  	_ =	strace s2  }
0x97: {  	_ =	strace $0x8FFFFFFF  }
0x98: {  	s18 =	sld [smem:$0x3FDB];
	_ =	sdelay $0x1  }
0x99: {  	s19 =	simm.s32 $_scs_section_size  }
0x9a: {  	s4 =	simm.s32 $_size__tile_overlayer_lowered;
	s5 =	simm.s32 $_tile_overlayer_lowered  }
0x9b: {  	s22 =	simm.s32 $0x1BFF;
	s21 =	sshll.u32 s5, $0x1;
	s2 =	sadd.s32 s19, s18  }
0x9c: {  	s6 =	simm.s32 $0x0;
	s20 =	sshll.u32 s4, $0x1;
	s4 =	sadd.s32 s21, s2  }
0x9d: {  	[timem:s6], [sflag:s22] =	dma.local [hbm:s4], s20  }
0x9e: {  	_ =	swait.ge [sflag:s22], s20  }
0x9f: {  	s3 =	ssub.s32 $0x0, s20;
	[sflag:s22] =	ssyncset.done $0x0  }
0xa0: {  	[sflag:s22] =	ssyncadd.s32 s3;
	_ =	sdelay $0x1  }
0xa1: {  	s23 =	simm.s32 $0x1B8B  }
0xa2: {  	_ =	swait.ge [sflag:s23], $0x1  }
0xa3: {  	[sflag:s23] =	ssyncset.done $0x0  }
0xa4: {  	s25 =	simm.s32 $0x1B8E;
	s24 =	sld [smem:$0x3FFE];
	[sflag:s23] =	ssyncadd.s32 $0xFFFFFFFF  }
0xa5: {  	s26 =	simm.s32 $execute0_lowered;
	[smem:$0x3FD2] =	sst s25  }
0xa6: {  	s4 =	sshll.u32 s26, $0x1;
	_ =	strace $0x8000004F;
	[dreg:$0x1] =	wrdreg $0xFFFFFFFF  }
0xa7: {  	s28 =	simm.s32 $_size_execute0_lowered;
	s2 =	sadd.s32 s2, s4;
	[dreg:$0x0] =	wrdreg $0x0  }
0xa8: {  	s4 =	sshll.u32 s28, $0x1;
	[dreg:$0x2] =	wrdreg s2  }
0xa9: {  	[dreg:$0x3] =	wrdreg s4  }
0xaa: {  	[dreg:$0x4] =	wrdreg $0xC0  }
0xab: {  	_ =	task [dreg:s6], $0x5FFFF  }
0xac: {  	[dreg:$0x1] =	wrdreg $0xFFFFFFFF  }
0xad: {  	[dreg:$0x0] =	wrdreg $0x60  }
0xae: {  	[dreg:$0x2] =	wrdreg s24  }
0xaf: {  	[dreg:$0x3] =	wrdreg $0x109A00  }
0xb0: {  	[dreg:$0x4] =	wrdreg $0x9  }
0xb1: {  	_ =	task.clear_ibuf [dreg:s6], $0x5FFFF;
	_ =	strace $0x9000004F  }
0xb2: {  	s29 =	simm.s32 $0x9;
	_ =	strace $0x80000051  }
0xb3: {  	_ =	swait.ge [sflag:s29], $0x1  }
0xb4: {  	[sflag:s29] =	ssyncadd.s32 $0xFFFFFFFF  }
0xb5: {  	_ =	strace $0x90000051  }
0xb6: {  	_ =	sfence  }
0xb7: {  	s30 =	sld [smem:$0x0];
	_ =	sdelay $0x2  }
0xb8: {  	s31 =	sshll.u32 s1, $0xD;
	s1 =	sshrl.u32 s1, $0x2  }
0xb9: {  	s3 =	sand.u32 $0x4000, s31;
	s1 =	sadd.s32 s1, s30  }
0xba: {  	s0 =	sor.u32 s3, s0;
	s1 =	sshll.u32 s1, $0x11  }
0xbb: {  	s0 =	sor.u32 s1, s0  }
0xbc: {  	s0 =	sadd.s32 $0x8F2B, s0  }
0xbd: {  	[sflag:s0] =	ssyncadd.remote.s32 $0x1  }
0xbe: {  	_ =	sfence.sel $0xFFFF  }
0xbf: {  	[dreg:$0x0] =	wrdreg $0xFFFFFFFF;
	(pc) =	sbr.abs _section_cstart, $3  }
0xc0: {  	[dreg:$0x1] =	wrdreg $0xFFFFFFFF  }
0xc1: {  	_ =	task.clear_ibuf [dreg:s6], $0x2FFFF;
	_ =	strace $0x9FFFFFFF  }
0xc2: {  	(tm) =	ssettm $0x7FFFFFFF  }
0xc3: {  	_ =	shalt  }
tec
execute0_lowered:
.L_overlay_start_1:
0x0: {  	(tag) =	ssettag $0x1  }
0x1: {  	s3 =	rddreg [dreg:$0x0]  }
0x2: {  	s1 =	rddreg [dreg:$0x1]  }
0x3: {  	s0 =	rddreg [dreg:$0x2];
	s2 =	simm.s32 $0x0  }
0x4: {  	s4 =	srdreg.scid;
	s6 =	stileid.u32;
	s15 =	simm.s32 $0x8CA0  }
0x5: {  	p1 =	por $0x0, $0x0;
	[smem:$0x7FF] =	sst s2;
	s4 =	sand.u32 $0x1, s4  }
0x6: {  	s5 =	sshll.u32 s6, $0x1;
	s8 =	sadd.s32 $0x1D800, s3;
	s9 =	sadd.s32 $0xEA00, s3  }
0x7: {  	s19 =	sadd.s32 $0x28E800, s3;
	s7 =	smul.u32 $0x4E20, s4;
	s5 =	sor.u32 s4, s5  }
0x8: {  	p0 =	sne.s32 s6, $0x0;
	s4 =	ssub.s32 $0x2, s4;
	s10 =	smul.u32 $0x2710, s5  }
0x9: {  	s6 =	simm.s32 $0x3;
	s17 =	sshrl.u32 s4, $0x1;
	s5 =	smul.u32 $0x4E20, s5  }
0xa: {  	_ =	strace $0x80000050;
	s3 =	sadd.s32 s7, s3;
	s4 =	ssub.s32 s4, s17  }
0xb: {  	s11 =	sshrl.u32 s10, $0x3;
	s18 =	sadd.s32 $0x7D0, s10;
	s20 =	sadd.s32 s8, s5  }
0xc: {  	s23 =	sadd.s32 $0xFA0, s10;
	s25 =	sadd.s32 $0x1770, s10;
	s29 =	sadd.s32 $0x1F40, s10  }
0xd: {  	s3 =	sadd.s32 $0x4C00, s3;
	s31 =	smax.u32 s4, $0x1;
	s4 =	sshrl.u32 @!p0 s1, $0x3  }
0xe: {  	s10 =	simm.s32 $0x7D0;
	s21 =	sadd.s32 s9, s11;
	s24 =	sshrl.u32 s23, $0x3  }
0xf: {  	s22 =	sshrl.u32 s18, $0x3;
	s16 =	sadd.s32 s9, s24;
	s24 =	sadd.s32 $0xFFFFFFFF, s31  }
0x10: {  	s7 =	sshll.u32 s18, $0x1;
	s5 =	sshll.u32 s23, $0x1;
	p2 =	sne.s32 s24, $0x0  }
.Ltmp0:
0x11: {  	s26 =	sshrl.u32 s25, $0x3;
	s28 =	sshll.u32 s25, $0x1;
	(pc) =	sbr.rel @!p2 .LBB2_3-.Ltmp0, $4  }
0x12: {  	s30 =	sshrl.u32 s29, $0x3;
	s11 =	simm.s32 $0x1;
	s18 =	sadd.s32 s9, s22  }
0x13: {  	s17 =	sadd.s32 s8, s7;
	s14 =	sadd.s32 s8, s5;
	s13 =	sadd.s32 s9, s26  }
0x14: {  	s12 =	sadd.s32 s8, s28;
	s7 =	sshll.u32 s29, $0x1;
	s9 =	sadd.s32 s9, s30  }
0x15: {  	s5 =	sadd.s32 s8, s7;
	s7 =	simm.s32 $0xFA0;
	s8 =	simm.s32 $0x2  }
0x16: {  	s23 =	simm.s32 @!p0 $0x1C03;
	s22 =	simm.s32 @!p0 $0x3  }
0x17: {  	[spmem:s4], [sflag:s23] =	dma.local @!p0 [hbm:s19], $0x4E20  }
0x18: {  	_ =	swait.ge @!p0 [sflag:s22], $0x4E20  }
0x19: {  	[sflag:s22] =	ssyncset.done @!p0 $0x0  }
0x1a: {  	[sflag:s22] =	ssyncadd.s32 @!p0 $0xFFFFB1E0  }
0x1b: {  	[bflag:$0x0] =	sbarrier.arrive $0xFFFF  }
0x1c: {  	[tilespmem:s2], [sflag:$0x3] =	stream.linear.gather [hbm4b:s21+s2], $0x7D0, $0x38;
	[tilespmem:$0x130B0] =	vst v63  }
0x1d: {  	_ =	swait.ge [sflag:s6], $0x7D0  }
0x1e: {  	[sflag:s6] =	ssyncset.done $0x0  }
0x1f: {  	[sflag:s6] =	ssyncadd.s32 $0xFFFFF830  }
0x20: {  	[tilespmem:s7], [sflag:$0x3] =	stream.linear.gather [hbm4b:s20+s2], $0x7D00, $0x38;
	[tilespmem:$0x130B0] =	vst v63  }
0x21: {  	_ =	swait.ge [sflag:s6], $0x7D00  }
0x22: {  	[sflag:s6] =	ssyncset.done $0x0  }
0x23: {  	[sflag:s6] =	ssyncadd.s32 $0xFFFF8300  }
0x24: {  	[spmem:s1] =	stream.indirect.scatter.add.f32 [tilespmem:s7], [sflag:$0x1], $0x10, s2, s10, $0xb8;
	[tilespmem:$0x130B0] =	vst v63  }
0x25: {  	_ = 	snop  }
0x26: {  	[tilespmem:s10], [sflag:$0x3] =	stream.linear.gather [hbm4b:s18+s2], $0x7D0, $0x38;
	[tilespmem:$0x130B0] =	vst v63  }
0x27: {  	_ =	swait.ge [sflag:s6], $0x7D0  }
0x28: {  	[sflag:s6] =	ssyncset.done $0x0  }
0x29: {  	[sflag:s6] =	ssyncadd.s32 $0xFFFFF830  }
0x2a: {  	[tilespmem:s15], [sflag:$0x3] =	stream.linear.gather [hbm4b:s17+s2], $0x7D00, $0x38;
	[tilespmem:$0x130B0] =	vst v63  }
0x2b: {  	_ =	swait.ge [sflag:s6], $0x7D00  }
0x2c: {  	[sflag:s6] =	ssyncset.done $0x0  }
0x2d: {  	[sflag:s6] =	ssyncadd.s32 $0xFFFF8300  }
0x2e: {  	[spmem:s1] =	stream.indirect.scatter.add.f32 [tilespmem:s15], [sflag:$0x2], $0x10, s10, s10, $0xb8;
	[tilespmem:$0x130B0] =	vst v63  }
0x2f: {  	_ =	swait.ge [sflag:s11], $0x7D00  }
0x30: {  	[sflag:s11] =	ssyncset.done $0x0  }
0x31: {  	[sflag:s11] =	ssyncadd.s32 $0xFFFF8300  }
0x32: {  	[tilespmem:s2], [sflag:$0x3] =	stream.linear.gather [hbm4b:s16+s2], $0x7D0, $0x38;
	[tilespmem:$0x130B0] =	vst v63  }
0x33: {  	_ =	swait.ge [sflag:s6], $0x7D0  }
0x34: {  	[sflag:s6] =	ssyncset.done $0x0  }
0x35: {  	[sflag:s6] =	ssyncadd.s32 $0xFFFFF830  }
0x36: {  	[tilespmem:s7], [sflag:$0x3] =	stream.linear.gather [hbm4b:s14+s2], $0x7D00, $0x38;
	[tilespmem:$0x130B0] =	vst v63  }
0x37: {  	_ =	swait.ge [sflag:s6], $0x7D00  }
0x38: {  	[sflag:s6] =	ssyncset.done $0x0  }
0x39: {  	[sflag:s6] =	ssyncadd.s32 $0xFFFF8300  }
0x3a: {  	[spmem:s1] =	stream.indirect.scatter.add.f32 [tilespmem:s7], [sflag:$0x1], $0x10, s2, s10, $0xb8;
	[tilespmem:$0x130B0] =	vst v63  }
0x3b: {  	_ =	swait.ge [sflag:s8], $0x7D00  }
0x3c: {  	[sflag:s8] =	ssyncset.done $0x0  }
0x3d: {  	[sflag:s8] =	ssyncadd.s32 $0xFFFF8300  }
0x3e: {  	[tilespmem:s10], [sflag:$0x3] =	stream.linear.gather [hbm4b:s13+s2], $0x7D0, $0x38;
	[tilespmem:$0x130B0] =	vst v63  }
0x3f: {  	_ =	swait.ge [sflag:s6], $0x7D0  }
0x40: {  	[sflag:s6] =	ssyncset.done $0x0  }
0x41: {  	[sflag:s6] =	ssyncadd.s32 $0xFFFFF830  }
0x42: {  	[tilespmem:s15], [sflag:$0x3] =	stream.linear.gather [hbm4b:s12+s2], $0x7D00, $0x38;
	[tilespmem:$0x130B0] =	vst v63  }
0x43: {  	_ =	swait.ge [sflag:s6], $0x7D00  }
0x44: {  	[sflag:s6] =	ssyncset.done $0x0  }
0x45: {  	[sflag:s6] =	ssyncadd.s32 $0xFFFF8300  }
0x46: {  	[spmem:s1] =	stream.indirect.scatter.add.f32 [tilespmem:s15], [sflag:$0x2], $0x10, s10, s10, $0xb8;
	[tilespmem:$0x130B0] =	vst v63  }
0x47: {  	_ =	swait.ge [sflag:s11], $0x7D00  }
0x48: {  	[sflag:s11] =	ssyncset.done $0x0  }
0x49: {  	[sflag:s11] =	ssyncadd.s32 $0xFFFF8300  }
0x4a: {  	[tilespmem:s2], [sflag:$0x3] =	stream.linear.gather [hbm4b:s9+s2], $0x7D0, $0x38;
	[tilespmem:$0x130B0] =	vst v63  }
0x4b: {  	_ =	swait.ge [sflag:s6], $0x7D0  }
0x4c: {  	[sflag:s6] =	ssyncset.done $0x0  }
0x4d: {  	[sflag:s6] =	ssyncadd.s32 $0xFFFFF830  }
0x4e: {  	[tilespmem:s7], [sflag:$0x3] =	stream.linear.gather [hbm4b:s5+s2], $0x7D00, $0x38;
	[tilespmem:$0x130B0] =	vst v63  }
0x4f: {  	_ =	swait.ge [sflag:s6], $0x7D00  }
0x50: {  	[sflag:s6] =	ssyncset.done $0x0  }
0x51: {  	[sflag:s6] =	ssyncadd.s32 $0xFFFF8300  }
0x52: {  	[spmem:s1] =	stream.indirect.scatter.add.f32 [tilespmem:s7], [sflag:$0x1], $0x10, s2, s10, $0xb8;
	[tilespmem:$0x130B0] =	vst v63  }
0x53: {  	_ =	swait.ge [sflag:s11], $0x7D00  }
0x54: {  	[sflag:s11] =	ssyncset.done $0x0  }
0x55: {  	[sflag:s11] =	ssyncadd.s32 $0xFFFF8300  }
0x56: {  	s24 =	sadd.s32 $0xFFFFFFFF, s24;
	_ =	swait.ge [sflag:s8], $0x7D00  }
0x57: {  	p2 =	sne.s32 s24, $0x0;
	[sflag:s8] =	ssyncset.done $0x0  }
.Ltmp1:
0x58: {  	[sflag:s8] =	ssyncadd.s32 $0xFFFF8300;
	(pc) =	sbr.rel @!p2 .LBB2_3-.Ltmp1, $4  }
0x59: {  	[bflag:$0x0] =	sbarrier.arrive $0xFFFF  }
0x5a: {  	[hbm:s3], [sflag:s23] =	dma.local @!p0 [spmem:s4], $0x4E20  }
0x5b: {  	_ =	swait.ge @!p0 [sflag:s22], $0x4E20  }
0x5c: {  	p1 =	por $0x1, $0x1;
	[sflag:s22] =	ssyncset.done @!p0 $0x0  }
.LBB2_2:
0x5d: {  	[sflag:s22] =	ssyncadd.s32 @!p0 $0xFFFFB1E0  }
0x5e: {  	[spmem:s4], [sflag:s23] =	dma.local @!p0 [hbm:s19], $0x4E20  }
0x5f: {  	s24 =	sadd.s32 $0xFFFFFFFF, s24;
	_ =	swait.ge @!p0 [sflag:s22], $0x4E20  }
0x60: {  	p2 =	sne.s32 s24, $0x0;
	[sflag:s22] =	ssyncset.done @!p0 $0x0  }
0x61: {  	[sflag:s22] =	ssyncadd.s32 @!p0 $0xFFFFB1E0  }
0x62: {  	[bflag:$0x0] =	sbarrier.arrive $0xFFFF  }
0x63: {  	[tilespmem:s2], [sflag:$0x3] =	stream.linear.gather [hbm4b:s21+s2], $0x7D0, $0x38;
	[tilespmem:$0x130B0] =	vst v63  }
0x64: {  	_ =	swait.ge [sflag:s6], $0x7D0  }
0x65: {  	[sflag:s6] =	ssyncset.done $0x0  }
0x66: {  	[sflag:s6] =	ssyncadd.s32 $0xFFFFF830  }
0x67: {  	[tilespmem:s7], [sflag:$0x3] =	stream.linear.gather [hbm4b:s20+s2], $0x7D00, $0x38;
	[tilespmem:$0x130B0] =	vst v63  }
0x68: {  	_ =	swait.ge [sflag:s6], $0x7D00  }
0x69: {  	[sflag:s6] =	ssyncset.done $0x0  }
0x6a: {  	[sflag:s6] =	ssyncadd.s32 $0xFFFF8300  }
0x6b: {  	[spmem:s1] =	stream.indirect.scatter.add.f32 [tilespmem:s7], [sflag:$0x1], $0x10, s2, s10, $0xb8;
	[tilespmem:$0x130B0] =	vst v63  }
0x6c: {  	_ = 	snop  }
0x6d: {  	[tilespmem:s10], [sflag:$0x3] =	stream.linear.gather [hbm4b:s18+s2], $0x7D0, $0x38;
	[tilespmem:$0x130B0] =	vst v63  }
0x6e: {  	_ =	swait.ge [sflag:s6], $0x7D0  }
0x6f: {  	[sflag:s6] =	ssyncset.done $0x0  }
0x70: {  	[sflag:s6] =	ssyncadd.s32 $0xFFFFF830  }
0x71: {  	[tilespmem:s15], [sflag:$0x3] =	stream.linear.gather [hbm4b:s17+s2], $0x7D00, $0x38;
	[tilespmem:$0x130B0] =	vst v63  }
0x72: {  	_ =	swait.ge [sflag:s6], $0x7D00  }
0x73: {  	[sflag:s6] =	ssyncset.done $0x0  }
0x74: {  	[sflag:s6] =	ssyncadd.s32 $0xFFFF8300  }
0x75: {  	[spmem:s1] =	stream.indirect.scatter.add.f32 [tilespmem:s15], [sflag:$0x2], $0x10, s10, s10, $0xb8;
	[tilespmem:$0x130B0] =	vst v63  }
0x76: {  	_ =	swait.ge [sflag:s11], $0x7D00  }
0x77: {  	[sflag:s11] =	ssyncset.done $0x0  }
0x78: {  	[sflag:s11] =	ssyncadd.s32 $0xFFFF8300  }
0x79: {  	[tilespmem:s2], [sflag:$0x3] =	stream.linear.gather [hbm4b:s16+s2], $0x7D0, $0x38;
	[tilespmem:$0x130B0] =	vst v63  }
0x7a: {  	_ =	swait.ge [sflag:s6], $0x7D0  }
0x7b: {  	[sflag:s6] =	ssyncset.done $0x0  }
0x7c: {  	[sflag:s6] =	ssyncadd.s32 $0xFFFFF830  }
0x7d: {  	[tilespmem:s7], [sflag:$0x3] =	stream.linear.gather [hbm4b:s14+s2], $0x7D00, $0x38;
	[tilespmem:$0x130B0] =	vst v63  }
0x7e: {  	_ =	swait.ge [sflag:s6], $0x7D00  }
0x7f: {  	[sflag:s6] =	ssyncset.done $0x0  }
0x80: {  	[sflag:s6] =	ssyncadd.s32 $0xFFFF8300  }
0x81: {  	[spmem:s1] =	stream.indirect.scatter.add.f32 [tilespmem:s7], [sflag:$0x1], $0x10, s2, s10, $0xb8;
	[tilespmem:$0x130B0] =	vst v63  }
0x82: {  	_ =	swait.ge [sflag:s8], $0x7D00  }
0x83: {  	[sflag:s8] =	ssyncset.done $0x0  }
0x84: {  	[sflag:s8] =	ssyncadd.s32 $0xFFFF8300  }
0x85: {  	[tilespmem:s10], [sflag:$0x3] =	stream.linear.gather [hbm4b:s13+s2], $0x7D0, $0x38;
	[tilespmem:$0x130B0] =	vst v63  }
0x86: {  	_ =	swait.ge [sflag:s6], $0x7D0  }
0x87: {  	[sflag:s6] =	ssyncset.done $0x0  }
0x88: {  	[sflag:s6] =	ssyncadd.s32 $0xFFFFF830  }
0x89: {  	[tilespmem:s15], [sflag:$0x3] =	stream.linear.gather [hbm4b:s12+s2], $0x7D00, $0x38;
	[tilespmem:$0x130B0] =	vst v63  }
0x8a: {  	_ =	swait.ge [sflag:s6], $0x7D00  }
0x8b: {  	[sflag:s6] =	ssyncset.done $0x0  }
0x8c: {  	[sflag:s6] =	ssyncadd.s32 $0xFFFF8300  }
0x8d: {  	[spmem:s1] =	stream.indirect.scatter.add.f32 [tilespmem:s15], [sflag:$0x2], $0x10, s10, s10, $0xb8;
	[tilespmem:$0x130B0] =	vst v63  }
0x8e: {  	_ =	swait.ge [sflag:s11], $0x7D00  }
0x8f: {  	[sflag:s11] =	ssyncset.done $0x0  }
0x90: {  	[sflag:s11] =	ssyncadd.s32 $0xFFFF8300  }
0x91: {  	[tilespmem:s2], [sflag:$0x3] =	stream.linear.gather [hbm4b:s9+s2], $0x7D0, $0x38;
	[tilespmem:$0x130B0] =	vst v63  }
0x92: {  	_ =	swait.ge [sflag:s6], $0x7D0  }
0x93: {  	[sflag:s6] =	ssyncset.done $0x0  }
0x94: {  	[sflag:s6] =	ssyncadd.s32 $0xFFFFF830  }
0x95: {  	[tilespmem:s7], [sflag:$0x3] =	stream.linear.gather [hbm4b:s5+s2], $0x7D00, $0x38;
	[tilespmem:$0x130B0] =	vst v63  }
0x96: {  	_ =	swait.ge [sflag:s6], $0x7D00  }
0x97: {  	[sflag:s6] =	ssyncset.done $0x0  }
0x98: {  	[sflag:s6] =	ssyncadd.s32 $0xFFFF8300  }
0x99: {  	[spmem:s1] =	stream.indirect.scatter.add.f32 [tilespmem:s7], [sflag:$0x1], $0x10, s2, s10, $0xb8;
	[tilespmem:$0x130B0] =	vst v63  }
0x9a: {  	_ =	swait.ge [sflag:s11], $0x7D00  }
0x9b: {  	[sflag:s11] =	ssyncset.done $0x0  }
0x9c: {  	[sflag:s11] =	ssyncadd.s32 $0xFFFF8300  }
0x9d: {  	_ =	swait.ge [sflag:s8], $0x7D00  }
0x9e: {  	[sflag:s8] =	ssyncset.done $0x0  }
.Ltmp2:
0x9f: {  	[sflag:s8] =	ssyncadd.s32 $0xFFFF8300;
	(pc) =	sbr.rel @p2 .LBB2_2-.Ltmp2, $4  }
0xa0: {  	[bflag:$0x0] =	sbarrier.arrive $0xFFFF  }
0xa1: {  	[hbm:s3], [sflag:s23] =	dma.local @!p0 [spmem:s4], $0x4E20  }
0xa2: {  	_ =	swait.ge @!p0 [sflag:s22], $0x4E20  }
0xa3: {  	[sflag:s22] =	ssyncset.done @!p0 $0x0  }
.LBB2_3:
0xa4: {  	p1 =	por p0, !p1  }
0xa5: {  	s24 =	simm.s32 @!p0 $0x1C03;
	s23 =	simm.s32 @!p0 $0x3;
	[sflag:s22] =	ssyncadd.s32 @!p1 $0xFFFFB1E0  }
0xa6: {  	[spmem:s4], [sflag:s24] =	dma.local @!p0 [hbm:s19], $0x4E20  }
0xa7: {  	_ =	swait.ge @!p0 [sflag:s23], $0x4E20  }
0xa8: {  	[sflag:s23] =	ssyncset.done @!p0 $0x0  }
0xa9: {  	[sflag:s23] =	ssyncadd.s32 @!p0 $0xFFFFB1E0  }
0xaa: {  	[bflag:$0x0] =	sbarrier.arrive $0xFFFF  }
0xab: {  	[tilespmem:s2], [sflag:$0x3] =	stream.linear.gather [hbm4b:s21+s2], $0x7D0, $0x38;
	[tilespmem:$0x130B0] =	vst v63  }
0xac: {  	_ =	swait.ge [sflag:s6], $0x7D0  }
0xad: {  	[sflag:s6] =	ssyncset.done $0x0  }
0xae: {  	[sflag:s6] =	ssyncadd.s32 $0xFFFFF830  }
0xaf: {  	[tilespmem:s7], [sflag:$0x3] =	stream.linear.gather [hbm4b:s20+s2], $0x7D00, $0x38;
	[tilespmem:$0x130B0] =	vst v63  }
0xb0: {  	_ =	swait.ge [sflag:s6], $0x7D00  }
0xb1: {  	[sflag:s6] =	ssyncset.done $0x0  }
0xb2: {  	[sflag:s6] =	ssyncadd.s32 $0xFFFF8300  }
0xb3: {  	[spmem:s1] =	stream.indirect.scatter.add.f32 [tilespmem:s7], [sflag:$0x1], $0x10, s2, s10, $0xb8;
	[tilespmem:$0x130B0] =	vst v63  }
0xb4: {  	_ = 	snop  }
0xb5: {  	[tilespmem:s10], [sflag:$0x3] =	stream.linear.gather [hbm4b:s18+s2], $0x7D0, $0x38;
	[tilespmem:$0x130B0] =	vst v63  }
0xb6: {  	_ =	swait.ge [sflag:s6], $0x7D0  }
0xb7: {  	[sflag:s6] =	ssyncset.done $0x0  }
0xb8: {  	[sflag:s6] =	ssyncadd.s32 $0xFFFFF830  }
0xb9: {  	[tilespmem:s15], [sflag:$0x3] =	stream.linear.gather [hbm4b:s17+s2], $0x7D00, $0x38;
	[tilespmem:$0x130B0] =	vst v63  }
0xba: {  	_ =	swait.ge [sflag:s6], $0x7D00  }
0xbb: {  	[sflag:s6] =	ssyncset.done $0x0  }
0xbc: {  	[sflag:s6] =	ssyncadd.s32 $0xFFFF8300  }
0xbd: {  	[spmem:s1] =	stream.indirect.scatter.add.f32 [tilespmem:s15], [sflag:$0x2], $0x10, s10, s10, $0xb8;
	[tilespmem:$0x130B0] =	vst v63  }
0xbe: {  	_ =	swait.ge [sflag:s11], $0x7D00  }
0xbf: {  	[sflag:s11] =	ssyncset.done $0x0  }
0xc0: {  	[sflag:s11] =	ssyncadd.s32 $0xFFFF8300  }
0xc1: {  	[tilespmem:s2], [sflag:$0x3] =	stream.linear.gather [hbm4b:s16+s2], $0x7D0, $0x38;
	[tilespmem:$0x130B0] =	vst v63  }
0xc2: {  	_ =	swait.ge [sflag:s6], $0x7D0  }
0xc3: {  	[sflag:s6] =	ssyncset.done $0x0  }
0xc4: {  	[sflag:s6] =	ssyncadd.s32 $0xFFFFF830  }
0xc5: {  	[tilespmem:s7], [sflag:$0x3] =	stream.linear.gather [hbm4b:s14+s2], $0x7D00, $0x38;
	[tilespmem:$0x130B0] =	vst v63  }
0xc6: {  	_ =	swait.ge [sflag:s6], $0x7D00  }
0xc7: {  	[sflag:s6] =	ssyncset.done $0x0  }
0xc8: {  	[sflag:s6] =	ssyncadd.s32 $0xFFFF8300  }
0xc9: {  	[spmem:s1] =	stream.indirect.scatter.add.f32 [tilespmem:s7], [sflag:$0x1], $0x10, s2, s10, $0xb8;
	[tilespmem:$0x130B0] =	vst v63  }
0xca: {  	_ =	swait.ge [sflag:s8], $0x7D00  }
0xcb: {  	[sflag:s8] =	ssyncset.done $0x0  }
0xcc: {  	[sflag:s8] =	ssyncadd.s32 $0xFFFF8300  }
0xcd: {  	[tilespmem:s10], [sflag:$0x3] =	stream.linear.gather [hbm4b:s13+s2], $0x7D0, $0x38;
	[tilespmem:$0x130B0] =	vst v63  }
0xce: {  	_ =	swait.ge [sflag:s6], $0x7D0  }
0xcf: {  	[sflag:s6] =	ssyncset.done $0x0  }
0xd0: {  	[sflag:s6] =	ssyncadd.s32 $0xFFFFF830  }
0xd1: {  	[tilespmem:s15], [sflag:$0x3] =	stream.linear.gather [hbm4b:s12+s2], $0x7D00, $0x38;
	[tilespmem:$0x130B0] =	vst v63  }
0xd2: {  	_ =	swait.ge [sflag:s6], $0x7D00  }
0xd3: {  	[sflag:s6] =	ssyncset.done $0x0  }
0xd4: {  	[sflag:s6] =	ssyncadd.s32 $0xFFFF8300  }
0xd5: {  	[spmem:s1] =	stream.indirect.scatter.add.f32 [tilespmem:s15], [sflag:$0x2], $0x10, s10, s10, $0xb8;
	[tilespmem:$0x130B0] =	vst v63  }
0xd6: {  	_ =	swait.ge [sflag:s11], $0x7D00  }
0xd7: {  	[sflag:s11] =	ssyncset.done $0x0  }
0xd8: {  	[sflag:s11] =	ssyncadd.s32 $0xFFFF8300  }
0xd9: {  	[tilespmem:s2], [sflag:$0x3] =	stream.linear.gather [hbm4b:s9+s2], $0x7D0, $0x38;
	[tilespmem:$0x130B0] =	vst v63  }
0xda: {  	_ =	swait.ge [sflag:s6], $0x7D0  }
0xdb: {  	[sflag:s6] =	ssyncset.done $0x0  }
0xdc: {  	[sflag:s6] =	ssyncadd.s32 $0xFFFFF830  }
0xdd: {  	[tilespmem:s7], [sflag:$0x3] =	stream.linear.gather [hbm4b:s5+s2], $0x7D00, $0x38;
	[tilespmem:$0x130B0] =	vst v63  }
0xde: {  	_ =	swait.ge [sflag:s6], $0x7D00  }
0xdf: {  	[sflag:s6] =	ssyncset.done $0x0  }
0xe0: {  	[sflag:s6] =	ssyncadd.s32 $0xFFFF8300  }
0xe1: {  	[spmem:s1] =	stream.indirect.scatter.add.f32 [tilespmem:s7], [sflag:$0x1], $0x10, s2, s10, $0xb8;
	[tilespmem:$0x130B0] =	vst v63  }
0xe2: {  	_ =	swait.ge [sflag:s11], $0x7D00  }
0xe3: {  	[sflag:s11] =	ssyncset.done $0x0  }
0xe4: {  	[sflag:s11] =	ssyncadd.s32 $0xFFFF8300  }
0xe5: {  	_ =	swait.ge [sflag:s8], $0x7D00  }
0xe6: {  	[sflag:s8] =	ssyncset.done $0x0  }
0xe7: {  	[sflag:s8] =	ssyncadd.s32 $0xFFFF8300  }
0xe8: {  	[bflag:$0x0] =	sbarrier.arrive $0xFFFF  }
0xe9: {  	[hbm:s3], [sflag:s24] =	dma.local @!p0 [spmem:s4], $0x4E20  }
0xea: {  	_ =	swait.ge @!p0 [sflag:s23], $0x4E20  }
0xeb: {  	[sflag:s23] =	ssyncset.done @!p0 $0x0  }
0xec: {  	[sflag:s23] =	ssyncadd.s32 @!p0 $0xFFFFB1E0  }
0xed: {  	_ =	sfence.sel $0x180000  }
0xee: {  	[bflag:$0x0] =	sbarrier.arrive $0xFFFF  }
0xef: {  	_ =	strace $0x90000050  }
0xf0: {  	s0 =	sadd.s32 @!p0 $0x100000, s0;
	[bflag:$0x2] =	sbarrier.arrive $0xFFFF  }
0xf1: {  	[sflag:s0] =	ssyncadd.tile.s32 @!p0 $0x1;
	_ =	shalt  }
.Lfunc_end2:
_tile_overlayer_lowered:
.L_overlay_start_2:
0xf2: {  	(tag) =	ssettag $0x2  }
0xf3: {  	s0 =	rddreg [dreg:$0x0];
	s2 =	stileid.u32  }
0xf4: {  	s1 =	rddreg [dreg:$0x1];
	p0 =	sne.s32 s2, $0x0  }
0xf5: {  	s3 =	rddreg [dreg:$0x2];
	[bflag:$0x3] =	sbarrier.arrive $0xFFFF;
	s2 =	simm.s32 @!p0 $0x1C03  }
0xf6: {  	[timem:s3], [sflag:s2] =	dma.local @!p0 [hbm:s0], s1  }
0xf7: {  	s0 =	simm.s32 @!p0 $0x3  }
0xf8: {  	_ =	swait.ge @!p0 [sflag:s0], s1  }
0xf9: {  	s1 =	ssub.s32 @!p0 $0x0, s1;
	[sflag:s0] =	ssyncset.done @!p0 $0x0  }
0xfa: {  	[sflag:s0] =	ssyncadd.s32 @!p0 s1  }
0xfb: {  	[bflag:$0x3] =	sbarrier.arrive $0xFFFF  }
0xfc: {  	_ =	shalt  }

</sc_bundles>
